<compile_context>
chip_gen: v7x
topology: tpu7x:2x2x1
jax: 0.10.2.dev20260603
libtpu: 0.0.44.dev20260713+nightly
codegen_flags: <defaults>
</compile_context>

<pallas_src>
import functools

import jax
import jax.numpy as jnp
from jax import lax
from jax.experimental import pallas as pl
from jax.experimental.pallas import tpu as pltpu
from jax.experimental.pallas import tpu_sc as plsc

N = 10000
E = 320000
NTILES = 16
NCORES = 2
CH = 128
EPT = E // NTILES
NSTEPS = 157
PT = NSTEPS * CH
EPAD = NTILES * PT
NACC = 10240
RPT = NACC // NTILES


def _make_scatter(H):
    mesh = plsc.VectorSubcoreMesh(core_axis_name="c", subcore_axis_name="s")

    @functools.partial(
        pl.kernel,
        mesh=mesh,
        out_type=jax.ShapeDtypeStruct((NCORES, NACC, H), jnp.float32),
        compiler_params=pltpu.CompilerParams(use_tc_tiling_on_sc=False),
        scratch_types=[
            pltpu.VMEM((CH,), jnp.int32),
            pltpu.VMEM((CH,), jnp.int32),
            pltpu.VMEM((CH,), jnp.int32),
            pltpu.VMEM((CH, H), jnp.float32),
            pltpu.VMEM_SHARED((NACC, H), jnp.float32),
            pltpu.SemaphoreType.DMA,
        ],
    )
    def kern(src, pki, out, pbuf, rbuf, cbuf, dbuf, acc, gsem):
        c = lax.axis_index("c")
        s = lax.axis_index("s")
        roff = c * N

        zero = jnp.zeros((16,), jnp.float32)

        def zrow(i, carry):
            for j in range(H // 16):
                dbuf[i, pl.ds(j * 16, 16)] = zero
            return carry

        lax.fori_loop(0, CH, zrow, 0)
        for k in range(RPT // CH):
            pltpu.sync_copy(dbuf, acc.at[pl.ds(s * RPT + k * CH, CH)])
        plsc.subcore_barrier()

        base = s * PT

        def step(i, carry):
            off = base + i * CH
            pltpu.sync_copy(pki.at[pl.ds(off, CH)], pbuf)
            for k in range(CH // 16):
                d = pl.ds(k * 16, 16)
                p = pbuf[d]
                rbuf[d] = (p & 0x7FFF) + roff
                cbuf[d] = p >> 15
            pltpu.async_copy(src.at[rbuf], dbuf, gsem).wait()
            pltpu.sync_copy(dbuf, acc.at[cbuf], add=True)
            return carry

        lax.fori_loop(0, NSTEPS, step, 0)
        plsc.subcore_barrier()

        pltpu.sync_copy(acc.at[pl.ds(s * RPT, RPT)],
                        out.at[c, pl.ds(s * RPT, RPT)])

    return kern


def _make_degree():
    H = 16
    mesh = plsc.VectorSubcoreMesh(core_axis_name="c", subcore_axis_name="s")

    @functools.partial(
        pl.kernel,
        mesh=mesh,
        out_type=jax.ShapeDtypeStruct((NCORES, NACC, H), jnp.float32),
        compiler_params=pltpu.CompilerParams(use_tc_tiling_on_sc=False),
        scratch_types=[
            pltpu.VMEM((CH,), jnp.int32),
            pltpu.VMEM((CH, H), jnp.float32),
            pltpu.VMEM_SHARED((NACC, H), jnp.float32),
        ],
    )
    def kern(coli, out, cbuf, dbuf, acc):
        c = lax.axis_index("c")
        s = lax.axis_index("s")

        zero = jnp.zeros((16,), jnp.float32)

        def zrow(i, carry):
            dbuf[i, pl.ds(0, 16)] = zero
            return carry

        lax.fori_loop(0, CH, zrow, 0)
        for k in range(RPT // CH):
            pltpu.sync_copy(dbuf, acc.at[pl.ds(s * RPT + k * CH, CH)])
        plsc.subcore_barrier()

        one = jnp.ones((16,), jnp.float32)

        def orow(i, carry):
            dbuf[i, pl.ds(0, 16)] = one
            return carry

        lax.fori_loop(0, CH, orow, 0)

        base = s * PT

        def step(i, carry):
            off = base + i * CH
            pltpu.sync_copy(coli.at[pl.ds(off, CH)], cbuf)
            pltpu.sync_copy(dbuf, acc.at[cbuf], add=True)
            return carry

        lax.fori_loop(0, NSTEPS, step, 0)
        plsc.subcore_barrier()

        pltpu.sync_copy(acc.at[pl.ds(s * RPT, RPT)],
                        out.at[c, pl.ds(s * RPT, RPT)])

    return kern


_BLK = 400


def _split_scale(y, dv, alpha, H):
    K = y.shape[1]

    def body(y_r, dv_r, o_r):
        s = alpha * dv_r[...]
        yv = y_r[...]
        for h in range(2):
            o_r[h] = s * yv[:, h * H:(h + 1) * H]

    return pl.pallas_call(
        body,
        grid=(N // _BLK,),
        in_specs=[
            pl.BlockSpec((_BLK, K), lambda i: (i, 0)),
            pl.BlockSpec((_BLK, 1), lambda i: (i, 0)),
        ],
        out_specs=pl.BlockSpec((2, _BLK, H), lambda i: (0, i, 0)),
        out_shape=jax.ShapeDtypeStruct((2, N, H), jnp.float32),
    )(y, dv)


def _halves_scale(y, dv, alpha, H):

    def body(y_r, dv_r, o_r):
        s = alpha * dv_r[...]
        for h in range(2):
            o_r[h] = s * y_r[h]

    return pl.pallas_call(
        body,
        grid=(N // _BLK,),
        in_specs=[
            pl.BlockSpec((2, _BLK, H), lambda i: (0, i, 0)),
            pl.BlockSpec((_BLK, 1), lambda i: (i, 0)),
        ],
        out_specs=pl.BlockSpec((2, _BLK, H), lambda i: (0, i, 0)),
        out_shape=jax.ShapeDtypeStruct((2, N, H), jnp.float32),
    )(y, dv)


def _cheb_layer(z, y1, y2, dv, W0, W1, W2, b, Bn, want_xu):
    K = z.shape[1]
    H = K // 2
    F = W0.shape[1]
    Hn = F // 2

    def body(z_r, y1_r, y2_r, dv_r, w0_r, w1_r, w2_r, b_r, bn_r, x_r,
             xu_r=None):
        dv = dv_r[...]
        zv = z_r[...]
        o = jnp.dot(zv, w0_r[...], preferred_element_type=jnp.float32)
        w1 = w1_r[...]
        w2 = w2_r[...]
        for h in range(2):
            sl = slice(h * H, (h + 1) * H)
            tx1h = -dv * y1_r[h]
            o += jnp.dot(tx1h, w1[sl], preferred_element_type=jnp.float32)
            tx2h = -2.0 * dv * y2_r[h] - zv[:, sl]
            o += jnp.dot(tx2h, w2[sl], preferred_element_type=jnp.float32)
        o += b_r[...]
        x = jnp.maximum(o, 0.0) * bn_r[...]
        x_r[...] = x
        if want_xu:
            for h in range(2):
                xu_r[h] = x[:, h * Hn:(h + 1) * Hn] * dv

    in_specs = [
        pl.BlockSpec((_BLK, K), lambda i: (i, 0)),
        pl.BlockSpec((2, _BLK, H), lambda i: (0, i, 0)),
        pl.BlockSpec((2, _BLK, H), lambda i: (0, i, 0)),
        pl.BlockSpec((_BLK, 1), lambda i: (i, 0)),
        pl.BlockSpec((K, F), lambda i: (0, 0)),
        pl.BlockSpec((K, F), lambda i: (0, 0)),
        pl.BlockSpec((K, F), lambda i: (0, 0)),
        pl.BlockSpec((1, F), lambda i: (0, 0)),
        pl.BlockSpec((_BLK, F), lambda i: (i, 0)),
    ]
    out_shape = [jax.ShapeDtypeStruct((N, F), jnp.float32)]
    out_specs = [pl.BlockSpec((_BLK, F), lambda i: (i, 0))]
    if want_xu:
        out_shape.append(jax.ShapeDtypeStruct((2, N, Hn), jnp.float32))
        out_specs.append(pl.BlockSpec((2, _BLK, Hn), lambda i: (0, i, 0)))

    res = pl.pallas_call(
        body,
        grid=(N // _BLK,),
        in_specs=in_specs,
        out_specs=out_specs,
        out_shape=out_shape,
    )(z, y1, y2, dv, W0, W1, W2, b, Bn)
    if want_xu:
        return res
    return res[0], None


def _pad_w(W, K):
    k = W.shape[1]
    if k == K:
        return W
    return jnp.pad(W, ((0, 0), (0, K - k), (0, 0)))


def kernel(v, edges, W1, b1, W2, b2, W3, b3):
    row = edges[0].reshape(NTILES, EPT)
    col = edges[1].reshape(NTILES, EPT)
    padz = jnp.zeros((NTILES, PT - EPT), jnp.int32)
    padt = jnp.full((NTILES, PT - EPT), N, jnp.int32)
    rowp = jnp.concatenate([row, padz], axis=1).reshape(-1)
    rowt = jnp.concatenate([row, padt], axis=1).reshape(-1)
    colt = jnp.concatenate([col, padt], axis=1).reshape(-1)
    pki = rowp | (colt << 15)

    deg = _make_degree()(rowt)[0, :N, 0]
    dv = jnp.where(deg > 0, lax.rsqrt(deg), 0.0).reshape(N, 1)

    nkey = jax.random.key(42)
    B1n = jax.random.normal(jax.random.fold_in(nkey, 1), (N, 128), jnp.float32)
    B2n = jax.random.normal(jax.random.fold_in(nkey, 2), (N, 256), jnp.float32)
    B3n = jax.random.normal(jax.random.fold_in(nkey, 3), (N, 512), jnp.float32)

    scat64 = _make_scatter(64)
    scat128 = _make_scatter(128)

    def prop_pair(u_split, H, scat):
        src1 = u_split.reshape(NCORES * N, H)
        y1 = scat(src1, pki)
        u2 = _halves_scale(y1, dv * dv, -1.0, H)
        y2 = scat(u2.reshape(NCORES * N, H), pki)
        return y1, y2

    zp = jnp.pad(v, ((0, 0), (0, 128 - 86)))
    u = _split_scale(zp, dv, 1.0, 64)
    y1, y2 = prop_pair(u, 64, scat64)
    Wp = _pad_w(W1, 128)
    x1, xu = _cheb_layer(zp, y1, y2, dv, Wp[0], Wp[1], Wp[2],
                         b1.reshape(1, -1), B1n, True)

    y1, y2 = prop_pair(xu, 64, scat64)
    x2, xu = _cheb_layer(x1, y1, y2, dv, W2[0], W2[1], W2[2],
                         b2.reshape(1, -1), B2n, True)

    y1, y2 = prop_pair(xu, 128, scat128)
    x3, _ = _cheb_layer(x2, y1, y2, dv, W3[0], W3[1], W3[2],
                        b3.reshape(1, -1), B3n, False)

    return (x1, x2, x3)

# --- scband reference (transcript-rebuilt; emitter-appended) ---
"""Pipeline reference for scband-gcnencoder-noise-43688407335390 (READ-ONLY COPY).

The authoritative reference and input builder live on the scoring server;
editing this copy changes nothing except your own understanding.
"""

import jax, jax.numpy as jnp
import numpy as np

N_NODES = 10000
N_EDGES = 320000


def _cheb_conv(x, edge_index, W, b):
    # Faithful ChebConv (K=3, normalization='sym', lambda_max=2, no self-loops):
    # L_hat = -D^{-1/2} A D^{-1/2}; Tx_0 = x, Tx_1 = L_hat x, Tx_2 = 2 L_hat Tx_1 - Tx_0
    row = edge_index[0]
    col = edge_index[1]
    n = x.shape[0]
    ew = jnp.ones((row.shape[0],), dtype=x.dtype)
    deg = jax.ops.segment_sum(ew, row, num_segments=n)
    dinv = jnp.where(deg > 0, 1.0 / jnp.sqrt(deg), 0.0)
    w = -(dinv[row] * ew * dinv[col])

    def prop(z):
        # message: w_e * z[src]; aggregate at dst (PyG source_to_target flow)
        return jax.ops.segment_sum(w[:, None] * z[row], col, num_segments=n)

    Tx0 = x
    out = Tx0 @ W[0]
    Tx1 = prop(Tx0)
    out = out + Tx1 @ W[1]
    Tx2 = 2.0 * prop(Tx1) - Tx0
    out = out + Tx2 @ W[2]
    return out + b


def setup_inputs(seed: int = 0):
    key = jax.random.key(seed)
    ks = jax.random.split(key, 8)
    v = jax.random.normal(ks[0], (N_NODES, 86), dtype=jnp.float32)
    edges = jax.random.randint(ks[1], (2, N_EDGES), 0, N_NODES, dtype=jnp.int32)
    W1 = jax.random.normal(ks[2], (3, 86, 128), dtype=jnp.float32) * 0.05
    b1 = jnp.zeros((128,), dtype=jnp.float32)
    W2 = jax.random.normal(ks[3], (3, 128, 256), dtype=jnp.float32) * 0.05
    b2 = jnp.zeros((256,), dtype=jnp.float32)
    W3 = jax.random.normal(ks[4], (3, 256, 512), dtype=jnp.float32) * 0.05
    b3 = jnp.zeros((512,), dtype=jnp.float32)
    return {"v": v, "edges": edges, "W1": W1, "b1": b1, "W2": W2, "b2": b2, "W3": W3, "b3": b3}


def reference(v, edges, W1, b1, W2, b2, W3, b3):
    nkey = jax.random.key(42)
    x1 = jax.nn.relu(_cheb_conv(v, edges, W1, b1))
    B1 = jax.random.normal(jax.random.fold_in(nkey, 1), x1.shape, dtype=x1.dtype)
    x1 = x1 * B1
    x2 = jax.nn.relu(_cheb_conv(x1, edges, W2, b2))
    B2 = jax.random.normal(jax.random.fold_in(nkey, 2), x2.shape, dtype=x2.dtype)
    x2 = x2 * B2
    x3 = jax.nn.relu(_cheb_conv(x2, edges, W3, b3))
    B3 = jax.random.normal(jax.random.fold_in(nkey, 3), x3.shape, dtype=x3.dtype)
    x3 = x3 * B3
    return (x1, x2, x3)

if __name__ == "__main__":
    import jax
    _d = setup_inputs()
    print(jax.jit(kernel)(*tuple(_d.values())))

</pallas_src>

<mosaic_0001>
#map = affine_map<(d0, d1) -> (0, 0)>
#map1 = affine_map<(d0, d1) -> (0)>
#map2 = affine_map<(d0, d1) -> (0, 0, 0)>
module attributes {stable_mosaic.version = 14 : i64} {
  func.func @kern(%arg0: i32, %arg1: i32, %arg2: memref<20000x64xf32, #tpu.memory_space<hbm>>, %arg3: memref<321536xi32, #tpu.memory_space<hbm>>, %arg4: memref<2x10240x64xf32, #tpu.memory_space<hbm>>, %arg5: memref<128xi32, #tpu.memory_space<vmem>>, %arg6: memref<128xi32, #tpu.memory_space<vmem>>, %arg7: memref<128xi32, #tpu.memory_space<vmem>>, %arg8: memref<128x64xf32, #tpu.memory_space<vmem>>, %arg9: memref<10240x64xf32, #tpu.memory_space<vmem_shared>>, %arg10: memref<!tpu.dma_semaphore, #tpu.memory_space<semaphore_mem>>) attributes {dimension_semantics = [#tpu.dimension_semantics<core_parallel>, #tpu.dimension_semantics<subcore_parallel>], iteration_bounds = array<i64: 2, 16>, scalar_prefetch = 0 : i64, scratch_operands = 6 : i64, tpu.core_type = #tpu.core_type<sc_vector_subcore>, window_params = [{transform_indices = #map}, {transform_indices = #map1}, {transform_indices = #map2}]} {
    %mul3A = arith.constant 10000 : i32
    %mul3A_0 = arith.muli %arg0, %mul3A : i32
    %broadcast_in_dim3A = arith.constant 0.000000e+00 : f32
    %broadcast_in_dim3A_1 = vector.broadcast %broadcast_in_dim3A : f32 to vector<16xf32>
    %scan3A = arith.constant 0 : i32
    %scan3A_2 = arith.constant 0 : i32
    %scan3A_3 = arith.constant 128 : i32
    %scan3A_4 = arith.addi %scan3A_2, %scan3A_3 : i32
    %scan3A_5 = arith.constant 1 : i32
    scf.for %scan3A_39 = %scan3A_2 to %scan3A_4 step %scan3A_5  : i32 {
      %swap3A = arith.index_cast %scan3A_39 : i32 to index
      %swap3A_40 = arith.constant 0 : index
      %swap3A_41 = tpu.vector_load %arg8[%swap3A, %swap3A_40] {strides = array<i32>} : memref<128x64xf32, #tpu.memory_space<vmem>>, vector<1x16xf32>,
      %swap3A_42 = vector.shape_cast %swap3A_41 : vector<1x16xf32> to vector<16xf32>
      %swap3A_43 = vector.shape_cast %broadcast_in_dim3A_1 : vector<16xf32> to vector<1x16xf32>
      tpu.vector_store %arg8[%swap3A, %swap3A_40], %swap3A_43 {strides = array<i32>} : memref<128x64xf32, #tpu.memory_space<vmem>>, vector<1x16xf32>,
      %swap3A_44 = arith.index_cast %scan3A_39 : i32 to index
      %swap3A_45 = arith.constant 16 : index
      %swap3A_46 = tpu.vector_load %arg8[%swap3A_44, %swap3A_45] {strides = array<i32>} : memref<128x64xf32, #tpu.memory_space<vmem>>, vector<1x16xf32>,
      %swap3A_47 = vector.shape_cast %swap3A_46 : vector<1x16xf32> to vector<16xf32>
      %swap3A_48 = vector.shape_cast %broadcast_in_dim3A_1 : vector<16xf32> to vector<1x16xf32>
      tpu.vector_store %arg8[%swap3A_44, %swap3A_45], %swap3A_48 {strides = array<i32>} : memref<128x64xf32, #tpu.memory_space<vmem>>, vector<1x16xf32>,
      %swap3A_49 = arith.index_cast %scan3A_39 : i32 to index
      %swap3A_50 = arith.constant 32 : index
      %swap3A_51 = tpu.vector_load %arg8[%swap3A_49, %swap3A_50] {strides = array<i32>} : memref<128x64xf32, #tpu.memory_space<vmem>>, vector<1x16xf32>,
      %swap3A_52 = vector.shape_cast %swap3A_51 : vector<1x16xf32> to vector<16xf32>
      %swap3A_53 = vector.shape_cast %broadcast_in_dim3A_1 : vector<16xf32> to vector<1x16xf32>
      tpu.vector_store %arg8[%swap3A_49, %swap3A_50], %swap3A_53 {strides = array<i32>} : memref<128x64xf32, #tpu.memory_space<vmem>>, vector<1x16xf32>,
      %swap3A_54 = arith.index_cast %scan3A_39 : i32 to index
      %swap3A_55 = arith.constant 48 : index
      %swap3A_56 = tpu.vector_load %arg8[%swap3A_54, %swap3A_55] {strides = array<i32>} : memref<128x64xf32, #tpu.memory_space<vmem>>, vector<1x16xf32>,
      %swap3A_57 = vector.shape_cast %swap3A_56 : vector<1x16xf32> to vector<16xf32>
      %swap3A_58 = vector.shape_cast %broadcast_in_dim3A_1 : vector<16xf32> to vector<1x16xf32>
      tpu.vector_store %arg8[%swap3A_54, %swap3A_55], %swap3A_58 {strides = array<i32>} : memref<128x64xf32, #tpu.memory_space<vmem>>, vector<1x16xf32>,
    }
    %scan3A_6 = arith.constant 128 : i32
    %mul3A_7 = arith.constant 640 : i32
    %mul3A_8 = arith.muli %arg1, %mul3A_7 : i32
    %add3A = arith.constant 0 : i32
    %add3A_9 = arith.addi %mul3A_8, %add3A : i32
    "tpu.region"() ({
      %run_scoped3A = tpu.sem_alloc : memref<!tpu.dma_semaphore, #tpu.memory_space<semaphore_mem>>
      %dma_start3A = arith.constant 0 : i32
      %dma_start3A_39 = tpu.memref_slice %arg9[%add3A_9, %dma_start3A] : memref<10240x64xf32, #tpu.memory_space<vmem_shared>> -> memref<128x64xf32, #tpu.memory_space<vmem_shared>>
      %dma_start3A_40 = arith.constant 0 : i32
      %dma_start3A_41 = tpu.memref_slice %arg9[%add3A_9, %dma_start3A_40] : memref<10240x64xf32, #tpu.memory_space<vmem_shared>> -> memref<128x64xf32, #tpu.memory_space<vmem_shared>>
      tpu.enqueue_dma source(%arg8 : memref<128x64xf32, #tpu.memory_space<vmem>>) target(%dma_start3A_41 : memref<128x64xf32, #tpu.memory_space<vmem_shared>>) target_semaphore(%run_scoped3A : memref<!tpu.dma_semaphore, #tpu.memory_space<semaphore_mem>>)
      %dma_wait3A = arith.constant 0 : i32
      %dma_wait3A_42 = tpu.memref_slice %arg9[%add3A_9, %dma_wait3A] : memref<10240x64xf32, #tpu.memory_space<vmem_shared>> -> memref<128x64xf32, #tpu.memory_space<vmem_shared>>
      %dma_wait3A_43 = arith.constant 0 : i32
      %dma_wait3A_44 = tpu.memref_slice %arg9[%add3A_9, %dma_wait3A_43] : memref<10240x64xf32, #tpu.memory_space<vmem_shared>> -> memref<128x64xf32, #tpu.memory_space<vmem_shared>>
      tpu.wait_dma2 semaphore(%run_scoped3A : memref<!tpu.dma_semaphore, #tpu.memory_space<semaphore_mem>>) src(%arg8 : memref<128x64xf32, #tpu.memory_space<vmem>>) dst(%dma_wait3A_44 : memref<128x64xf32, #tpu.memory_space<vmem_shared>>)
      tpu.yield
    }) : () -> ()
    %mul3A_10 = arith.constant 640 : i32
    %mul3A_11 = arith.muli %arg1, %mul3A_10 : i32
    %add3A_12 = arith.constant 128 : i32
    %add3A_13 = arith.addi %mul3A_11, %add3A_12 : i32
    "tpu.region"() ({
      %run_scoped3A = tpu.sem_alloc : memref<!tpu.dma_semaphore, #tpu.memory_space<semaphore_mem>>
      %dma_start3A = arith.constant 0 : i32
      %dma_start3A_39 = tpu.memref_slice %arg9[%add3A_13, %dma_start3A] : memref<10240x64xf32, #tpu.memory_space<vmem_shared>> -> memref<128x64xf32, #tpu.memory_space<vmem_shared>>
      %dma_start3A_40 = arith.constant 0 : i32
      %dma_start3A_41 = tpu.memref_slice %arg9[%add3A_13, %dma_start3A_40] : memref<10240x64xf32, #tpu.memory_space<vmem_shared>> -> memref<128x64xf32, #tpu.memory_space<vmem_shared>>
      tpu.enqueue_dma source(%arg8 : memref<128x64xf32, #tpu.memory_space<vmem>>) target(%dma_start3A_41 : memref<128x64xf32, #tpu.memory_space<vmem_shared>>) target_semaphore(%run_scoped3A : memref<!tpu.dma_semaphore, #tpu.memory_space<semaphore_mem>>)
      %dma_wait3A = arith.constant 0 : i32
      %dma_wait3A_42 = tpu.memref_slice %arg9[%add3A_13, %dma_wait3A] : memref<10240x64xf32, #tpu.memory_space<vmem_shared>> -> memref<128x64xf32, #tpu.memory_space<vmem_shared>>
      %dma_wait3A_43 = arith.constant 0 : i32
      %dma_wait3A_44 = tpu.memref_slice %arg9[%add3A_13, %dma_wait3A_43] : memref<10240x64xf32, #tpu.memory_space<vmem_shared>> -> memref<128x64xf32, #tpu.memory_space<vmem_shared>>
      tpu.wait_dma2 semaphore(%run_scoped3A : memref<!tpu.dma_semaphore, #tpu.memory_space<semaphore_mem>>) src(%arg8 : memref<128x64xf32, #tpu.memory_space<vmem>>) dst(%dma_wait3A_44 : memref<128x64xf32, #tpu.memory_space<vmem_shared>>)
      tpu.yield
    }) : () -> ()
    %mul3A_14 = arith.constant 640 : i32
    %mul3A_15 = arith.muli %arg1, %mul3A_14 : i32
    %add3A_16 = arith.constant 256 : i32
    %add3A_17 = arith.addi %mul3A_15, %add3A_16 : i32
    "tpu.region"() ({
      %run_scoped3A = tpu.sem_alloc : memref<!tpu.dma_semaphore, #tpu.memory_space<semaphore_mem>>
      %dma_start3A = arith.constant 0 : i32
      %dma_start3A_39 = tpu.memref_slice %arg9[%add3A_17, %dma_start3A] : memref<10240x64xf32, #tpu.memory_space<vmem_shared>> -> memref<128x64xf32, #tpu.memory_space<vmem_shared>>
      %dma_start3A_40 = arith.constant 0 : i32
      %dma_start3A_41 = tpu.memref_slice %arg9[%add3A_17, %dma_start3A_40] : memref<10240x64xf32, #tpu.memory_space<vmem_shared>> -> memref<128x64xf32, #tpu.memory_space<vmem_shared>>
      tpu.enqueue_dma source(%arg8 : memref<128x64xf32, #tpu.memory_space<vmem>>) target(%dma_start3A_41 : memref<128x64xf32, #tpu.memory_space<vmem_shared>>) target_semaphore(%run_scoped3A : memref<!tpu.dma_semaphore, #tpu.memory_space<semaphore_mem>>)
      %dma_wait3A = arith.constant 0 : i32
      %dma_wait3A_42 = tpu.memref_slice %arg9[%add3A_17, %dma_wait3A] : memref<10240x64xf32, #tpu.memory_space<vmem_shared>> -> memref<128x64xf32, #tpu.memory_space<vmem_shared>>
      %dma_wait3A_43 = arith.constant 0 : i32
      %dma_wait3A_44 = tpu.memref_slice %arg9[%add3A_17, %dma_wait3A_43] : memref<10240x64xf32, #tpu.memory_space<vmem_shared>> -> memref<128x64xf32, #tpu.memory_space<vmem_shared>>
      tpu.wait_dma2 semaphore(%run_scoped3A : memref<!tpu.dma_semaphore, #tpu.memory_space<semaphore_mem>>) src(%arg8 : memref<128x64xf32, #tpu.memory_space<vmem>>) dst(%dma_wait3A_44 : memref<128x64xf32, #tpu.memory_space<vmem_shared>>)
      tpu.yield
    }) : () -> ()
    %mul3A_18 = arith.constant 640 : i32
    %mul3A_19 = arith.muli %arg1, %mul3A_18 : i32
    %add3A_20 = arith.constant 384 : i32
    %add3A_21 = arith.addi %mul3A_19, %add3A_20 : i32
    "tpu.region"() ({
      %run_scoped3A = tpu.sem_alloc : memref<!tpu.dma_semaphore, #tpu.memory_space<semaphore_mem>>
      %dma_start3A = arith.constant 0 : i32
      %dma_start3A_39 = tpu.memref_slice %arg9[%add3A_21, %dma_start3A] : memref<10240x64xf32, #tpu.memory_space<vmem_shared>> -> memref<128x64xf32, #tpu.memory_space<vmem_shared>>
      %dma_start3A_40 = arith.constant 0 : i32
      %dma_start3A_41 = tpu.memref_slice %arg9[%add3A_21, %dma_start3A_40] : memref<10240x64xf32, #tpu.memory_space<vmem_shared>> -> memref<128x64xf32, #tpu.memory_space<vmem_shared>>
      tpu.enqueue_dma source(%arg8 : memref<128x64xf32, #tpu.memory_space<vmem>>) target(%dma_start3A_41 : memref<128x64xf32, #tpu.memory_space<vmem_shared>>) target_semaphore(%run_scoped3A : memref<!tpu.dma_semaphore, #tpu.memory_space<semaphore_mem>>)
      %dma_wait3A = arith.constant 0 : i32
      %dma_wait3A_42 = tpu.memref_slice %arg9[%add3A_21, %dma_wait3A] : memref<10240x64xf32, #tpu.memory_space<vmem_shared>> -> memref<128x64xf32, #tpu.memory_space<vmem_shared>>
      %dma_wait3A_43 = arith.constant 0 : i32
      %dma_wait3A_44 = tpu.memref_slice %arg9[%add3A_21, %dma_wait3A_43] : memref<10240x64xf32, #tpu.memory_space<vmem_shared>> -> memref<128x64xf32, #tpu.memory_space<vmem_shared>>
      tpu.wait_dma2 semaphore(%run_scoped3A : memref<!tpu.dma_semaphore, #tpu.memory_space<semaphore_mem>>) src(%arg8 : memref<128x64xf32, #tpu.memory_space<vmem>>) dst(%dma_wait3A_44 : memref<128x64xf32, #tpu.memory_space<vmem_shared>>)
      tpu.yield
    }) : () -> ()
    %mul3A_22 = arith.constant 640 : i32
    %mul3A_23 = arith.muli %arg1, %mul3A_22 : i32
    %add3A_24 = arith.constant 512 : i32
    %add3A_25 = arith.addi %mul3A_23, %add3A_24 : i32
    "tpu.region"() ({
      %run_scoped3A = tpu.sem_alloc : memref<!tpu.dma_semaphore, #tpu.memory_space<semaphore_mem>>
      %dma_start3A = arith.constant 0 : i32
      %dma_start3A_39 = tpu.memref_slice %arg9[%add3A_25, %dma_start3A] : memref<10240x64xf32, #tpu.memory_space<vmem_shared>> -> memref<128x64xf32, #tpu.memory_space<vmem_shared>>
      %dma_start3A_40 = arith.constant 0 : i32
      %dma_start3A_41 = tpu.memref_slice %arg9[%add3A_25, %dma_start3A_40] : memref<10240x64xf32, #tpu.memory_space<vmem_shared>> -> memref<128x64xf32, #tpu.memory_space<vmem_shared>>
      tpu.enqueue_dma source(%arg8 : memref<128x64xf32, #tpu.memory_space<vmem>>) target(%dma_start3A_41 : memref<128x64xf32, #tpu.memory_space<vmem_shared>>) target_semaphore(%run_scoped3A : memref<!tpu.dma_semaphore, #tpu.memory_space<semaphore_mem>>)
      %dma_wait3A = arith.constant 0 : i32
      %dma_wait3A_42 = tpu.memref_slice %arg9[%add3A_25, %dma_wait3A] : memref<10240x64xf32, #tpu.memory_space<vmem_shared>> -> memref<128x64xf32, #tpu.memory_space<vmem_shared>>
      %dma_wait3A_43 = arith.constant 0 : i32
      %dma_wait3A_44 = tpu.memref_slice %arg9[%add3A_25, %dma_wait3A_43] : memref<10240x64xf32, #tpu.memory_space<vmem_shared>> -> memref<128x64xf32, #tpu.memory_space<vmem_shared>>
      tpu.wait_dma2 semaphore(%run_scoped3A : memref<!tpu.dma_semaphore, #tpu.memory_space<semaphore_mem>>) src(%arg8 : memref<128x64xf32, #tpu.memory_space<vmem>>) dst(%dma_wait3A_44 : memref<128x64xf32, #tpu.memory_space<vmem_shared>>)
      tpu.yield
    }) : () -> ()
    %barrier3A = arith.constant 0 : index
    tpu.barrier barrier_id(%barrier3A)
    %mul3A_26 = arith.constant 20096 : i32
    %mul3A_27 = arith.muli %arg1, %mul3A_26 : i32
    %scan3A_28 = arith.constant 0 : i32
    %scan3A_29 = arith.constant 0 : i32
    %scan3A_30 = arith.constant 157 : i32
    %scan3A_31 = arith.addi %scan3A_29, %scan3A_30 : i32
    %scan3A_32 = arith.constant 1 : i32
    scf.for %scan3A_39 = %scan3A_29 to %scan3A_31 step %scan3A_32  : i32 {
      %mul3A_40 = arith.constant 128 : i32
      %mul3A_41 = arith.muli %scan3A_39, %mul3A_40 : i32
      %add3A_42 = arith.addi %mul3A_27, %mul3A_41 : i32
      "tpu.region"() ({
        %run_scoped3A = tpu.sem_alloc : memref<!tpu.dma_semaphore, #tpu.memory_space<semaphore_mem>>
        %dma_start3A_195 = tpu.memref_slice %arg3[%add3A_42] : memref<321536xi32, #tpu.memory_space<hbm>> -> memref<128xi32, #tpu.memory_space<hbm>>
        %dma_start3A_196 = tpu.memref_slice %arg3[%add3A_42] : memref<321536xi32, #tpu.memory_space<hbm>> -> memref<128xi32, #tpu.memory_space<hbm>>
        tpu.enqueue_dma source(%dma_start3A_196 : memref<128xi32, #tpu.memory_space<hbm>>) target(%arg5 : memref<128xi32, #tpu.memory_space<vmem>>) target_semaphore(%run_scoped3A : memref<!tpu.dma_semaphore, #tpu.memory_space<semaphore_mem>>)
        %dma_wait3A_197 = tpu.memref_slice %arg3[%add3A_42] : memref<321536xi32, #tpu.memory_space<hbm>> -> memref<128xi32, #tpu.memory_space<hbm>>
        %dma_wait3A_198 = tpu.memref_slice %arg3[%add3A_42] : memref<321536xi32, #tpu.memory_space<hbm>> -> memref<128xi32, #tpu.memory_space<hbm>>
        tpu.wait_dma2 semaphore(%run_scoped3A : memref<!tpu.dma_semaphore, #tpu.memory_space<semaphore_mem>>) src(%dma_wait3A_198 : memref<128xi32, #tpu.memory_space<hbm>>) dst(%arg5 : memref<128xi32, #tpu.memory_space<vmem>>)
        tpu.yield
      }) : () -> ()
      %get3A = arith.constant 0 : index
      %get3A_43 = tpu.vector_load %arg5[%get3A] {strides = array<i32>} : memref<128xi32, #tpu.memory_space<vmem>>, vector<16xi32>,
      %get3A_44 = vector.shape_cast %get3A_43 : vector<16xi32> to vector<16xi32>
      %and3A = arith.constant 32767 : i32
      %and3A_45 = vector.broadcast %and3A : i32 to vector<16xi32>
      %and3A_46 = arith.andi %get3A_44, %and3A_45 : vector<16xi32>
      %add3A_47 = vector.broadcast %mul3A_0 : i32 to vector<16xi32>
      %add3A_48 = arith.addi %and3A_46, %add3A_47 : vector<16xi32>
      %swap3A = arith.constant 0 : index
      %swap3A_49 = tpu.vector_load %arg6[%swap3A] {strides = array<i32>} : memref<128xi32, #tpu.memory_space<vmem>>, vector<16xi32>,
      %swap3A_50 = vector.shape_cast %swap3A_49 : vector<16xi32> to vector<16xi32>
      %swap3A_51 = vector.shape_cast %add3A_48 : vector<16xi32> to vector<16xi32>
      tpu.vector_store %arg6[%swap3A], %swap3A_51 {strides = array<i32>} : memref<128xi32, #tpu.memory_space<vmem>>, vector<16xi32>,
      %shift_right_arithmetic3A = arith.constant 15 : i32
      %shift_right_arithmetic3A_52 = vector.broadcast %shift_right_arithmetic3A : i32 to vector<16xi32>
      %shift_right_arithmetic3A_53 = arith.shrsi %get3A_44, %shift_right_arithmetic3A_52 : vector<16xi32>
      %swap3A_54 = arith.constant 0 : index
      %swap3A_55 = tpu.vector_load %arg7[%swap3A_54] {strides = array<i32>} : memref<128xi32, #tpu.memory_space<vmem>>, vector<16xi32>,
      %swap3A_56 = vector.shape_cast %swap3A_55 : vector<16xi32> to vector<16xi32>
      %swap3A_57 = vector.shape_cast %shift_right_arithmetic3A_53 : vector<16xi32> to vector<16xi32>
      tpu.vector_store %arg7[%swap3A_54], %swap3A_57 {strides = array<i32>} : memref<128xi32, #tpu.memory_space<vmem>>, vector<16xi32>,
      %get3A_58 = arith.constant 16 : index
      %get3A_59 = tpu.vector_load %arg5[%get3A_58] {strides = array<i32>} : memref<128xi32, #tpu.memory_space<vmem>>, vector<16xi32>,
      %get3A_60 = vector.shape_cast %get3A_59 : vector<16xi32> to vector<16xi32>
      %and3A_61 = arith.constant 32767 : i32
      %and3A_62 = vector.broadcast %and3A_61 : i32 to vector<16xi32>
      %and3A_63 = arith.andi %get3A_60, %and3A_62 : vector<16xi32>
      %add3A_64 = vector.broadcast %mul3A_0 : i32 to vector<16xi32>
      %add3A_65 = arith.addi %and3A_63, %add3A_64 : vector<16xi32>
      %swap3A_66 = arith.constant 16 : index
      %swap3A_67 = tpu.vector_load %arg6[%swap3A_66] {strides = array<i32>} : memref<128xi32, #tpu.memory_space<vmem>>, vector<16xi32>,
      %swap3A_68 = vector.shape_cast %swap3A_67 : vector<16xi32> to vector<16xi32>
      %swap3A_69 = vector.shape_cast %add3A_65 : vector<16xi32> to vector<16xi32>
      tpu.vector_store %arg6[%swap3A_66], %swap3A_69 {strides = array<i32>} : memref<128xi32, #tpu.memory_space<vmem>>, vector<16xi32>,
      %shift_right_arithmetic3A_70 = arith.constant 15 : i32
      %shift_right_arithmetic3A_71 = vector.broadcast %shift_right_arithmetic3A_70 : i32 to vector<16xi32>
      %shift_right_arithmetic3A_72 = arith.shrsi %get3A_60, %shift_right_arithmetic3A_71 : vector<16xi32>
      %swap3A_73 = arith.constant 16 : index
      %swap3A_74 = tpu.vector_load %arg7[%swap3A_73] {strides = array<i32>} : memref<128xi32, #tpu.memory_space<vmem>>, vector<16xi32>,
      %swap3A_75 = vector.shape_cast %swap3A_74 : vector<16xi32> to vector<16xi32>
      %swap3A_76 = vector.shape_cast %shift_right_arithmetic3A_72 : vector<16xi32> to vector<16xi32>
      tpu.vector_store %arg7[%swap3A_73], %swap3A_76 {strides = array<i32>} : memref<128xi32, #tpu.memory_space<vmem>>, vector<16xi32>,
      %get3A_77 = arith.constant 32 : index
      %get3A_78 = tpu.vector_load %arg5[%get3A_77] {strides = array<i32>} : memref<128xi32, #tpu.memory_space<vmem>>, vector<16xi32>,
      %get3A_79 = vector.shape_cast %get3A_78 : vector<16xi32> to vector<16xi32>
      %and3A_80 = arith.constant 32767 : i32
      %and3A_81 = vector.broadcast %and3A_80 : i32 to vector<16xi32>
      %and3A_82 = arith.andi %get3A_79, %and3A_81 : vector<16xi32>
      %add3A_83 = vector.broadcast %mul3A_0 : i32 to vector<16xi32>
      %add3A_84 = arith.addi %and3A_82, %add3A_83 : vector<16xi32>
      %swap3A_85 = arith.constant 32 : index
      %swap3A_86 = tpu.vector_load %arg6[%swap3A_85] {strides = array<i32>} : memref<128xi32, #tpu.memory_space<vmem>>, vector<16xi32>,
      %swap3A_87 = vector.shape_cast %swap3A_86 : vector<16xi32> to vector<16xi32>
      %swap3A_88 = vector.shape_cast %add3A_84 : vector<16xi32> to vector<16xi32>
      tpu.vector_store %arg6[%swap3A_85], %swap3A_88 {strides = array<i32>} : memref<128xi32, #tpu.memory_space<vmem>>, vector<16xi32>,
      %shift_right_arithmetic3A_89 = arith.constant 15 : i32
      %shift_right_arithmetic3A_90 = vector.broadcast %shift_right_arithmetic3A_89 : i32 to vector<16xi32>
      %shift_right_arithmetic3A_91 = arith.shrsi %get3A_79, %shift_right_arithmetic3A_90 : vector<16xi32>
      %swap3A_92 = arith.constant 32 : index
      %swap3A_93 = tpu.vector_load %arg7[%swap3A_92] {strides = array<i32>} : memref<128xi32, #tpu.memory_space<vmem>>, vector<16xi32>,
      %swap3A_94 = vector.shape_cast %swap3A_93 : vector<16xi32> to vector<16xi32>
      %swap3A_95 = vector.shape_cast %shift_right_arithmetic3A_91 : vector<16xi32> to vector<16xi32>
      tpu.vector_store %arg7[%swap3A_92], %swap3A_95 {strides = array<i32>} : memref<128xi32, #tpu.memory_space<vmem>>, vector<16xi32>,
      %get3A_96 = arith.constant 48 : index
      %get3A_97 = tpu.vector_load %arg5[%get3A_96] {strides = array<i32>} : memref<128xi32, #tpu.memory_space<vmem>>, vector<16xi32>,
      %get3A_98 = vector.shape_cast %get3A_97 : vector<16xi32> to vector<16xi32>
      %and3A_99 = arith.constant 32767 : i32
      %and3A_100 = vector.broadcast %and3A_99 : i32 to vector<16xi32>
      %and3A_101 = arith.andi %get3A_98, %and3A_100 : vector<16xi32>
      %add3A_102 = vector.broadcast %mul3A_0 : i32 to vector<16xi32>
      %add3A_103 = arith.addi %and3A_101, %add3A_102 : vector<16xi32>
      %swap3A_104 = arith.constant 48 : index
      %swap3A_105 = tpu.vector_load %arg6[%swap3A_104] {strides = array<i32>} : memref<128xi32, #tpu.memory_space<vmem>>, vector<16xi32>,
      %swap3A_106 = vector.shape_cast %swap3A_105 : vector<16xi32> to vector<16xi32>
      %swap3A_107 = vector.shape_cast %add3A_103 : vector<16xi32> to vector<16xi32>
      tpu.vector_store %arg6[%swap3A_104], %swap3A_107 {strides = array<i32>} : memref<128xi32, #tpu.memory_space<vmem>>, vector<16xi32>,
      %shift_right_arithmetic3A_108 = arith.constant 15 : i32
      %shift_right_arithmetic3A_109 = vector.broadcast %shift_right_arithmetic3A_108 : i32 to vector<16xi32>
      %shift_right_arithmetic3A_110 = arith.shrsi %get3A_98, %shift_right_arithmetic3A_109 : vector<16xi32>
      %swap3A_111 = arith.constant 48 : index
      %swap3A_112 = tpu.vector_load %arg7[%swap3A_111] {strides = array<i32>} : memref<128xi32, #tpu.memory_space<vmem>>, vector<16xi32>,
      %swap3A_113 = vector.shape_cast %swap3A_112 : vector<16xi32> to vector<16xi32>
      %swap3A_114 = vector.shape_cast %shift_right_arithmetic3A_110 : vector<16xi32> to vector<16xi32>
      tpu.vector_store %arg7[%swap3A_111], %swap3A_114 {strides = array<i32>} : memref<128xi32, #tpu.memory_space<vmem>>, vector<16xi32>,
      %get3A_115 = arith.constant 64 : index
      %get3A_116 = tpu.vector_load %arg5[%get3A_115] {strides = array<i32>} : memref<128xi32, #tpu.memory_space<vmem>>, vector<16xi32>,
      %get3A_117 = vector.shape_cast %get3A_116 : vector<16xi32> to vector<16xi32>
      %and3A_118 = arith.constant 32767 : i32
      %and3A_119 = vector.broadcast %and3A_118 : i32 to vector<16xi32>
      %and3A_120 = arith.andi %get3A_117, %and3A_119 : vector<16xi32>
      %add3A_121 = vector.broadcast %mul3A_0 : i32 to vector<16xi32>
      %add3A_122 = arith.addi %and3A_120, %add3A_121 : vector<16xi32>
      %swap3A_123 = arith.constant 64 : index
      %swap3A_124 = tpu.vector_load %arg6[%swap3A_123] {strides = array<i32>} : memref<128xi32, #tpu.memory_space<vmem>>, vector<16xi32>,
      %swap3A_125 = vector.shape_cast %swap3A_124 : vector<16xi32> to vector<16xi32>
      %swap3A_126 = vector.shape_cast %add3A_122 : vector<16xi32> to vector<16xi32>
      tpu.vector_store %arg6[%swap3A_123], %swap3A_126 {strides = array<i32>} : memref<128xi32, #tpu.memory_space<vmem>>, vector<16xi32>,
      %shift_right_arithmetic3A_127 = arith.constant 15 : i32
      %shift_right_arithmetic3A_128 = vector.broadcast %shift_right_arithmetic3A_127 : i32 to vector<16xi32>
      %shift_right_arithmetic3A_129 = arith.shrsi %get3A_117, %shift_right_arithmetic3A_128 : vector<16xi32>
      %swap3A_130 = arith.constant 64 : index
      %swap3A_131 = tpu.vector_load %arg7[%swap3A_130] {strides = array<i32>} : memref<128xi32, #tpu.memory_space<vmem>>, vector<16xi32>,
      %swap3A_132 = vector.shape_cast %swap3A_131 : vector<16xi32> to vector<16xi32>
      %swap3A_133 = vector.shape_cast %shift_right_arithmetic3A_129 : vector<16xi32> to vector<16xi32>
      tpu.vector_store %arg7[%swap3A_130], %swap3A_133 {strides = array<i32>} : memref<128xi32, #tpu.memory_space<vmem>>, vector<16xi32>,
      %get3A_134 = arith.constant 80 : index
      %get3A_135 = tpu.vector_load %arg5[%get3A_134] {strides = array<i32>} : memref<128xi32, #tpu.memory_space<vmem>>, vector<16xi32>,
      %get3A_136 = vector.shape_cast %get3A_135 : vector<16xi32> to vector<16xi32>
      %and3A_137 = arith.constant 32767 : i32
      %and3A_138 = vector.broadcast %and3A_137 : i32 to vector<16xi32>
      %and3A_139 = arith.andi %get3A_136, %and3A_138 : vector<16xi32>
      %add3A_140 = vector.broadcast %mul3A_0 : i32 to vector<16xi32>
      %add3A_141 = arith.addi %and3A_139, %add3A_140 : vector<16xi32>
      %swap3A_142 = arith.constant 80 : index
      %swap3A_143 = tpu.vector_load %arg6[%swap3A_142] {strides = array<i32>} : memref<128xi32, #tpu.memory_space<vmem>>, vector<16xi32>,
      %swap3A_144 = vector.shape_cast %swap3A_143 : vector<16xi32> to vector<16xi32>
      %swap3A_145 = vector.shape_cast %add3A_141 : vector<16xi32> to vector<16xi32>
      tpu.vector_store %arg6[%swap3A_142], %swap3A_145 {strides = array<i32>} : memref<128xi32, #tpu.memory_space<vmem>>, vector<16xi32>,
      %shift_right_arithmetic3A_146 = arith.constant 15 : i32
      %shift_right_arithmetic3A_147 = vector.broadcast %shift_right_arithmetic3A_146 : i32 to vector<16xi32>
      %shift_right_arithmetic3A_148 = arith.shrsi %get3A_136, %shift_right_arithmetic3A_147 : vector<16xi32>
      %swap3A_149 = arith.constant 80 : index
      %swap3A_150 = tpu.vector_load %arg7[%swap3A_149] {strides = array<i32>} : memref<128xi32, #tpu.memory_space<vmem>>, vector<16xi32>,
      %swap3A_151 = vector.shape_cast %swap3A_150 : vector<16xi32> to vector<16xi32>
      %swap3A_152 = vector.shape_cast %shift_right_arithmetic3A_148 : vector<16xi32> to vector<16xi32>
      tpu.vector_store %arg7[%swap3A_149], %swap3A_152 {strides = array<i32>} : memref<128xi32, #tpu.memory_space<vmem>>, vector<16xi32>,
      %get3A_153 = arith.constant 96 : index
      %get3A_154 = tpu.vector_load %arg5[%get3A_153] {strides = array<i32>} : memref<128xi32, #tpu.memory_space<vmem>>, vector<16xi32>,
      %get3A_155 = vector.shape_cast %get3A_154 : vector<16xi32> to vector<16xi32>
      %and3A_156 = arith.constant 32767 : i32
      %and3A_157 = vector.broadcast %and3A_156 : i32 to vector<16xi32>
      %and3A_158 = arith.andi %get3A_155, %and3A_157 : vector<16xi32>
      %add3A_159 = vector.broadcast %mul3A_0 : i32 to vector<16xi32>
      %add3A_160 = arith.addi %and3A_158, %add3A_159 : vector<16xi32>
      %swap3A_161 = arith.constant 96 : index
      %swap3A_162 = tpu.vector_load %arg6[%swap3A_161] {strides = array<i32>} : memref<128xi32, #tpu.memory_space<vmem>>, vector<16xi32>,
      %swap3A_163 = vector.shape_cast %swap3A_162 : vector<16xi32> to vector<16xi32>
      %swap3A_164 = vector.shape_cast %add3A_160 : vector<16xi32> to vector<16xi32>
      tpu.vector_store %arg6[%swap3A_161], %swap3A_164 {strides = array<i32>} : memref<128xi32, #tpu.memory_space<vmem>>, vector<16xi32>,
      %shift_right_arithmetic3A_165 = arith.constant 15 : i32
      %shift_right_arithmetic3A_166 = vector.broadcast %shift_right_arithmetic3A_165 : i32 to vector<16xi32>
      %shift_right_arithmetic3A_167 = arith.shrsi %get3A_155, %shift_right_arithmetic3A_166 : vector<16xi32>
      %swap3A_168 = arith.constant 96 : index
      %swap3A_169 = tpu.vector_load %arg7[%swap3A_168] {strides = array<i32>} : memref<128xi32, #tpu.memory_space<vmem>>, vector<16xi32>,
      %swap3A_170 = vector.shape_cast %swap3A_169 : vector<16xi32> to vector<16xi32>
      %swap3A_171 = vector.shape_cast %shift_right_arithmetic3A_167 : vector<16xi32> to vector<16xi32>
      tpu.vector_store %arg7[%swap3A_168], %swap3A_171 {strides = array<i32>} : memref<128xi32, #tpu.memory_space<vmem>>, vector<16xi32>,
      %get3A_172 = arith.constant 112 : index
      %get3A_173 = tpu.vector_load %arg5[%get3A_172] {strides = array<i32>} : memref<128xi32, #tpu.memory_space<vmem>>, vector<16xi32>,
      %get3A_174 = vector.shape_cast %get3A_173 : vector<16xi32> to vector<16xi32>
      %and3A_175 = arith.constant 32767 : i32
      %and3A_176 = vector.broadcast %and3A_175 : i32 to vector<16xi32>
      %and3A_177 = arith.andi %get3A_174, %and3A_176 : vector<16xi32>
      %add3A_178 = vector.broadcast %mul3A_0 : i32 to vector<16xi32>
      %add3A_179 = arith.addi %and3A_177, %add3A_178 : vector<16xi32>
      %swap3A_180 = arith.constant 112 : index
      %swap3A_181 = tpu.vector_load %arg6[%swap3A_180] {strides = array<i32>} : memref<128xi32, #tpu.memory_space<vmem>>, vector<16xi32>,
      %swap3A_182 = vector.shape_cast %swap3A_181 : vector<16xi32> to vector<16xi32>
      %swap3A_183 = vector.shape_cast %add3A_179 : vector<16xi32> to vector<16xi32>
      tpu.vector_store %arg6[%swap3A_180], %swap3A_183 {strides = array<i32>} : memref<128xi32, #tpu.memory_space<vmem>>, vector<16xi32>,
      %shift_right_arithmetic3A_184 = arith.constant 15 : i32
      %shift_right_arithmetic3A_185 = vector.broadcast %shift_right_arithmetic3A_184 : i32 to vector<16xi32>
      %shift_right_arithmetic3A_186 = arith.shrsi %get3A_174, %shift_right_arithmetic3A_185 : vector<16xi32>
      %swap3A_187 = arith.constant 112 : index
      %swap3A_188 = tpu.vector_load %arg7[%swap3A_187] {strides = array<i32>} : memref<128xi32, #tpu.memory_space<vmem>>, vector<16xi32>,
      %swap3A_189 = vector.shape_cast %swap3A_188 : vector<16xi32> to vector<16xi32>
      %swap3A_190 = vector.shape_cast %shift_right_arithmetic3A_186 : vector<16xi32> to vector<16xi32>
      tpu.vector_store %arg7[%swap3A_187], %swap3A_190 {strides = array<i32>} : memref<128xi32, #tpu.memory_space<vmem>>, vector<16xi32>,
      %dma_start3A = arith.constant 0 : i32
      %dma_start3A_191 = arith.constant 0 : i32
      %dma_start3A_192 = tpu.memref_slice %arg2[%dma_start3A, %dma_start3A_191] : memref<20000x64xf32, #tpu.memory_space<hbm>> -> memref<20000x64xf32, #tpu.memory_space<hbm>>
      tpu.enqueue_indirect_dma source(%dma_start3A_192 : memref<20000x64xf32, #tpu.memory_space<hbm>>) target(%arg8 : memref<128x64xf32, #tpu.memory_space<vmem>>) offsets(%arg6 : memref<128xi32, #tpu.memory_space<vmem>>) semaphore(%arg10 : memref<!tpu.dma_semaphore, #tpu.memory_space<semaphore_mem>>)
      %dma_wait3A = arith.constant 0 : i32
      %dma_wait3A_193 = arith.constant 0 : i32
      %dma_wait3A_194 = tpu.memref_slice %arg2[%dma_wait3A, %dma_wait3A_193] : memref<20000x64xf32, #tpu.memory_space<hbm>> -> memref<20000x64xf32, #tpu.memory_space<hbm>>
      tpu.wait_indirect_dma semaphore(%arg10 : memref<!tpu.dma_semaphore, #tpu.memory_space<semaphore_mem>>) src(%dma_wait3A_194 : memref<20000x64xf32, #tpu.memory_space<hbm>>) dst(%arg8 : memref<128x64xf32, #tpu.memory_space<vmem>>)
      "tpu.region"() ({
        %run_scoped3A = tpu.sem_alloc : memref<!tpu.dma_semaphore, #tpu.memory_space<semaphore_mem>>
        %dma_start3A_195 = arith.constant 0 : i32
        %dma_start3A_196 = arith.constant 0 : i32
        %dma_start3A_197 = tpu.memref_slice %arg9[%dma_start3A_195, %dma_start3A_196] : memref<10240x64xf32, #tpu.memory_space<vmem_shared>> -> memref<10240x64xf32, #tpu.memory_space<vmem_shared>>
        tpu.enqueue_indirect_dma source(%arg8 : memref<128x64xf32, #tpu.memory_space<vmem>>) target(%dma_start3A_197 : memref<10240x64xf32, #tpu.memory_space<vmem_shared>>) offsets(%arg7 : memref<128xi32, #tpu.memory_space<vmem>>) semaphore(%run_scoped3A : memref<!tpu.dma_semaphore, #tpu.memory_space<semaphore_mem>>) {add = true}
        %dma_wait3A_198 = arith.constant 0 : i32
        %dma_wait3A_199 = arith.constant 0 : i32
        %dma_wait3A_200 = tpu.memref_slice %arg9[%dma_wait3A_198, %dma_wait3A_199] : memref<10240x64xf32, #tpu.memory_space<vmem_shared>> -> memref<10240x64xf32, #tpu.memory_space<vmem_shared>>
        tpu.wait_indirect_dma semaphore(%run_scoped3A : memref<!tpu.dma_semaphore, #tpu.memory_space<semaphore_mem>>) src(%arg8 : memref<128x64xf32, #tpu.memory_space<vmem>>) dst(%dma_wait3A_200 : memref<10240x64xf32, #tpu.memory_space<vmem_shared>>)
        tpu.yield
      }) : () -> ()
    }
    %scan3A_33 = arith.constant 157 : i32
    %barrier3A_34 = arith.constant 0 : index
    tpu.barrier barrier_id(%barrier3A_34)
    %mul3A_35 = arith.constant 640 : i32
    %mul3A_36 = arith.muli %arg1, %mul3A_35 : i32
    %mul3A_37 = arith.constant 640 : i32
    %mul3A_38 = arith.muli %arg1, %mul3A_37 : i32
    "tpu.region"() ({
      %run_scoped3A = tpu.sem_alloc : memref<!tpu.dma_semaphore, #tpu.memory_space<semaphore_mem>>
      %dma_start3A = arith.constant 0 : i32
      %dma_start3A_39 = tpu.memref_slice %arg4[%arg0, %mul3A_38, %dma_start3A] : memref<2x10240x64xf32, #tpu.memory_space<hbm>> -> memref<1x640x64xf32, #tpu.memory_space<hbm>>
      %dma_start3A_40 = tpu.memref_squeeze %dma_start3A_39 : memref<1x640x64xf32, #tpu.memory_space<hbm>> -> memref<640x64xf32, #tpu.memory_space<hbm>>
      %dma_start3A_41 = arith.constant 0 : i32
      %dma_start3A_42 = tpu.memref_slice %arg9[%mul3A_36, %dma_start3A_41] : memref<10240x64xf32, #tpu.memory_space<vmem_shared>> -> memref<640x64xf32, #tpu.memory_space<vmem_shared>>
      tpu.enqueue_dma source(%dma_start3A_42 : memref<640x64xf32, #tpu.memory_space<vmem_shared>>) target(%dma_start3A_40 : memref<640x64xf32, #tpu.memory_space<hbm>>) target_semaphore(%run_scoped3A : memref<!tpu.dma_semaphore, #tpu.memory_space<semaphore_mem>>)
      %dma_wait3A = arith.constant 0 : i32
      %dma_wait3A_43 = tpu.memref_slice %arg4[%arg0, %mul3A_38, %dma_wait3A] : memref<2x10240x64xf32, #tpu.memory_space<hbm>> -> memref<1x640x64xf32, #tpu.memory_space<hbm>>
      %dma_wait3A_44 = tpu.memref_squeeze %dma_wait3A_43 : memref<1x640x64xf32, #tpu.memory_space<hbm>> -> memref<640x64xf32, #tpu.memory_space<hbm>>
      %dma_wait3A_45 = arith.constant 0 : i32
      %dma_wait3A_46 = tpu.memref_slice %arg9[%mul3A_36, %dma_wait3A_45] : memref<10240x64xf32, #tpu.memory_space<vmem_shared>> -> memref<640x64xf32, #tpu.memory_space<vmem_shared>>
      tpu.wait_dma2 semaphore(%run_scoped3A : memref<!tpu.dma_semaphore, #tpu.memory_space<semaphore_mem>>) src(%dma_wait3A_46 : memref<640x64xf32, #tpu.memory_space<vmem_shared>>) dst(%dma_wait3A_44 : memref<640x64xf32, #tpu.memory_space<hbm>>)
      tpu.yield
    }) : () -> ()
    return
  }
}

#map = affine_map<(d0, d1) -> (0, 0)>
#map1 = affine_map<(d0, d1) -> (0)>
#map2 = affine_map<(d0, d1) -> (0, 0, 0)>
module attributes {stable_mosaic.version = 14 : i64} {
  func.func @kern(%arg0: i32, %arg1: i32, %arg2: memref<20000x64xf32, #tpu.memory_space<hbm>>, %arg3: memref<321536xi32, #tpu.memory_space<hbm>>, %arg4: memref<2x10240x64xf32, #tpu.memory_space<hbm>>, %arg5: memref<128xi32, #tpu.memory_space<vmem>>, %arg6: memref<128xi32, #tpu.memory_space<vmem>>, %arg7: memref<128xi32, #tpu.memory_space<vmem>>, %arg8: memref<128x64xf32, #tpu.memory_space<vmem>>, %arg9: memref<10240x64xf32, #tpu.memory_space<vmem_shared>>, %arg10: memref<!tpu.dma_semaphore, #tpu.memory_space<semaphore_mem>>) attributes {dimension_semantics = [#tpu.dimension_semantics<core_parallel>, #tpu.dimension_semantics<subcore_parallel>], iteration_bounds = array<i64: 2, 16>, scalar_prefetch = 0 : i64, scratch_operands = 6 : i64, tpu.core_type = #tpu.core_type<sc_vector_subcore>, window_params = [{transform_indices = #map}, {transform_indices = #map1}, {transform_indices = #map2}]} {
    %mul3A = arith.constant 10000 : i32
    %mul3A_0 = arith.muli %arg0, %mul3A : i32
    %broadcast_in_dim3A = arith.constant 0.000000e+00 : f32
    %broadcast_in_dim3A_1 = vector.broadcast %broadcast_in_dim3A : f32 to vector<16xf32>
    %scan3A = arith.constant 0 : i32
    %scan3A_2 = arith.constant 0 : i32
    %scan3A_3 = arith.constant 128 : i32
    %scan3A_4 = arith.addi %scan3A_2, %scan3A_3 : i32
    %scan3A_5 = arith.constant 1 : i32
    scf.for %scan3A_39 = %scan3A_2 to %scan3A_4 step %scan3A_5  : i32 {
      %swap3A = arith.index_cast %scan3A_39 : i32 to index
      %swap3A_40 = arith.constant 0 : index
      %swap3A_41 = tpu.vector_load %arg8[%swap3A, %swap3A_40] {strides = array<i32>} : memref<128x64xf32, #tpu.memory_space<vmem>>, vector<1x16xf32>,
      %swap3A_42 = vector.shape_cast %swap3A_41 : vector<1x16xf32> to vector<16xf32>
      %swap3A_43 = vector.shape_cast %broadcast_in_dim3A_1 : vector<16xf32> to vector<1x16xf32>
      tpu.vector_store %arg8[%swap3A, %swap3A_40], %swap3A_43 {strides = array<i32>} : memref<128x64xf32, #tpu.memory_space<vmem>>, vector<1x16xf32>,
      %swap3A_44 = arith.index_cast %scan3A_39 : i32 to index
      %swap3A_45 = arith.constant 16 : index
      %swap3A_46 = tpu.vector_load %arg8[%swap3A_44, %swap3A_45] {strides = array<i32>} : memref<128x64xf32, #tpu.memory_space<vmem>>, vector<1x16xf32>,
      %swap3A_47 = vector.shape_cast %swap3A_46 : vector<1x16xf32> to vector<16xf32>
      %swap3A_48 = vector.shape_cast %broadcast_in_dim3A_1 : vector<16xf32> to vector<1x16xf32>
      tpu.vector_store %arg8[%swap3A_44, %swap3A_45], %swap3A_48 {strides = array<i32>} : memref<128x64xf32, #tpu.memory_space<vmem>>, vector<1x16xf32>,
      %swap3A_49 = arith.index_cast %scan3A_39 : i32 to index
      %swap3A_50 = arith.constant 32 : index
      %swap3A_51 = tpu.vector_load %arg8[%swap3A_49, %swap3A_50] {strides = array<i32>} : memref<128x64xf32, #tpu.memory_space<vmem>>, vector<1x16xf32>,
      %swap3A_52 = vector.shape_cast %swap3A_51 : vector<1x16xf32> to vector<16xf32>
      %swap3A_53 = vector.shape_cast %broadcast_in_dim3A_1 : vector<16xf32> to vector<1x16xf32>
      tpu.vector_store %arg8[%swap3A_49, %swap3A_50], %swap3A_53 {strides = array<i32>} : memref<128x64xf32, #tpu.memory_space<vmem>>, vector<1x16xf32>,
      %swap3A_54 = arith.index_cast %scan3A_39 : i32 to index
      %swap3A_55 = arith.constant 48 : index
      %swap3A_56 = tpu.vector_load %arg8[%swap3A_54, %swap3A_55] {strides = array<i32>} : memref<128x64xf32, #tpu.memory_space<vmem>>, vector<1x16xf32>,
      %swap3A_57 = vector.shape_cast %swap3A_56 : vector<1x16xf32> to vector<16xf32>
      %swap3A_58 = vector.shape_cast %broadcast_in_dim3A_1 : vector<16xf32> to vector<1x16xf32>
      tpu.vector_store %arg8[%swap3A_54, %swap3A_55], %swap3A_58 {strides = array<i32>} : memref<128x64xf32, #tpu.memory_space<vmem>>, vector<1x16xf32>,
    }
    %scan3A_6 = arith.constant 128 : i32
    %mul3A_7 = arith.constant 640 : i32
    %mul3A_8 = arith.muli %arg1, %mul3A_7 : i32
    %add3A = arith.constant 0 : i32
    %add3A_9 = arith.addi %mul3A_8, %add3A : i32
    "tpu.region"() ({
      %run_scoped3A = tpu.sem_alloc : memref<!tpu.dma_semaphore, #tpu.memory_space<semaphore_mem>>
      %dma_start3A = arith.constant 0 : i32
      %dma_start3A_39 = tpu.memref_slice %arg9[%add3A_9, %dma_start3A] : memref<10240x64xf32, #tpu.memory_space<vmem_shared>> -> memref<128x64xf32, #tpu.memory_space<vmem_shared>>
      %dma_start3A_40 = arith.constant 0 : i32
      %dma_start3A_41 = tpu.memref_slice %arg9[%add3A_9, %dma_start3A_40] : memref<10240x64xf32, #tpu.memory_space<vmem_shared>> -> memref<128x64xf32, #tpu.memory_space<vmem_shared>>
      tpu.enqueue_dma source(%arg8 : memref<128x64xf32, #tpu.memory_space<vmem>>) target(%dma_start3A_41 : memref<128x64xf32, #tpu.memory_space<vmem_shared>>) target_semaphore(%run_scoped3A : memref<!tpu.dma_semaphore, #tpu.memory_space<semaphore_mem>>)
      %dma_wait3A = arith.constant 0 : i32
      %dma_wait3A_42 = tpu.memref_slice %arg9[%add3A_9, %dma_wait3A] : memref<10240x64xf32, #tpu.memory_space<vmem_shared>> -> memref<128x64xf32, #tpu.memory_space<vmem_shared>>
      %dma_wait3A_43 = arith.constant 0 : i32
      %dma_wait3A_44 = tpu.memref_slice %arg9[%add3A_9, %dma_wait3A_43] : memref<10240x64xf32, #tpu.memory_space<vmem_shared>> -> memref<128x64xf32, #tpu.memory_space<vmem_shared>>
      tpu.wait_dma2 semaphore(%run_scoped3A : memref<!tpu.dma_semaphore, #tpu.memory_space<semaphore_mem>>) src(%arg8 : memref<128x64xf32, #tpu.memory_space<vmem>>) dst(%dma_wait3A_44 : memref<128x64xf32, #tpu.memory_space<vmem_shared>>)
      tpu.yield
    }) : () -> ()
    %mul3A_10 = arith.constant 640 : i32
    %mul3A_11 = arith.muli %arg1, %mul3A_10 : i32
    %add3A_12 = arith.constant 128 : i32
    %add3A_13 = arith.addi %mul3A_11, %add3A_12 : i32
    "tpu.region"() ({
      %run_scoped3A = tpu.sem_alloc : memref<!tpu.dma_semaphore, #tpu.memory_space<semaphore_mem>>
      %dma_start3A = arith.constant 0 : i32
      %dma_start3A_39 = tpu.memref_slice %arg9[%add3A_13, %dma_start3A] : memref<10240x64xf32, #tpu.memory_space<vmem_shared>> -> memref<128x64xf32, #tpu.memory_space<vmem_shared>>
      %dma_start3A_40 = arith.constant 0 : i32
      %dma_start3A_41 = tpu.memref_slice %arg9[%add3A_13, %dma_start3A_40] : memref<10240x64xf32, #tpu.memory_space<vmem_shared>> -> memref<128x64xf32, #tpu.memory_space<vmem_shared>>
      tpu.enqueue_dma source(%arg8 : memref<128x64xf32, #tpu.memory_space<vmem>>) target(%dma_start3A_41 : memref<128x64xf32, #tpu.memory_space<vmem_shared>>) target_semaphore(%run_scoped3A : memref<!tpu.dma_semaphore, #tpu.memory_space<semaphore_mem>>)
      %dma_wait3A = arith.constant 0 : i32
      %dma_wait3A_42 = tpu.memref_slice %arg9[%add3A_13, %dma_wait3A] : memref<10240x64xf32, #tpu.memory_space<vmem_shared>> -> memref<128x64xf32, #tpu.memory_space<vmem_shared>>
      %dma_wait3A_43 = arith.constant 0 : i32
      %dma_wait3A_44 = tpu.memref_slice %arg9[%add3A_13, %dma_wait3A_43] : memref<10240x64xf32, #tpu.memory_space<vmem_shared>> -> memref<128x64xf32, #tpu.memory_space<vmem_shared>>
      tpu.wait_dma2 semaphore(%run_scoped3A : memref<!tpu.dma_semaphore, #tpu.memory_space<semaphore_mem>>) src(%arg8 : memref<128x64xf32, #tpu.memory_space<vmem>>) dst(%dma_wait3A_44 : memref<128x64xf32, #tpu.memory_space<vmem_shared>>)
      tpu.yield
    }) : () -> ()
    %mul3A_14 = arith.constant 640 : i32
    %mul3A_15 = arith.muli %arg1, %mul3A_14 : i32
    %add3A_16 = arith.constant 256 : i32
    %add3A_17 = arith.addi %mul3A_15, %add3A_16 : i32
    "tpu.region"() ({
      %run_scoped3A = tpu.sem_alloc : memref<!tpu.dma_semaphore, #tpu.memory_space<semaphore_mem>>
      %dma_start3A = arith.constant 0 : i32
      %dma_start3A_39 = tpu.memref_slice %arg9[%add3A_17, %dma_start3A] : memref<10240x64xf32, #tpu.memory_space<vmem_shared>> -> memref<128x64xf32, #tpu.memory_space<vmem_shared>>
      %dma_start3A_40 = arith.constant 0 : i32
      %dma_start3A_41 = tpu.memref_slice %arg9[%add3A_17, %dma_start3A_40] : memref<10240x64xf32, #tpu.memory_space<vmem_shared>> -> memref<128x64xf32, #tpu.memory_space<vmem_shared>>
      tpu.enqueue_dma source(%arg8 : memref<128x64xf32, #tpu.memory_space<vmem>>) target(%dma_start3A_41 : memref<128x64xf32, #tpu.memory_space<vmem_shared>>) target_semaphore(%run_scoped3A : memref<!tpu.dma_semaphore, #tpu.memory_space<semaphore_mem>>)
      %dma_wait3A = arith.constant 0 : i32
      %dma_wait3A_42 = tpu.memref_slice %arg9[%add3A_17, %dma_wait3A] : memref<10240x64xf32, #tpu.memory_space<vmem_shared>> -> memref<128x64xf32, #tpu.memory_space<vmem_shared>>
      %dma_wait3A_43 = arith.constant 0 : i32
      %dma_wait3A_44 = tpu.memref_slice %arg9[%add3A_17, %dma_wait3A_43] : memref<10240x64xf32, #tpu.memory_space<vmem_shared>> -> memref<128x64xf32, #tpu.memory_space<vmem_shared>>
      tpu.wait_dma2 semaphore(%run_scoped3A : memref<!tpu.dma_semaphore, #tpu.memory_space<semaphore_mem>>) src(%arg8 : memref<128x64xf32, #tpu.memory_space<vmem>>) dst(%dma_wait3A_44 : memref<128x64xf32, #tpu.memory_space<vmem_shared>>)
      tpu.yield
    }) : () -> ()
    %mul3A_18 = arith.constant 640 : i32
    %mul3A_19 = arith.muli %arg1, %mul3A_18 : i32
    %add3A_20 = arith.constant 384 : i32
    %add3A_21 = arith.addi %mul3A_19, %add3A_20 : i32
    "tpu.region"() ({
      %run_scoped3A = tpu.sem_alloc : memref<!tpu.dma_semaphore, #tpu.memory_space<semaphore_mem>>
      %dma_start3A = arith.constant 0 : i32
      %dma_start3A_39 = tpu.memref_slice %arg9[%add3A_21, %dma_start3A] : memref<10240x64xf32, #tpu.memory_space<vmem_shared>> -> memref<128x64xf32, #tpu.memory_space<vmem_shared>>
      %dma_start3A_40 = arith.constant 0 : i32
      %dma_start3A_41 = tpu.memref_slice %arg9[%add3A_21, %dma_start3A_40] : memref<10240x64xf32, #tpu.memory_space<vmem_shared>> -> memref<128x64xf32, #tpu.memory_space<vmem_shared>>
      tpu.enqueue_dma source(%arg8 : memref<128x64xf32, #tpu.memory_space<vmem>>) target(%dma_start3A_41 : memref<128x64xf32, #tpu.memory_space<vmem_shared>>) target_semaphore(%run_scoped3A : memref<!tpu.dma_semaphore, #tpu.memory_space<semaphore_mem>>)
      %dma_wait3A = arith.constant 0 : i32
      %dma_wait3A_42 = tpu.memref_slice %arg9[%add3A_21, %dma_wait3A] : memref<10240x64xf32, #tpu.memory_space<vmem_shared>> -> memref<128x64xf32, #tpu.memory_space<vmem_shared>>
      %dma_wait3A_43 = arith.constant 0 : i32
      %dma_wait3A_44 = tpu.memref_slice %arg9[%add3A_21, %dma_wait3A_43] : memref<10240x64xf32, #tpu.memory_space<vmem_shared>> -> memref<128x64xf32, #tpu.memory_space<vmem_shared>>
      tpu.wait_dma2 semaphore(%run_scoped3A : memref<!tpu.dma_semaphore, #tpu.memory_space<semaphore_mem>>) src(%arg8 : memref<128x64xf32, #tpu.memory_space<vmem>>) dst(%dma_wait3A_44 : memref<128x64xf32, #tpu.memory_space<vmem_shared>>)
      tpu.yield
    }) : () -> ()
    %mul3A_22 = arith.constant 640 : i32
    %mul3A_23 = arith.muli %arg1, %mul3A_22 : i32
    %add3A_24 = arith.constant 512 : i32
    %add3A_25 = arith.addi %mul3A_23, %add3A_24 : i32
    "tpu.region"() ({
      %run_scoped3A = tpu.sem_alloc : memref<!tpu.dma_semaphore, #tpu.memory_space<semaphore_mem>>
      %dma_start3A = arith.constant 0 : i32
      %dma_start3A_39 = tpu.memref_slice %arg9[%add3A_25, %dma_start3A] : memref<10240x64xf32, #tpu.memory_space<vmem_shared>> -> memref<128x64xf32, #tpu.memory_space<vmem_shared>>
      %dma_start3A_40 = arith.constant 0 : i32
      %dma_start3A_41 = tpu.memref_slice %arg9[%add3A_25, %dma_start3A_40] : memref<10240x64xf32, #tpu.memory_space<vmem_shared>> -> memref<128x64xf32, #tpu.memory_space<vmem_shared>>
      tpu.enqueue_dma source(%arg8 : memref<128x64xf32, #tpu.memory_space<vmem>>) target(%dma_start3A_41 : memref<128x64xf32, #tpu.memory_space<vmem_shared>>) target_semaphore(%run_scoped3A : memref<!tpu.dma_semaphore, #tpu.memory_space<semaphore_mem>>)
      %dma_wait3A = arith.constant 0 : i32
      %dma_wait3A_42 = tpu.memref_slice %arg9[%add3A_25, %dma_wait3A] : memref<10240x64xf32, #tpu.memory_space<vmem_shared>> -> memref<128x64xf32, #tpu.memory_space<vmem_shared>>
      %dma_wait3A_43 = arith.constant 0 : i32
      %dma_wait3A_44 = tpu.memref_slice %arg9[%add3A_25, %dma_wait3A_43] : memref<10240x64xf32, #tpu.memory_space<vmem_shared>> -> memref<128x64xf32, #tpu.memory_space<vmem_shared>>
      tpu.wait_dma2 semaphore(%run_scoped3A : memref<!tpu.dma_semaphore, #tpu.memory_space<semaphore_mem>>) src(%arg8 : memref<128x64xf32, #tpu.memory_space<vmem>>) dst(%dma_wait3A_44 : memref<128x64xf32, #tpu.memory_space<vmem_shared>>)
      tpu.yield
    }) : () -> ()
    %barrier3A = arith.constant 0 : index
    tpu.barrier barrier_id(%barrier3A)
    %mul3A_26 = arith.constant 20096 : i32
    %mul3A_27 = arith.muli %arg1, %mul3A_26 : i32
    %scan3A_28 = arith.constant 0 : i32
    %scan3A_29 = arith.constant 0 : i32
    %scan3A_30 = arith.constant 157 : i32
    %scan3A_31 = arith.addi %scan3A_29, %scan3A_30 : i32
    %scan3A_32 = arith.constant 1 : i32
    scf.for %scan3A_39 = %scan3A_29 to %scan3A_31 step %scan3A_32  : i32 {
      %mul3A_40 = arith.constant 128 : i32
      %mul3A_41 = arith.muli %scan3A_39, %mul3A_40 : i32
      %add3A_42 = arith.addi %mul3A_27, %mul3A_41 : i32
      "tpu.region"() ({
        %run_scoped3A = tpu.sem_alloc : memref<!tpu.dma_semaphore, #tpu.memory_space<semaphore_mem>>
        %dma_start3A_195 = tpu.memref_slice %arg3[%add3A_42] : memref<321536xi32, #tpu.memory_space<hbm>> -> memref<128xi32, #tpu.memory_space<hbm>>
        %dma_start3A_196 = tpu.memref_slice %arg3[%add3A_42] : memref<321536xi32, #tpu.memory_space<hbm>> -> memref<128xi32, #tpu.memory_space<hbm>>
        tpu.enqueue_dma source(%dma_start3A_196 : memref<128xi32, #tpu.memory_space<hbm>>) target(%arg5 : memref<128xi32, #tpu.memory_space<vmem>>) target_semaphore(%run_scoped3A : memref<!tpu.dma_semaphore, #tpu.memory_space<semaphore_mem>>)
        %dma_wait3A_197 = tpu.memref_slice %arg3[%add3A_42] : memref<321536xi32, #tpu.memory_space<hbm>> -> memref<128xi32, #tpu.memory_space<hbm>>
        %dma_wait3A_198 = tpu.memref_slice %arg3[%add3A_42] : memref<321536xi32, #tpu.memory_space<hbm>> -> memref<128xi32, #tpu.memory_space<hbm>>
        tpu.wait_dma2 semaphore(%run_scoped3A : memref<!tpu.dma_semaphore, #tpu.memory_space<semaphore_mem>>) src(%dma_wait3A_198 : memref<128xi32, #tpu.memory_space<hbm>>) dst(%arg5 : memref<128xi32, #tpu.memory_space<vmem>>)
        tpu.yield
      }) : () -> ()
      %get3A = arith.constant 0 : index
      %get3A_43 = tpu.vector_load %arg5[%get3A] {strides = array<i32>} : memref<128xi32, #tpu.memory_space<vmem>>, vector<16xi32>,
      %get3A_44 = vector.shape_cast %get3A_43 : vector<16xi32> to vector<16xi32>
      %and3A = arith.constant 32767 : i32
      %and3A_45 = vector.broadcast %and3A : i32 to vector<16xi32>
      %and3A_46 = arith.andi %get3A_44, %and3A_45 : vector<16xi32>
      %add3A_47 = vector.broadcast %mul3A_0 : i32 to vector<16xi32>
      %add3A_48 = arith.addi %and3A_46, %add3A_47 : vector<16xi32>
      %swap3A = arith.constant 0 : index
      %swap3A_49 = tpu.vector_load %arg6[%swap3A] {strides = array<i32>} : memref<128xi32, #tpu.memory_space<vmem>>, vector<16xi32>,
      %swap3A_50 = vector.shape_cast %swap3A_49 : vector<16xi32> to vector<16xi32>
      %swap3A_51 = vector.shape_cast %add3A_48 : vector<16xi32> to vector<16xi32>
      tpu.vector_store %arg6[%swap3A], %swap3A_51 {strides = array<i32>} : memref<128xi32, #tpu.memory_space<vmem>>, vector<16xi32>,
      %shift_right_arithmetic3A = arith.constant 15 : i32
      %shift_right_arithmetic3A_52 = vector.broadcast %shift_right_arithmetic3A : i32 to vector<16xi32>
      %shift_right_arithmetic3A_53 = arith.shrsi %get3A_44, %shift_right_arithmetic3A_52 : vector<16xi32>
      %swap3A_54 = arith.constant 0 : index
      %swap3A_55 = tpu.vector_load %arg7[%swap3A_54] {strides = array<i32>} : memref<128xi32, #tpu.memory_space<vmem>>, vector<16xi32>,
      %swap3A_56 = vector.shape_cast %swap3A_55 : vector<16xi32> to vector<16xi32>
      %swap3A_57 = vector.shape_cast %shift_right_arithmetic3A_53 : vector<16xi32> to vector<16xi32>
      tpu.vector_store %arg7[%swap3A_54], %swap3A_57 {strides = array<i32>} : memref<128xi32, #tpu.memory_space<vmem>>, vector<16xi32>,
      %get3A_58 = arith.constant 16 : index
      %get3A_59 = tpu.vector_load %arg5[%get3A_58] {strides = array<i32>} : memref<128xi32, #tpu.memory_space<vmem>>, vector<16xi32>,
      %get3A_60 = vector.shape_cast %get3A_59 : vector<16xi32> to vector<16xi32>
      %and3A_61 = arith.constant 32767 : i32
      %and3A_62 = vector.broadcast %and3A_61 : i32 to vector<16xi32>
      %and3A_63 = arith.andi %get3A_60, %and3A_62 : vector<16xi32>
      %add3A_64 = vector.broadcast %mul3A_0 : i32 to vector<16xi32>
      %add3A_65 = arith.addi %and3A_63, %add3A_64 : vector<16xi32>
      %swap3A_66 = arith.constant 16 : index
      %swap3A_67 = tpu.vector_load %arg6[%swap3A_66] {strides = array<i32>} : memref<128xi32, #tpu.memory_space<vmem>>, vector<16xi32>,
      %swap3A_68 = vector.shape_cast %swap3A_67 : vector<16xi32> to vector<16xi32>
      %swap3A_69 = vector.shape_cast %add3A_65 : vector<16xi32> to vector<16xi32>
      tpu.vector_store %arg6[%swap3A_66], %swap3A_69 {strides = array<i32>} : memref<128xi32, #tpu.memory_space<vmem>>, vector<16xi32>,
      %shift_right_arithmetic3A_70 = arith.constant 15 : i32
      %shift_right_arithmetic3A_71 = vector.broadcast %shift_right_arithmetic3A_70 : i32 to vector<16xi32>
      %shift_right_arithmetic3A_72 = arith.shrsi %get3A_60, %shift_right_arithmetic3A_71 : vector<16xi32>
      %swap3A_73 = arith.constant 16 : index
      %swap3A_74 = tpu.vector_load %arg7[%swap3A_73] {strides = array<i32>} : memref<128xi32, #tpu.memory_space<vmem>>, vector<16xi32>,
      %swap3A_75 = vector.shape_cast %swap3A_74 : vector<16xi32> to vector<16xi32>
      %swap3A_76 = vector.shape_cast %shift_right_arithmetic3A_72 : vector<16xi32> to vector<16xi32>
      tpu.vector_store %arg7[%swap3A_73], %swap3A_76 {strides = array<i32>} : memref<128xi32, #tpu.memory_space<vmem>>, vector<16xi32>,
      %get3A_77 = arith.constant 32 : index
      %get3A_78 = tpu.vector_load %arg5[%get3A_77] {strides = array<i32>} : memref<128xi32, #tpu.memory_space<vmem>>, vector<16xi32>,
      %get3A_79 = vector.shape_cast %get3A_78 : vector<16xi32> to vector<16xi32>
      %and3A_80 = arith.constant 32767 : i32
      %and3A_81 = vector.broadcast %and3A_80 : i32 to vector<16xi32>
      %and3A_82 = arith.andi %get3A_79, %and3A_81 : vector<16xi32>
      %add3A_83 = vector.broadcast %mul3A_0 : i32 to vector<16xi32>
      %add3A_84 = arith.addi %and3A_82, %add3A_83 : vector<16xi32>
      %swap3A_85 = arith.constant 32 : index
      %swap3A_86 = tpu.vector_load %arg6[%swap3A_85] {strides = array<i32>} : memref<128xi32, #tpu.memory_space<vmem>>, vector<16xi32>,
      %swap3A_87 = vector.shape_cast %swap3A_86 : vector<16xi32> to vector<16xi32>
      %swap3A_88 = vector.shape_cast %add3A_84 : vector<16xi32> to vector<16xi32>
      tpu.vector_store %arg6[%swap3A_85], %swap3A_88 {strides = array<i32>} : memref<128xi32, #tpu.memory_space<vmem>>, vector<16xi32>,
      %shift_right_arithmetic3A_89 = arith.constant 15 : i32
      %shift_right_arithmetic3A_90 = vector.broadcast %shift_right_arithmetic3A_89 : i32 to vector<16xi32>
      %shift_right_arithmetic3A_91 = arith.shrsi %get3A_79, %shift_right_arithmetic3A_90 : vector<16xi32>
      %swap3A_92 = arith.constant 32 : index
      %swap3A_93 = tpu.vector_load %arg7[%swap3A_92] {strides = array<i32>} : memref<128xi32, #tpu.memory_space<vmem>>, vector<16xi32>,
      %swap3A_94 = vector.shape_cast %swap3A_93 : vector<16xi32> to vector<16xi32>
      %swap3A_95 = vector.shape_cast %shift_right_arithmetic3A_91 : vector<16xi32> to vector<16xi32>
      tpu.vector_store %arg7[%swap3A_92], %swap3A_95 {strides = array<i32>} : memref<128xi32, #tpu.memory_space<vmem>>, vector<16xi32>,
      %get3A_96 = arith.constant 48 : index
      %get3A_97 = tpu.vector_load %arg5[%get3A_96] {strides = array<i32>} : memref<128xi32, #tpu.memory_space<vmem>>, vector<16xi32>,
      %get3A_98 = vector.shape_cast %get3A_97 : vector<16xi32> to vector<16xi32>
      %and3A_99 = arith.constant 32767 : i32
      %and3A_100 = vector.broadcast %and3A_99 : i32 to vector<16xi32>
      %and3A_101 = arith.andi %get3A_98, %and3A_100 : vector<16xi32>
      %add3A_102 = vector.broadcast %mul3A_0 : i32 to vector<16xi32>
      %add3A_103 = arith.addi %and3A_101, %add3A_102 : vector<16xi32>
      %swap3A_104 = arith.constant 48 : index
      %swap3A_105 = tpu.vector_load %arg6[%swap3A_104] {strides = array<i32>} : memref<128xi32, #tpu.memory_space<vmem>>, vector<16xi32>,
      %swap3A_106 = vector.shape_cast %swap3A_105 : vector<16xi32> to vector<16xi32>
      %swap3A_107 = vector.shape_cast %add3A_103 : vector<16xi32> to vector<16xi32>
      tpu.vector_store %arg6[%swap3A_104], %swap3A_107 {strides = array<i32>} : memref<128xi32, #tpu.memory_space<vmem>>, vector<16xi32>,
      %shift_right_arithmetic3A_108 = arith.constant 15 : i32
      %shift_right_arithmetic3A_109 = vector.broadcast %shift_right_arithmetic3A_108 : i32 to vector<16xi32>
      %shift_right_arithmetic3A_110 = arith.shrsi %get3A_98, %shift_right_arithmetic3A_109 : vector<16xi32>
      %swap3A_111 = arith.constant 48 : index
      %swap3A_112 = tpu.vector_load %arg7[%swap3A_111] {strides = array<i32>} : memref<128xi32, #tpu.memory_space<vmem>>, vector<16xi32>,
      %swap3A_113 = vector.shape_cast %swap3A_112 : vector<16xi32> to vector<16xi32>
      %swap3A_114 = vector.shape_cast %shift_right_arithmetic3A_110 : vector<16xi32> to vector<16xi32>
      tpu.vector_store %arg7[%swap3A_111], %swap3A_114 {strides = array<i32>} : memref<128xi32, #tpu.memory_space<vmem>>, vector<16xi32>,
      %get3A_115 = arith.constant 64 : index
      %get3A_116 = tpu.vector_load %arg5[%get3A_115] {strides = array<i32>} : memref<128xi32, #tpu.memory_space<vmem>>, vector<16xi32>,
      %get3A_117 = vector.shape_cast %get3A_116 : vector<16xi32> to vector<16xi32>
      %and3A_118 = arith.constant 32767 : i32
      %and3A_119 = vector.broadcast %and3A_118 : i32 to vector<16xi32>
      %and3A_120 = arith.andi %get3A_117, %and3A_119 : vector<16xi32>
      %add3A_121 = vector.broadcast %mul3A_0 : i32 to vector<16xi32>
      %add3A_122 = arith.addi %and3A_120, %add3A_121 : vector<16xi32>
      %swap3A_123 = arith.constant 64 : index
      %swap3A_124 = tpu.vector_load %arg6[%swap3A_123] {strides = array<i32>} : memref<128xi32, #tpu.memory_space<vmem>>, vector<16xi32>,
      %swap3A_125 = vector.shape_cast %swap3A_124 : vector<16xi32> to vector<16xi32>
      %swap3A_126 = vector.shape_cast %add3A_122 : vector<16xi32> to vector<16xi32>
      tpu.vector_store %arg6[%swap3A_123], %swap3A_126 {strides = array<i32>} : memref<128xi32, #tpu.memory_space<vmem>>, vector<16xi32>,
      %shift_right_arithmetic3A_127 = arith.constant 15 : i32
      %shift_right_arithmetic3A_128 = vector.broadcast %shift_right_arithmetic3A_127 : i32 to vector<16xi32>
      %shift_right_arithmetic3A_129 = arith.shrsi %get3A_117, %shift_right_arithmetic3A_128 : vector<16xi32>
      %swap3A_130 = arith.constant 64 : index
      %swap3A_131 = tpu.vector_load %arg7[%swap3A_130] {strides = array<i32>} : memref<128xi32, #tpu.memory_space<vmem>>, vector<16xi32>,
      %swap3A_132 = vector.shape_cast %swap3A_131 : vector<16xi32> to vector<16xi32>
      %swap3A_133 = vector.shape_cast %shift_right_arithmetic3A_129 : vector<16xi32> to vector<16xi32>
      tpu.vector_store %arg7[%swap3A_130], %swap3A_133 {strides = array<i32>} : memref<128xi32, #tpu.memory_space<vmem>>, vector<16xi32>,
      %get3A_134 = arith.constant 80 : index
      %get3A_135 = tpu.vector_load %arg5[%get3A_134] {strides = array<i32>} : memref<128xi32, #tpu.memory_space<vmem>>, vector<16xi32>,
      %get3A_136 = vector.shape_cast %get3A_135 : vector<16xi32> to vector<16xi32>
      %and3A_137 = arith.constant 32767 : i32
      %and3A_138 = vector.broadcast %and3A_137 : i32 to vector<16xi32>
      %and3A_139 = arith.andi %get3A_136, %and3A_138 : vector<16xi32>
      %add3A_140 = vector.broadcast %mul3A_0 : i32 to vector<16xi32>
      %add3A_141 = arith.addi %and3A_139, %add3A_140 : vector<16xi32>
      %swap3A_142 = arith.constant 80 : index
      %swap3A_143 = tpu.vector_load %arg6[%swap3A_142] {strides = array<i32>} : memref<128xi32, #tpu.memory_space<vmem>>, vector<16xi32>,
      %swap3A_144 = vector.shape_cast %swap3A_143 : vector<16xi32> to vector<16xi32>
      %swap3A_145 = vector.shape_cast %add3A_141 : vector<16xi32> to vector<16xi32>
      tpu.vector_store %arg6[%swap3A_142], %swap3A_145 {strides = array<i32>} : memref<128xi32, #tpu.memory_space<vmem>>, vector<16xi32>,
      %shift_right_arithmetic3A_146 = arith.constant 15 : i32
      %shift_right_arithmetic3A_147 = vector.broadcast %shift_right_arithmetic3A_146 : i32 to vector<16xi32>
      %shift_right_arithmetic3A_148 = arith.shrsi %get3A_136, %shift_right_arithmetic3A_147 : vector<16xi32>
      %swap3A_149 = arith.constant 80 : index
      %swap3A_150 = tpu.vector_load %arg7[%swap3A_149] {strides = array<i32>} : memref<128xi32, #tpu.memory_space<vmem>>, vector<16xi32>,
      %swap3A_151 = vector.shape_cast %swap3A_150 : vector<16xi32> to vector<16xi32>
      %swap3A_152 = vector.shape_cast %shift_right_arithmetic3A_148 : vector<16xi32> to vector<16xi32>
      tpu.vector_store %arg7[%swap3A_149], %swap3A_152 {strides = array<i32>} : memref<128xi32, #tpu.memory_space<vmem>>, vector<16xi32>,
      %get3A_153 = arith.constant 96 : index
      %get3A_154 = tpu.vector_load %arg5[%get3A_153] {strides = array<i32>} : memref<128xi32, #tpu.memory_space<vmem>>, vector<16xi32>,
      %get3A_155 = vector.shape_cast %get3A_154 : vector<16xi32> to vector<16xi32>
      %and3A_156 = arith.constant 32767 : i32
      %and3A_157 = vector.broadcast %and3A_156 : i32 to vector<16xi32>
      %and3A_158 = arith.andi %get3A_155, %and3A_157 : vector<16xi32>
      %add3A_159 = vector.broadcast %mul3A_0 : i32 to vector<16xi32>
      %add3A_160 = arith.addi %and3A_158, %add3A_159 : vector<16xi32>
      %swap3A_161 = arith.constant 96 : index
      %swap3A_162 = tpu.vector_load %arg6[%swap3A_161] {strides = array<i32>} : memref<128xi32, #tpu.memory_space<vmem>>, vector<16xi32>,
      %swap3A_163 = vector.shape_cast %swap3A_162 : vector<16xi32> to vector<16xi32>
      %swap3A_164 = vector.shape_cast %add3A_160 : vector<16xi32> to vector<16xi32>
      tpu.vector_store %arg6[%swap3A_161], %swap3A_164 {strides = array<i32>} : memref<128xi32, #tpu.memory_space<vmem>>, vector<16xi32>,
      %shift_right_arithmetic3A_165 = arith.constant 15 : i32
      %shift_right_arithmetic3A_166 = vector.broadcast %shift_right_arithmetic3A_165 : i32 to vector<16xi32>
      %shift_right_arithmetic3A_167 = arith.shrsi %get3A_155, %shift_right_arithmetic3A_166 : vector<16xi32>
      %swap3A_168 = arith.constant 96 : index
      %swap3A_169 = tpu.vector_load %arg7[%swap3A_168] {strides = array<i32>} : memref<128xi32, #tpu.memory_space<vmem>>, vector<16xi32>,
      %swap3A_170 = vector.shape_cast %swap3A_169 : vector<16xi32> to vector<16xi32>
      %swap3A_171 = vector.shape_cast %shift_right_arithmetic3A_167 : vector<16xi32> to vector<16xi32>
      tpu.vector_store %arg7[%swap3A_168], %swap3A_171 {strides = array<i32>} : memref<128xi32, #tpu.memory_space<vmem>>, vector<16xi32>,
      %get3A_172 = arith.constant 112 : index
      %get3A_173 = tpu.vector_load %arg5[%get3A_172] {strides = array<i32>} : memref<128xi32, #tpu.memory_space<vmem>>, vector<16xi32>,
      %get3A_174 = vector.shape_cast %get3A_173 : vector<16xi32> to vector<16xi32>
      %and3A_175 = arith.constant 32767 : i32
      %and3A_176 = vector.broadcast %and3A_175 : i32 to vector<16xi32>
      %and3A_177 = arith.andi %get3A_174, %and3A_176 : vector<16xi32>
      %add3A_178 = vector.broadcast %mul3A_0 : i32 to vector<16xi32>
      %add3A_179 = arith.addi %and3A_177, %add3A_178 : vector<16xi32>
      %swap3A_180 = arith.constant 112 : index
      %swap3A_181 = tpu.vector_load %arg6[%swap3A_180] {strides = array<i32>} : memref<128xi32, #tpu.memory_space<vmem>>, vector<16xi32>,
      %swap3A_182 = vector.shape_cast %swap3A_181 : vector<16xi32> to vector<16xi32>
      %swap3A_183 = vector.shape_cast %add3A_179 : vector<16xi32> to vector<16xi32>
      tpu.vector_store %arg6[%swap3A_180], %swap3A_183 {strides = array<i32>} : memref<128xi32, #tpu.memory_space<vmem>>, vector<16xi32>,
      %shift_right_arithmetic3A_184 = arith.constant 15 : i32
      %shift_right_arithmetic3A_185 = vector.broadcast %shift_right_arithmetic3A_184 : i32 to vector<16xi32>
      %shift_right_arithmetic3A_186 = arith.shrsi %get3A_174, %shift_right_arithmetic3A_185 : vector<16xi32>
      %swap3A_187 = arith.constant 112 : index
      %swap3A_188 = tpu.vector_load %arg7[%swap3A_187] {strides = array<i32>} : memref<128xi32, #tpu.memory_space<vmem>>, vector<16xi32>,
      %swap3A_189 = vector.shape_cast %swap3A_188 : vector<16xi32> to vector<16xi32>
      %swap3A_190 = vector.shape_cast %shift_right_arithmetic3A_186 : vector<16xi32> to vector<16xi32>
      tpu.vector_store %arg7[%swap3A_187], %swap3A_190 {strides = array<i32>} : memref<128xi32, #tpu.memory_space<vmem>>, vector<16xi32>,
      %dma_start3A = arith.constant 0 : i32
      %dma_start3A_191 = arith.constant 0 : i32
      %dma_start3A_192 = tpu.memref_slice %arg2[%dma_start3A, %dma_start3A_191] : memref<20000x64xf32, #tpu.memory_space<hbm>> -> memref<20000x64xf32, #tpu.memory_space<hbm>>
      tpu.enqueue_indirect_dma source(%dma_start3A_192 : memref<20000x64xf32, #tpu.memory_space<hbm>>) target(%arg8 : memref<128x64xf32, #tpu.memory_space<vmem>>) offsets(%arg6 : memref<128xi32, #tpu.memory_space<vmem>>) semaphore(%arg10 : memref<!tpu.dma_semaphore, #tpu.memory_space<semaphore_mem>>)
      %dma_wait3A = arith.constant 0 : i32
      %dma_wait3A_193 = arith.constant 0 : i32
      %dma_wait3A_194 = tpu.memref_slice %arg2[%dma_wait3A, %dma_wait3A_193] : memref<20000x64xf32, #tpu.memory_space<hbm>> -> memref<20000x64xf32, #tpu.memory_space<hbm>>
      tpu.wait_indirect_dma semaphore(%arg10 : memref<!tpu.dma_semaphore, #tpu.memory_space<semaphore_mem>>) src(%dma_wait3A_194 : memref<20000x64xf32, #tpu.memory_space<hbm>>) dst(%arg8 : memref<128x64xf32, #tpu.memory_space<vmem>>)
      "tpu.region"() ({
        %run_scoped3A = tpu.sem_alloc : memref<!tpu.dma_semaphore, #tpu.memory_space<semaphore_mem>>
        %dma_start3A_195 = arith.constant 0 : i32
        %dma_start3A_196 = arith.constant 0 : i32
        %dma_start3A_197 = tpu.memref_slice %arg9[%dma_start3A_195, %dma_start3A_196] : memref<10240x64xf32, #tpu.memory_space<vmem_shared>> -> memref<10240x64xf32, #tpu.memory_space<vmem_shared>>
        tpu.enqueue_indirect_dma source(%arg8 : memref<128x64xf32, #tpu.memory_space<vmem>>) target(%dma_start3A_197 : memref<10240x64xf32, #tpu.memory_space<vmem_shared>>) offsets(%arg7 : memref<128xi32, #tpu.memory_space<vmem>>) semaphore(%run_scoped3A : memref<!tpu.dma_semaphore, #tpu.memory_space<semaphore_mem>>) {add = true}
        %dma_wait3A_198 = arith.constant 0 : i32
        %dma_wait3A_199 = arith.constant 0 : i32
        %dma_wait3A_200 = tpu.memref_slice %arg9[%dma_wait3A_198, %dma_wait3A_199] : memref<10240x64xf32, #tpu.memory_space<vmem_shared>> -> memref<10240x64xf32, #tpu.memory_space<vmem_shared>>
        tpu.wait_indirect_dma semaphore(%run_scoped3A : memref<!tpu.dma_semaphore, #tpu.memory_space<semaphore_mem>>) src(%arg8 : memref<128x64xf32, #tpu.memory_space<vmem>>) dst(%dma_wait3A_200 : memref<10240x64xf32, #tpu.memory_space<vmem_shared>>)
        tpu.yield
      }) : () -> ()
    }
    %scan3A_33 = arith.constant 157 : i32
    %barrier3A_34 = arith.constant 0 : index
    tpu.barrier barrier_id(%barrier3A_34)
    %mul3A_35 = arith.constant 640 : i32
    %mul3A_36 = arith.muli %arg1, %mul3A_35 : i32
    %mul3A_37 = arith.constant 640 : i32
    %mul3A_38 = arith.muli %arg1, %mul3A_37 : i32
    "tpu.region"() ({
      %run_scoped3A = tpu.sem_alloc : memref<!tpu.dma_semaphore, #tpu.memory_space<semaphore_mem>>
      %dma_start3A = arith.constant 0 : i32
      %dma_start3A_39 = tpu.memref_slice %arg4[%arg0, %mul3A_38, %dma_start3A] : memref<2x10240x64xf32, #tpu.memory_space<hbm>> -> memref<1x640x64xf32, #tpu.memory_space<hbm>>
      %dma_start3A_40 = tpu.memref_squeeze %dma_start3A_39 : memref<1x640x64xf32, #tpu.memory_space<hbm>> -> memref<640x64xf32, #tpu.memory_space<hbm>>
      %dma_start3A_41 = arith.constant 0 : i32
      %dma_start3A_42 = tpu.memref_slice %arg9[%mul3A_36, %dma_start3A_41] : memref<10240x64xf32, #tpu.memory_space<vmem_shared>> -> memref<640x64xf32, #tpu.memory_space<vmem_shared>>
      tpu.enqueue_dma source(%dma_start3A_42 : memref<640x64xf32, #tpu.memory_space<vmem_shared>>) target(%dma_start3A_40 : memref<640x64xf32, #tpu.memory_space<hbm>>) target_semaphore(%run_scoped3A : memref<!tpu.dma_semaphore, #tpu.memory_space<semaphore_mem>>)
      %dma_wait3A = arith.constant 0 : i32
      %dma_wait3A_43 = tpu.memref_slice %arg4[%arg0, %mul3A_38, %dma_wait3A] : memref<2x10240x64xf32, #tpu.memory_space<hbm>> -> memref<1x640x64xf32, #tpu.memory_space<hbm>>
      %dma_wait3A_44 = tpu.memref_squeeze %dma_wait3A_43 : memref<1x640x64xf32, #tpu.memory_space<hbm>> -> memref<640x64xf32, #tpu.memory_space<hbm>>
      %dma_wait3A_45 = arith.constant 0 : i32
      %dma_wait3A_46 = tpu.memref_slice %arg9[%mul3A_36, %dma_wait3A_45] : memref<10240x64xf32, #tpu.memory_space<vmem_shared>> -> memref<640x64xf32, #tpu.memory_space<vmem_shared>>
      tpu.wait_dma2 semaphore(%run_scoped3A : memref<!tpu.dma_semaphore, #tpu.memory_space<semaphore_mem>>) src(%dma_wait3A_46 : memref<640x64xf32, #tpu.memory_space<vmem_shared>>) dst(%dma_wait3A_44 : memref<640x64xf32, #tpu.memory_space<hbm>>)
      tpu.yield
    }) : () -> ()
    return
  }
}

#map = affine_map<(d0, d1) -> (0)>
#map1 = affine_map<(d0, d1) -> (0, 0, 0)>
module attributes {stable_mosaic.version = 14 : i64} {
  func.func @kern(%arg0: i32, %arg1: i32, %arg2: memref<321536xi32, #tpu.memory_space<hbm>>, %arg3: memref<2x10240x16xf32, #tpu.memory_space<hbm>>, %arg4: memref<128xi32, #tpu.memory_space<vmem>>, %arg5: memref<128x16xf32, #tpu.memory_space<vmem>>, %arg6: memref<10240x16xf32, #tpu.memory_space<vmem_shared>>) attributes {dimension_semantics = [#tpu.dimension_semantics<core_parallel>, #tpu.dimension_semantics<subcore_parallel>], iteration_bounds = array<i64: 2, 16>, scalar_prefetch = 0 : i64, scratch_operands = 3 : i64, tpu.core_type = #tpu.core_type<sc_vector_subcore>, window_params = [{transform_indices = #map}, {transform_indices = #map1}]} {
    %broadcast_in_dim3A = arith.constant 0.000000e+00 : f32
    %broadcast_in_dim3A_0 = vector.broadcast %broadcast_in_dim3A : f32 to vector<16xf32>
    %scan3A = arith.constant 0 : i32
    %scan3A_1 = arith.constant 0 : i32
    %scan3A_2 = arith.constant 128 : i32
    %scan3A_3 = arith.addi %scan3A_1, %scan3A_2 : i32
    %scan3A_4 = arith.constant 1 : i32
    scf.for %scan3A_45 = %scan3A_1 to %scan3A_3 step %scan3A_4  : i32 {
      %swap3A = arith.index_cast %scan3A_45 : i32 to index
      %swap3A_46 = arith.constant 0 : index
      %swap3A_47 = tpu.vector_load %arg5[%swap3A, %swap3A_46] {strides = array<i32>} : memref<128x16xf32, #tpu.memory_space<vmem>>, vector<1x16xf32>,
      %swap3A_48 = vector.shape_cast %swap3A_47 : vector<1x16xf32> to vector<16xf32>
      %swap3A_49 = vector.shape_cast %broadcast_in_dim3A_0 : vector<16xf32> to vector<1x16xf32>
      tpu.vector_store %arg5[%swap3A, %swap3A_46], %swap3A_49 {strides = array<i32>} : memref<128x16xf32, #tpu.memory_space<vmem>>, vector<1x16xf32>,
    }
    %scan3A_5 = arith.constant 128 : i32
    %mul3A = arith.constant 640 : i32
    %mul3A_6 = arith.muli %arg1, %mul3A : i32
    %add3A = arith.constant 0 : i32
    %add3A_7 = arith.addi %mul3A_6, %add3A : i32
    "tpu.region"() ({
      %run_scoped3A = tpu.sem_alloc : memref<!tpu.dma_semaphore, #tpu.memory_space<semaphore_mem>>
      %dma_start3A = arith.constant 0 : i32
      %dma_start3A_45 = tpu.memref_slice %arg6[%add3A_7, %dma_start3A] : memref<10240x16xf32, #tpu.memory_space<vmem_shared>> -> memref<128x16xf32, #tpu.memory_space<vmem_shared>>
      %dma_start3A_46 = arith.constant 0 : i32
      %dma_start3A_47 = tpu.memref_slice %arg6[%add3A_7, %dma_start3A_46] : memref<10240x16xf32, #tpu.memory_space<vmem_shared>> -> memref<128x16xf32, #tpu.memory_space<vmem_shared>>
      tpu.enqueue_dma source(%arg5 : memref<128x16xf32, #tpu.memory_space<vmem>>) target(%dma_start3A_47 : memref<128x16xf32, #tpu.memory_space<vmem_shared>>) target_semaphore(%run_scoped3A : memref<!tpu.dma_semaphore, #tpu.memory_space<semaphore_mem>>)
      %dma_wait3A = arith.constant 0 : i32
      %dma_wait3A_48 = tpu.memref_slice %arg6[%add3A_7, %dma_wait3A] : memref<10240x16xf32, #tpu.memory_space<vmem_shared>> -> memref<128x16xf32, #tpu.memory_space<vmem_shared>>
      %dma_wait3A_49 = arith.constant 0 : i32
      %dma_wait3A_50 = tpu.memref_slice %arg6[%add3A_7, %dma_wait3A_49] : memref<10240x16xf32, #tpu.memory_space<vmem_shared>> -> memref<128x16xf32, #tpu.memory_space<vmem_shared>>
      tpu.wait_dma2 semaphore(%run_scoped3A : memref<!tpu.dma_semaphore, #tpu.memory_space<semaphore_mem>>) src(%arg5 : memref<128x16xf32, #tpu.memory_space<vmem>>) dst(%dma_wait3A_50 : memref<128x16xf32, #tpu.memory_space<vmem_shared>>)
      tpu.yield
    }) : () -> ()
    %mul3A_8 = arith.constant 640 : i32
    %mul3A_9 = arith.muli %arg1, %mul3A_8 : i32
    %add3A_10 = arith.constant 128 : i32
    %add3A_11 = arith.addi %mul3A_9, %add3A_10 : i32
    "tpu.region"() ({
      %run_scoped3A = tpu.sem_alloc : memref<!tpu.dma_semaphore, #tpu.memory_space<semaphore_mem>>
      %dma_start3A = arith.constant 0 : i32
      %dma_start3A_45 = tpu.memref_slice %arg6[%add3A_11, %dma_start3A] : memref<10240x16xf32, #tpu.memory_space<vmem_shared>> -> memref<128x16xf32, #tpu.memory_space<vmem_shared>>
      %dma_start3A_46 = arith.constant 0 : i32
      %dma_start3A_47 = tpu.memref_slice %arg6[%add3A_11, %dma_start3A_46] : memref<10240x16xf32, #tpu.memory_space<vmem_shared>> -> memref<128x16xf32, #tpu.memory_space<vmem_shared>>
      tpu.enqueue_dma source(%arg5 : memref<128x16xf32, #tpu.memory_space<vmem>>) target(%dma_start3A_47 : memref<128x16xf32, #tpu.memory_space<vmem_shared>>) target_semaphore(%run_scoped3A : memref<!tpu.dma_semaphore, #tpu.memory_space<semaphore_mem>>)
      %dma_wait3A = arith.constant 0 : i32
      %dma_wait3A_48 = tpu.memref_slice %arg6[%add3A_11, %dma_wait3A] : memref<10240x16xf32, #tpu.memory_space<vmem_shared>> -> memref<128x16xf32, #tpu.memory_space<vmem_shared>>
      %dma_wait3A_49 = arith.constant 0 : i32
      %dma_wait3A_50 = tpu.memref_slice %arg6[%add3A_11, %dma_wait3A_49] : memref<10240x16xf32, #tpu.memory_space<vmem_shared>> -> memref<128x16xf32, #tpu.memory_space<vmem_shared>>
      tpu.wait_dma2 semaphore(%run_scoped3A : memref<!tpu.dma_semaphore, #tpu.memory_space<semaphore_mem>>) src(%arg5 : memref<128x16xf32, #tpu.memory_space<vmem>>) dst(%dma_wait3A_50 : memref<128x16xf32, #tpu.memory_space<vmem_shared>>)
      tpu.yield
    }) : () -> ()
    %mul3A_12 = arith.constant 640 : i32
    %mul3A_13 = arith.muli %arg1, %mul3A_12 : i32
    %add3A_14 = arith.constant 256 : i32
    %add3A_15 = arith.addi %mul3A_13, %add3A_14 : i32
    "tpu.region"() ({
      %run_scoped3A = tpu.sem_alloc : memref<!tpu.dma_semaphore, #tpu.memory_space<semaphore_mem>>
      %dma_start3A = arith.constant 0 : i32
      %dma_start3A_45 = tpu.memref_slice %arg6[%add3A_15, %dma_start3A] : memref<10240x16xf32, #tpu.memory_space<vmem_shared>> -> memref<128x16xf32, #tpu.memory_space<vmem_shared>>
      %dma_start3A_46 = arith.constant 0 : i32
      %dma_start3A_47 = tpu.memref_slice %arg6[%add3A_15, %dma_start3A_46] : memref<10240x16xf32, #tpu.memory_space<vmem_shared>> -> memref<128x16xf32, #tpu.memory_space<vmem_shared>>
      tpu.enqueue_dma source(%arg5 : memref<128x16xf32, #tpu.memory_space<vmem>>) target(%dma_start3A_47 : memref<128x16xf32, #tpu.memory_space<vmem_shared>>) target_semaphore(%run_scoped3A : memref<!tpu.dma_semaphore, #tpu.memory_space<semaphore_mem>>)
      %dma_wait3A = arith.constant 0 : i32
      %dma_wait3A_48 = tpu.memref_slice %arg6[%add3A_15, %dma_wait3A] : memref<10240x16xf32, #tpu.memory_space<vmem_shared>> -> memref<128x16xf32, #tpu.memory_space<vmem_shared>>
      %dma_wait3A_49 = arith.constant 0 : i32
      %dma_wait3A_50 = tpu.memref_slice %arg6[%add3A_15, %dma_wait3A_49] : memref<10240x16xf32, #tpu.memory_space<vmem_shared>> -> memref<128x16xf32, #tpu.memory_space<vmem_shared>>
      tpu.wait_dma2 semaphore(%run_scoped3A : memref<!tpu.dma_semaphore, #tpu.memory_space<semaphore_mem>>) src(%arg5 : memref<128x16xf32, #tpu.memory_space<vmem>>) dst(%dma_wait3A_50 : memref<128x16xf32, #tpu.memory_space<vmem_shared>>)
      tpu.yield
    }) : () -> ()
    %mul3A_16 = arith.constant 640 : i32
    %mul3A_17 = arith.muli %arg1, %mul3A_16 : i32
    %add3A_18 = arith.constant 384 : i32
    %add3A_19 = arith.addi %mul3A_17, %add3A_18 : i32
    "tpu.region"() ({
      %run_scoped3A = tpu.sem_alloc : memref<!tpu.dma_semaphore, #tpu.memory_space<semaphore_mem>>
      %dma_start3A = arith.constant 0 : i32
      %dma_start3A_45 = tpu.memref_slice %arg6[%add3A_19, %dma_start3A] : memref<10240x16xf32, #tpu.memory_space<vmem_shared>> -> memref<128x16xf32, #tpu.memory_space<vmem_shared>>
      %dma_start3A_46 = arith.constant 0 : i32
      %dma_start3A_47 = tpu.memref_slice %arg6[%add3A_19, %dma_start3A_46] : memref<10240x16xf32, #tpu.memory_space<vmem_shared>> -> memref<128x16xf32, #tpu.memory_space<vmem_shared>>
      tpu.enqueue_dma source(%arg5 : memref<128x16xf32, #tpu.memory_space<vmem>>) target(%dma_start3A_47 : memref<128x16xf32, #tpu.memory_space<vmem_shared>>) target_semaphore(%run_scoped3A : memref<!tpu.dma_semaphore, #tpu.memory_space<semaphore_mem>>)
      %dma_wait3A = arith.constant 0 : i32
      %dma_wait3A_48 = tpu.memref_slice %arg6[%add3A_19, %dma_wait3A] : memref<10240x16xf32, #tpu.memory_space<vmem_shared>> -> memref<128x16xf32, #tpu.memory_space<vmem_shared>>
      %dma_wait3A_49 = arith.constant 0 : i32
      %dma_wait3A_50 = tpu.memref_slice %arg6[%add3A_19, %dma_wait3A_49] : memref<10240x16xf32, #tpu.memory_space<vmem_shared>> -> memref<128x16xf32, #tpu.memory_space<vmem_shared>>
      tpu.wait_dma2 semaphore(%run_scoped3A : memref<!tpu.dma_semaphore, #tpu.memory_space<semaphore_mem>>) src(%arg5 : memref<128x16xf32, #tpu.memory_space<vmem>>) dst(%dma_wait3A_50 : memref<128x16xf32, #tpu.memory_space<vmem_shared>>)
      tpu.yield
    }) : () -> ()
    %mul3A_20 = arith.constant 640 : i32
    %mul3A_21 = arith.muli %arg1, %mul3A_20 : i32
    %add3A_22 = arith.constant 512 : i32
    %add3A_23 = arith.addi %mul3A_21, %add3A_22 : i32
    "tpu.region"() ({
      %run_scoped3A = tpu.sem_alloc : memref<!tpu.dma_semaphore, #tpu.memory_space<semaphore_mem>>
      %dma_start3A = arith.constant 0 : i32
      %dma_start3A_45 = tpu.memref_slice %arg6[%add3A_23, %dma_start3A] : memref<10240x16xf32, #tpu.memory_space<vmem_shared>> -> memref<128x16xf32, #tpu.memory_space<vmem_shared>>
      %dma_start3A_46 = arith.constant 0 : i32
      %dma_start3A_47 = tpu.memref_slice %arg6[%add3A_23, %dma_start3A_46] : memref<10240x16xf32, #tpu.memory_space<vmem_shared>> -> memref<128x16xf32, #tpu.memory_space<vmem_shared>>
      tpu.enqueue_dma source(%arg5 : memref<128x16xf32, #tpu.memory_space<vmem>>) target(%dma_start3A_47 : memref<128x16xf32, #tpu.memory_space<vmem_shared>>) target_semaphore(%run_scoped3A : memref<!tpu.dma_semaphore, #tpu.memory_space<semaphore_mem>>)
      %dma_wait3A = arith.constant 0 : i32
      %dma_wait3A_48 = tpu.memref_slice %arg6[%add3A_23, %dma_wait3A] : memref<10240x16xf32, #tpu.memory_space<vmem_shared>> -> memref<128x16xf32, #tpu.memory_space<vmem_shared>>
      %dma_wait3A_49 = arith.constant 0 : i32
      %dma_wait3A_50 = tpu.memref_slice %arg6[%add3A_23, %dma_wait3A_49] : memref<10240x16xf32, #tpu.memory_space<vmem_shared>> -> memref<128x16xf32, #tpu.memory_space<vmem_shared>>
      tpu.wait_dma2 semaphore(%run_scoped3A : memref<!tpu.dma_semaphore, #tpu.memory_space<semaphore_mem>>) src(%arg5 : memref<128x16xf32, #tpu.memory_space<vmem>>) dst(%dma_wait3A_50 : memref<128x16xf32, #tpu.memory_space<vmem_shared>>)
      tpu.yield
    }) : () -> ()
    %barrier3A = arith.constant 0 : index
    tpu.barrier barrier_id(%barrier3A)
    %broadcast_in_dim3A_24 = arith.constant 1.000000e+00 : f32
    %broadcast_in_dim3A_25 = vector.broadcast %broadcast_in_dim3A_24 : f32 to vector<16xf32>
    %scan3A_26 = arith.constant 0 : i32
    %scan3A_27 = arith.constant 0 : i32
    %scan3A_28 = arith.constant 128 : i32
    %scan3A_29 = arith.addi %scan3A_27, %scan3A_28 : i32
    %scan3A_30 = arith.constant 1 : i32
    scf.for %scan3A_45 = %scan3A_27 to %scan3A_29 step %scan3A_30  : i32 {
      %swap3A = arith.index_cast %scan3A_45 : i32 to index
      %swap3A_46 = arith.constant 0 : index
      %swap3A_47 = tpu.vector_load %arg5[%swap3A, %swap3A_46] {strides = array<i32>} : memref<128x16xf32, #tpu.memory_space<vmem>>, vector<1x16xf32>,
      %swap3A_48 = vector.shape_cast %swap3A_47 : vector<1x16xf32> to vector<16xf32>
      %swap3A_49 = vector.shape_cast %broadcast_in_dim3A_25 : vector<16xf32> to vector<1x16xf32>
      tpu.vector_store %arg5[%swap3A, %swap3A_46], %swap3A_49 {strides = array<i32>} : memref<128x16xf32, #tpu.memory_space<vmem>>, vector<1x16xf32>,
    }
    %scan3A_31 = arith.constant 128 : i32
    %mul3A_32 = arith.constant 20096 : i32
    %mul3A_33 = arith.muli %arg1, %mul3A_32 : i32
    %scan3A_34 = arith.constant 0 : i32
    %scan3A_35 = arith.constant 0 : i32
    %scan3A_36 = arith.constant 157 : i32
    %scan3A_37 = arith.addi %scan3A_35, %scan3A_36 : i32
    %scan3A_38 = arith.constant 1 : i32
    scf.for %scan3A_45 = %scan3A_35 to %scan3A_37 step %scan3A_38  : i32 {
      %mul3A_46 = arith.constant 128 : i32
      %mul3A_47 = arith.muli %scan3A_45, %mul3A_46 : i32
      %add3A_48 = arith.addi %mul3A_33, %mul3A_47 : i32
      "tpu.region"() ({
        %run_scoped3A = tpu.sem_alloc : memref<!tpu.dma_semaphore, #tpu.memory_space<semaphore_mem>>
        %dma_start3A = tpu.memref_slice %arg2[%add3A_48] : memref<321536xi32, #tpu.memory_space<hbm>> -> memref<128xi32, #tpu.memory_space<hbm>>
        %dma_start3A_49 = tpu.memref_slice %arg2[%add3A_48] : memref<321536xi32, #tpu.memory_space<hbm>> -> memref<128xi32, #tpu.memory_space<hbm>>
        tpu.enqueue_dma source(%dma_start3A_49 : memref<128xi32, #tpu.memory_space<hbm>>) target(%arg4 : memref<128xi32, #tpu.memory_space<vmem>>) target_semaphore(%run_scoped3A : memref<!tpu.dma_semaphore, #tpu.memory_space<semaphore_mem>>)
        %dma_wait3A = tpu.memref_slice %arg2[%add3A_48] : memref<321536xi32, #tpu.memory_space<hbm>> -> memref<128xi32, #tpu.memory_space<hbm>>
        %dma_wait3A_50 = tpu.memref_slice %arg2[%add3A_48] : memref<321536xi32, #tpu.memory_space<hbm>> -> memref<128xi32, #tpu.memory_space<hbm>>
        tpu.wait_dma2 semaphore(%run_scoped3A : memref<!tpu.dma_semaphore, #tpu.memory_space<semaphore_mem>>) src(%dma_wait3A_50 : memref<128xi32, #tpu.memory_space<hbm>>) dst(%arg4 : memref<128xi32, #tpu.memory_space<vmem>>)
        tpu.yield
      }) : () -> ()
      "tpu.region"() ({
        %run_scoped3A = tpu.sem_alloc : memref<!tpu.dma_semaphore, #tpu.memory_space<semaphore_mem>>
        %dma_start3A = arith.constant 0 : i32
        %dma_start3A_49 = arith.constant 0 : i32
        %dma_start3A_50 = tpu.memref_slice %arg6[%dma_start3A, %dma_start3A_49] : memref<10240x16xf32, #tpu.memory_space<vmem_shared>> -> memref<10240x16xf32, #tpu.memory_space<vmem_shared>>
        tpu.enqueue_indirect_dma source(%arg5 : memref<128x16xf32, #tpu.memory_space<vmem>>) target(%dma_start3A_50 : memref<10240x16xf32, #tpu.memory_space<vmem_shared>>) offsets(%arg4 : memref<128xi32, #tpu.memory_space<vmem>>) semaphore(%run_scoped3A : memref<!tpu.dma_semaphore, #tpu.memory_space<semaphore_mem>>) {add = true}
        %dma_wait3A = arith.constant 0 : i32
        %dma_wait3A_51 = arith.constant 0 : i32
        %dma_wait3A_52 = tpu.memref_slice %arg6[%dma_wait3A, %dma_wait3A_51] : memref<10240x16xf32, #tpu.memory_space<vmem_shared>> -> memref<10240x16xf32, #tpu.memory_space<vmem_shared>>
        tpu.wait_indirect_dma semaphore(%run_scoped3A : memref<!tpu.dma_semaphore, #tpu.memory_space<semaphore_mem>>) src(%arg5 : memref<128x16xf32, #tpu.memory_space<vmem>>) dst(%dma_wait3A_52 : memref<10240x16xf32, #tpu.memory_space<vmem_shared>>)
        tpu.yield
      }) : () -> ()
    }
    %scan3A_39 = arith.constant 157 : i32
    %barrier3A_40 = arith.constant 0 : index
    tpu.barrier barrier_id(%barrier3A_40)
    %mul3A_41 = arith.constant 640 : i32
    %mul3A_42 = arith.muli %arg1, %mul3A_41 : i32
    %mul3A_43 = arith.constant 640 : i32
    %mul3A_44 = arith.muli %arg1, %mul3A_43 : i32
    "tpu.region"() ({
      %run_scoped3A = tpu.sem_alloc : memref<!tpu.dma_semaphore, #tpu.memory_space<semaphore_mem>>
      %dma_start3A = arith.constant 0 : i32
      %dma_start3A_45 = tpu.memref_slice %arg3[%arg0, %mul3A_44, %dma_start3A] : memref<2x10240x16xf32, #tpu.memory_space<hbm>> -> memref<1x640x16xf32, #tpu.memory_space<hbm>>
      %dma_start3A_46 = tpu.memref_squeeze %dma_start3A_45 : memref<1x640x16xf32, #tpu.memory_space<hbm>> -> memref<640x16xf32, #tpu.memory_space<hbm>>
      %dma_start3A_47 = arith.constant 0 : i32
      %dma_start3A_48 = tpu.memref_slice %arg6[%mul3A_42, %dma_start3A_47] : memref<10240x16xf32, #tpu.memory_space<vmem_shared>> -> memref<640x16xf32, #tpu.memory_space<vmem_shared>>
      tpu.enqueue_dma source(%dma_start3A_48 : memref<640x16xf32, #tpu.memory_space<vmem_shared>>) target(%dma_start3A_46 : memref<640x16xf32, #tpu.memory_space<hbm>>) target_semaphore(%run_scoped3A : memref<!tpu.dma_semaphore, #tpu.memory_space<semaphore_mem>>)
      %dma_wait3A = arith.constant 0 : i32
      %dma_wait3A_49 = tpu.memref_slice %arg3[%arg0, %mul3A_44, %dma_wait3A] : memref<2x10240x16xf32, #tpu.memory_space<hbm>> -> memref<1x640x16xf32, #tpu.memory_space<hbm>>
      %dma_wait3A_50 = tpu.memref_squeeze %dma_wait3A_49 : memref<1x640x16xf32, #tpu.memory_space<hbm>> -> memref<640x16xf32, #tpu.memory_space<hbm>>
      %dma_wait3A_51 = arith.constant 0 : i32
      %dma_wait3A_52 = tpu.memref_slice %arg6[%mul3A_42, %dma_wait3A_51] : memref<10240x16xf32, #tpu.memory_space<vmem_shared>> -> memref<640x16xf32, #tpu.memory_space<vmem_shared>>
      tpu.wait_dma2 semaphore(%run_scoped3A : memref<!tpu.dma_semaphore, #tpu.memory_space<semaphore_mem>>) src(%dma_wait3A_52 : memref<640x16xf32, #tpu.memory_space<vmem_shared>>) dst(%dma_wait3A_50 : memref<640x16xf32, #tpu.memory_space<hbm>>)
      tpu.yield
    }) : () -> ()
    return
  }
}

#map = affine_map<(d0, d1) -> (0, 0)>
#map1 = affine_map<(d0, d1) -> (0)>
#map2 = affine_map<(d0, d1) -> (0, 0, 0)>
module attributes {stable_mosaic.version = 14 : i64} {
  func.func @kern(%arg0: i32, %arg1: i32, %arg2: memref<20000x64xf32, #tpu.memory_space<hbm>>, %arg3: memref<321536xi32, #tpu.memory_space<hbm>>, %arg4: memref<2x10240x64xf32, #tpu.memory_space<hbm>>, %arg5: memref<128xi32, #tpu.memory_space<vmem>>, %arg6: memref<128xi32, #tpu.memory_space<vmem>>, %arg7: memref<128xi32, #tpu.memory_space<vmem>>, %arg8: memref<128x64xf32, #tpu.memory_space<vmem>>, %arg9: memref<10240x64xf32, #tpu.memory_space<vmem_shared>>, %arg10: memref<!tpu.dma_semaphore, #tpu.memory_space<semaphore_mem>>) attributes {dimension_semantics = [#tpu.dimension_semantics<core_parallel>, #tpu.dimension_semantics<subcore_parallel>], iteration_bounds = array<i64: 2, 16>, scalar_prefetch = 0 : i64, scratch_operands = 6 : i64, tpu.core_type = #tpu.core_type<sc_vector_subcore>, window_params = [{transform_indices = #map}, {transform_indices = #map1}, {transform_indices = #map2}]} {
    %mul3A = arith.constant 10000 : i32
    %mul3A_0 = arith.muli %arg0, %mul3A : i32
    %broadcast_in_dim3A = arith.constant 0.000000e+00 : f32
    %broadcast_in_dim3A_1 = vector.broadcast %broadcast_in_dim3A : f32 to vector<16xf32>
    %scan3A = arith.constant 0 : i32
    %scan3A_2 = arith.constant 0 : i32
    %scan3A_3 = arith.constant 128 : i32
    %scan3A_4 = arith.addi %scan3A_2, %scan3A_3 : i32
    %scan3A_5 = arith.constant 1 : i32
    scf.for %scan3A_39 = %scan3A_2 to %scan3A_4 step %scan3A_5  : i32 {
      %swap3A = arith.index_cast %scan3A_39 : i32 to index
      %swap3A_40 = arith.constant 0 : index
      %swap3A_41 = tpu.vector_load %arg8[%swap3A, %swap3A_40] {strides = array<i32>} : memref<128x64xf32, #tpu.memory_space<vmem>>, vector<1x16xf32>,
      %swap3A_42 = vector.shape_cast %swap3A_41 : vector<1x16xf32> to vector<16xf32>
      %swap3A_43 = vector.shape_cast %broadcast_in_dim3A_1 : vector<16xf32> to vector<1x16xf32>
      tpu.vector_store %arg8[%swap3A, %swap3A_40], %swap3A_43 {strides = array<i32>} : memref<128x64xf32, #tpu.memory_space<vmem>>, vector<1x16xf32>,
      %swap3A_44 = arith.index_cast %scan3A_39 : i32 to index
      %swap3A_45 = arith.constant 16 : index
      %swap3A_46 = tpu.vector_load %arg8[%swap3A_44, %swap3A_45] {strides = array<i32>} : memref<128x64xf32, #tpu.memory_space<vmem>>, vector<1x16xf32>,
      %swap3A_47 = vector.shape_cast %swap3A_46 : vector<1x16xf32> to vector<16xf32>
      %swap3A_48 = vector.shape_cast %broadcast_in_dim3A_1 : vector<16xf32> to vector<1x16xf32>
      tpu.vector_store %arg8[%swap3A_44, %swap3A_45], %swap3A_48 {strides = array<i32>} : memref<128x64xf32, #tpu.memory_space<vmem>>, vector<1x16xf32>,
      %swap3A_49 = arith.index_cast %scan3A_39 : i32 to index
      %swap3A_50 = arith.constant 32 : index
      %swap3A_51 = tpu.vector_load %arg8[%swap3A_49, %swap3A_50] {strides = array<i32>} : memref<128x64xf32, #tpu.memory_space<vmem>>, vector<1x16xf32>,
      %swap3A_52 = vector.shape_cast %swap3A_51 : vector<1x16xf32> to vector<16xf32>
      %swap3A_53 = vector.shape_cast %broadcast_in_dim3A_1 : vector<16xf32> to vector<1x16xf32>
      tpu.vector_store %arg8[%swap3A_49, %swap3A_50], %swap3A_53 {strides = array<i32>} : memref<128x64xf32, #tpu.memory_space<vmem>>, vector<1x16xf32>,
      %swap3A_54 = arith.index_cast %scan3A_39 : i32 to index
      %swap3A_55 = arith.constant 48 : index
      %swap3A_56 = tpu.vector_load %arg8[%swap3A_54, %swap3A_55] {strides = array<i32>} : memref<128x64xf32, #tpu.memory_space<vmem>>, vector<1x16xf32>,
      %swap3A_57 = vector.shape_cast %swap3A_56 : vector<1x16xf32> to vector<16xf32>
      %swap3A_58 = vector.shape_cast %broadcast_in_dim3A_1 : vector<16xf32> to vector<1x16xf32>
      tpu.vector_store %arg8[%swap3A_54, %swap3A_55], %swap3A_58 {strides = array<i32>} : memref<128x64xf32, #tpu.memory_space<vmem>>, vector<1x16xf32>,
    }
    %scan3A_6 = arith.constant 128 : i32
    %mul3A_7 = arith.constant 640 : i32
    %mul3A_8 = arith.muli %arg1, %mul3A_7 : i32
    %add3A = arith.constant 0 : i32
    %add3A_9 = arith.addi %mul3A_8, %add3A : i32
    "tpu.region"() ({
      %run_scoped3A = tpu.sem_alloc : memref<!tpu.dma_semaphore, #tpu.memory_space<semaphore_mem>>
      %dma_start3A = arith.constant 0 : i32
      %dma_start3A_39 = tpu.memref_slice %arg9[%add3A_9, %dma_start3A] : memref<10240x64xf32, #tpu.memory_space<vmem_shared>> -> memref<128x64xf32, #tpu.memory_space<vmem_shared>>
      %dma_start3A_40 = arith.constant 0 : i32
      %dma_start3A_41 = tpu.memref_slice %arg9[%add3A_9, %dma_start3A_40] : memref<10240x64xf32, #tpu.memory_space<vmem_shared>> -> memref<128x64xf32, #tpu.memory_space<vmem_shared>>
      tpu.enqueue_dma source(%arg8 : memref<128x64xf32, #tpu.memory_space<vmem>>) target(%dma_start3A_41 : memref<128x64xf32, #tpu.memory_space<vmem_shared>>) target_semaphore(%run_scoped3A : memref<!tpu.dma_semaphore, #tpu.memory_space<semaphore_mem>>)
      %dma_wait3A = arith.constant 0 : i32
      %dma_wait3A_42 = tpu.memref_slice %arg9[%add3A_9, %dma_wait3A] : memref<10240x64xf32, #tpu.memory_space<vmem_shared>> -> memref<128x64xf32, #tpu.memory_space<vmem_shared>>
      %dma_wait3A_43 = arith.constant 0 : i32
      %dma_wait3A_44 = tpu.memref_slice %arg9[%add3A_9, %dma_wait3A_43] : memref<10240x64xf32, #tpu.memory_space<vmem_shared>> -> memref<128x64xf32, #tpu.memory_space<vmem_shared>>
      tpu.wait_dma2 semaphore(%run_scoped3A : memref<!tpu.dma_semaphore, #tpu.memory_space<semaphore_mem>>) src(%arg8 : memref<128x64xf32, #tpu.memory_space<vmem>>) dst(%dma_wait3A_44 : memref<128x64xf32, #tpu.memory_space<vmem_shared>>)
      tpu.yield
    }) : () -> ()
    %mul3A_10 = arith.constant 640 : i32
    %mul3A_11 = arith.muli %arg1, %mul3A_10 : i32
    %add3A_12 = arith.constant 128 : i32
    %add3A_13 = arith.addi %mul3A_11, %add3A_12 : i32
    "tpu.region"() ({
      %run_scoped3A = tpu.sem_alloc : memref<!tpu.dma_semaphore, #tpu.memory_space<semaphore_mem>>
      %dma_start3A = arith.constant 0 : i32
      %dma_start3A_39 = tpu.memref_slice %arg9[%add3A_13, %dma_start3A] : memref<10240x64xf32, #tpu.memory_space<vmem_shared>> -> memref<128x64xf32, #tpu.memory_space<vmem_shared>>
      %dma_start3A_40 = arith.constant 0 : i32
      %dma_start3A_41 = tpu.memref_slice %arg9[%add3A_13, %dma_start3A_40] : memref<10240x64xf32, #tpu.memory_space<vmem_shared>> -> memref<128x64xf32, #tpu.memory_space<vmem_shared>>
      tpu.enqueue_dma source(%arg8 : memref<128x64xf32, #tpu.memory_space<vmem>>) target(%dma_start3A_41 : memref<128x64xf32, #tpu.memory_space<vmem_shared>>) target_semaphore(%run_scoped3A : memref<!tpu.dma_semaphore, #tpu.memory_space<semaphore_mem>>)
      %dma_wait3A = arith.constant 0 : i32
      %dma_wait3A_42 = tpu.memref_slice %arg9[%add3A_13, %dma_wait3A] : memref<10240x64xf32, #tpu.memory_space<vmem_shared>> -> memref<128x64xf32, #tpu.memory_space<vmem_shared>>
      %dma_wait3A_43 = arith.constant 0 : i32
      %dma_wait3A_44 = tpu.memref_slice %arg9[%add3A_13, %dma_wait3A_43] : memref<10240x64xf32, #tpu.memory_space<vmem_shared>> -> memref<128x64xf32, #tpu.memory_space<vmem_shared>>
      tpu.wait_dma2 semaphore(%run_scoped3A : memref<!tpu.dma_semaphore, #tpu.memory_space<semaphore_mem>>) src(%arg8 : memref<128x64xf32, #tpu.memory_space<vmem>>) dst(%dma_wait3A_44 : memref<128x64xf32, #tpu.memory_space<vmem_shared>>)
      tpu.yield
    }) : () -> ()
    %mul3A_14 = arith.constant 640 : i32
    %mul3A_15 = arith.muli %arg1, %mul3A_14 : i32
    %add3A_16 = arith.constant 256 : i32
    %add3A_17 = arith.addi %mul3A_15, %add3A_16 : i32
    "tpu.region"() ({
      %run_scoped3A = tpu.sem_alloc : memref<!tpu.dma_semaphore, #tpu.memory_space<semaphore_mem>>
      %dma_start3A = arith.constant 0 : i32
      %dma_start3A_39 = tpu.memref_slice %arg9[%add3A_17, %dma_start3A] : memref<10240x64xf32, #tpu.memory_space<vmem_shared>> -> memref<128x64xf32, #tpu.memory_space<vmem_shared>>
      %dma_start3A_40 = arith.constant 0 : i32
      %dma_start3A_41 = tpu.memref_slice %arg9[%add3A_17, %dma_start3A_40] : memref<10240x64xf32, #tpu.memory_space<vmem_shared>> -> memref<128x64xf32, #tpu.memory_space<vmem_shared>>
      tpu.enqueue_dma source(%arg8 : memref<128x64xf32, #tpu.memory_space<vmem>>) target(%dma_start3A_41 : memref<128x64xf32, #tpu.memory_space<vmem_shared>>) target_semaphore(%run_scoped3A : memref<!tpu.dma_semaphore, #tpu.memory_space<semaphore_mem>>)
      %dma_wait3A = arith.constant 0 : i32
      %dma_wait3A_42 = tpu.memref_slice %arg9[%add3A_17, %dma_wait3A] : memref<10240x64xf32, #tpu.memory_space<vmem_shared>> -> memref<128x64xf32, #tpu.memory_space<vmem_shared>>
      %dma_wait3A_43 = arith.constant 0 : i32
      %dma_wait3A_44 = tpu.memref_slice %arg9[%add3A_17, %dma_wait3A_43] : memref<10240x64xf32, #tpu.memory_space<vmem_shared>> -> memref<128x64xf32, #tpu.memory_space<vmem_shared>>
      tpu.wait_dma2 semaphore(%run_scoped3A : memref<!tpu.dma_semaphore, #tpu.memory_space<semaphore_mem>>) src(%arg8 : memref<128x64xf32, #tpu.memory_space<vmem>>) dst(%dma_wait3A_44 : memref<128x64xf32, #tpu.memory_space<vmem_shared>>)
      tpu.yield
    }) : () -> ()
    %mul3A_18 = arith.constant 640 : i32
    %mul3A_19 = arith.muli %arg1, %mul3A_18 : i32
    %add3A_20 = arith.constant 384 : i32
    %add3A_21 = arith.addi %mul3A_19, %add3A_20 : i32
    "tpu.region"() ({
      %run_scoped3A = tpu.sem_alloc : memref<!tpu.dma_semaphore, #tpu.memory_space<semaphore_mem>>
      %dma_start3A = arith.constant 0 : i32
      %dma_start3A_39 = tpu.memref_slice %arg9[%add3A_21, %dma_start3A] : memref<10240x64xf32, #tpu.memory_space<vmem_shared>> -> memref<128x64xf32, #tpu.memory_space<vmem_shared>>
      %dma_start3A_40 = arith.constant 0 : i32
      %dma_start3A_41 = tpu.memref_slice %arg9[%add3A_21, %dma_start3A_40] : memref<10240x64xf32, #tpu.memory_space<vmem_shared>> -> memref<128x64xf32, #tpu.memory_space<vmem_shared>>
      tpu.enqueue_dma source(%arg8 : memref<128x64xf32, #tpu.memory_space<vmem>>) target(%dma_start3A_41 : memref<128x64xf32, #tpu.memory_space<vmem_shared>>) target_semaphore(%run_scoped3A : memref<!tpu.dma_semaphore, #tpu.memory_space<semaphore_mem>>)
      %dma_wait3A = arith.constant 0 : i32
      %dma_wait3A_42 = tpu.memref_slice %arg9[%add3A_21, %dma_wait3A] : memref<10240x64xf32, #tpu.memory_space<vmem_shared>> -> memref<128x64xf32, #tpu.memory_space<vmem_shared>>
      %dma_wait3A_43 = arith.constant 0 : i32
      %dma_wait3A_44 = tpu.memref_slice %arg9[%add3A_21, %dma_wait3A_43] : memref<10240x64xf32, #tpu.memory_space<vmem_shared>> -> memref<128x64xf32, #tpu.memory_space<vmem_shared>>
      tpu.wait_dma2 semaphore(%run_scoped3A : memref<!tpu.dma_semaphore, #tpu.memory_space<semaphore_mem>>) src(%arg8 : memref<128x64xf32, #tpu.memory_space<vmem>>) dst(%dma_wait3A_44 : memref<128x64xf32, #tpu.memory_space<vmem_shared>>)
      tpu.yield
    }) : () -> ()
    %mul3A_22 = arith.constant 640 : i32
    %mul3A_23 = arith.muli %arg1, %mul3A_22 : i32
    %add3A_24 = arith.constant 512 : i32
    %add3A_25 = arith.addi %mul3A_23, %add3A_24 : i32
    "tpu.region"() ({
      %run_scoped3A = tpu.sem_alloc : memref<!tpu.dma_semaphore, #tpu.memory_space<semaphore_mem>>
      %dma_start3A = arith.constant 0 : i32
      %dma_start3A_39 = tpu.memref_slice %arg9[%add3A_25, %dma_start3A] : memref<10240x64xf32, #tpu.memory_space<vmem_shared>> -> memref<128x64xf32, #tpu.memory_space<vmem_shared>>
      %dma_start3A_40 = arith.constant 0 : i32
      %dma_start3A_41 = tpu.memref_slice %arg9[%add3A_25, %dma_start3A_40] : memref<10240x64xf32, #tpu.memory_space<vmem_shared>> -> memref<128x64xf32, #tpu.memory_space<vmem_shared>>
      tpu.enqueue_dma source(%arg8 : memref<128x64xf32, #tpu.memory_space<vmem>>) target(%dma_start3A_41 : memref<128x64xf32, #tpu.memory_space<vmem_shared>>) target_semaphore(%run_scoped3A : memref<!tpu.dma_semaphore, #tpu.memory_space<semaphore_mem>>)
      %dma_wait3A = arith.constant 0 : i32
      %dma_wait3A_42 = tpu.memref_slice %arg9[%add3A_25, %dma_wait3A] : memref<10240x64xf32, #tpu.memory_space<vmem_shared>> -> memref<128x64xf32, #tpu.memory_space<vmem_shared>>
      %dma_wait3A_43 = arith.constant 0 : i32
      %dma_wait3A_44 = tpu.memref_slice %arg9[%add3A_25, %dma_wait3A_43] : memref<10240x64xf32, #tpu.memory_space<vmem_shared>> -> memref<128x64xf32, #tpu.memory_space<vmem_shared>>
      tpu.wait_dma2 semaphore(%run_scoped3A : memref<!tpu.dma_semaphore, #tpu.memory_space<semaphore_mem>>) src(%arg8 : memref<128x64xf32, #tpu.memory_space<vmem>>) dst(%dma_wait3A_44 : memref<128x64xf32, #tpu.memory_space<vmem_shared>>)
      tpu.yield
    }) : () -> ()
    %barrier3A = arith.constant 0 : index
    tpu.barrier barrier_id(%barrier3A)
    %mul3A_26 = arith.constant 20096 : i32
    %mul3A_27 = arith.muli %arg1, %mul3A_26 : i32
    %scan3A_28 = arith.constant 0 : i32
    %scan3A_29 = arith.constant 0 : i32
    %scan3A_30 = arith.constant 157 : i32
    %scan3A_31 = arith.addi %scan3A_29, %scan3A_30 : i32
    %scan3A_32 = arith.constant 1 : i32
    scf.for %scan3A_39 = %scan3A_29 to %scan3A_31 step %scan3A_32  : i32 {
      %mul3A_40 = arith.constant 128 : i32
      %mul3A_41 = arith.muli %scan3A_39, %mul3A_40 : i32
      %add3A_42 = arith.addi %mul3A_27, %mul3A_41 : i32
      "tpu.region"() ({
        %run_scoped3A = tpu.sem_alloc : memref<!tpu.dma_semaphore, #tpu.memory_space<semaphore_mem>>
        %dma_start3A_195 = tpu.memref_slice %arg3[%add3A_42] : memref<321536xi32, #tpu.memory_space<hbm>> -> memref<128xi32, #tpu.memory_space<hbm>>
        %dma_start3A_196 = tpu.memref_slice %arg3[%add3A_42] : memref<321536xi32, #tpu.memory_space<hbm>> -> memref<128xi32, #tpu.memory_space<hbm>>
        tpu.enqueue_dma source(%dma_start3A_196 : memref<128xi32, #tpu.memory_space<hbm>>) target(%arg5 : memref<128xi32, #tpu.memory_space<vmem>>) target_semaphore(%run_scoped3A : memref<!tpu.dma_semaphore, #tpu.memory_space<semaphore_mem>>)
        %dma_wait3A_197 = tpu.memref_slice %arg3[%add3A_42] : memref<321536xi32, #tpu.memory_space<hbm>> -> memref<128xi32, #tpu.memory_space<hbm>>
        %dma_wait3A_198 = tpu.memref_slice %arg3[%add3A_42] : memref<321536xi32, #tpu.memory_space<hbm>> -> memref<128xi32, #tpu.memory_space<hbm>>
        tpu.wait_dma2 semaphore(%run_scoped3A : memref<!tpu.dma_semaphore, #tpu.memory_space<semaphore_mem>>) src(%dma_wait3A_198 : memref<128xi32, #tpu.memory_space<hbm>>) dst(%arg5 : memref<128xi32, #tpu.memory_space<vmem>>)
        tpu.yield
      }) : () -> ()
      %get3A = arith.constant 0 : index
      %get3A_43 = tpu.vector_load %arg5[%get3A] {strides = array<i32>} : memref<128xi32, #tpu.memory_space<vmem>>, vector<16xi32>,
      %get3A_44 = vector.shape_cast %get3A_43 : vector<16xi32> to vector<16xi32>
      %and3A = arith.constant 32767 : i32
      %and3A_45 = vector.broadcast %and3A : i32 to vector<16xi32>
      %and3A_46 = arith.andi %get3A_44, %and3A_45 : vector<16xi32>
      %add3A_47 = vector.broadcast %mul3A_0 : i32 to vector<16xi32>
      %add3A_48 = arith.addi %and3A_46, %add3A_47 : vector<16xi32>
      %swap3A = arith.constant 0 : index
      %swap3A_49 = tpu.vector_load %arg6[%swap3A] {strides = array<i32>} : memref<128xi32, #tpu.memory_space<vmem>>, vector<16xi32>,
      %swap3A_50 = vector.shape_cast %swap3A_49 : vector<16xi32> to vector<16xi32>
      %swap3A_51 = vector.shape_cast %add3A_48 : vector<16xi32> to vector<16xi32>
      tpu.vector_store %arg6[%swap3A], %swap3A_51 {strides = array<i32>} : memref<128xi32, #tpu.memory_space<vmem>>, vector<16xi32>,
      %shift_right_arithmetic3A = arith.constant 15 : i32
      %shift_right_arithmetic3A_52 = vector.broadcast %shift_right_arithmetic3A : i32 to vector<16xi32>
      %shift_right_arithmetic3A_53 = arith.shrsi %get3A_44, %shift_right_arithmetic3A_52 : vector<16xi32>
      %swap3A_54 = arith.constant 0 : index
      %swap3A_55 = tpu.vector_load %arg7[%swap3A_54] {strides = array<i32>} : memref<128xi32, #tpu.memory_space<vmem>>, vector<16xi32>,
      %swap3A_56 = vector.shape_cast %swap3A_55 : vector<16xi32> to vector<16xi32>
      %swap3A_57 = vector.shape_cast %shift_right_arithmetic3A_53 : vector<16xi32> to vector<16xi32>
      tpu.vector_store %arg7[%swap3A_54], %swap3A_57 {strides = array<i32>} : memref<128xi32, #tpu.memory_space<vmem>>, vector<16xi32>,
      %get3A_58 = arith.constant 16 : index
      %get3A_59 = tpu.vector_load %arg5[%get3A_58] {strides = array<i32>} : memref<128xi32, #tpu.memory_space<vmem>>, vector<16xi32>,
      %get3A_60 = vector.shape_cast %get3A_59 : vector<16xi32> to vector<16xi32>
      %and3A_61 = arith.constant 32767 : i32
      %and3A_62 = vector.broadcast %and3A_61 : i32 to vector<16xi32>
      %and3A_63 = arith.andi %get3A_60, %and3A_62 : vector<16xi32>
      %add3A_64 = vector.broadcast %mul3A_0 : i32 to vector<16xi32>
      %add3A_65 = arith.addi %and3A_63, %add3A_64 : vector<16xi32>
      %swap3A_66 = arith.constant 16 : index
      %swap3A_67 = tpu.vector_load %arg6[%swap3A_66] {strides = array<i32>} : memref<128xi32, #tpu.memory_space<vmem>>, vector<16xi32>,
      %swap3A_68 = vector.shape_cast %swap3A_67 : vector<16xi32> to vector<16xi32>
      %swap3A_69 = vector.shape_cast %add3A_65 : vector<16xi32> to vector<16xi32>
      tpu.vector_store %arg6[%swap3A_66], %swap3A_69 {strides = array<i32>} : memref<128xi32, #tpu.memory_space<vmem>>, vector<16xi32>,
      %shift_right_arithmetic3A_70 = arith.constant 15 : i32
      %shift_right_arithmetic3A_71 = vector.broadcast %shift_right_arithmetic3A_70 : i32 to vector<16xi32>
      %shift_right_arithmetic3A_72 = arith.shrsi %get3A_60, %shift_right_arithmetic3A_71 : vector<16xi32>
      %swap3A_73 = arith.constant 16 : index
      %swap3A_74 = tpu.vector_load %arg7[%swap3A_73] {strides = array<i32>} : memref<128xi32, #tpu.memory_space<vmem>>, vector<16xi32>,
      %swap3A_75 = vector.shape_cast %swap3A_74 : vector<16xi32> to vector<16xi32>
      %swap3A_76 = vector.shape_cast %shift_right_arithmetic3A_72 : vector<16xi32> to vector<16xi32>
      tpu.vector_store %arg7[%swap3A_73], %swap3A_76 {strides = array<i32>} : memref<128xi32, #tpu.memory_space<vmem>>, vector<16xi32>,
      %get3A_77 = arith.constant 32 : index
      %get3A_78 = tpu.vector_load %arg5[%get3A_77] {strides = array<i32>} : memref<128xi32, #tpu.memory_space<vmem>>, vector<16xi32>,
      %get3A_79 = vector.shape_cast %get3A_78 : vector<16xi32> to vector<16xi32>
      %and3A_80 = arith.constant 32767 : i32
      %and3A_81 = vector.broadcast %and3A_80 : i32 to vector<16xi32>
      %and3A_82 = arith.andi %get3A_79, %and3A_81 : vector<16xi32>
      %add3A_83 = vector.broadcast %mul3A_0 : i32 to vector<16xi32>
      %add3A_84 = arith.addi %and3A_82, %add3A_83 : vector<16xi32>
      %swap3A_85 = arith.constant 32 : index
      %swap3A_86 = tpu.vector_load %arg6[%swap3A_85] {strides = array<i32>} : memref<128xi32, #tpu.memory_space<vmem>>, vector<16xi32>,
      %swap3A_87 = vector.shape_cast %swap3A_86 : vector<16xi32> to vector<16xi32>
      %swap3A_88 = vector.shape_cast %add3A_84 : vector<16xi32> to vector<16xi32>
      tpu.vector_store %arg6[%swap3A_85], %swap3A_88 {strides = array<i32>} : memref<128xi32, #tpu.memory_space<vmem>>, vector<16xi32>,
      %shift_right_arithmetic3A_89 = arith.constant 15 : i32
      %shift_right_arithmetic3A_90 = vector.broadcast %shift_right_arithmetic3A_89 : i32 to vector<16xi32>
      %shift_right_arithmetic3A_91 = arith.shrsi %get3A_79, %shift_right_arithmetic3A_90 : vector<16xi32>
      %swap3A_92 = arith.constant 32 : index
      %swap3A_93 = tpu.vector_load %arg7[%swap3A_92] {strides = array<i32>} : memref<128xi32, #tpu.memory_space<vmem>>, vector<16xi32>,
      %swap3A_94 = vector.shape_cast %swap3A_93 : vector<16xi32> to vector<16xi32>
      %swap3A_95 = vector.shape_cast %shift_right_arithmetic3A_91 : vector<16xi32> to vector<16xi32>
      tpu.vector_store %arg7[%swap3A_92], %swap3A_95 {strides = array<i32>} : memref<128xi32, #tpu.memory_space<vmem>>, vector<16xi32>,
      %get3A_96 = arith.constant 48 : index
      %get3A_97 = tpu.vector_load %arg5[%get3A_96] {strides = array<i32>} : memref<128xi32, #tpu.memory_space<vmem>>, vector<16xi32>,
      %get3A_98 = vector.shape_cast %get3A_97 : vector<16xi32> to vector<16xi32>
      %and3A_99 = arith.constant 32767 : i32
      %and3A_100 = vector.broadcast %and3A_99 : i32 to vector<16xi32>
      %and3A_101 = arith.andi %get3A_98, %and3A_100 : vector<16xi32>
      %add3A_102 = vector.broadcast %mul3A_0 : i32 to vector<16xi32>
      %add3A_103 = arith.addi %and3A_101, %add3A_102 : vector<16xi32>
      %swap3A_104 = arith.constant 48 : index
      %swap3A_105 = tpu.vector_load %arg6[%swap3A_104] {strides = array<i32>} : memref<128xi32, #tpu.memory_space<vmem>>, vector<16xi32>,
      %swap3A_106 = vector.shape_cast %swap3A_105 : vector<16xi32> to vector<16xi32>
      %swap3A_107 = vector.shape_cast %add3A_103 : vector<16xi32> to vector<16xi32>
      tpu.vector_store %arg6[%swap3A_104], %swap3A_107 {strides = array<i32>} : memref<128xi32, #tpu.memory_space<vmem>>, vector<16xi32>,
      %shift_right_arithmetic3A_108 = arith.constant 15 : i32
      %shift_right_arithmetic3A_109 = vector.broadcast %shift_right_arithmetic3A_108 : i32 to vector<16xi32>
      %shift_right_arithmetic3A_110 = arith.shrsi %get3A_98, %shift_right_arithmetic3A_109 : vector<16xi32>
      %swap3A_111 = arith.constant 48 : index
      %swap3A_112 = tpu.vector_load %arg7[%swap3A_111] {strides = array<i32>} : memref<128xi32, #tpu.memory_space<vmem>>, vector<16xi32>,
      %swap3A_113 = vector.shape_cast %swap3A_112 : vector<16xi32> to vector<16xi32>
      %swap3A_114 = vector.shape_cast %shift_right_arithmetic3A_110 : vector<16xi32> to vector<16xi32>
      tpu.vector_store %arg7[%swap3A_111], %swap3A_114 {strides = array<i32>} : memref<128xi32, #tpu.memory_space<vmem>>, vector<16xi32>,
      %get3A_115 = arith.constant 64 : index
      %get3A_116 = tpu.vector_load %arg5[%get3A_115] {strides = array<i32>} : memref<128xi32, #tpu.memory_space<vmem>>, vector<16xi32>,
      %get3A_117 = vector.shape_cast %get3A_116 : vector<16xi32> to vector<16xi32>
      %and3A_118 = arith.constant 32767 : i32
      %and3A_119 = vector.broadcast %and3A_118 : i32 to vector<16xi32>
      %and3A_120 = arith.andi %get3A_117, %and3A_119 : vector<16xi32>
      %add3A_121 = vector.broadcast %mul3A_0 : i32 to vector<16xi32>
      %add3A_122 = arith.addi %and3A_120, %add3A_121 : vector<16xi32>
      %swap3A_123 = arith.constant 64 : index
      %swap3A_124 = tpu.vector_load %arg6[%swap3A_123] {strides = array<i32>} : memref<128xi32, #tpu.memory_space<vmem>>, vector<16xi32>,
      %swap3A_125 = vector.shape_cast %swap3A_124 : vector<16xi32> to vector<16xi32>
      %swap3A_126 = vector.shape_cast %add3A_122 : vector<16xi32> to vector<16xi32>
      tpu.vector_store %arg6[%swap3A_123], %swap3A_126 {strides = array<i32>} : memref<128xi32, #tpu.memory_space<vmem>>, vector<16xi32>,
      %shift_right_arithmetic3A_127 = arith.constant 15 : i32
      %shift_right_arithmetic3A_128 = vector.broadcast %shift_right_arithmetic3A_127 : i32 to vector<16xi32>
      %shift_right_arithmetic3A_129 = arith.shrsi %get3A_117, %shift_right_arithmetic3A_128 : vector<16xi32>
      %swap3A_130 = arith.constant 64 : index
      %swap3A_131 = tpu.vector_load %arg7[%swap3A_130] {strides = array<i32>} : memref<128xi32, #tpu.memory_space<vmem>>, vector<16xi32>,
      %swap3A_132 = vector.shape_cast %swap3A_131 : vector<16xi32> to vector<16xi32>
      %swap3A_133 = vector.shape_cast %shift_right_arithmetic3A_129 : vector<16xi32> to vector<16xi32>
      tpu.vector_store %arg7[%swap3A_130], %swap3A_133 {strides = array<i32>} : memref<128xi32, #tpu.memory_space<vmem>>, vector<16xi32>,
      %get3A_134 = arith.constant 80 : index
      %get3A_135 = tpu.vector_load %arg5[%get3A_134] {strides = array<i32>} : memref<128xi32, #tpu.memory_space<vmem>>, vector<16xi32>,
      %get3A_136 = vector.shape_cast %get3A_135 : vector<16xi32> to vector<16xi32>
      %and3A_137 = arith.constant 32767 : i32
      %and3A_138 = vector.broadcast %and3A_137 : i32 to vector<16xi32>
      %and3A_139 = arith.andi %get3A_136, %and3A_138 : vector<16xi32>
      %add3A_140 = vector.broadcast %mul3A_0 : i32 to vector<16xi32>
      %add3A_141 = arith.addi %and3A_139, %add3A_140 : vector<16xi32>
      %swap3A_142 = arith.constant 80 : index
      %swap3A_143 = tpu.vector_load %arg6[%swap3A_142] {strides = array<i32>} : memref<128xi32, #tpu.memory_space<vmem>>, vector<16xi32>,
      %swap3A_144 = vector.shape_cast %swap3A_143 : vector<16xi32> to vector<16xi32>
      %swap3A_145 = vector.shape_cast %add3A_141 : vector<16xi32> to vector<16xi32>
      tpu.vector_store %arg6[%swap3A_142], %swap3A_145 {strides = array<i32>} : memref<128xi32, #tpu.memory_space<vmem>>, vector<16xi32>,
      %shift_right_arithmetic3A_146 = arith.constant 15 : i32
      %shift_right_arithmetic3A_147 = vector.broadcast %shift_right_arithmetic3A_146 : i32 to vector<16xi32>
      %shift_right_arithmetic3A_148 = arith.shrsi %get3A_136, %shift_right_arithmetic3A_147 : vector<16xi32>
      %swap3A_149 = arith.constant 80 : index
      %swap3A_150 = tpu.vector_load %arg7[%swap3A_149] {strides = array<i32>} : memref<128xi32, #tpu.memory_space<vmem>>, vector<16xi32>,
      %swap3A_151 = vector.shape_cast %swap3A_150 : vector<16xi32> to vector<16xi32>
      %swap3A_152 = vector.shape_cast %shift_right_arithmetic3A_148 : vector<16xi32> to vector<16xi32>
      tpu.vector_store %arg7[%swap3A_149], %swap3A_152 {strides = array<i32>} : memref<128xi32, #tpu.memory_space<vmem>>, vector<16xi32>,
      %get3A_153 = arith.constant 96 : index
      %get3A_154 = tpu.vector_load %arg5[%get3A_153] {strides = array<i32>} : memref<128xi32, #tpu.memory_space<vmem>>, vector<16xi32>,
      %get3A_155 = vector.shape_cast %get3A_154 : vector<16xi32> to vector<16xi32>
      %and3A_156 = arith.constant 32767 : i32
      %and3A_157 = vector.broadcast %and3A_156 : i32 to vector<16xi32>
      %and3A_158 = arith.andi %get3A_155, %and3A_157 : vector<16xi32>
      %add3A_159 = vector.broadcast %mul3A_0 : i32 to vector<16xi32>
      %add3A_160 = arith.addi %and3A_158, %add3A_159 : vector<16xi32>
      %swap3A_161 = arith.constant 96 : index
      %swap3A_162 = tpu.vector_load %arg6[%swap3A_161] {strides = array<i32>} : memref<128xi32, #tpu.memory_space<vmem>>, vector<16xi32>,
      %swap3A_163 = vector.shape_cast %swap3A_162 : vector<16xi32> to vector<16xi32>
      %swap3A_164 = vector.shape_cast %add3A_160 : vector<16xi32> to vector<16xi32>
      tpu.vector_store %arg6[%swap3A_161], %swap3A_164 {strides = array<i32>} : memref<128xi32, #tpu.memory_space<vmem>>, vector<16xi32>,
      %shift_right_arithmetic3A_165 = arith.constant 15 : i32
      %shift_right_arithmetic3A_166 = vector.broadcast %shift_right_arithmetic3A_165 : i32 to vector<16xi32>
      %shift_right_arithmetic3A_167 = arith.shrsi %get3A_155, %shift_right_arithmetic3A_166 : vector<16xi32>
      %swap3A_168 = arith.constant 96 : index
      %swap3A_169 = tpu.vector_load %arg7[%swap3A_168] {strides = array<i32>} : memref<128xi32, #tpu.memory_space<vmem>>, vector<16xi32>,
      %swap3A_170 = vector.shape_cast %swap3A_169 : vector<16xi32> to vector<16xi32>
      %swap3A_171 = vector.shape_cast %shift_right_arithmetic3A_167 : vector<16xi32> to vector<16xi32>
      tpu.vector_store %arg7[%swap3A_168], %swap3A_171 {strides = array<i32>} : memref<128xi32, #tpu.memory_space<vmem>>, vector<16xi32>,
      %get3A_172 = arith.constant 112 : index
      %get3A_173 = tpu.vector_load %arg5[%get3A_172] {strides = array<i32>} : memref<128xi32, #tpu.memory_space<vmem>>, vector<16xi32>,
      %get3A_174 = vector.shape_cast %get3A_173 : vector<16xi32> to vector<16xi32>
      %and3A_175 = arith.constant 32767 : i32
      %and3A_176 = vector.broadcast %and3A_175 : i32 to vector<16xi32>
      %and3A_177 = arith.andi %get3A_174, %and3A_176 : vector<16xi32>
      %add3A_178 = vector.broadcast %mul3A_0 : i32 to vector<16xi32>
      %add3A_179 = arith.addi %and3A_177, %add3A_178 : vector<16xi32>
      %swap3A_180 = arith.constant 112 : index
      %swap3A_181 = tpu.vector_load %arg6[%swap3A_180] {strides = array<i32>} : memref<128xi32, #tpu.memory_space<vmem>>, vector<16xi32>,
      %swap3A_182 = vector.shape_cast %swap3A_181 : vector<16xi32> to vector<16xi32>
      %swap3A_183 = vector.shape_cast %add3A_179 : vector<16xi32> to vector<16xi32>
      tpu.vector_store %arg6[%swap3A_180], %swap3A_183 {strides = array<i32>} : memref<128xi32, #tpu.memory_space<vmem>>, vector<16xi32>,
      %shift_right_arithmetic3A_184 = arith.constant 15 : i32
      %shift_right_arithmetic3A_185 = vector.broadcast %shift_right_arithmetic3A_184 : i32 to vector<16xi32>
      %shift_right_arithmetic3A_186 = arith.shrsi %get3A_174, %shift_right_arithmetic3A_185 : vector<16xi32>
      %swap3A_187 = arith.constant 112 : index
      %swap3A_188 = tpu.vector_load %arg7[%swap3A_187] {strides = array<i32>} : memref<128xi32, #tpu.memory_space<vmem>>, vector<16xi32>,
      %swap3A_189 = vector.shape_cast %swap3A_188 : vector<16xi32> to vector<16xi32>
      %swap3A_190 = vector.shape_cast %shift_right_arithmetic3A_186 : vector<16xi32> to vector<16xi32>
      tpu.vector_store %arg7[%swap3A_187], %swap3A_190 {strides = array<i32>} : memref<128xi32, #tpu.memory_space<vmem>>, vector<16xi32>,
      %dma_start3A = arith.constant 0 : i32
      %dma_start3A_191 = arith.constant 0 : i32
      %dma_start3A_192 = tpu.memref_slice %arg2[%dma_start3A, %dma_start3A_191] : memref<20000x64xf32, #tpu.memory_space<hbm>> -> memref<20000x64xf32, #tpu.memory_space<hbm>>
      tpu.enqueue_indirect_dma source(%dma_start3A_192 : memref<20000x64xf32, #tpu.memory_space<hbm>>) target(%arg8 : memref<128x64xf32, #tpu.memory_space<vmem>>) offsets(%arg6 : memref<128xi32, #tpu.memory_space<vmem>>) semaphore(%arg10 : memref<!tpu.dma_semaphore, #tpu.memory_space<semaphore_mem>>)
      %dma_wait3A = arith.constant 0 : i32
      %dma_wait3A_193 = arith.constant 0 : i32
      %dma_wait3A_194 = tpu.memref_slice %arg2[%dma_wait3A, %dma_wait3A_193] : memref<20000x64xf32, #tpu.memory_space<hbm>> -> memref<20000x64xf32, #tpu.memory_space<hbm>>
      tpu.wait_indirect_dma semaphore(%arg10 : memref<!tpu.dma_semaphore, #tpu.memory_space<semaphore_mem>>) src(%dma_wait3A_194 : memref<20000x64xf32, #tpu.memory_space<hbm>>) dst(%arg8 : memref<128x64xf32, #tpu.memory_space<vmem>>)
      "tpu.region"() ({
        %run_scoped3A = tpu.sem_alloc : memref<!tpu.dma_semaphore, #tpu.memory_space<semaphore_mem>>
        %dma_start3A_195 = arith.constant 0 : i32
        %dma_start3A_196 = arith.constant 0 : i32
        %dma_start3A_197 = tpu.memref_slice %arg9[%dma_start3A_195, %dma_start3A_196] : memref<10240x64xf32, #tpu.memory_space<vmem_shared>> -> memref<10240x64xf32, #tpu.memory_space<vmem_shared>>
        tpu.enqueue_indirect_dma source(%arg8 : memref<128x64xf32, #tpu.memory_space<vmem>>) target(%dma_start3A_197 : memref<10240x64xf32, #tpu.memory_space<vmem_shared>>) offsets(%arg7 : memref<128xi32, #tpu.memory_space<vmem>>) semaphore(%run_scoped3A : memref<!tpu.dma_semaphore, #tpu.memory_space<semaphore_mem>>) {add = true}
        %dma_wait3A_198 = arith.constant 0 : i32
        %dma_wait3A_199 = arith.constant 0 : i32
        %dma_wait3A_200 = tpu.memref_slice %arg9[%dma_wait3A_198, %dma_wait3A_199] : memref<10240x64xf32, #tpu.memory_space<vmem_shared>> -> memref<10240x64xf32, #tpu.memory_space<vmem_shared>>
        tpu.wait_indirect_dma semaphore(%run_scoped3A : memref<!tpu.dma_semaphore, #tpu.memory_space<semaphore_mem>>) src(%arg8 : memref<128x64xf32, #tpu.memory_space<vmem>>) dst(%dma_wait3A_200 : memref<10240x64xf32, #tpu.memory_space<vmem_shared>>)
        tpu.yield
      }) : () -> ()
    }
    %scan3A_33 = arith.constant 157 : i32
    %barrier3A_34 = arith.constant 0 : index
    tpu.barrier barrier_id(%barrier3A_34)
    %mul3A_35 = arith.constant 640 : i32
    %mul3A_36 = arith.muli %arg1, %mul3A_35 : i32
    %mul3A_37 = arith.constant 640 : i32
    %mul3A_38 = arith.muli %arg1, %mul3A_37 : i32
    "tpu.region"() ({
      %run_scoped3A = tpu.sem_alloc : memref<!tpu.dma_semaphore, #tpu.memory_space<semaphore_mem>>
      %dma_start3A = arith.constant 0 : i32
      %dma_start3A_39 = tpu.memref_slice %arg4[%arg0, %mul3A_38, %dma_start3A] : memref<2x10240x64xf32, #tpu.memory_space<hbm>> -> memref<1x640x64xf32, #tpu.memory_space<hbm>>
      %dma_start3A_40 = tpu.memref_squeeze %dma_start3A_39 : memref<1x640x64xf32, #tpu.memory_space<hbm>> -> memref<640x64xf32, #tpu.memory_space<hbm>>
      %dma_start3A_41 = arith.constant 0 : i32
      %dma_start3A_42 = tpu.memref_slice %arg9[%mul3A_36, %dma_start3A_41] : memref<10240x64xf32, #tpu.memory_space<vmem_shared>> -> memref<640x64xf32, #tpu.memory_space<vmem_shared>>
      tpu.enqueue_dma source(%dma_start3A_42 : memref<640x64xf32, #tpu.memory_space<vmem_shared>>) target(%dma_start3A_40 : memref<640x64xf32, #tpu.memory_space<hbm>>) target_semaphore(%run_scoped3A : memref<!tpu.dma_semaphore, #tpu.memory_space<semaphore_mem>>)
      %dma_wait3A = arith.constant 0 : i32
      %dma_wait3A_43 = tpu.memref_slice %arg4[%arg0, %mul3A_38, %dma_wait3A] : memref<2x10240x64xf32, #tpu.memory_space<hbm>> -> memref<1x640x64xf32, #tpu.memory_space<hbm>>
      %dma_wait3A_44 = tpu.memref_squeeze %dma_wait3A_43 : memref<1x640x64xf32, #tpu.memory_space<hbm>> -> memref<640x64xf32, #tpu.memory_space<hbm>>
      %dma_wait3A_45 = arith.constant 0 : i32
      %dma_wait3A_46 = tpu.memref_slice %arg9[%mul3A_36, %dma_wait3A_45] : memref<10240x64xf32, #tpu.memory_space<vmem_shared>> -> memref<640x64xf32, #tpu.memory_space<vmem_shared>>
      tpu.wait_dma2 semaphore(%run_scoped3A : memref<!tpu.dma_semaphore, #tpu.memory_space<semaphore_mem>>) src(%dma_wait3A_46 : memref<640x64xf32, #tpu.memory_space<vmem_shared>>) dst(%dma_wait3A_44 : memref<640x64xf32, #tpu.memory_space<hbm>>)
      tpu.yield
    }) : () -> ()
    return
  }
}

#map = affine_map<(d0, d1) -> (0, 0)>
#map1 = affine_map<(d0, d1) -> (0)>
#map2 = affine_map<(d0, d1) -> (0, 0, 0)>
module attributes {stable_mosaic.version = 14 : i64} {
  func.func @kern(%arg0: i32, %arg1: i32, %arg2: memref<20000x64xf32, #tpu.memory_space<hbm>>, %arg3: memref<321536xi32, #tpu.memory_space<hbm>>, %arg4: memref<2x10240x64xf32, #tpu.memory_space<hbm>>, %arg5: memref<128xi32, #tpu.memory_space<vmem>>, %arg6: memref<128xi32, #tpu.memory_space<vmem>>, %arg7: memref<128xi32, #tpu.memory_space<vmem>>, %arg8: memref<128x64xf32, #tpu.memory_space<vmem>>, %arg9: memref<10240x64xf32, #tpu.memory_space<vmem_shared>>, %arg10: memref<!tpu.dma_semaphore, #tpu.memory_space<semaphore_mem>>) attributes {dimension_semantics = [#tpu.dimension_semantics<core_parallel>, #tpu.dimension_semantics<subcore_parallel>], iteration_bounds = array<i64: 2, 16>, scalar_prefetch = 0 : i64, scratch_operands = 6 : i64, tpu.core_type = #tpu.core_type<sc_vector_subcore>, window_params = [{transform_indices = #map}, {transform_indices = #map1}, {transform_indices = #map2}]} {
    %mul3A = arith.constant 10000 : i32
    %mul3A_0 = arith.muli %arg0, %mul3A : i32
    %broadcast_in_dim3A = arith.constant 0.000000e+00 : f32
    %broadcast_in_dim3A_1 = vector.broadcast %broadcast_in_dim3A : f32 to vector<16xf32>
    %scan3A = arith.constant 0 : i32
    %scan3A_2 = arith.constant 0 : i32
    %scan3A_3 = arith.constant 128 : i32
    %scan3A_4 = arith.addi %scan3A_2, %scan3A_3 : i32
    %scan3A_5 = arith.constant 1 : i32
    scf.for %scan3A_39 = %scan3A_2 to %scan3A_4 step %scan3A_5  : i32 {
      %swap3A = arith.index_cast %scan3A_39 : i32 to index
      %swap3A_40 = arith.constant 0 : index
      %swap3A_41 = tpu.vector_load %arg8[%swap3A, %swap3A_40] {strides = array<i32>} : memref<128x64xf32, #tpu.memory_space<vmem>>, vector<1x16xf32>,
      %swap3A_42 = vector.shape_cast %swap3A_41 : vector<1x16xf32> to vector<16xf32>
      %swap3A_43 = vector.shape_cast %broadcast_in_dim3A_1 : vector<16xf32> to vector<1x16xf32>
      tpu.vector_store %arg8[%swap3A, %swap3A_40], %swap3A_43 {strides = array<i32>} : memref<128x64xf32, #tpu.memory_space<vmem>>, vector<1x16xf32>,
      %swap3A_44 = arith.index_cast %scan3A_39 : i32 to index
      %swap3A_45 = arith.constant 16 : index
      %swap3A_46 = tpu.vector_load %arg8[%swap3A_44, %swap3A_45] {strides = array<i32>} : memref<128x64xf32, #tpu.memory_space<vmem>>, vector<1x16xf32>,
      %swap3A_47 = vector.shape_cast %swap3A_46 : vector<1x16xf32> to vector<16xf32>
      %swap3A_48 = vector.shape_cast %broadcast_in_dim3A_1 : vector<16xf32> to vector<1x16xf32>
      tpu.vector_store %arg8[%swap3A_44, %swap3A_45], %swap3A_48 {strides = array<i32>} : memref<128x64xf32, #tpu.memory_space<vmem>>, vector<1x16xf32>,
      %swap3A_49 = arith.index_cast %scan3A_39 : i32 to index
      %swap3A_50 = arith.constant 32 : index
      %swap3A_51 = tpu.vector_load %arg8[%swap3A_49, %swap3A_50] {strides = array<i32>} : memref<128x64xf32, #tpu.memory_space<vmem>>, vector<1x16xf32>,
      %swap3A_52 = vector.shape_cast %swap3A_51 : vector<1x16xf32> to vector<16xf32>
      %swap3A_53 = vector.shape_cast %broadcast_in_dim3A_1 : vector<16xf32> to vector<1x16xf32>
      tpu.vector_store %arg8[%swap3A_49, %swap3A_50], %swap3A_53 {strides = array<i32>} : memref<128x64xf32, #tpu.memory_space<vmem>>, vector<1x16xf32>,
      %swap3A_54 = arith.index_cast %scan3A_39 : i32 to index
      %swap3A_55 = arith.constant 48 : index
      %swap3A_56 = tpu.vector_load %arg8[%swap3A_54, %swap3A_55] {strides = array<i32>} : memref<128x64xf32, #tpu.memory_space<vmem>>, vector<1x16xf32>,
      %swap3A_57 = vector.shape_cast %swap3A_56 : vector<1x16xf32> to vector<16xf32>
      %swap3A_58 = vector.shape_cast %broadcast_in_dim3A_1 : vector<16xf32> to vector<1x16xf32>
      tpu.vector_store %arg8[%swap3A_54, %swap3A_55], %swap3A_58 {strides = array<i32>} : memref<128x64xf32, #tpu.memory_space<vmem>>, vector<1x16xf32>,
    }
    %scan3A_6 = arith.constant 128 : i32
    %mul3A_7 = arith.constant 640 : i32
    %mul3A_8 = arith.muli %arg1, %mul3A_7 : i32
    %add3A = arith.constant 0 : i32
    %add3A_9 = arith.addi %mul3A_8, %add3A : i32
    "tpu.region"() ({
      %run_scoped3A = tpu.sem_alloc : memref<!tpu.dma_semaphore, #tpu.memory_space<semaphore_mem>>
      %dma_start3A = arith.constant 0 : i32
      %dma_start3A_39 = tpu.memref_slice %arg9[%add3A_9, %dma_start3A] : memref<10240x64xf32, #tpu.memory_space<vmem_shared>> -> memref<128x64xf32, #tpu.memory_space<vmem_shared>>
      %dma_start3A_40 = arith.constant 0 : i32
      %dma_start3A_41 = tpu.memref_slice %arg9[%add3A_9, %dma_start3A_40] : memref<10240x64xf32, #tpu.memory_space<vmem_shared>> -> memref<128x64xf32, #tpu.memory_space<vmem_shared>>
      tpu.enqueue_dma source(%arg8 : memref<128x64xf32, #tpu.memory_space<vmem>>) target(%dma_start3A_41 : memref<128x64xf32, #tpu.memory_space<vmem_shared>>) target_semaphore(%run_scoped3A : memref<!tpu.dma_semaphore, #tpu.memory_space<semaphore_mem>>)
      %dma_wait3A = arith.constant 0 : i32
      %dma_wait3A_42 = tpu.memref_slice %arg9[%add3A_9, %dma_wait3A] : memref<10240x64xf32, #tpu.memory_space<vmem_shared>> -> memref<128x64xf32, #tpu.memory_space<vmem_shared>>
      %dma_wait3A_43 = arith.constant 0 : i32
      %dma_wait3A_44 = tpu.memref_slice %arg9[%add3A_9, %dma_wait3A_43] : memref<10240x64xf32, #tpu.memory_space<vmem_shared>> -> memref<128x64xf32, #tpu.memory_space<vmem_shared>>
      tpu.wait_dma2 semaphore(%run_scoped3A : memref<!tpu.dma_semaphore, #tpu.memory_space<semaphore_mem>>) src(%arg8 : memref<128x64xf32, #tpu.memory_space<vmem>>) dst(%dma_wait3A_44 : memref<128x64xf32, #tpu.memory_space<vmem_shared>>)
      tpu.yield
    }) : () -> ()
    %mul3A_10 = arith.constant 640 : i32
    %mul3A_11 = arith.muli %arg1, %mul3A_10 : i32
    %add3A_12 = arith.constant 128 : i32
    %add3A_13 = arith.addi %mul3A_11, %add3A_12 : i32
    "tpu.region"() ({
      %run_scoped3A = tpu.sem_alloc : memref<!tpu.dma_semaphore, #tpu.memory_space<semaphore_mem>>
      %dma_start3A = arith.constant 0 : i32
      %dma_start3A_39 = tpu.memref_slice %arg9[%add3A_13, %dma_start3A] : memref<10240x64xf32, #tpu.memory_space<vmem_shared>> -> memref<128x64xf32, #tpu.memory_space<vmem_shared>>
      %dma_start3A_40 = arith.constant 0 : i32
      %dma_start3A_41 = tpu.memref_slice %arg9[%add3A_13, %dma_start3A_40] : memref<10240x64xf32, #tpu.memory_space<vmem_shared>> -> memref<128x64xf32, #tpu.memory_space<vmem_shared>>
      tpu.enqueue_dma source(%arg8 : memref<128x64xf32, #tpu.memory_space<vmem>>) target(%dma_start3A_41 : memref<128x64xf32, #tpu.memory_space<vmem_shared>>) target_semaphore(%run_scoped3A : memref<!tpu.dma_semaphore, #tpu.memory_space<semaphore_mem>>)
      %dma_wait3A = arith.constant 0 : i32
      %dma_wait3A_42 = tpu.memref_slice %arg9[%add3A_13, %dma_wait3A] : memref<10240x64xf32, #tpu.memory_space<vmem_shared>> -> memref<128x64xf32, #tpu.memory_space<vmem_shared>>
      %dma_wait3A_43 = arith.constant 0 : i32
      %dma_wait3A_44 = tpu.memref_slice %arg9[%add3A_13, %dma_wait3A_43] : memref<10240x64xf32, #tpu.memory_space<vmem_shared>> -> memref<128x64xf32, #tpu.memory_space<vmem_shared>>
      tpu.wait_dma2 semaphore(%run_scoped3A : memref<!tpu.dma_semaphore, #tpu.memory_space<semaphore_mem>>) src(%arg8 : memref<128x64xf32, #tpu.memory_space<vmem>>) dst(%dma_wait3A_44 : memref<128x64xf32, #tpu.memory_space<vmem_shared>>)
      tpu.yield
    }) : () -> ()
    %mul3A_14 = arith.constant 640 : i32
    %mul3A_15 = arith.muli %arg1, %mul3A_14 : i32
    %add3A_16 = arith.constant 256 : i32
    %add3A_17 = arith.addi %mul3A_15, %add3A_16 : i32
    "tpu.region"() ({
      %run_scoped3A = tpu.sem_alloc : memref<!tpu.dma_semaphore, #tpu.memory_space<semaphore_mem>>
      %dma_start3A = arith.constant 0 : i32
      %dma_start3A_39 = tpu.memref_slice %arg9[%add3A_17, %dma_start3A] : memref<10240x64xf32, #tpu.memory_space<vmem_shared>> -> memref<128x64xf32, #tpu.memory_space<vmem_shared>>
      %dma_start3A_40 = arith.constant 0 : i32
      %dma_start3A_41 = tpu.memref_slice %arg9[%add3A_17, %dma_start3A_40] : memref<10240x64xf32, #tpu.memory_space<vmem_shared>> -> memref<128x64xf32, #tpu.memory_space<vmem_shared>>
      tpu.enqueue_dma source(%arg8 : memref<128x64xf32, #tpu.memory_space<vmem>>) target(%dma_start3A_41 : memref<128x64xf32, #tpu.memory_space<vmem_shared>>) target_semaphore(%run_scoped3A : memref<!tpu.dma_semaphore, #tpu.memory_space<semaphore_mem>>)
      %dma_wait3A = arith.constant 0 : i32
      %dma_wait3A_42 = tpu.memref_slice %arg9[%add3A_17, %dma_wait3A] : memref<10240x64xf32, #tpu.memory_space<vmem_shared>> -> memref<128x64xf32, #tpu.memory_space<vmem_shared>>
      %dma_wait3A_43 = arith.constant 0 : i32
      %dma_wait3A_44 = tpu.memref_slice %arg9[%add3A_17, %dma_wait3A_43] : memref<10240x64xf32, #tpu.memory_space<vmem_shared>> -> memref<128x64xf32, #tpu.memory_space<vmem_shared>>
      tpu.wait_dma2 semaphore(%run_scoped3A : memref<!tpu.dma_semaphore, #tpu.memory_space<semaphore_mem>>) src(%arg8 : memref<128x64xf32, #tpu.memory_space<vmem>>) dst(%dma_wait3A_44 : memref<128x64xf32, #tpu.memory_space<vmem_shared>>)
      tpu.yield
    }) : () -> ()
    %mul3A_18 = arith.constant 640 : i32
    %mul3A_19 = arith.muli %arg1, %mul3A_18 : i32
    %add3A_20 = arith.constant 384 : i32
    %add3A_21 = arith.addi %mul3A_19, %add3A_20 : i32
    "tpu.region"() ({
      %run_scoped3A = tpu.sem_alloc : memref<!tpu.dma_semaphore, #tpu.memory_space<semaphore_mem>>
      %dma_start3A = arith.constant 0 : i32
      %dma_start3A_39 = tpu.memref_slice %arg9[%add3A_21, %dma_start3A] : memref<10240x64xf32, #tpu.memory_space<vmem_shared>> -> memref<128x64xf32, #tpu.memory_space<vmem_shared>>
      %dma_start3A_40 = arith.constant 0 : i32
      %dma_start3A_41 = tpu.memref_slice %arg9[%add3A_21, %dma_start3A_40] : memref<10240x64xf32, #tpu.memory_space<vmem_shared>> -> memref<128x64xf32, #tpu.memory_space<vmem_shared>>
      tpu.enqueue_dma source(%arg8 : memref<128x64xf32, #tpu.memory_space<vmem>>) target(%dma_start3A_41 : memref<128x64xf32, #tpu.memory_space<vmem_shared>>) target_semaphore(%run_scoped3A : memref<!tpu.dma_semaphore, #tpu.memory_space<semaphore_mem>>)
      %dma_wait3A = arith.constant 0 : i32
      %dma_wait3A_42 = tpu.memref_slice %arg9[%add3A_21, %dma_wait3A] : memref<10240x64xf32, #tpu.memory_space<vmem_shared>> -> memref<128x64xf32, #tpu.memory_space<vmem_shared>>
      %dma_wait3A_43 = arith.constant 0 : i32
      %dma_wait3A_44 = tpu.memref_slice %arg9[%add3A_21, %dma_wait3A_43] : memref<10240x64xf32, #tpu.memory_space<vmem_shared>> -> memref<128x64xf32, #tpu.memory_space<vmem_shared>>
      tpu.wait_dma2 semaphore(%run_scoped3A : memref<!tpu.dma_semaphore, #tpu.memory_space<semaphore_mem>>) src(%arg8 : memref<128x64xf32, #tpu.memory_space<vmem>>) dst(%dma_wait3A_44 : memref<128x64xf32, #tpu.memory_space<vmem_shared>>)
      tpu.yield
    }) : () -> ()
    %mul3A_22 = arith.constant 640 : i32
    %mul3A_23 = arith.muli %arg1, %mul3A_22 : i32
    %add3A_24 = arith.constant 512 : i32
    %add3A_25 = arith.addi %mul3A_23, %add3A_24 : i32
    "tpu.region"() ({
      %run_scoped3A = tpu.sem_alloc : memref<!tpu.dma_semaphore, #tpu.memory_space<semaphore_mem>>
      %dma_start3A = arith.constant 0 : i32
      %dma_start3A_39 = tpu.memref_slice %arg9[%add3A_25, %dma_start3A] : memref<10240x64xf32, #tpu.memory_space<vmem_shared>> -> memref<128x64xf32, #tpu.memory_space<vmem_shared>>
      %dma_start3A_40 = arith.constant 0 : i32
      %dma_start3A_41 = tpu.memref_slice %arg9[%add3A_25, %dma_start3A_40] : memref<10240x64xf32, #tpu.memory_space<vmem_shared>> -> memref<128x64xf32, #tpu.memory_space<vmem_shared>>
      tpu.enqueue_dma source(%arg8 : memref<128x64xf32, #tpu.memory_space<vmem>>) target(%dma_start3A_41 : memref<128x64xf32, #tpu.memory_space<vmem_shared>>) target_semaphore(%run_scoped3A : memref<!tpu.dma_semaphore, #tpu.memory_space<semaphore_mem>>)
      %dma_wait3A = arith.constant 0 : i32
      %dma_wait3A_42 = tpu.memref_slice %arg9[%add3A_25, %dma_wait3A] : memref<10240x64xf32, #tpu.memory_space<vmem_shared>> -> memref<128x64xf32, #tpu.memory_space<vmem_shared>>
      %dma_wait3A_43 = arith.constant 0 : i32
      %dma_wait3A_44 = tpu.memref_slice %arg9[%add3A_25, %dma_wait3A_43] : memref<10240x64xf32, #tpu.memory_space<vmem_shared>> -> memref<128x64xf32, #tpu.memory_space<vmem_shared>>
      tpu.wait_dma2 semaphore(%run_scoped3A : memref<!tpu.dma_semaphore, #tpu.memory_space<semaphore_mem>>) src(%arg8 : memref<128x64xf32, #tpu.memory_space<vmem>>) dst(%dma_wait3A_44 : memref<128x64xf32, #tpu.memory_space<vmem_shared>>)
      tpu.yield
    }) : () -> ()
    %barrier3A = arith.constant 0 : index
    tpu.barrier barrier_id(%barrier3A)
    %mul3A_26 = arith.constant 20096 : i32
    %mul3A_27 = arith.muli %arg1, %mul3A_26 : i32
    %scan3A_28 = arith.constant 0 : i32
    %scan3A_29 = arith.constant 0 : i32
    %scan3A_30 = arith.constant 157 : i32
    %scan3A_31 = arith.addi %scan3A_29, %scan3A_30 : i32
    %scan3A_32 = arith.constant 1 : i32
    scf.for %scan3A_39 = %scan3A_29 to %scan3A_31 step %scan3A_32  : i32 {
      %mul3A_40 = arith.constant 128 : i32
      %mul3A_41 = arith.muli %scan3A_39, %mul3A_40 : i32
      %add3A_42 = arith.addi %mul3A_27, %mul3A_41 : i32
      "tpu.region"() ({
        %run_scoped3A = tpu.sem_alloc : memref<!tpu.dma_semaphore, #tpu.memory_space<semaphore_mem>>
        %dma_start3A_195 = tpu.memref_slice %arg3[%add3A_42] : memref<321536xi32, #tpu.memory_space<hbm>> -> memref<128xi32, #tpu.memory_space<hbm>>
        %dma_start3A_196 = tpu.memref_slice %arg3[%add3A_42] : memref<321536xi32, #tpu.memory_space<hbm>> -> memref<128xi32, #tpu.memory_space<hbm>>
        tpu.enqueue_dma source(%dma_start3A_196 : memref<128xi32, #tpu.memory_space<hbm>>) target(%arg5 : memref<128xi32, #tpu.memory_space<vmem>>) target_semaphore(%run_scoped3A : memref<!tpu.dma_semaphore, #tpu.memory_space<semaphore_mem>>)
        %dma_wait3A_197 = tpu.memref_slice %arg3[%add3A_42] : memref<321536xi32, #tpu.memory_space<hbm>> -> memref<128xi32, #tpu.memory_space<hbm>>
        %dma_wait3A_198 = tpu.memref_slice %arg3[%add3A_42] : memref<321536xi32, #tpu.memory_space<hbm>> -> memref<128xi32, #tpu.memory_space<hbm>>
        tpu.wait_dma2 semaphore(%run_scoped3A : memref<!tpu.dma_semaphore, #tpu.memory_space<semaphore_mem>>) src(%dma_wait3A_198 : memref<128xi32, #tpu.memory_space<hbm>>) dst(%arg5 : memref<128xi32, #tpu.memory_space<vmem>>)
        tpu.yield
      }) : () -> ()
      %get3A = arith.constant 0 : index
      %get3A_43 = tpu.vector_load %arg5[%get3A] {strides = array<i32>} : memref<128xi32, #tpu.memory_space<vmem>>, vector<16xi32>,
      %get3A_44 = vector.shape_cast %get3A_43 : vector<16xi32> to vector<16xi32>
      %and3A = arith.constant 32767 : i32
      %and3A_45 = vector.broadcast %and3A : i32 to vector<16xi32>
      %and3A_46 = arith.andi %get3A_44, %and3A_45 : vector<16xi32>
      %add3A_47 = vector.broadcast %mul3A_0 : i32 to vector<16xi32>
      %add3A_48 = arith.addi %and3A_46, %add3A_47 : vector<16xi32>
      %swap3A = arith.constant 0 : index
      %swap3A_49 = tpu.vector_load %arg6[%swap3A] {strides = array<i32>} : memref<128xi32, #tpu.memory_space<vmem>>, vector<16xi32>,
      %swap3A_50 = vector.shape_cast %swap3A_49 : vector<16xi32> to vector<16xi32>
      %swap3A_51 = vector.shape_cast %add3A_48 : vector<16xi32> to vector<16xi32>
      tpu.vector_store %arg6[%swap3A], %swap3A_51 {strides = array<i32>} : memref<128xi32, #tpu.memory_space<vmem>>, vector<16xi32>,
      %shift_right_arithmetic3A = arith.constant 15 : i32
      %shift_right_arithmetic3A_52 = vector.broadcast %shift_right_arithmetic3A : i32 to vector<16xi32>
      %shift_right_arithmetic3A_53 = arith.shrsi %get3A_44, %shift_right_arithmetic3A_52 : vector<16xi32>
      %swap3A_54 = arith.constant 0 : index
      %swap3A_55 = tpu.vector_load %arg7[%swap3A_54] {strides = array<i32>} : memref<128xi32, #tpu.memory_space<vmem>>, vector<16xi32>,
      %swap3A_56 = vector.shape_cast %swap3A_55 : vector<16xi32> to vector<16xi32>
      %swap3A_57 = vector.shape_cast %shift_right_arithmetic3A_53 : vector<16xi32> to vector<16xi32>
      tpu.vector_store %arg7[%swap3A_54], %swap3A_57 {strides = array<i32>} : memref<128xi32, #tpu.memory_space<vmem>>, vector<16xi32>,
      %get3A_58 = arith.constant 16 : index
      %get3A_59 = tpu.vector_load %arg5[%get3A_58] {strides = array<i32>} : memref<128xi32, #tpu.memory_space<vmem>>, vector<16xi32>,
      %get3A_60 = vector.shape_cast %get3A_59 : vector<16xi32> to vector<16xi32>
      %and3A_61 = arith.constant 32767 : i32
      %and3A_62 = vector.broadcast %and3A_61 : i32 to vector<16xi32>
      %and3A_63 = arith.andi %get3A_60, %and3A_62 : vector<16xi32>
      %add3A_64 = vector.broadcast %mul3A_0 : i32 to vector<16xi32>
      %add3A_65 = arith.addi %and3A_63, %add3A_64 : vector<16xi32>
      %swap3A_66 = arith.constant 16 : index
      %swap3A_67 = tpu.vector_load %arg6[%swap3A_66] {strides = array<i32>} : memref<128xi32, #tpu.memory_space<vmem>>, vector<16xi32>,
      %swap3A_68 = vector.shape_cast %swap3A_67 : vector<16xi32> to vector<16xi32>
      %swap3A_69 = vector.shape_cast %add3A_65 : vector<16xi32> to vector<16xi32>
      tpu.vector_store %arg6[%swap3A_66], %swap3A_69 {strides = array<i32>} : memref<128xi32, #tpu.memory_space<vmem>>, vector<16xi32>,
      %shift_right_arithmetic3A_70 = arith.constant 15 : i32
      %shift_right_arithmetic3A_71 = vector.broadcast %shift_right_arithmetic3A_70 : i32 to vector<16xi32>
      %shift_right_arithmetic3A_72 = arith.shrsi %get3A_60, %shift_right_arithmetic3A_71 : vector<16xi32>
      %swap3A_73 = arith.constant 16 : index
      %swap3A_74 = tpu.vector_load %arg7[%swap3A_73] {strides = array<i32>} : memref<128xi32, #tpu.memory_space<vmem>>, vector<16xi32>,
      %swap3A_75 = vector.shape_cast %swap3A_74 : vector<16xi32> to vector<16xi32>
      %swap3A_76 = vector.shape_cast %shift_right_arithmetic3A_72 : vector<16xi32> to vector<16xi32>
      tpu.vector_store %arg7[%swap3A_73], %swap3A_76 {strides = array<i32>} : memref<128xi32, #tpu.memory_space<vmem>>, vector<16xi32>,
      %get3A_77 = arith.constant 32 : index
      %get3A_78 = tpu.vector_load %arg5[%get3A_77] {strides = array<i32>} : memref<128xi32, #tpu.memory_space<vmem>>, vector<16xi32>,
      %get3A_79 = vector.shape_cast %get3A_78 : vector<16xi32> to vector<16xi32>
      %and3A_80 = arith.constant 32767 : i32
      %and3A_81 = vector.broadcast %and3A_80 : i32 to vector<16xi32>
      %and3A_82 = arith.andi %get3A_79, %and3A_81 : vector<16xi32>
      %add3A_83 = vector.broadcast %mul3A_0 : i32 to vector<16xi32>
      %add3A_84 = arith.addi %and3A_82, %add3A_83 : vector<16xi32>
      %swap3A_85 = arith.constant 32 : index
      %swap3A_86 = tpu.vector_load %arg6[%swap3A_85] {strides = array<i32>} : memref<128xi32, #tpu.memory_space<vmem>>, vector<16xi32>,
      %swap3A_87 = vector.shape_cast %swap3A_86 : vector<16xi32> to vector<16xi32>
      %swap3A_88 = vector.shape_cast %add3A_84 : vector<16xi32> to vector<16xi32>
      tpu.vector_store %arg6[%swap3A_85], %swap3A_88 {strides = array<i32>} : memref<128xi32, #tpu.memory_space<vmem>>, vector<16xi32>,
      %shift_right_arithmetic3A_89 = arith.constant 15 : i32
      %shift_right_arithmetic3A_90 = vector.broadcast %shift_right_arithmetic3A_89 : i32 to vector<16xi32>
      %shift_right_arithmetic3A_91 = arith.shrsi %get3A_79, %shift_right_arithmetic3A_90 : vector<16xi32>
      %swap3A_92 = arith.constant 32 : index
      %swap3A_93 = tpu.vector_load %arg7[%swap3A_92] {strides = array<i32>} : memref<128xi32, #tpu.memory_space<vmem>>, vector<16xi32>,
      %swap3A_94 = vector.shape_cast %swap3A_93 : vector<16xi32> to vector<16xi32>
      %swap3A_95 = vector.shape_cast %shift_right_arithmetic3A_91 : vector<16xi32> to vector<16xi32>
      tpu.vector_store %arg7[%swap3A_92], %swap3A_95 {strides = array<i32>} : memref<128xi32, #tpu.memory_space<vmem>>, vector<16xi32>,
      %get3A_96 = arith.constant 48 : index
      %get3A_97 = tpu.vector_load %arg5[%get3A_96] {strides = array<i32>} : memref<128xi32, #tpu.memory_space<vmem>>, vector<16xi32>,
      %get3A_98 = vector.shape_cast %get3A_97 : vector<16xi32> to vector<16xi32>
      %and3A_99 = arith.constant 32767 : i32
      %and3A_100 = vector.broadcast %and3A_99 : i32 to vector<16xi32>
      %and3A_101 = arith.andi %get3A_98, %and3A_100 : vector<16xi32>
      %add3A_102 = vector.broadcast %mul3A_0 : i32 to vector<16xi32>
      %add3A_103 = arith.addi %and3A_101, %add3A_102 : vector<16xi32>
      %swap3A_104 = arith.constant 48 : index
      %swap3A_105 = tpu.vector_load %arg6[%swap3A_104] {strides = array<i32>} : memref<128xi32, #tpu.memory_space<vmem>>, vector<16xi32>,
      %swap3A_106 = vector.shape_cast %swap3A_105 : vector<16xi32> to vector<16xi32>
      %swap3A_107 = vector.shape_cast %add3A_103 : vector<16xi32> to vector<16xi32>
      tpu.vector_store %arg6[%swap3A_104], %swap3A_107 {strides = array<i32>} : memref<128xi32, #tpu.memory_space<vmem>>, vector<16xi32>,
      %shift_right_arithmetic3A_108 = arith.constant 15 : i32
      %shift_right_arithmetic3A_109 = vector.broadcast %shift_right_arithmetic3A_108 : i32 to vector<16xi32>
      %shift_right_arithmetic3A_110 = arith.shrsi %get3A_98, %shift_right_arithmetic3A_109 : vector<16xi32>
      %swap3A_111 = arith.constant 48 : index
      %swap3A_112 = tpu.vector_load %arg7[%swap3A_111] {strides = array<i32>} : memref<128xi32, #tpu.memory_space<vmem>>, vector<16xi32>,
      %swap3A_113 = vector.shape_cast %swap3A_112 : vector<16xi32> to vector<16xi32>
      %swap3A_114 = vector.shape_cast %shift_right_arithmetic3A_110 : vector<16xi32> to vector<16xi32>
      tpu.vector_store %arg7[%swap3A_111], %swap3A_114 {strides = array<i32>} : memref<128xi32, #tpu.memory_space<vmem>>, vector<16xi32>,
      %get3A_115 = arith.constant 64 : index
      %get3A_116 = tpu.vector_load %arg5[%get3A_115] {strides = array<i32>} : memref<128xi32, #tpu.memory_space<vmem>>, vector<16xi32>,
      %get3A_117 = vector.shape_cast %get3A_116 : vector<16xi32> to vector<16xi32>
      %and3A_118 = arith.constant 32767 : i32
      %and3A_119 = vector.broadcast %and3A_118 : i32 to vector<16xi32>
      %and3A_120 = arith.andi %get3A_117, %and3A_119 : vector<16xi32>
      %add3A_121 = vector.broadcast %mul3A_0 : i32 to vector<16xi32>
      %add3A_122 = arith.addi %and3A_120, %add3A_121 : vector<16xi32>
      %swap3A_123 = arith.constant 64 : index
      %swap3A_124 = tpu.vector_load %arg6[%swap3A_123] {strides = array<i32>} : memref<128xi32, #tpu.memory_space<vmem>>, vector<16xi32>,
      %swap3A_125 = vector.shape_cast %swap3A_124 : vector<16xi32> to vector<16xi32>
      %swap3A_126 = vector.shape_cast %add3A_122 : vector<16xi32> to vector<16xi32>
      tpu.vector_store %arg6[%swap3A_123], %swap3A_126 {strides = array<i32>} : memref<128xi32, #tpu.memory_space<vmem>>, vector<16xi32>,
      %shift_right_arithmetic3A_127 = arith.constant 15 : i32
      %shift_right_arithmetic3A_128 = vector.broadcast %shift_right_arithmetic3A_127 : i32 to vector<16xi32>
      %shift_right_arithmetic3A_129 = arith.shrsi %get3A_117, %shift_right_arithmetic3A_128 : vector<16xi32>
      %swap3A_130 = arith.constant 64 : index
      %swap3A_131 = tpu.vector_load %arg7[%swap3A_130] {strides = array<i32>} : memref<128xi32, #tpu.memory_space<vmem>>, vector<16xi32>,
      %swap3A_132 = vector.shape_cast %swap3A_131 : vector<16xi32> to vector<16xi32>
      %swap3A_133 = vector.shape_cast %shift_right_arithmetic3A_129 : vector<16xi32> to vector<16xi32>
      tpu.vector_store %arg7[%swap3A_130], %swap3A_133 {strides = array<i32>} : memref<128xi32, #tpu.memory_space<vmem>>, vector<16xi32>,
      %get3A_134 = arith.constant 80 : index
      %get3A_135 = tpu.vector_load %arg5[%get3A_134] {strides = array<i32>} : memref<128xi32, #tpu.memory_space<vmem>>, vector<16xi32>,
      %get3A_136 = vector.shape_cast %get3A_135 : vector<16xi32> to vector<16xi32>
      %and3A_137 = arith.constant 32767 : i32
      %and3A_138 = vector.broadcast %and3A_137 : i32 to vector<16xi32>
      %and3A_139 = arith.andi %get3A_136, %and3A_138 : vector<16xi32>
      %add3A_140 = vector.broadcast %mul3A_0 : i32 to vector<16xi32>
      %add3A_141 = arith.addi %and3A_139, %add3A_140 : vector<16xi32>
      %swap3A_142 = arith.constant 80 : index
      %swap3A_143 = tpu.vector_load %arg6[%swap3A_142] {strides = array<i32>} : memref<128xi32, #tpu.memory_space<vmem>>, vector<16xi32>,
      %swap3A_144 = vector.shape_cast %swap3A_143 : vector<16xi32> to vector<16xi32>
      %swap3A_145 = vector.shape_cast %add3A_141 : vector<16xi32> to vector<16xi32>
      tpu.vector_store %arg6[%swap3A_142], %swap3A_145 {strides = array<i32>} : memref<128xi32, #tpu.memory_space<vmem>>, vector<16xi32>,
      %shift_right_arithmetic3A_146 = arith.constant 15 : i32
      %shift_right_arithmetic3A_147 = vector.broadcast %shift_right_arithmetic3A_146 : i32 to vector<16xi32>
      %shift_right_arithmetic3A_148 = arith.shrsi %get3A_136, %shift_right_arithmetic3A_147 : vector<16xi32>
      %swap3A_149 = arith.constant 80 : index
      %swap3A_150 = tpu.vector_load %arg7[%swap3A_149] {strides = array<i32>} : memref<128xi32, #tpu.memory_space<vmem>>, vector<16xi32>,
      %swap3A_151 = vector.shape_cast %swap3A_150 : vector<16xi32> to vector<16xi32>
      %swap3A_152 = vector.shape_cast %shift_right_arithmetic3A_148 : vector<16xi32> to vector<16xi32>
      tpu.vector_store %arg7[%swap3A_149], %swap3A_152 {strides = array<i32>} : memref<128xi32, #tpu.memory_space<vmem>>, vector<16xi32>,
      %get3A_153 = arith.constant 96 : index
      %get3A_154 = tpu.vector_load %arg5[%get3A_153] {strides = array<i32>} : memref<128xi32, #tpu.memory_space<vmem>>, vector<16xi32>,
      %get3A_155 = vector.shape_cast %get3A_154 : vector<16xi32> to vector<16xi32>
      %and3A_156 = arith.constant 32767 : i32
      %and3A_157 = vector.broadcast %and3A_156 : i32 to vector<16xi32>
      %and3A_158 = arith.andi %get3A_155, %and3A_157 : vector<16xi32>
      %add3A_159 = vector.broadcast %mul3A_0 : i32 to vector<16xi32>
      %add3A_160 = arith.addi %and3A_158, %add3A_159 : vector<16xi32>
      %swap3A_161 = arith.constant 96 : index
      %swap3A_162 = tpu.vector_load %arg6[%swap3A_161] {strides = array<i32>} : memref<128xi32, #tpu.memory_space<vmem>>, vector<16xi32>,
      %swap3A_163 = vector.shape_cast %swap3A_162 : vector<16xi32> to vector<16xi32>
      %swap3A_164 = vector.shape_cast %add3A_160 : vector<16xi32> to vector<16xi32>
      tpu.vector_store %arg6[%swap3A_161], %swap3A_164 {strides = array<i32>} : memref<128xi32, #tpu.memory_space<vmem>>, vector<16xi32>,
      %shift_right_arithmetic3A_165 = arith.constant 15 : i32
      %shift_right_arithmetic3A_166 = vector.broadcast %shift_right_arithmetic3A_165 : i32 to vector<16xi32>
      %shift_right_arithmetic3A_167 = arith.shrsi %get3A_155, %shift_right_arithmetic3A_166 : vector<16xi32>
      %swap3A_168 = arith.constant 96 : index
      %swap3A_169 = tpu.vector_load %arg7[%swap3A_168] {strides = array<i32>} : memref<128xi32, #tpu.memory_space<vmem>>, vector<16xi32>,
      %swap3A_170 = vector.shape_cast %swap3A_169 : vector<16xi32> to vector<16xi32>
      %swap3A_171 = vector.shape_cast %shift_right_arithmetic3A_167 : vector<16xi32> to vector<16xi32>
      tpu.vector_store %arg7[%swap3A_168], %swap3A_171 {strides = array<i32>} : memref<128xi32, #tpu.memory_space<vmem>>, vector<16xi32>,
      %get3A_172 = arith.constant 112 : index
      %get3A_173 = tpu.vector_load %arg5[%get3A_172] {strides = array<i32>} : memref<128xi32, #tpu.memory_space<vmem>>, vector<16xi32>,
      %get3A_174 = vector.shape_cast %get3A_173 : vector<16xi32> to vector<16xi32>
      %and3A_175 = arith.constant 32767 : i32
      %and3A_176 = vector.broadcast %and3A_175 : i32 to vector<16xi32>
      %and3A_177 = arith.andi %get3A_174, %and3A_176 : vector<16xi32>
      %add3A_178 = vector.broadcast %mul3A_0 : i32 to vector<16xi32>
      %add3A_179 = arith.addi %and3A_177, %add3A_178 : vector<16xi32>
      %swap3A_180 = arith.constant 112 : index
      %swap3A_181 = tpu.vector_load %arg6[%swap3A_180] {strides = array<i32>} : memref<128xi32, #tpu.memory_space<vmem>>, vector<16xi32>,
      %swap3A_182 = vector.shape_cast %swap3A_181 : vector<16xi32> to vector<16xi32>
      %swap3A_183 = vector.shape_cast %add3A_179 : vector<16xi32> to vector<16xi32>
      tpu.vector_store %arg6[%swap3A_180], %swap3A_183 {strides = array<i32>} : memref<128xi32, #tpu.memory_space<vmem>>, vector<16xi32>,
      %shift_right_arithmetic3A_184 = arith.constant 15 : i32
      %shift_right_arithmetic3A_185 = vector.broadcast %shift_right_arithmetic3A_184 : i32 to vector<16xi32>
      %shift_right_arithmetic3A_186 = arith.shrsi %get3A_174, %shift_right_arithmetic3A_185 : vector<16xi32>
      %swap3A_187 = arith.constant 112 : index
      %swap3A_188 = tpu.vector_load %arg7[%swap3A_187] {strides = array<i32>} : memref<128xi32, #tpu.memory_space<vmem>>, vector<16xi32>,
      %swap3A_189 = vector.shape_cast %swap3A_188 : vector<16xi32> to vector<16xi32>
      %swap3A_190 = vector.shape_cast %shift_right_arithmetic3A_186 : vector<16xi32> to vector<16xi32>
      tpu.vector_store %arg7[%swap3A_187], %swap3A_190 {strides = array<i32>} : memref<128xi32, #tpu.memory_space<vmem>>, vector<16xi32>,
      %dma_start3A = arith.constant 0 : i32
      %dma_start3A_191 = arith.constant 0 : i32
      %dma_start3A_192 = tpu.memref_slice %arg2[%dma_start3A, %dma_start3A_191] : memref<20000x64xf32, #tpu.memory_space<hbm>> -> memref<20000x64xf32, #tpu.memory_space<hbm>>
      tpu.enqueue_indirect_dma source(%dma_start3A_192 : memref<20000x64xf32, #tpu.memory_space<hbm>>) target(%arg8 : memref<128x64xf32, #tpu.memory_space<vmem>>) offsets(%arg6 : memref<128xi32, #tpu.memory_space<vmem>>) semaphore(%arg10 : memref<!tpu.dma_semaphore, #tpu.memory_space<semaphore_mem>>)
      %dma_wait3A = arith.constant 0 : i32
      %dma_wait3A_193 = arith.constant 0 : i32
      %dma_wait3A_194 = tpu.memref_slice %arg2[%dma_wait3A, %dma_wait3A_193] : memref<20000x64xf32, #tpu.memory_space<hbm>> -> memref<20000x64xf32, #tpu.memory_space<hbm>>
      tpu.wait_indirect_dma semaphore(%arg10 : memref<!tpu.dma_semaphore, #tpu.memory_space<semaphore_mem>>) src(%dma_wait3A_194 : memref<20000x64xf32, #tpu.memory_space<hbm>>) dst(%arg8 : memref<128x64xf32, #tpu.memory_space<vmem>>)
      "tpu.region"() ({
        %run_scoped3A = tpu.sem_alloc : memref<!tpu.dma_semaphore, #tpu.memory_space<semaphore_mem>>
        %dma_start3A_195 = arith.constant 0 : i32
        %dma_start3A_196 = arith.constant 0 : i32
        %dma_start3A_197 = tpu.memref_slice %arg9[%dma_start3A_195, %dma_start3A_196] : memref<10240x64xf32, #tpu.memory_space<vmem_shared>> -> memref<10240x64xf32, #tpu.memory_space<vmem_shared>>
        tpu.enqueue_indirect_dma source(%arg8 : memref<128x64xf32, #tpu.memory_space<vmem>>) target(%dma_start3A_197 : memref<10240x64xf32, #tpu.memory_space<vmem_shared>>) offsets(%arg7 : memref<128xi32, #tpu.memory_space<vmem>>) semaphore(%run_scoped3A : memref<!tpu.dma_semaphore, #tpu.memory_space<semaphore_mem>>) {add = true}
        %dma_wait3A_198 = arith.constant 0 : i32
        %dma_wait3A_199 = arith.constant 0 : i32
        %dma_wait3A_200 = tpu.memref_slice %arg9[%dma_wait3A_198, %dma_wait3A_199] : memref<10240x64xf32, #tpu.memory_space<vmem_shared>> -> memref<10240x64xf32, #tpu.memory_space<vmem_shared>>
        tpu.wait_indirect_dma semaphore(%run_scoped3A : memref<!tpu.dma_semaphore, #tpu.memory_space<semaphore_mem>>) src(%arg8 : memref<128x64xf32, #tpu.memory_space<vmem>>) dst(%dma_wait3A_200 : memref<10240x64xf32, #tpu.memory_space<vmem_shared>>)
        tpu.yield
      }) : () -> ()
    }
    %scan3A_33 = arith.constant 157 : i32
    %barrier3A_34 = arith.constant 0 : index
    tpu.barrier barrier_id(%barrier3A_34)
    %mul3A_35 = arith.constant 640 : i32
    %mul3A_36 = arith.muli %arg1, %mul3A_35 : i32
    %mul3A_37 = arith.constant 640 : i32
    %mul3A_38 = arith.muli %arg1, %mul3A_37 : i32
    "tpu.region"() ({
      %run_scoped3A = tpu.sem_alloc : memref<!tpu.dma_semaphore, #tpu.memory_space<semaphore_mem>>
      %dma_start3A = arith.constant 0 : i32
      %dma_start3A_39 = tpu.memref_slice %arg4[%arg0, %mul3A_38, %dma_start3A] : memref<2x10240x64xf32, #tpu.memory_space<hbm>> -> memref<1x640x64xf32, #tpu.memory_space<hbm>>
      %dma_start3A_40 = tpu.memref_squeeze %dma_start3A_39 : memref<1x640x64xf32, #tpu.memory_space<hbm>> -> memref<640x64xf32, #tpu.memory_space<hbm>>
      %dma_start3A_41 = arith.constant 0 : i32
      %dma_start3A_42 = tpu.memref_slice %arg9[%mul3A_36, %dma_start3A_41] : memref<10240x64xf32, #tpu.memory_space<vmem_shared>> -> memref<640x64xf32, #tpu.memory_space<vmem_shared>>
      tpu.enqueue_dma source(%dma_start3A_42 : memref<640x64xf32, #tpu.memory_space<vmem_shared>>) target(%dma_start3A_40 : memref<640x64xf32, #tpu.memory_space<hbm>>) target_semaphore(%run_scoped3A : memref<!tpu.dma_semaphore, #tpu.memory_space<semaphore_mem>>)
      %dma_wait3A = arith.constant 0 : i32
      %dma_wait3A_43 = tpu.memref_slice %arg4[%arg0, %mul3A_38, %dma_wait3A] : memref<2x10240x64xf32, #tpu.memory_space<hbm>> -> memref<1x640x64xf32, #tpu.memory_space<hbm>>
      %dma_wait3A_44 = tpu.memref_squeeze %dma_wait3A_43 : memref<1x640x64xf32, #tpu.memory_space<hbm>> -> memref<640x64xf32, #tpu.memory_space<hbm>>
      %dma_wait3A_45 = arith.constant 0 : i32
      %dma_wait3A_46 = tpu.memref_slice %arg9[%mul3A_36, %dma_wait3A_45] : memref<10240x64xf32, #tpu.memory_space<vmem_shared>> -> memref<640x64xf32, #tpu.memory_space<vmem_shared>>
      tpu.wait_dma2 semaphore(%run_scoped3A : memref<!tpu.dma_semaphore, #tpu.memory_space<semaphore_mem>>) src(%dma_wait3A_46 : memref<640x64xf32, #tpu.memory_space<vmem_shared>>) dst(%dma_wait3A_44 : memref<640x64xf32, #tpu.memory_space<hbm>>)
      tpu.yield
    }) : () -> ()
    return
  }
}

#map = affine_map<(d0, d1) -> (0, 0)>
#map1 = affine_map<(d0, d1) -> (0)>
#map2 = affine_map<(d0, d1) -> (0, 0, 0)>
module attributes {stable_mosaic.version = 14 : i64} {
  func.func @kern(%arg0: i32, %arg1: i32, %arg2: memref<20000x128xf32, #tpu.memory_space<hbm>>, %arg3: memref<321536xi32, #tpu.memory_space<hbm>>, %arg4: memref<2x10240x128xf32, #tpu.memory_space<hbm>>, %arg5: memref<128xi32, #tpu.memory_space<vmem>>, %arg6: memref<128xi32, #tpu.memory_space<vmem>>, %arg7: memref<128xi32, #tpu.memory_space<vmem>>, %arg8: memref<128x128xf32, #tpu.memory_space<vmem>>, %arg9: memref<10240x128xf32, #tpu.memory_space<vmem_shared>>, %arg10: memref<!tpu.dma_semaphore, #tpu.memory_space<semaphore_mem>>) attributes {dimension_semantics = [#tpu.dimension_semantics<core_parallel>, #tpu.dimension_semantics<subcore_parallel>], iteration_bounds = array<i64: 2, 16>, scalar_prefetch = 0 : i64, scratch_operands = 6 : i64, tpu.core_type = #tpu.core_type<sc_vector_subcore>, window_params = [{transform_indices = #map}, {transform_indices = #map1}, {transform_indices = #map2}]} {
    %mul3A = arith.constant 10000 : i32
    %mul3A_0 = arith.muli %arg0, %mul3A : i32
    %broadcast_in_dim3A = arith.constant 0.000000e+00 : f32
    %broadcast_in_dim3A_1 = vector.broadcast %broadcast_in_dim3A : f32 to vector<16xf32>
    %scan3A = arith.constant 0 : i32
    %scan3A_2 = arith.constant 0 : i32
    %scan3A_3 = arith.constant 128 : i32
    %scan3A_4 = arith.addi %scan3A_2, %scan3A_3 : i32
    %scan3A_5 = arith.constant 1 : i32
    scf.for %scan3A_39 = %scan3A_2 to %scan3A_4 step %scan3A_5  : i32 {
      %swap3A = arith.index_cast %scan3A_39 : i32 to index
      %swap3A_40 = arith.constant 0 : index
      %swap3A_41 = tpu.vector_load %arg8[%swap3A, %swap3A_40] {strides = array<i32>} : memref<128x128xf32, #tpu.memory_space<vmem>>, vector<1x16xf32>,
      %swap3A_42 = vector.shape_cast %swap3A_41 : vector<1x16xf32> to vector<16xf32>
      %swap3A_43 = vector.shape_cast %broadcast_in_dim3A_1 : vector<16xf32> to vector<1x16xf32>
      tpu.vector_store %arg8[%swap3A, %swap3A_40], %swap3A_43 {strides = array<i32>} : memref<128x128xf32, #tpu.memory_space<vmem>>, vector<1x16xf32>,
      %swap3A_44 = arith.index_cast %scan3A_39 : i32 to index
      %swap3A_45 = arith.constant 16 : index
      %swap3A_46 = tpu.vector_load %arg8[%swap3A_44, %swap3A_45] {strides = array<i32>} : memref<128x128xf32, #tpu.memory_space<vmem>>, vector<1x16xf32>,
      %swap3A_47 = vector.shape_cast %swap3A_46 : vector<1x16xf32> to vector<16xf32>
      %swap3A_48 = vector.shape_cast %broadcast_in_dim3A_1 : vector<16xf32> to vector<1x16xf32>
      tpu.vector_store %arg8[%swap3A_44, %swap3A_45], %swap3A_48 {strides = array<i32>} : memref<128x128xf32, #tpu.memory_space<vmem>>, vector<1x16xf32>,
      %swap3A_49 = arith.index_cast %scan3A_39 : i32 to index
      %swap3A_50 = arith.constant 32 : index
      %swap3A_51 = tpu.vector_load %arg8[%swap3A_49, %swap3A_50] {strides = array<i32>} : memref<128x128xf32, #tpu.memory_space<vmem>>, vector<1x16xf32>,
      %swap3A_52 = vector.shape_cast %swap3A_51 : vector<1x16xf32> to vector<16xf32>
      %swap3A_53 = vector.shape_cast %broadcast_in_dim3A_1 : vector<16xf32> to vector<1x16xf32>
      tpu.vector_store %arg8[%swap3A_49, %swap3A_50], %swap3A_53 {strides = array<i32>} : memref<128x128xf32, #tpu.memory_space<vmem>>, vector<1x16xf32>,
      %swap3A_54 = arith.index_cast %scan3A_39 : i32 to index
      %swap3A_55 = arith.constant 48 : index
      %swap3A_56 = tpu.vector_load %arg8[%swap3A_54, %swap3A_55] {strides = array<i32>} : memref<128x128xf32, #tpu.memory_space<vmem>>, vector<1x16xf32>,
      %swap3A_57 = vector.shape_cast %swap3A_56 : vector<1x16xf32> to vector<16xf32>
      %swap3A_58 = vector.shape_cast %broadcast_in_dim3A_1 : vector<16xf32> to vector<1x16xf32>
      tpu.vector_store %arg8[%swap3A_54, %swap3A_55], %swap3A_58 {strides = array<i32>} : memref<128x128xf32, #tpu.memory_space<vmem>>, vector<1x16xf32>,
      %swap3A_59 = arith.index_cast %scan3A_39 : i32 to index
      %swap3A_60 = arith.constant 64 : index
      %swap3A_61 = tpu.vector_load %arg8[%swap3A_59, %swap3A_60] {strides = array<i32>} : memref<128x128xf32, #tpu.memory_space<vmem>>, vector<1x16xf32>,
      %swap3A_62 = vector.shape_cast %swap3A_61 : vector<1x16xf32> to vector<16xf32>
      %swap3A_63 = vector.shape_cast %broadcast_in_dim3A_1 : vector<16xf32> to vector<1x16xf32>
      tpu.vector_store %arg8[%swap3A_59, %swap3A_60], %swap3A_63 {strides = array<i32>} : memref<128x128xf32, #tpu.memory_space<vmem>>, vector<1x16xf32>,
      %swap3A_64 = arith.index_cast %scan3A_39 : i32 to index
      %swap3A_65 = arith.constant 80 : index
      %swap3A_66 = tpu.vector_load %arg8[%swap3A_64, %swap3A_65] {strides = array<i32>} : memref<128x128xf32, #tpu.memory_space<vmem>>, vector<1x16xf32>,
      %swap3A_67 = vector.shape_cast %swap3A_66 : vector<1x16xf32> to vector<16xf32>
      %swap3A_68 = vector.shape_cast %broadcast_in_dim3A_1 : vector<16xf32> to vector<1x16xf32>
      tpu.vector_store %arg8[%swap3A_64, %swap3A_65], %swap3A_68 {strides = array<i32>} : memref<128x128xf32, #tpu.memory_space<vmem>>, vector<1x16xf32>,
      %swap3A_69 = arith.index_cast %scan3A_39 : i32 to index
      %swap3A_70 = arith.constant 96 : index
      %swap3A_71 = tpu.vector_load %arg8[%swap3A_69, %swap3A_70] {strides = array<i32>} : memref<128x128xf32, #tpu.memory_space<vmem>>, vector<1x16xf32>,
      %swap3A_72 = vector.shape_cast %swap3A_71 : vector<1x16xf32> to vector<16xf32>
      %swap3A_73 = vector.shape_cast %broadcast_in_dim3A_1 : vector<16xf32> to vector<1x16xf32>
      tpu.vector_store %arg8[%swap3A_69, %swap3A_70], %swap3A_73 {strides = array<i32>} : memref<128x128xf32, #tpu.memory_space<vmem>>, vector<1x16xf32>,
      %swap3A_74 = arith.index_cast %scan3A_39 : i32 to index
      %swap3A_75 = arith.constant 112 : index
      %swap3A_76 = tpu.vector_load %arg8[%swap3A_74, %swap3A_75] {strides = array<i32>} : memref<128x128xf32, #tpu.memory_space<vmem>>, vector<1x16xf32>,
      %swap3A_77 = vector.shape_cast %swap3A_76 : vector<1x16xf32> to vector<16xf32>
      %swap3A_78 = vector.shape_cast %broadcast_in_dim3A_1 : vector<16xf32> to vector<1x16xf32>
      tpu.vector_store %arg8[%swap3A_74, %swap3A_75], %swap3A_78 {strides = array<i32>} : memref<128x128xf32, #tpu.memory_space<vmem>>, vector<1x16xf32>,
    }
    %scan3A_6 = arith.constant 128 : i32
    %mul3A_7 = arith.constant 640 : i32
    %mul3A_8 = arith.muli %arg1, %mul3A_7 : i32
    %add3A = arith.constant 0 : i32
    %add3A_9 = arith.addi %mul3A_8, %add3A : i32
    "tpu.region"() ({
      %run_scoped3A = tpu.sem_alloc : memref<!tpu.dma_semaphore, #tpu.memory_space<semaphore_mem>>
      %dma_start3A = arith.constant 0 : i32
      %dma_start3A_39 = tpu.memref_slice %arg9[%add3A_9, %dma_start3A] : memref<10240x128xf32, #tpu.memory_space<vmem_shared>> -> memref<128x128xf32, #tpu.memory_space<vmem_shared>>
      %dma_start3A_40 = arith.constant 0 : i32
      %dma_start3A_41 = tpu.memref_slice %arg9[%add3A_9, %dma_start3A_40] : memref<10240x128xf32, #tpu.memory_space<vmem_shared>> -> memref<128x128xf32, #tpu.memory_space<vmem_shared>>
      tpu.enqueue_dma source(%arg8 : memref<128x128xf32, #tpu.memory_space<vmem>>) target(%dma_start3A_41 : memref<128x128xf32, #tpu.memory_space<vmem_shared>>) target_semaphore(%run_scoped3A : memref<!tpu.dma_semaphore, #tpu.memory_space<semaphore_mem>>)
      %dma_wait3A = arith.constant 0 : i32
      %dma_wait3A_42 = tpu.memref_slice %arg9[%add3A_9, %dma_wait3A] : memref<10240x128xf32, #tpu.memory_space<vmem_shared>> -> memref<128x128xf32, #tpu.memory_space<vmem_shared>>
      %dma_wait3A_43 = arith.constant 0 : i32
      %dma_wait3A_44 = tpu.memref_slice %arg9[%add3A_9, %dma_wait3A_43] : memref<10240x128xf32, #tpu.memory_space<vmem_shared>> -> memref<128x128xf32, #tpu.memory_space<vmem_shared>>
      tpu.wait_dma2 semaphore(%run_scoped3A : memref<!tpu.dma_semaphore, #tpu.memory_space<semaphore_mem>>) src(%arg8 : memref<128x128xf32, #tpu.memory_space<vmem>>) dst(%dma_wait3A_44 : memref<128x128xf32, #tpu.memory_space<vmem_shared>>)
      tpu.yield
    }) : () -> ()
    %mul3A_10 = arith.constant 640 : i32
    %mul3A_11 = arith.muli %arg1, %mul3A_10 : i32
    %add3A_12 = arith.constant 128 : i32
    %add3A_13 = arith.addi %mul3A_11, %add3A_12 : i32
    "tpu.region"() ({
      %run_scoped3A = tpu.sem_alloc : memref<!tpu.dma_semaphore, #tpu.memory_space<semaphore_mem>>
      %dma_start3A = arith.constant 0 : i32
      %dma_start3A_39 = tpu.memref_slice %arg9[%add3A_13, %dma_start3A] : memref<10240x128xf32, #tpu.memory_space<vmem_shared>> -> memref<128x128xf32, #tpu.memory_space<vmem_shared>>
      %dma_start3A_40 = arith.constant 0 : i32
      %dma_start3A_41 = tpu.memref_slice %arg9[%add3A_13, %dma_start3A_40] : memref<10240x128xf32, #tpu.memory_space<vmem_shared>> -> memref<128x128xf32, #tpu.memory_space<vmem_shared>>
      tpu.enqueue_dma source(%arg8 : memref<128x128xf32, #tpu.memory_space<vmem>>) target(%dma_start3A_41 : memref<128x128xf32, #tpu.memory_space<vmem_shared>>) target_semaphore(%run_scoped3A : memref<!tpu.dma_semaphore, #tpu.memory_space<semaphore_mem>>)
      %dma_wait3A = arith.constant 0 : i32
      %dma_wait3A_42 = tpu.memref_slice %arg9[%add3A_13, %dma_wait3A] : memref<10240x128xf32, #tpu.memory_space<vmem_shared>> -> memref<128x128xf32, #tpu.memory_space<vmem_shared>>
      %dma_wait3A_43 = arith.constant 0 : i32
      %dma_wait3A_44 = tpu.memref_slice %arg9[%add3A_13, %dma_wait3A_43] : memref<10240x128xf32, #tpu.memory_space<vmem_shared>> -> memref<128x128xf32, #tpu.memory_space<vmem_shared>>
      tpu.wait_dma2 semaphore(%run_scoped3A : memref<!tpu.dma_semaphore, #tpu.memory_space<semaphore_mem>>) src(%arg8 : memref<128x128xf32, #tpu.memory_space<vmem>>) dst(%dma_wait3A_44 : memref<128x128xf32, #tpu.memory_space<vmem_shared>>)
      tpu.yield
    }) : () -> ()
    %mul3A_14 = arith.constant 640 : i32
    %mul3A_15 = arith.muli %arg1, %mul3A_14 : i32
    %add3A_16 = arith.constant 256 : i32
    %add3A_17 = arith.addi %mul3A_15, %add3A_16 : i32
    "tpu.region"() ({
      %run_scoped3A = tpu.sem_alloc : memref<!tpu.dma_semaphore, #tpu.memory_space<semaphore_mem>>
      %dma_start3A = arith.constant 0 : i32
      %dma_start3A_39 = tpu.memref_slice %arg9[%add3A_17, %dma_start3A] : memref<10240x128xf32, #tpu.memory_space<vmem_shared>> -> memref<128x128xf32, #tpu.memory_space<vmem_shared>>
      %dma_start3A_40 = arith.constant 0 : i32
      %dma_start3A_41 = tpu.memref_slice %arg9[%add3A_17, %dma_start3A_40] : memref<10240x128xf32, #tpu.memory_space<vmem_shared>> -> memref<128x128xf32, #tpu.memory_space<vmem_shared>>
      tpu.enqueue_dma source(%arg8 : memref<128x128xf32, #tpu.memory_space<vmem>>) target(%dma_start3A_41 : memref<128x128xf32, #tpu.memory_space<vmem_shared>>) target_semaphore(%run_scoped3A : memref<!tpu.dma_semaphore, #tpu.memory_space<semaphore_mem>>)
      %dma_wait3A = arith.constant 0 : i32
      %dma_wait3A_42 = tpu.memref_slice %arg9[%add3A_17, %dma_wait3A] : memref<10240x128xf32, #tpu.memory_space<vmem_shared>> -> memref<128x128xf32, #tpu.memory_space<vmem_shared>>
      %dma_wait3A_43 = arith.constant 0 : i32
      %dma_wait3A_44 = tpu.memref_slice %arg9[%add3A_17, %dma_wait3A_43] : memref<10240x128xf32, #tpu.memory_space<vmem_shared>> -> memref<128x128xf32, #tpu.memory_space<vmem_shared>>
      tpu.wait_dma2 semaphore(%run_scoped3A : memref<!tpu.dma_semaphore, #tpu.memory_space<semaphore_mem>>) src(%arg8 : memref<128x128xf32, #tpu.memory_space<vmem>>) dst(%dma_wait3A_44 : memref<128x128xf32, #tpu.memory_space<vmem_shared>>)
      tpu.yield
    }) : () -> ()
    %mul3A_18 = arith.constant 640 : i32
    %mul3A_19 = arith.muli %arg1, %mul3A_18 : i32
    %add3A_20 = arith.constant 384 : i32
    %add3A_21 = arith.addi %mul3A_19, %add3A_20 : i32
    "tpu.region"() ({
      %run_scoped3A = tpu.sem_alloc : memref<!tpu.dma_semaphore, #tpu.memory_space<semaphore_mem>>
      %dma_start3A = arith.constant 0 : i32
      %dma_start3A_39 = tpu.memref_slice %arg9[%add3A_21, %dma_start3A] : memref<10240x128xf32, #tpu.memory_space<vmem_shared>> -> memref<128x128xf32, #tpu.memory_space<vmem_shared>>
      %dma_start3A_40 = arith.constant 0 : i32
      %dma_start3A_41 = tpu.memref_slice %arg9[%add3A_21, %dma_start3A_40] : memref<10240x128xf32, #tpu.memory_space<vmem_shared>> -> memref<128x128xf32, #tpu.memory_space<vmem_shared>>
      tpu.enqueue_dma source(%arg8 : memref<128x128xf32, #tpu.memory_space<vmem>>) target(%dma_start3A_41 : memref<128x128xf32, #tpu.memory_space<vmem_shared>>) target_semaphore(%run_scoped3A : memref<!tpu.dma_semaphore, #tpu.memory_space<semaphore_mem>>)
      %dma_wait3A = arith.constant 0 : i32
      %dma_wait3A_42 = tpu.memref_slice %arg9[%add3A_21, %dma_wait3A] : memref<10240x128xf32, #tpu.memory_space<vmem_shared>> -> memref<128x128xf32, #tpu.memory_space<vmem_shared>>
      %dma_wait3A_43 = arith.constant 0 : i32
      %dma_wait3A_44 = tpu.memref_slice %arg9[%add3A_21, %dma_wait3A_43] : memref<10240x128xf32, #tpu.memory_space<vmem_shared>> -> memref<128x128xf32, #tpu.memory_space<vmem_shared>>
      tpu.wait_dma2 semaphore(%run_scoped3A : memref<!tpu.dma_semaphore, #tpu.memory_space<semaphore_mem>>) src(%arg8 : memref<128x128xf32, #tpu.memory_space<vmem>>) dst(%dma_wait3A_44 : memref<128x128xf32, #tpu.memory_space<vmem_shared>>)
      tpu.yield
    }) : () -> ()
    %mul3A_22 = arith.constant 640 : i32
    %mul3A_23 = arith.muli %arg1, %mul3A_22 : i32
    %add3A_24 = arith.constant 512 : i32
    %add3A_25 = arith.addi %mul3A_23, %add3A_24 : i32
    "tpu.region"() ({
      %run_scoped3A = tpu.sem_alloc : memref<!tpu.dma_semaphore, #tpu.memory_space<semaphore_mem>>
      %dma_start3A = arith.constant 0 : i32
      %dma_start3A_39 = tpu.memref_slice %arg9[%add3A_25, %dma_start3A] : memref<10240x128xf32, #tpu.memory_space<vmem_shared>> -> memref<128x128xf32, #tpu.memory_space<vmem_shared>>
      %dma_start3A_40 = arith.constant 0 : i32
      %dma_start3A_41 = tpu.memref_slice %arg9[%add3A_25, %dma_start3A_40] : memref<10240x128xf32, #tpu.memory_space<vmem_shared>> -> memref<128x128xf32, #tpu.memory_space<vmem_shared>>
      tpu.enqueue_dma source(%arg8 : memref<128x128xf32, #tpu.memory_space<vmem>>) target(%dma_start3A_41 : memref<128x128xf32, #tpu.memory_space<vmem_shared>>) target_semaphore(%run_scoped3A : memref<!tpu.dma_semaphore, #tpu.memory_space<semaphore_mem>>)
      %dma_wait3A = arith.constant 0 : i32
      %dma_wait3A_42 = tpu.memref_slice %arg9[%add3A_25, %dma_wait3A] : memref<10240x128xf32, #tpu.memory_space<vmem_shared>> -> memref<128x128xf32, #tpu.memory_space<vmem_shared>>
      %dma_wait3A_43 = arith.constant 0 : i32
      %dma_wait3A_44 = tpu.memref_slice %arg9[%add3A_25, %dma_wait3A_43] : memref<10240x128xf32, #tpu.memory_space<vmem_shared>> -> memref<128x128xf32, #tpu.memory_space<vmem_shared>>
      tpu.wait_dma2 semaphore(%run_scoped3A : memref<!tpu.dma_semaphore, #tpu.memory_space<semaphore_mem>>) src(%arg8 : memref<128x128xf32, #tpu.memory_space<vmem>>) dst(%dma_wait3A_44 : memref<128x128xf32, #tpu.memory_space<vmem_shared>>)
      tpu.yield
    }) : () -> ()
    %barrier3A = arith.constant 0 : index
    tpu.barrier barrier_id(%barrier3A)
    %mul3A_26 = arith.constant 20096 : i32
    %mul3A_27 = arith.muli %arg1, %mul3A_26 : i32
    %scan3A_28 = arith.constant 0 : i32
    %scan3A_29 = arith.constant 0 : i32
    %scan3A_30 = arith.constant 157 : i32
    %scan3A_31 = arith.addi %scan3A_29, %scan3A_30 : i32
    %scan3A_32 = arith.constant 1 : i32
    scf.for %scan3A_39 = %scan3A_29 to %scan3A_31 step %scan3A_32  : i32 {
      %mul3A_40 = arith.constant 128 : i32
      %mul3A_41 = arith.muli %scan3A_39, %mul3A_40 : i32
      %add3A_42 = arith.addi %mul3A_27, %mul3A_41 : i32
      "tpu.region"() ({
        %run_scoped3A = tpu.sem_alloc : memref<!tpu.dma_semaphore, #tpu.memory_space<semaphore_mem>>
        %dma_start3A_195 = tpu.memref_slice %arg3[%add3A_42] : memref<321536xi32, #tpu.memory_space<hbm>> -> memref<128xi32, #tpu.memory_space<hbm>>
        %dma_start3A_196 = tpu.memref_slice %arg3[%add3A_42] : memref<321536xi32, #tpu.memory_space<hbm>> -> memref<128xi32, #tpu.memory_space<hbm>>
        tpu.enqueue_dma source(%dma_start3A_196 : memref<128xi32, #tpu.memory_space<hbm>>) target(%arg5 : memref<128xi32, #tpu.memory_space<vmem>>) target_semaphore(%run_scoped3A : memref<!tpu.dma_semaphore, #tpu.memory_space<semaphore_mem>>)
        %dma_wait3A_197 = tpu.memref_slice %arg3[%add3A_42] : memref<321536xi32, #tpu.memory_space<hbm>> -> memref<128xi32, #tpu.memory_space<hbm>>
        %dma_wait3A_198 = tpu.memref_slice %arg3[%add3A_42] : memref<321536xi32, #tpu.memory_space<hbm>> -> memref<128xi32, #tpu.memory_space<hbm>>
        tpu.wait_dma2 semaphore(%run_scoped3A : memref<!tpu.dma_semaphore, #tpu.memory_space<semaphore_mem>>) src(%dma_wait3A_198 : memref<128xi32, #tpu.memory_space<hbm>>) dst(%arg5 : memref<128xi32, #tpu.memory_space<vmem>>)
        tpu.yield
      }) : () -> ()
      %get3A = arith.constant 0 : index
      %get3A_43 = tpu.vector_load %arg5[%get3A] {strides = array<i32>} : memref<128xi32, #tpu.memory_space<vmem>>, vector<16xi32>,
      %get3A_44 = vector.shape_cast %get3A_43 : vector<16xi32> to vector<16xi32>
      %and3A = arith.constant 32767 : i32
      %and3A_45 = vector.broadcast %and3A : i32 to vector<16xi32>
      %and3A_46 = arith.andi %get3A_44, %and3A_45 : vector<16xi32>
      %add3A_47 = vector.broadcast %mul3A_0 : i32 to vector<16xi32>
      %add3A_48 = arith.addi %and3A_46, %add3A_47 : vector<16xi32>
      %swap3A = arith.constant 0 : index
      %swap3A_49 = tpu.vector_load %arg6[%swap3A] {strides = array<i32>} : memref<128xi32, #tpu.memory_space<vmem>>, vector<16xi32>,
      %swap3A_50 = vector.shape_cast %swap3A_49 : vector<16xi32> to vector<16xi32>
      %swap3A_51 = vector.shape_cast %add3A_48 : vector<16xi32> to vector<16xi32>
      tpu.vector_store %arg6[%swap3A], %swap3A_51 {strides = array<i32>} : memref<128xi32, #tpu.memory_space<vmem>>, vector<16xi32>,
      %shift_right_arithmetic3A = arith.constant 15 : i32
      %shift_right_arithmetic3A_52 = vector.broadcast %shift_right_arithmetic3A : i32 to vector<16xi32>
      %shift_right_arithmetic3A_53 = arith.shrsi %get3A_44, %shift_right_arithmetic3A_52 : vector<16xi32>
      %swap3A_54 = arith.constant 0 : index
      %swap3A_55 = tpu.vector_load %arg7[%swap3A_54] {strides = array<i32>} : memref<128xi32, #tpu.memory_space<vmem>>, vector<16xi32>,
      %swap3A_56 = vector.shape_cast %swap3A_55 : vector<16xi32> to vector<16xi32>
      %swap3A_57 = vector.shape_cast %shift_right_arithmetic3A_53 : vector<16xi32> to vector<16xi32>
      tpu.vector_store %arg7[%swap3A_54], %swap3A_57 {strides = array<i32>} : memref<128xi32, #tpu.memory_space<vmem>>, vector<16xi32>,
      %get3A_58 = arith.constant 16 : index
      %get3A_59 = tpu.vector_load %arg5[%get3A_58] {strides = array<i32>} : memref<128xi32, #tpu.memory_space<vmem>>, vector<16xi32>,
      %get3A_60 = vector.shape_cast %get3A_59 : vector<16xi32> to vector<16xi32>
      %and3A_61 = arith.constant 32767 : i32
      %and3A_62 = vector.broadcast %and3A_61 : i32 to vector<16xi32>
      %and3A_63 = arith.andi %get3A_60, %and3A_62 : vector<16xi32>
      %add3A_64 = vector.broadcast %mul3A_0 : i32 to vector<16xi32>
      %add3A_65 = arith.addi %and3A_63, %add3A_64 : vector<16xi32>
      %swap3A_66 = arith.constant 16 : index
      %swap3A_67 = tpu.vector_load %arg6[%swap3A_66] {strides = array<i32>} : memref<128xi32, #tpu.memory_space<vmem>>, vector<16xi32>,
      %swap3A_68 = vector.shape_cast %swap3A_67 : vector<16xi32> to vector<16xi32>
      %swap3A_69 = vector.shape_cast %add3A_65 : vector<16xi32> to vector<16xi32>
      tpu.vector_store %arg6[%swap3A_66], %swap3A_69 {strides = array<i32>} : memref<128xi32, #tpu.memory_space<vmem>>, vector<16xi32>,
      %shift_right_arithmetic3A_70 = arith.constant 15 : i32
      %shift_right_arithmetic3A_71 = vector.broadcast %shift_right_arithmetic3A_70 : i32 to vector<16xi32>
      %shift_right_arithmetic3A_72 = arith.shrsi %get3A_60, %shift_right_arithmetic3A_71 : vector<16xi32>
      %swap3A_73 = arith.constant 16 : index
      %swap3A_74 = tpu.vector_load %arg7[%swap3A_73] {strides = array<i32>} : memref<128xi32, #tpu.memory_space<vmem>>, vector<16xi32>,
      %swap3A_75 = vector.shape_cast %swap3A_74 : vector<16xi32> to vector<16xi32>
      %swap3A_76 = vector.shape_cast %shift_right_arithmetic3A_72 : vector<16xi32> to vector<16xi32>
      tpu.vector_store %arg7[%swap3A_73], %swap3A_76 {strides = array<i32>} : memref<128xi32, #tpu.memory_space<vmem>>, vector<16xi32>,
      %get3A_77 = arith.constant 32 : index
      %get3A_78 = tpu.vector_load %arg5[%get3A_77] {strides = array<i32>} : memref<128xi32, #tpu.memory_space<vmem>>, vector<16xi32>,
      %get3A_79 = vector.shape_cast %get3A_78 : vector<16xi32> to vector<16xi32>
      %and3A_80 = arith.constant 32767 : i32
      %and3A_81 = vector.broadcast %and3A_80 : i32 to vector<16xi32>
      %and3A_82 = arith.andi %get3A_79, %and3A_81 : vector<16xi32>
      %add3A_83 = vector.broadcast %mul3A_0 : i32 to vector<16xi32>
      %add3A_84 = arith.addi %and3A_82, %add3A_83 : vector<16xi32>
      %swap3A_85 = arith.constant 32 : index
      %swap3A_86 = tpu.vector_load %arg6[%swap3A_85] {strides = array<i32>} : memref<128xi32, #tpu.memory_space<vmem>>, vector<16xi32>,
      %swap3A_87 = vector.shape_cast %swap3A_86 : vector<16xi32> to vector<16xi32>
      %swap3A_88 = vector.shape_cast %add3A_84 : vector<16xi32> to vector<16xi32>
      tpu.vector_store %arg6[%swap3A_85], %swap3A_88 {strides = array<i32>} : memref<128xi32, #tpu.memory_space<vmem>>, vector<16xi32>,
      %shift_right_arithmetic3A_89 = arith.constant 15 : i32
      %shift_right_arithmetic3A_90 = vector.broadcast %shift_right_arithmetic3A_89 : i32 to vector<16xi32>
      %shift_right_arithmetic3A_91 = arith.shrsi %get3A_79, %shift_right_arithmetic3A_90 : vector<16xi32>
      %swap3A_92 = arith.constant 32 : index
      %swap3A_93 = tpu.vector_load %arg7[%swap3A_92] {strides = array<i32>} : memref<128xi32, #tpu.memory_space<vmem>>, vector<16xi32>,
      %swap3A_94 = vector.shape_cast %swap3A_93 : vector<16xi32> to vector<16xi32>
      %swap3A_95 = vector.shape_cast %shift_right_arithmetic3A_91 : vector<16xi32> to vector<16xi32>
      tpu.vector_store %arg7[%swap3A_92], %swap3A_95 {strides = array<i32>} : memref<128xi32, #tpu.memory_space<vmem>>, vector<16xi32>,
      %get3A_96 = arith.constant 48 : index
      %get3A_97 = tpu.vector_load %arg5[%get3A_96] {strides = array<i32>} : memref<128xi32, #tpu.memory_space<vmem>>, vector<16xi32>,
      %get3A_98 = vector.shape_cast %get3A_97 : vector<16xi32> to vector<16xi32>
      %and3A_99 = arith.constant 32767 : i32
      %and3A_100 = vector.broadcast %and3A_99 : i32 to vector<16xi32>
      %and3A_101 = arith.andi %get3A_98, %and3A_100 : vector<16xi32>
      %add3A_102 = vector.broadcast %mul3A_0 : i32 to vector<16xi32>
      %add3A_103 = arith.addi %and3A_101, %add3A_102 : vector<16xi32>
      %swap3A_104 = arith.constant 48 : index
      %swap3A_105 = tpu.vector_load %arg6[%swap3A_104] {strides = array<i32>} : memref<128xi32, #tpu.memory_space<vmem>>, vector<16xi32>,
      %swap3A_106 = vector.shape_cast %swap3A_105 : vector<16xi32> to vector<16xi32>
      %swap3A_107 = vector.shape_cast %add3A_103 : vector<16xi32> to vector<16xi32>
      tpu.vector_store %arg6[%swap3A_104], %swap3A_107 {strides = array<i32>} : memref<128xi32, #tpu.memory_space<vmem>>, vector<16xi32>,
      %shift_right_arithmetic3A_108 = arith.constant 15 : i32
      %shift_right_arithmetic3A_109 = vector.broadcast %shift_right_arithmetic3A_108 : i32 to vector<16xi32>
      %shift_right_arithmetic3A_110 = arith.shrsi %get3A_98, %shift_right_arithmetic3A_109 : vector<16xi32>
      %swap3A_111 = arith.constant 48 : index
      %swap3A_112 = tpu.vector_load %arg7[%swap3A_111] {strides = array<i32>} : memref<128xi32, #tpu.memory_space<vmem>>, vector<16xi32>,
      %swap3A_113 = vector.shape_cast %swap3A_112 : vector<16xi32> to vector<16xi32>
      %swap3A_114 = vector.shape_cast %shift_right_arithmetic3A_110 : vector<16xi32> to vector<16xi32>
      tpu.vector_store %arg7[%swap3A_111], %swap3A_114 {strides = array<i32>} : memref<128xi32, #tpu.memory_space<vmem>>, vector<16xi32>,
      %get3A_115 = arith.constant 64 : index
      %get3A_116 = tpu.vector_load %arg5[%get3A_115] {strides = array<i32>} : memref<128xi32, #tpu.memory_space<vmem>>, vector<16xi32>,
      %get3A_117 = vector.shape_cast %get3A_116 : vector<16xi32> to vector<16xi32>
      %and3A_118 = arith.constant 32767 : i32
      %and3A_119 = vector.broadcast %and3A_118 : i32 to vector<16xi32>
      %and3A_120 = arith.andi %get3A_117, %and3A_119 : vector<16xi32>
      %add3A_121 = vector.broadcast %mul3A_0 : i32 to vector<16xi32>
      %add3A_122 = arith.addi %and3A_120, %add3A_121 : vector<16xi32>
      %swap3A_123 = arith.constant 64 : index
      %swap3A_124 = tpu.vector_load %arg6[%swap3A_123] {strides = array<i32>} : memref<128xi32, #tpu.memory_space<vmem>>, vector<16xi32>,
      %swap3A_125 = vector.shape_cast %swap3A_124 : vector<16xi32> to vector<16xi32>
      %swap3A_126 = vector.shape_cast %add3A_122 : vector<16xi32> to vector<16xi32>
      tpu.vector_store %arg6[%swap3A_123], %swap3A_126 {strides = array<i32>} : memref<128xi32, #tpu.memory_space<vmem>>, vector<16xi32>,
      %shift_right_arithmetic3A_127 = arith.constant 15 : i32
      %shift_right_arithmetic3A_128 = vector.broadcast %shift_right_arithmetic3A_127 : i32 to vector<16xi32>
      %shift_right_arithmetic3A_129 = arith.shrsi %get3A_117, %shift_right_arithmetic3A_128 : vector<16xi32>
      %swap3A_130 = arith.constant 64 : index
      %swap3A_131 = tpu.vector_load %arg7[%swap3A_130] {strides = array<i32>} : memref<128xi32, #tpu.memory_space<vmem>>, vector<16xi32>,
      %swap3A_132 = vector.shape_cast %swap3A_131 : vector<16xi32> to vector<16xi32>
      %swap3A_133 = vector.shape_cast %shift_right_arithmetic3A_129 : vector<16xi32> to vector<16xi32>
      tpu.vector_store %arg7[%swap3A_130], %swap3A_133 {strides = array<i32>} : memref<128xi32, #tpu.memory_space<vmem>>, vector<16xi32>,
      %get3A_134 = arith.constant 80 : index
      %get3A_135 = tpu.vector_load %arg5[%get3A_134] {strides = array<i32>} : memref<128xi32, #tpu.memory_space<vmem>>, vector<16xi32>,
      %get3A_136 = vector.shape_cast %get3A_135 : vector<16xi32> to vector<16xi32>
      %and3A_137 = arith.constant 32767 : i32
      %and3A_138 = vector.broadcast %and3A_137 : i32 to vector<16xi32>
      %and3A_139 = arith.andi %get3A_136, %and3A_138 : vector<16xi32>
      %add3A_140 = vector.broadcast %mul3A_0 : i32 to vector<16xi32>
      %add3A_141 = arith.addi %and3A_139, %add3A_140 : vector<16xi32>
      %swap3A_142 = arith.constant 80 : index
      %swap3A_143 = tpu.vector_load %arg6[%swap3A_142] {strides = array<i32>} : memref<128xi32, #tpu.memory_space<vmem>>, vector<16xi32>,
      %swap3A_144 = vector.shape_cast %swap3A_143 : vector<16xi32> to vector<16xi32>
      %swap3A_145 = vector.shape_cast %add3A_141 : vector<16xi32> to vector<16xi32>
      tpu.vector_store %arg6[%swap3A_142], %swap3A_145 {strides = array<i32>} : memref<128xi32, #tpu.memory_space<vmem>>, vector<16xi32>,
      %shift_right_arithmetic3A_146 = arith.constant 15 : i32
      %shift_right_arithmetic3A_147 = vector.broadcast %shift_right_arithmetic3A_146 : i32 to vector<16xi32>
      %shift_right_arithmetic3A_148 = arith.shrsi %get3A_136, %shift_right_arithmetic3A_147 : vector<16xi32>
      %swap3A_149 = arith.constant 80 : index
      %swap3A_150 = tpu.vector_load %arg7[%swap3A_149] {strides = array<i32>} : memref<128xi32, #tpu.memory_space<vmem>>, vector<16xi32>,
      %swap3A_151 = vector.shape_cast %swap3A_150 : vector<16xi32> to vector<16xi32>
      %swap3A_152 = vector.shape_cast %shift_right_arithmetic3A_148 : vector<16xi32> to vector<16xi32>
      tpu.vector_store %arg7[%swap3A_149], %swap3A_152 {strides = array<i32>} : memref<128xi32, #tpu.memory_space<vmem>>, vector<16xi32>,
      %get3A_153 = arith.constant 96 : index
      %get3A_154 = tpu.vector_load %arg5[%get3A_153] {strides = array<i32>} : memref<128xi32, #tpu.memory_space<vmem>>, vector<16xi32>,
      %get3A_155 = vector.shape_cast %get3A_154 : vector<16xi32> to vector<16xi32>
      %and3A_156 = arith.constant 32767 : i32
      %and3A_157 = vector.broadcast %and3A_156 : i32 to vector<16xi32>
      %and3A_158 = arith.andi %get3A_155, %and3A_157 : vector<16xi32>
      %add3A_159 = vector.broadcast %mul3A_0 : i32 to vector<16xi32>
      %add3A_160 = arith.addi %and3A_158, %add3A_159 : vector<16xi32>
      %swap3A_161 = arith.constant 96 : index
      %swap3A_162 = tpu.vector_load %arg6[%swap3A_161] {strides = array<i32>} : memref<128xi32, #tpu.memory_space<vmem>>, vector<16xi32>,
      %swap3A_163 = vector.shape_cast %swap3A_162 : vector<16xi32> to vector<16xi32>
      %swap3A_164 = vector.shape_cast %add3A_160 : vector<16xi32> to vector<16xi32>
      tpu.vector_store %arg6[%swap3A_161], %swap3A_164 {strides = array<i32>} : memref<128xi32, #tpu.memory_space<vmem>>, vector<16xi32>,
      %shift_right_arithmetic3A_165 = arith.constant 15 : i32
      %shift_right_arithmetic3A_166 = vector.broadcast %shift_right_arithmetic3A_165 : i32 to vector<16xi32>
      %shift_right_arithmetic3A_167 = arith.shrsi %get3A_155, %shift_right_arithmetic3A_166 : vector<16xi32>
      %swap3A_168 = arith.constant 96 : index
      %swap3A_169 = tpu.vector_load %arg7[%swap3A_168] {strides = array<i32>} : memref<128xi32, #tpu.memory_space<vmem>>, vector<16xi32>,
      %swap3A_170 = vector.shape_cast %swap3A_169 : vector<16xi32> to vector<16xi32>
      %swap3A_171 = vector.shape_cast %shift_right_arithmetic3A_167 : vector<16xi32> to vector<16xi32>
      tpu.vector_store %arg7[%swap3A_168], %swap3A_171 {strides = array<i32>} : memref<128xi32, #tpu.memory_space<vmem>>, vector<16xi32>,
      %get3A_172 = arith.constant 112 : index
      %get3A_173 = tpu.vector_load %arg5[%get3A_172] {strides = array<i32>} : memref<128xi32, #tpu.memory_space<vmem>>, vector<16xi32>,
      %get3A_174 = vector.shape_cast %get3A_173 : vector<16xi32> to vector<16xi32>
      %and3A_175 = arith.constant 32767 : i32
      %and3A_176 = vector.broadcast %and3A_175 : i32 to vector<16xi32>
      %and3A_177 = arith.andi %get3A_174, %and3A_176 : vector<16xi32>
      %add3A_178 = vector.broadcast %mul3A_0 : i32 to vector<16xi32>
      %add3A_179 = arith.addi %and3A_177, %add3A_178 : vector<16xi32>
      %swap3A_180 = arith.constant 112 : index
      %swap3A_181 = tpu.vector_load %arg6[%swap3A_180] {strides = array<i32>} : memref<128xi32, #tpu.memory_space<vmem>>, vector<16xi32>,
      %swap3A_182 = vector.shape_cast %swap3A_181 : vector<16xi32> to vector<16xi32>
      %swap3A_183 = vector.shape_cast %add3A_179 : vector<16xi32> to vector<16xi32>
      tpu.vector_store %arg6[%swap3A_180], %swap3A_183 {strides = array<i32>} : memref<128xi32, #tpu.memory_space<vmem>>, vector<16xi32>,
      %shift_right_arithmetic3A_184 = arith.constant 15 : i32
      %shift_right_arithmetic3A_185 = vector.broadcast %shift_right_arithmetic3A_184 : i32 to vector<16xi32>
      %shift_right_arithmetic3A_186 = arith.shrsi %get3A_174, %shift_right_arithmetic3A_185 : vector<16xi32>
      %swap3A_187 = arith.constant 112 : index
      %swap3A_188 = tpu.vector_load %arg7[%swap3A_187] {strides = array<i32>} : memref<128xi32, #tpu.memory_space<vmem>>, vector<16xi32>,
      %swap3A_189 = vector.shape_cast %swap3A_188 : vector<16xi32> to vector<16xi32>
      %swap3A_190 = vector.shape_cast %shift_right_arithmetic3A_186 : vector<16xi32> to vector<16xi32>
      tpu.vector_store %arg7[%swap3A_187], %swap3A_190 {strides = array<i32>} : memref<128xi32, #tpu.memory_space<vmem>>, vector<16xi32>,
      %dma_start3A = arith.constant 0 : i32
      %dma_start3A_191 = arith.constant 0 : i32
      %dma_start3A_192 = tpu.memref_slice %arg2[%dma_start3A, %dma_start3A_191] : memref<20000x128xf32, #tpu.memory_space<hbm>> -> memref<20000x128xf32, #tpu.memory_space<hbm>>
      tpu.enqueue_indirect_dma source(%dma_start3A_192 : memref<20000x128xf32, #tpu.memory_space<hbm>>) target(%arg8 : memref<128x128xf32, #tpu.memory_space<vmem>>) offsets(%arg6 : memref<128xi32, #tpu.memory_space<vmem>>) semaphore(%arg10 : memref<!tpu.dma_semaphore, #tpu.memory_space<semaphore_mem>>)
      %dma_wait3A = arith.constant 0 : i32
      %dma_wait3A_193 = arith.constant 0 : i32
      %dma_wait3A_194 = tpu.memref_slice %arg2[%dma_wait3A, %dma_wait3A_193] : memref<20000x128xf32, #tpu.memory_space<hbm>> -> memref<20000x128xf32, #tpu.memory_space<hbm>>
      tpu.wait_indirect_dma semaphore(%arg10 : memref<!tpu.dma_semaphore, #tpu.memory_space<semaphore_mem>>) src(%dma_wait3A_194 : memref<20000x128xf32, #tpu.memory_space<hbm>>) dst(%arg8 : memref<128x128xf32, #tpu.memory_space<vmem>>)
      "tpu.region"() ({
        %run_scoped3A = tpu.sem_alloc : memref<!tpu.dma_semaphore, #tpu.memory_space<semaphore_mem>>
        %dma_start3A_195 = arith.constant 0 : i32
        %dma_start3A_196 = arith.constant 0 : i32
        %dma_start3A_197 = tpu.memref_slice %arg9[%dma_start3A_195, %dma_start3A_196] : memref<10240x128xf32, #tpu.memory_space<vmem_shared>> -> memref<10240x128xf32, #tpu.memory_space<vmem_shared>>
        tpu.enqueue_indirect_dma source(%arg8 : memref<128x128xf32, #tpu.memory_space<vmem>>) target(%dma_start3A_197 : memref<10240x128xf32, #tpu.memory_space<vmem_shared>>) offsets(%arg7 : memref<128xi32, #tpu.memory_space<vmem>>) semaphore(%run_scoped3A : memref<!tpu.dma_semaphore, #tpu.memory_space<semaphore_mem>>) {add = true}
        %dma_wait3A_198 = arith.constant 0 : i32
        %dma_wait3A_199 = arith.constant 0 : i32
        %dma_wait3A_200 = tpu.memref_slice %arg9[%dma_wait3A_198, %dma_wait3A_199] : memref<10240x128xf32, #tpu.memory_space<vmem_shared>> -> memref<10240x128xf32, #tpu.memory_space<vmem_shared>>
        tpu.wait_indirect_dma semaphore(%run_scoped3A : memref<!tpu.dma_semaphore, #tpu.memory_space<semaphore_mem>>) src(%arg8 : memref<128x128xf32, #tpu.memory_space<vmem>>) dst(%dma_wait3A_200 : memref<10240x128xf32, #tpu.memory_space<vmem_shared>>)
        tpu.yield
      }) : () -> ()
    }
    %scan3A_33 = arith.constant 157 : i32
    %barrier3A_34 = arith.constant 0 : index
    tpu.barrier barrier_id(%barrier3A_34)
    %mul3A_35 = arith.constant 640 : i32
    %mul3A_36 = arith.muli %arg1, %mul3A_35 : i32
    %mul3A_37 = arith.constant 640 : i32
    %mul3A_38 = arith.muli %arg1, %mul3A_37 : i32
    "tpu.region"() ({
      %run_scoped3A = tpu.sem_alloc : memref<!tpu.dma_semaphore, #tpu.memory_space<semaphore_mem>>
      %dma_start3A = arith.constant 0 : i32
      %dma_start3A_39 = tpu.memref_slice %arg4[%arg0, %mul3A_38, %dma_start3A] : memref<2x10240x128xf32, #tpu.memory_space<hbm>> -> memref<1x640x128xf32, #tpu.memory_space<hbm>>
      %dma_start3A_40 = tpu.memref_squeeze %dma_start3A_39 : memref<1x640x128xf32, #tpu.memory_space<hbm>> -> memref<640x128xf32, #tpu.memory_space<hbm>>
      %dma_start3A_41 = arith.constant 0 : i32
      %dma_start3A_42 = tpu.memref_slice %arg9[%mul3A_36, %dma_start3A_41] : memref<10240x128xf32, #tpu.memory_space<vmem_shared>> -> memref<640x128xf32, #tpu.memory_space<vmem_shared>>
      tpu.enqueue_dma source(%dma_start3A_42 : memref<640x128xf32, #tpu.memory_space<vmem_shared>>) target(%dma_start3A_40 : memref<640x128xf32, #tpu.memory_space<hbm>>) target_semaphore(%run_scoped3A : memref<!tpu.dma_semaphore, #tpu.memory_space<semaphore_mem>>)
      %dma_wait3A = arith.constant 0 : i32
      %dma_wait3A_43 = tpu.memref_slice %arg4[%arg0, %mul3A_38, %dma_wait3A] : memref<2x10240x128xf32, #tpu.memory_space<hbm>> -> memref<1x640x128xf32, #tpu.memory_space<hbm>>
      %dma_wait3A_44 = tpu.memref_squeeze %dma_wait3A_43 : memref<1x640x128xf32, #tpu.memory_space<hbm>> -> memref<640x128xf32, #tpu.memory_space<hbm>>
      %dma_wait3A_45 = arith.constant 0 : i32
      %dma_wait3A_46 = tpu.memref_slice %arg9[%mul3A_36, %dma_wait3A_45] : memref<10240x128xf32, #tpu.memory_space<vmem_shared>> -> memref<640x128xf32, #tpu.memory_space<vmem_shared>>
      tpu.wait_dma2 semaphore(%run_scoped3A : memref<!tpu.dma_semaphore, #tpu.memory_space<semaphore_mem>>) src(%dma_wait3A_46 : memref<640x128xf32, #tpu.memory_space<vmem_shared>>) dst(%dma_wait3A_44 : memref<640x128xf32, #tpu.memory_space<hbm>>)
      tpu.yield
    }) : () -> ()
    return
  }
}

#map = affine_map<(d0, d1) -> (0, 0)>
#map1 = affine_map<(d0, d1) -> (0)>
#map2 = affine_map<(d0, d1) -> (0, 0, 0)>
module attributes {stable_mosaic.version = 14 : i64} {
  func.func @kern(%arg0: i32, %arg1: i32, %arg2: memref<20000x128xf32, #tpu.memory_space<hbm>>, %arg3: memref<321536xi32, #tpu.memory_space<hbm>>, %arg4: memref<2x10240x128xf32, #tpu.memory_space<hbm>>, %arg5: memref<128xi32, #tpu.memory_space<vmem>>, %arg6: memref<128xi32, #tpu.memory_space<vmem>>, %arg7: memref<128xi32, #tpu.memory_space<vmem>>, %arg8: memref<128x128xf32, #tpu.memory_space<vmem>>, %arg9: memref<10240x128xf32, #tpu.memory_space<vmem_shared>>, %arg10: memref<!tpu.dma_semaphore, #tpu.memory_space<semaphore_mem>>) attributes {dimension_semantics = [#tpu.dimension_semantics<core_parallel>, #tpu.dimension_semantics<subcore_parallel>], iteration_bounds = array<i64: 2, 16>, scalar_prefetch = 0 : i64, scratch_operands = 6 : i64, tpu.core_type = #tpu.core_type<sc_vector_subcore>, window_params = [{transform_indices = #map}, {transform_indices = #map1}, {transform_indices = #map2}]} {
    %mul3A = arith.constant 10000 : i32
    %mul3A_0 = arith.muli %arg0, %mul3A : i32
    %broadcast_in_dim3A = arith.constant 0.000000e+00 : f32
    %broadcast_in_dim3A_1 = vector.broadcast %broadcast_in_dim3A : f32 to vector<16xf32>
    %scan3A = arith.constant 0 : i32
    %scan3A_2 = arith.constant 0 : i32
    %scan3A_3 = arith.constant 128 : i32
    %scan3A_4 = arith.addi %scan3A_2, %scan3A_3 : i32
    %scan3A_5 = arith.constant 1 : i32
    scf.for %scan3A_39 = %scan3A_2 to %scan3A_4 step %scan3A_5  : i32 {
      %swap3A = arith.index_cast %scan3A_39 : i32 to index
      %swap3A_40 = arith.constant 0 : index
      %swap3A_41 = tpu.vector_load %arg8[%swap3A, %swap3A_40] {strides = array<i32>} : memref<128x128xf32, #tpu.memory_space<vmem>>, vector<1x16xf32>,
      %swap3A_42 = vector.shape_cast %swap3A_41 : vector<1x16xf32> to vector<16xf32>
      %swap3A_43 = vector.shape_cast %broadcast_in_dim3A_1 : vector<16xf32> to vector<1x16xf32>
      tpu.vector_store %arg8[%swap3A, %swap3A_40], %swap3A_43 {strides = array<i32>} : memref<128x128xf32, #tpu.memory_space<vmem>>, vector<1x16xf32>,
      %swap3A_44 = arith.index_cast %scan3A_39 : i32 to index
      %swap3A_45 = arith.constant 16 : index
      %swap3A_46 = tpu.vector_load %arg8[%swap3A_44, %swap3A_45] {strides = array<i32>} : memref<128x128xf32, #tpu.memory_space<vmem>>, vector<1x16xf32>,
      %swap3A_47 = vector.shape_cast %swap3A_46 : vector<1x16xf32> to vector<16xf32>
      %swap3A_48 = vector.shape_cast %broadcast_in_dim3A_1 : vector<16xf32> to vector<1x16xf32>
      tpu.vector_store %arg8[%swap3A_44, %swap3A_45], %swap3A_48 {strides = array<i32>} : memref<128x128xf32, #tpu.memory_space<vmem>>, vector<1x16xf32>,
      %swap3A_49 = arith.index_cast %scan3A_39 : i32 to index
      %swap3A_50 = arith.constant 32 : index
      %swap3A_51 = tpu.vector_load %arg8[%swap3A_49, %swap3A_50] {strides = array<i32>} : memref<128x128xf32, #tpu.memory_space<vmem>>, vector<1x16xf32>,
      %swap3A_52 = vector.shape_cast %swap3A_51 : vector<1x16xf32> to vector<16xf32>
      %swap3A_53 = vector.shape_cast %broadcast_in_dim3A_1 : vector<16xf32> to vector<1x16xf32>
      tpu.vector_store %arg8[%swap3A_49, %swap3A_50], %swap3A_53 {strides = array<i32>} : memref<128x128xf32, #tpu.memory_space<vmem>>, vector<1x16xf32>,
      %swap3A_54 = arith.index_cast %scan3A_39 : i32 to index
      %swap3A_55 = arith.constant 48 : index
      %swap3A_56 = tpu.vector_load %arg8[%swap3A_54, %swap3A_55] {strides = array<i32>} : memref<128x128xf32, #tpu.memory_space<vmem>>, vector<1x16xf32>,
      %swap3A_57 = vector.shape_cast %swap3A_56 : vector<1x16xf32> to vector<16xf32>
      %swap3A_58 = vector.shape_cast %broadcast_in_dim3A_1 : vector<16xf32> to vector<1x16xf32>
      tpu.vector_store %arg8[%swap3A_54, %swap3A_55], %swap3A_58 {strides = array<i32>} : memref<128x128xf32, #tpu.memory_space<vmem>>, vector<1x16xf32>,
      %swap3A_59 = arith.index_cast %scan3A_39 : i32 to index
      %swap3A_60 = arith.constant 64 : index
      %swap3A_61 = tpu.vector_load %arg8[%swap3A_59, %swap3A_60] {strides = array<i32>} : memref<128x128xf32, #tpu.memory_space<vmem>>, vector<1x16xf32>,
      %swap3A_62 = vector.shape_cast %swap3A_61 : vector<1x16xf32> to vector<16xf32>
      %swap3A_63 = vector.shape_cast %broadcast_in_dim3A_1 : vector<16xf32> to vector<1x16xf32>
      tpu.vector_store %arg8[%swap3A_59, %swap3A_60], %swap3A_63 {strides = array<i32>} : memref<128x128xf32, #tpu.memory_space<vmem>>, vector<1x16xf32>,
      %swap3A_64 = arith.index_cast %scan3A_39 : i32 to index
      %swap3A_65 = arith.constant 80 : index
      %swap3A_66 = tpu.vector_load %arg8[%swap3A_64, %swap3A_65] {strides = array<i32>} : memref<128x128xf32, #tpu.memory_space<vmem>>, vector<1x16xf32>,
      %swap3A_67 = vector.shape_cast %swap3A_66 : vector<1x16xf32> to vector<16xf32>
      %swap3A_68 = vector.shape_cast %broadcast_in_dim3A_1 : vector<16xf32> to vector<1x16xf32>
      tpu.vector_store %arg8[%swap3A_64, %swap3A_65], %swap3A_68 {strides = array<i32>} : memref<128x128xf32, #tpu.memory_space<vmem>>, vector<1x16xf32>,
      %swap3A_69 = arith.index_cast %scan3A_39 : i32 to index
      %swap3A_70 = arith.constant 96 : index
      %swap3A_71 = tpu.vector_load %arg8[%swap3A_69, %swap3A_70] {strides = array<i32>} : memref<128x128xf32, #tpu.memory_space<vmem>>, vector<1x16xf32>,
      %swap3A_72 = vector.shape_cast %swap3A_71 : vector<1x16xf32> to vector<16xf32>
      %swap3A_73 = vector.shape_cast %broadcast_in_dim3A_1 : vector<16xf32> to vector<1x16xf32>
      tpu.vector_store %arg8[%swap3A_69, %swap3A_70], %swap3A_73 {strides = array<i32>} : memref<128x128xf32, #tpu.memory_space<vmem>>, vector<1x16xf32>,
      %swap3A_74 = arith.index_cast %scan3A_39 : i32 to index
      %swap3A_75 = arith.constant 112 : index
      %swap3A_76 = tpu.vector_load %arg8[%swap3A_74, %swap3A_75] {strides = array<i32>} : memref<128x128xf32, #tpu.memory_space<vmem>>, vector<1x16xf32>,
      %swap3A_77 = vector.shape_cast %swap3A_76 : vector<1x16xf32> to vector<16xf32>
      %swap3A_78 = vector.shape_cast %broadcast_in_dim3A_1 : vector<16xf32> to vector<1x16xf32>
      tpu.vector_store %arg8[%swap3A_74, %swap3A_75], %swap3A_78 {strides = array<i32>} : memref<128x128xf32, #tpu.memory_space<vmem>>, vector<1x16xf32>,
    }
    %scan3A_6 = arith.constant 128 : i32
    %mul3A_7 = arith.constant 640 : i32
    %mul3A_8 = arith.muli %arg1, %mul3A_7 : i32
    %add3A = arith.constant 0 : i32
    %add3A_9 = arith.addi %mul3A_8, %add3A : i32
    "tpu.region"() ({
      %run_scoped3A = tpu.sem_alloc : memref<!tpu.dma_semaphore, #tpu.memory_space<semaphore_mem>>
      %dma_start3A = arith.constant 0 : i32
      %dma_start3A_39 = tpu.memref_slice %arg9[%add3A_9, %dma_start3A] : memref<10240x128xf32, #tpu.memory_space<vmem_shared>> -> memref<128x128xf32, #tpu.memory_space<vmem_shared>>
      %dma_start3A_40 = arith.constant 0 : i32
      %dma_start3A_41 = tpu.memref_slice %arg9[%add3A_9, %dma_start3A_40] : memref<10240x128xf32, #tpu.memory_space<vmem_shared>> -> memref<128x128xf32, #tpu.memory_space<vmem_shared>>
      tpu.enqueue_dma source(%arg8 : memref<128x128xf32, #tpu.memory_space<vmem>>) target(%dma_start3A_41 : memref<128x128xf32, #tpu.memory_space<vmem_shared>>) target_semaphore(%run_scoped3A : memref<!tpu.dma_semaphore, #tpu.memory_space<semaphore_mem>>)
      %dma_wait3A = arith.constant 0 : i32
      %dma_wait3A_42 = tpu.memref_slice %arg9[%add3A_9, %dma_wait3A] : memref<10240x128xf32, #tpu.memory_space<vmem_shared>> -> memref<128x128xf32, #tpu.memory_space<vmem_shared>>
      %dma_wait3A_43 = arith.constant 0 : i32
      %dma_wait3A_44 = tpu.memref_slice %arg9[%add3A_9, %dma_wait3A_43] : memref<10240x128xf32, #tpu.memory_space<vmem_shared>> -> memref<128x128xf32, #tpu.memory_space<vmem_shared>>
      tpu.wait_dma2 semaphore(%run_scoped3A : memref<!tpu.dma_semaphore, #tpu.memory_space<semaphore_mem>>) src(%arg8 : memref<128x128xf32, #tpu.memory_space<vmem>>) dst(%dma_wait3A_44 : memref<128x128xf32, #tpu.memory_space<vmem_shared>>)
      tpu.yield
    }) : () -> ()
    %mul3A_10 = arith.constant 640 : i32
    %mul3A_11 = arith.muli %arg1, %mul3A_10 : i32
    %add3A_12 = arith.constant 128 : i32
    %add3A_13 = arith.addi %mul3A_11, %add3A_12 : i32
    "tpu.region"() ({
      %run_scoped3A = tpu.sem_alloc : memref<!tpu.dma_semaphore, #tpu.memory_space<semaphore_mem>>
      %dma_start3A = arith.constant 0 : i32
      %dma_start3A_39 = tpu.memref_slice %arg9[%add3A_13, %dma_start3A] : memref<10240x128xf32, #tpu.memory_space<vmem_shared>> -> memref<128x128xf32, #tpu.memory_space<vmem_shared>>
      %dma_start3A_40 = arith.constant 0 : i32
      %dma_start3A_41 = tpu.memref_slice %arg9[%add3A_13, %dma_start3A_40] : memref<10240x128xf32, #tpu.memory_space<vmem_shared>> -> memref<128x128xf32, #tpu.memory_space<vmem_shared>>
      tpu.enqueue_dma source(%arg8 : memref<128x128xf32, #tpu.memory_space<vmem>>) target(%dma_start3A_41 : memref<128x128xf32, #tpu.memory_space<vmem_shared>>) target_semaphore(%run_scoped3A : memref<!tpu.dma_semaphore, #tpu.memory_space<semaphore_mem>>)
      %dma_wait3A = arith.constant 0 : i32
      %dma_wait3A_42 = tpu.memref_slice %arg9[%add3A_13, %dma_wait3A] : memref<10240x128xf32, #tpu.memory_space<vmem_shared>> -> memref<128x128xf32, #tpu.memory_space<vmem_shared>>
      %dma_wait3A_43 = arith.constant 0 : i32
      %dma_wait3A_44 = tpu.memref_slice %arg9[%add3A_13, %dma_wait3A_43] : memref<10240x128xf32, #tpu.memory_space<vmem_shared>> -> memref<128x128xf32, #tpu.memory_space<vmem_shared>>
      tpu.wait_dma2 semaphore(%run_scoped3A : memref<!tpu.dma_semaphore, #tpu.memory_space<semaphore_mem>>) src(%arg8 : memref<128x128xf32, #tpu.memory_space<vmem>>) dst(%dma_wait3A_44 : memref<128x128xf32, #tpu.memory_space<vmem_shared>>)
      tpu.yield
    }) : () -> ()
    %mul3A_14 = arith.constant 640 : i32
    %mul3A_15 = arith.muli %arg1, %mul3A_14 : i32
    %add3A_16 = arith.constant 256 : i32
    %add3A_17 = arith.addi %mul3A_15, %add3A_16 : i32
    "tpu.region"() ({
      %run_scoped3A = tpu.sem_alloc : memref<!tpu.dma_semaphore, #tpu.memory_space<semaphore_mem>>
      %dma_start3A = arith.constant 0 : i32
      %dma_start3A_39 = tpu.memref_slice %arg9[%add3A_17, %dma_start3A] : memref<10240x128xf32, #tpu.memory_space<vmem_shared>> -> memref<128x128xf32, #tpu.memory_space<vmem_shared>>
      %dma_start3A_40 = arith.constant 0 : i32
      %dma_start3A_41 = tpu.memref_slice %arg9[%add3A_17, %dma_start3A_40] : memref<10240x128xf32, #tpu.memory_space<vmem_shared>> -> memref<128x128xf32, #tpu.memory_space<vmem_shared>>
      tpu.enqueue_dma source(%arg8 : memref<128x128xf32, #tpu.memory_space<vmem>>) target(%dma_start3A_41 : memref<128x128xf32, #tpu.memory_space<vmem_shared>>) target_semaphore(%run_scoped3A : memref<!tpu.dma_semaphore, #tpu.memory_space<semaphore_mem>>)
      %dma_wait3A = arith.constant 0 : i32
      %dma_wait3A_42 = tpu.memref_slice %arg9[%add3A_17, %dma_wait3A] : memref<10240x128xf32, #tpu.memory_space<vmem_shared>> -> memref<128x128xf32, #tpu.memory_space<vmem_shared>>
      %dma_wait3A_43 = arith.constant 0 : i32
      %dma_wait3A_44 = tpu.memref_slice %arg9[%add3A_17, %dma_wait3A_43] : memref<10240x128xf32, #tpu.memory_space<vmem_shared>> -> memref<128x128xf32, #tpu.memory_space<vmem_shared>>
      tpu.wait_dma2 semaphore(%run_scoped3A : memref<!tpu.dma_semaphore, #tpu.memory_space<semaphore_mem>>) src(%arg8 : memref<128x128xf32, #tpu.memory_space<vmem>>) dst(%dma_wait3A_44 : memref<128x128xf32, #tpu.memory_space<vmem_shared>>)
      tpu.yield
    }) : () -> ()
    %mul3A_18 = arith.constant 640 : i32
    %mul3A_19 = arith.muli %arg1, %mul3A_18 : i32
    %add3A_20 = arith.constant 384 : i32
    %add3A_21 = arith.addi %mul3A_19, %add3A_20 : i32
    "tpu.region"() ({
      %run_scoped3A = tpu.sem_alloc : memref<!tpu.dma_semaphore, #tpu.memory_space<semaphore_mem>>
      %dma_start3A = arith.constant 0 : i32
      %dma_start3A_39 = tpu.memref_slice %arg9[%add3A_21, %dma_start3A] : memref<10240x128xf32, #tpu.memory_space<vmem_shared>> -> memref<128x128xf32, #tpu.memory_space<vmem_shared>>
      %dma_start3A_40 = arith.constant 0 : i32
      %dma_start3A_41 = tpu.memref_slice %arg9[%add3A_21, %dma_start3A_40] : memref<10240x128xf32, #tpu.memory_space<vmem_shared>> -> memref<128x128xf32, #tpu.memory_space<vmem_shared>>
      tpu.enqueue_dma source(%arg8 : memref<128x128xf32, #tpu.memory_space<vmem>>) target(%dma_start3A_41 : memref<128x128xf32, #tpu.memory_space<vmem_shared>>) target_semaphore(%run_scoped3A : memref<!tpu.dma_semaphore, #tpu.memory_space<semaphore_mem>>)
      %dma_wait3A = arith.constant 0 : i32
      %dma_wait3A_42 = tpu.memref_slice %arg9[%add3A_21, %dma_wait3A] : memref<10240x128xf32, #tpu.memory_space<vmem_shared>> -> memref<128x128xf32, #tpu.memory_space<vmem_shared>>
      %dma_wait3A_43 = arith.constant 0 : i32
      %dma_wait3A_44 = tpu.memref_slice %arg9[%add3A_21, %dma_wait3A_43] : memref<10240x128xf32, #tpu.memory_space<vmem_shared>> -> memref<128x128xf32, #tpu.memory_space<vmem_shared>>
      tpu.wait_dma2 semaphore(%run_scoped3A : memref<!tpu.dma_semaphore, #tpu.memory_space<semaphore_mem>>) src(%arg8 : memref<128x128xf32, #tpu.memory_space<vmem>>) dst(%dma_wait3A_44 : memref<128x128xf32, #tpu.memory_space<vmem_shared>>)
      tpu.yield
    }) : () -> ()
    %mul3A_22 = arith.constant 640 : i32
    %mul3A_23 = arith.muli %arg1, %mul3A_22 : i32
    %add3A_24 = arith.constant 512 : i32
    %add3A_25 = arith.addi %mul3A_23, %add3A_24 : i32
    "tpu.region"() ({
      %run_scoped3A = tpu.sem_alloc : memref<!tpu.dma_semaphore, #tpu.memory_space<semaphore_mem>>
      %dma_start3A = arith.constant 0 : i32
      %dma_start3A_39 = tpu.memref_slice %arg9[%add3A_25, %dma_start3A] : memref<10240x128xf32, #tpu.memory_space<vmem_shared>> -> memref<128x128xf32, #tpu.memory_space<vmem_shared>>
      %dma_start3A_40 = arith.constant 0 : i32
      %dma_start3A_41 = tpu.memref_slice %arg9[%add3A_25, %dma_start3A_40] : memref<10240x128xf32, #tpu.memory_space<vmem_shared>> -> memref<128x128xf32, #tpu.memory_space<vmem_shared>>
      tpu.enqueue_dma source(%arg8 : memref<128x128xf32, #tpu.memory_space<vmem>>) target(%dma_start3A_41 : memref<128x128xf32, #tpu.memory_space<vmem_shared>>) target_semaphore(%run_scoped3A : memref<!tpu.dma_semaphore, #tpu.memory_space<semaphore_mem>>)
      %dma_wait3A = arith.constant 0 : i32
      %dma_wait3A_42 = tpu.memref_slice %arg9[%add3A_25, %dma_wait3A] : memref<10240x128xf32, #tpu.memory_space<vmem_shared>> -> memref<128x128xf32, #tpu.memory_space<vmem_shared>>
      %dma_wait3A_43 = arith.constant 0 : i32
      %dma_wait3A_44 = tpu.memref_slice %arg9[%add3A_25, %dma_wait3A_43] : memref<10240x128xf32, #tpu.memory_space<vmem_shared>> -> memref<128x128xf32, #tpu.memory_space<vmem_shared>>
      tpu.wait_dma2 semaphore(%run_scoped3A : memref<!tpu.dma_semaphore, #tpu.memory_space<semaphore_mem>>) src(%arg8 : memref<128x128xf32, #tpu.memory_space<vmem>>) dst(%dma_wait3A_44 : memref<128x128xf32, #tpu.memory_space<vmem_shared>>)
      tpu.yield
    }) : () -> ()
    %barrier3A = arith.constant 0 : index
    tpu.barrier barrier_id(%barrier3A)
    %mul3A_26 = arith.constant 20096 : i32
    %mul3A_27 = arith.muli %arg1, %mul3A_26 : i32
    %scan3A_28 = arith.constant 0 : i32
    %scan3A_29 = arith.constant 0 : i32
    %scan3A_30 = arith.constant 157 : i32
    %scan3A_31 = arith.addi %scan3A_29, %scan3A_30 : i32
    %scan3A_32 = arith.constant 1 : i32
    scf.for %scan3A_39 = %scan3A_29 to %scan3A_31 step %scan3A_32  : i32 {
      %mul3A_40 = arith.constant 128 : i32
      %mul3A_41 = arith.muli %scan3A_39, %mul3A_40 : i32
      %add3A_42 = arith.addi %mul3A_27, %mul3A_41 : i32
      "tpu.region"() ({
        %run_scoped3A = tpu.sem_alloc : memref<!tpu.dma_semaphore, #tpu.memory_space<semaphore_mem>>
        %dma_start3A_195 = tpu.memref_slice %arg3[%add3A_42] : memref<321536xi32, #tpu.memory_space<hbm>> -> memref<128xi32, #tpu.memory_space<hbm>>
        %dma_start3A_196 = tpu.memref_slice %arg3[%add3A_42] : memref<321536xi32, #tpu.memory_space<hbm>> -> memref<128xi32, #tpu.memory_space<hbm>>
        tpu.enqueue_dma source(%dma_start3A_196 : memref<128xi32, #tpu.memory_space<hbm>>) target(%arg5 : memref<128xi32, #tpu.memory_space<vmem>>) target_semaphore(%run_scoped3A : memref<!tpu.dma_semaphore, #tpu.memory_space<semaphore_mem>>)
        %dma_wait3A_197 = tpu.memref_slice %arg3[%add3A_42] : memref<321536xi32, #tpu.memory_space<hbm>> -> memref<128xi32, #tpu.memory_space<hbm>>
        %dma_wait3A_198 = tpu.memref_slice %arg3[%add3A_42] : memref<321536xi32, #tpu.memory_space<hbm>> -> memref<128xi32, #tpu.memory_space<hbm>>
        tpu.wait_dma2 semaphore(%run_scoped3A : memref<!tpu.dma_semaphore, #tpu.memory_space<semaphore_mem>>) src(%dma_wait3A_198 : memref<128xi32, #tpu.memory_space<hbm>>) dst(%arg5 : memref<128xi32, #tpu.memory_space<vmem>>)
        tpu.yield
      }) : () -> ()
      %get3A = arith.constant 0 : index
      %get3A_43 = tpu.vector_load %arg5[%get3A] {strides = array<i32>} : memref<128xi32, #tpu.memory_space<vmem>>, vector<16xi32>,
      %get3A_44 = vector.shape_cast %get3A_43 : vector<16xi32> to vector<16xi32>
      %and3A = arith.constant 32767 : i32
      %and3A_45 = vector.broadcast %and3A : i32 to vector<16xi32>
      %and3A_46 = arith.andi %get3A_44, %and3A_45 : vector<16xi32>
      %add3A_47 = vector.broadcast %mul3A_0 : i32 to vector<16xi32>
      %add3A_48 = arith.addi %and3A_46, %add3A_47 : vector<16xi32>
      %swap3A = arith.constant 0 : index
      %swap3A_49 = tpu.vector_load %arg6[%swap3A] {strides = array<i32>} : memref<128xi32, #tpu.memory_space<vmem>>, vector<16xi32>,
      %swap3A_50 = vector.shape_cast %swap3A_49 : vector<16xi32> to vector<16xi32>
      %swap3A_51 = vector.shape_cast %add3A_48 : vector<16xi32> to vector<16xi32>
      tpu.vector_store %arg6[%swap3A], %swap3A_51 {strides = array<i32>} : memref<128xi32, #tpu.memory_space<vmem>>, vector<16xi32>,
      %shift_right_arithmetic3A = arith.constant 15 : i32
      %shift_right_arithmetic3A_52 = vector.broadcast %shift_right_arithmetic3A : i32 to vector<16xi32>
      %shift_right_arithmetic3A_53 = arith.shrsi %get3A_44, %shift_right_arithmetic3A_52 : vector<16xi32>
      %swap3A_54 = arith.constant 0 : index
      %swap3A_55 = tpu.vector_load %arg7[%swap3A_54] {strides = array<i32>} : memref<128xi32, #tpu.memory_space<vmem>>, vector<16xi32>,
      %swap3A_56 = vector.shape_cast %swap3A_55 : vector<16xi32> to vector<16xi32>
      %swap3A_57 = vector.shape_cast %shift_right_arithmetic3A_53 : vector<16xi32> to vector<16xi32>
      tpu.vector_store %arg7[%swap3A_54], %swap3A_57 {strides = array<i32>} : memref<128xi32, #tpu.memory_space<vmem>>, vector<16xi32>,
      %get3A_58 = arith.constant 16 : index
      %get3A_59 = tpu.vector_load %arg5[%get3A_58] {strides = array<i32>} : memref<128xi32, #tpu.memory_space<vmem>>, vector<16xi32>,
      %get3A_60 = vector.shape_cast %get3A_59 : vector<16xi32> to vector<16xi32>
      %and3A_61 = arith.constant 32767 : i32
      %and3A_62 = vector.broadcast %and3A_61 : i32 to vector<16xi32>
      %and3A_63 = arith.andi %get3A_60, %and3A_62 : vector<16xi32>
      %add3A_64 = vector.broadcast %mul3A_0 : i32 to vector<16xi32>
      %add3A_65 = arith.addi %and3A_63, %add3A_64 : vector<16xi32>
      %swap3A_66 = arith.constant 16 : index
      %swap3A_67 = tpu.vector_load %arg6[%swap3A_66] {strides = array<i32>} : memref<128xi32, #tpu.memory_space<vmem>>, vector<16xi32>,
      %swap3A_68 = vector.shape_cast %swap3A_67 : vector<16xi32> to vector<16xi32>
      %swap3A_69 = vector.shape_cast %add3A_65 : vector<16xi32> to vector<16xi32>
      tpu.vector_store %arg6[%swap3A_66], %swap3A_69 {strides = array<i32>} : memref<128xi32, #tpu.memory_space<vmem>>, vector<16xi32>,
      %shift_right_arithmetic3A_70 = arith.constant 15 : i32
      %shift_right_arithmetic3A_71 = vector.broadcast %shift_right_arithmetic3A_70 : i32 to vector<16xi32>
      %shift_right_arithmetic3A_72 = arith.shrsi %get3A_60, %shift_right_arithmetic3A_71 : vector<16xi32>
      %swap3A_73 = arith.constant 16 : index
      %swap3A_74 = tpu.vector_load %arg7[%swap3A_73] {strides = array<i32>} : memref<128xi32, #tpu.memory_space<vmem>>, vector<16xi32>,
      %swap3A_75 = vector.shape_cast %swap3A_74 : vector<16xi32> to vector<16xi32>
      %swap3A_76 = vector.shape_cast %shift_right_arithmetic3A_72 : vector<16xi32> to vector<16xi32>
      tpu.vector_store %arg7[%swap3A_73], %swap3A_76 {strides = array<i32>} : memref<128xi32, #tpu.memory_space<vmem>>, vector<16xi32>,
      %get3A_77 = arith.constant 32 : index
      %get3A_78 = tpu.vector_load %arg5[%get3A_77] {strides = array<i32>} : memref<128xi32, #tpu.memory_space<vmem>>, vector<16xi32>,
      %get3A_79 = vector.shape_cast %get3A_78 : vector<16xi32> to vector<16xi32>
      %and3A_80 = arith.constant 32767 : i32
      %and3A_81 = vector.broadcast %and3A_80 : i32 to vector<16xi32>
      %and3A_82 = arith.andi %get3A_79, %and3A_81 : vector<16xi32>
      %add3A_83 = vector.broadcast %mul3A_0 : i32 to vector<16xi32>
      %add3A_84 = arith.addi %and3A_82, %add3A_83 : vector<16xi32>
      %swap3A_85 = arith.constant 32 : index
      %swap3A_86 = tpu.vector_load %arg6[%swap3A_85] {strides = array<i32>} : memref<128xi32, #tpu.memory_space<vmem>>, vector<16xi32>,
      %swap3A_87 = vector.shape_cast %swap3A_86 : vector<16xi32> to vector<16xi32>
      %swap3A_88 = vector.shape_cast %add3A_84 : vector<16xi32> to vector<16xi32>
      tpu.vector_store %arg6[%swap3A_85], %swap3A_88 {strides = array<i32>} : memref<128xi32, #tpu.memory_space<vmem>>, vector<16xi32>,
      %shift_right_arithmetic3A_89 = arith.constant 15 : i32
      %shift_right_arithmetic3A_90 = vector.broadcast %shift_right_arithmetic3A_89 : i32 to vector<16xi32>
      %shift_right_arithmetic3A_91 = arith.shrsi %get3A_79, %shift_right_arithmetic3A_90 : vector<16xi32>
      %swap3A_92 = arith.constant 32 : index
      %swap3A_93 = tpu.vector_load %arg7[%swap3A_92] {strides = array<i32>} : memref<128xi32, #tpu.memory_space<vmem>>, vector<16xi32>,
      %swap3A_94 = vector.shape_cast %swap3A_93 : vector<16xi32> to vector<16xi32>
      %swap3A_95 = vector.shape_cast %shift_right_arithmetic3A_91 : vector<16xi32> to vector<16xi32>
      tpu.vector_store %arg7[%swap3A_92], %swap3A_95 {strides = array<i32>} : memref<128xi32, #tpu.memory_space<vmem>>, vector<16xi32>,
      %get3A_96 = arith.constant 48 : index
      %get3A_97 = tpu.vector_load %arg5[%get3A_96] {strides = array<i32>} : memref<128xi32, #tpu.memory_space<vmem>>, vector<16xi32>,
      %get3A_98 = vector.shape_cast %get3A_97 : vector<16xi32> to vector<16xi32>
      %and3A_99 = arith.constant 32767 : i32
      %and3A_100 = vector.broadcast %and3A_99 : i32 to vector<16xi32>
      %and3A_101 = arith.andi %get3A_98, %and3A_100 : vector<16xi32>
      %add3A_102 = vector.broadcast %mul3A_0 : i32 to vector<16xi32>
      %add3A_103 = arith.addi %and3A_101, %add3A_102 : vector<16xi32>
      %swap3A_104 = arith.constant 48 : index
      %swap3A_105 = tpu.vector_load %arg6[%swap3A_104] {strides = array<i32>} : memref<128xi32, #tpu.memory_space<vmem>>, vector<16xi32>,
      %swap3A_106 = vector.shape_cast %swap3A_105 : vector<16xi32> to vector<16xi32>
      %swap3A_107 = vector.shape_cast %add3A_103 : vector<16xi32> to vector<16xi32>
      tpu.vector_store %arg6[%swap3A_104], %swap3A_107 {strides = array<i32>} : memref<128xi32, #tpu.memory_space<vmem>>, vector<16xi32>,
      %shift_right_arithmetic3A_108 = arith.constant 15 : i32
      %shift_right_arithmetic3A_109 = vector.broadcast %shift_right_arithmetic3A_108 : i32 to vector<16xi32>
      %shift_right_arithmetic3A_110 = arith.shrsi %get3A_98, %shift_right_arithmetic3A_109 : vector<16xi32>
      %swap3A_111 = arith.constant 48 : index
      %swap3A_112 = tpu.vector_load %arg7[%swap3A_111] {strides = array<i32>} : memref<128xi32, #tpu.memory_space<vmem>>, vector<16xi32>,
      %swap3A_113 = vector.shape_cast %swap3A_112 : vector<16xi32> to vector<16xi32>
      %swap3A_114 = vector.shape_cast %shift_right_arithmetic3A_110 : vector<16xi32> to vector<16xi32>
      tpu.vector_store %arg7[%swap3A_111], %swap3A_114 {strides = array<i32>} : memref<128xi32, #tpu.memory_space<vmem>>, vector<16xi32>,
      %get3A_115 = arith.constant 64 : index
      %get3A_116 = tpu.vector_load %arg5[%get3A_115] {strides = array<i32>} : memref<128xi32, #tpu.memory_space<vmem>>, vector<16xi32>,
      %get3A_117 = vector.shape_cast %get3A_116 : vector<16xi32> to vector<16xi32>
      %and3A_118 = arith.constant 32767 : i32
      %and3A_119 = vector.broadcast %and3A_118 : i32 to vector<16xi32>
      %and3A_120 = arith.andi %get3A_117, %and3A_119 : vector<16xi32>
      %add3A_121 = vector.broadcast %mul3A_0 : i32 to vector<16xi32>
      %add3A_122 = arith.addi %and3A_120, %add3A_121 : vector<16xi32>
      %swap3A_123 = arith.constant 64 : index
      %swap3A_124 = tpu.vector_load %arg6[%swap3A_123] {strides = array<i32>} : memref<128xi32, #tpu.memory_space<vmem>>, vector<16xi32>,
      %swap3A_125 = vector.shape_cast %swap3A_124 : vector<16xi32> to vector<16xi32>
      %swap3A_126 = vector.shape_cast %add3A_122 : vector<16xi32> to vector<16xi32>
      tpu.vector_store %arg6[%swap3A_123], %swap3A_126 {strides = array<i32>} : memref<128xi32, #tpu.memory_space<vmem>>, vector<16xi32>,
      %shift_right_arithmetic3A_127 = arith.constant 15 : i32
      %shift_right_arithmetic3A_128 = vector.broadcast %shift_right_arithmetic3A_127 : i32 to vector<16xi32>
      %shift_right_arithmetic3A_129 = arith.shrsi %get3A_117, %shift_right_arithmetic3A_128 : vector<16xi32>
      %swap3A_130 = arith.constant 64 : index
      %swap3A_131 = tpu.vector_load %arg7[%swap3A_130] {strides = array<i32>} : memref<128xi32, #tpu.memory_space<vmem>>, vector<16xi32>,
      %swap3A_132 = vector.shape_cast %swap3A_131 : vector<16xi32> to vector<16xi32>
      %swap3A_133 = vector.shape_cast %shift_right_arithmetic3A_129 : vector<16xi32> to vector<16xi32>
      tpu.vector_store %arg7[%swap3A_130], %swap3A_133 {strides = array<i32>} : memref<128xi32, #tpu.memory_space<vmem>>, vector<16xi32>,
      %get3A_134 = arith.constant 80 : index
      %get3A_135 = tpu.vector_load %arg5[%get3A_134] {strides = array<i32>} : memref<128xi32, #tpu.memory_space<vmem>>, vector<16xi32>,
      %get3A_136 = vector.shape_cast %get3A_135 : vector<16xi32> to vector<16xi32>
      %and3A_137 = arith.constant 32767 : i32
      %and3A_138 = vector.broadcast %and3A_137 : i32 to vector<16xi32>
      %and3A_139 = arith.andi %get3A_136, %and3A_138 : vector<16xi32>
      %add3A_140 = vector.broadcast %mul3A_0 : i32 to vector<16xi32>
      %add3A_141 = arith.addi %and3A_139, %add3A_140 : vector<16xi32>
      %swap3A_142 = arith.constant 80 : index
      %swap3A_143 = tpu.vector_load %arg6[%swap3A_142] {strides = array<i32>} : memref<128xi32, #tpu.memory_space<vmem>>, vector<16xi32>,
      %swap3A_144 = vector.shape_cast %swap3A_143 : vector<16xi32> to vector<16xi32>
      %swap3A_145 = vector.shape_cast %add3A_141 : vector<16xi32> to vector<16xi32>
      tpu.vector_store %arg6[%swap3A_142], %swap3A_145 {strides = array<i32>} : memref<128xi32, #tpu.memory_space<vmem>>, vector<16xi32>,
      %shift_right_arithmetic3A_146 = arith.constant 15 : i32
      %shift_right_arithmetic3A_147 = vector.broadcast %shift_right_arithmetic3A_146 : i32 to vector<16xi32>
      %shift_right_arithmetic3A_148 = arith.shrsi %get3A_136, %shift_right_arithmetic3A_147 : vector<16xi32>
      %swap3A_149 = arith.constant 80 : index
      %swap3A_150 = tpu.vector_load %arg7[%swap3A_149] {strides = array<i32>} : memref<128xi32, #tpu.memory_space<vmem>>, vector<16xi32>,
      %swap3A_151 = vector.shape_cast %swap3A_150 : vector<16xi32> to vector<16xi32>
      %swap3A_152 = vector.shape_cast %shift_right_arithmetic3A_148 : vector<16xi32> to vector<16xi32>
      tpu.vector_store %arg7[%swap3A_149], %swap3A_152 {strides = array<i32>} : memref<128xi32, #tpu.memory_space<vmem>>, vector<16xi32>,
      %get3A_153 = arith.constant 96 : index
      %get3A_154 = tpu.vector_load %arg5[%get3A_153] {strides = array<i32>} : memref<128xi32, #tpu.memory_space<vmem>>, vector<16xi32>,
      %get3A_155 = vector.shape_cast %get3A_154 : vector<16xi32> to vector<16xi32>
      %and3A_156 = arith.constant 32767 : i32
      %and3A_157 = vector.broadcast %and3A_156 : i32 to vector<16xi32>
      %and3A_158 = arith.andi %get3A_155, %and3A_157 : vector<16xi32>
      %add3A_159 = vector.broadcast %mul3A_0 : i32 to vector<16xi32>
      %add3A_160 = arith.addi %and3A_158, %add3A_159 : vector<16xi32>
      %swap3A_161 = arith.constant 96 : index
      %swap3A_162 = tpu.vector_load %arg6[%swap3A_161] {strides = array<i32>} : memref<128xi32, #tpu.memory_space<vmem>>, vector<16xi32>,
      %swap3A_163 = vector.shape_cast %swap3A_162 : vector<16xi32> to vector<16xi32>
      %swap3A_164 = vector.shape_cast %add3A_160 : vector<16xi32> to vector<16xi32>
      tpu.vector_store %arg6[%swap3A_161], %swap3A_164 {strides = array<i32>} : memref<128xi32, #tpu.memory_space<vmem>>, vector<16xi32>,
      %shift_right_arithmetic3A_165 = arith.constant 15 : i32
      %shift_right_arithmetic3A_166 = vector.broadcast %shift_right_arithmetic3A_165 : i32 to vector<16xi32>
      %shift_right_arithmetic3A_167 = arith.shrsi %get3A_155, %shift_right_arithmetic3A_166 : vector<16xi32>
      %swap3A_168 = arith.constant 96 : index
      %swap3A_169 = tpu.vector_load %arg7[%swap3A_168] {strides = array<i32>} : memref<128xi32, #tpu.memory_space<vmem>>, vector<16xi32>,
      %swap3A_170 = vector.shape_cast %swap3A_169 : vector<16xi32> to vector<16xi32>
      %swap3A_171 = vector.shape_cast %shift_right_arithmetic3A_167 : vector<16xi32> to vector<16xi32>
      tpu.vector_store %arg7[%swap3A_168], %swap3A_171 {strides = array<i32>} : memref<128xi32, #tpu.memory_space<vmem>>, vector<16xi32>,
      %get3A_172 = arith.constant 112 : index
      %get3A_173 = tpu.vector_load %arg5[%get3A_172] {strides = array<i32>} : memref<128xi32, #tpu.memory_space<vmem>>, vector<16xi32>,
      %get3A_174 = vector.shape_cast %get3A_173 : vector<16xi32> to vector<16xi32>
      %and3A_175 = arith.constant 32767 : i32
      %and3A_176 = vector.broadcast %and3A_175 : i32 to vector<16xi32>
      %and3A_177 = arith.andi %get3A_174, %and3A_176 : vector<16xi32>
      %add3A_178 = vector.broadcast %mul3A_0 : i32 to vector<16xi32>
      %add3A_179 = arith.addi %and3A_177, %add3A_178 : vector<16xi32>
      %swap3A_180 = arith.constant 112 : index
      %swap3A_181 = tpu.vector_load %arg6[%swap3A_180] {strides = array<i32>} : memref<128xi32, #tpu.memory_space<vmem>>, vector<16xi32>,
      %swap3A_182 = vector.shape_cast %swap3A_181 : vector<16xi32> to vector<16xi32>
      %swap3A_183 = vector.shape_cast %add3A_179 : vector<16xi32> to vector<16xi32>
      tpu.vector_store %arg6[%swap3A_180], %swap3A_183 {strides = array<i32>} : memref<128xi32, #tpu.memory_space<vmem>>, vector<16xi32>,
      %shift_right_arithmetic3A_184 = arith.constant 15 : i32
      %shift_right_arithmetic3A_185 = vector.broadcast %shift_right_arithmetic3A_184 : i32 to vector<16xi32>
      %shift_right_arithmetic3A_186 = arith.shrsi %get3A_174, %shift_right_arithmetic3A_185 : vector<16xi32>
      %swap3A_187 = arith.constant 112 : index
      %swap3A_188 = tpu.vector_load %arg7[%swap3A_187] {strides = array<i32>} : memref<128xi32, #tpu.memory_space<vmem>>, vector<16xi32>,
      %swap3A_189 = vector.shape_cast %swap3A_188 : vector<16xi32> to vector<16xi32>
      %swap3A_190 = vector.shape_cast %shift_right_arithmetic3A_186 : vector<16xi32> to vector<16xi32>
      tpu.vector_store %arg7[%swap3A_187], %swap3A_190 {strides = array<i32>} : memref<128xi32, #tpu.memory_space<vmem>>, vector<16xi32>,
      %dma_start3A = arith.constant 0 : i32
      %dma_start3A_191 = arith.constant 0 : i32
      %dma_start3A_192 = tpu.memref_slice %arg2[%dma_start3A, %dma_start3A_191] : memref<20000x128xf32, #tpu.memory_space<hbm>> -> memref<20000x128xf32, #tpu.memory_space<hbm>>
      tpu.enqueue_indirect_dma source(%dma_start3A_192 : memref<20000x128xf32, #tpu.memory_space<hbm>>) target(%arg8 : memref<128x128xf32, #tpu.memory_space<vmem>>) offsets(%arg6 : memref<128xi32, #tpu.memory_space<vmem>>) semaphore(%arg10 : memref<!tpu.dma_semaphore, #tpu.memory_space<semaphore_mem>>)
      %dma_wait3A = arith.constant 0 : i32
      %dma_wait3A_193 = arith.constant 0 : i32
      %dma_wait3A_194 = tpu.memref_slice %arg2[%dma_wait3A, %dma_wait3A_193] : memref<20000x128xf32, #tpu.memory_space<hbm>> -> memref<20000x128xf32, #tpu.memory_space<hbm>>
      tpu.wait_indirect_dma semaphore(%arg10 : memref<!tpu.dma_semaphore, #tpu.memory_space<semaphore_mem>>) src(%dma_wait3A_194 : memref<20000x128xf32, #tpu.memory_space<hbm>>) dst(%arg8 : memref<128x128xf32, #tpu.memory_space<vmem>>)
      "tpu.region"() ({
        %run_scoped3A = tpu.sem_alloc : memref<!tpu.dma_semaphore, #tpu.memory_space<semaphore_mem>>
        %dma_start3A_195 = arith.constant 0 : i32
        %dma_start3A_196 = arith.constant 0 : i32
        %dma_start3A_197 = tpu.memref_slice %arg9[%dma_start3A_195, %dma_start3A_196] : memref<10240x128xf32, #tpu.memory_space<vmem_shared>> -> memref<10240x128xf32, #tpu.memory_space<vmem_shared>>
        tpu.enqueue_indirect_dma source(%arg8 : memref<128x128xf32, #tpu.memory_space<vmem>>) target(%dma_start3A_197 : memref<10240x128xf32, #tpu.memory_space<vmem_shared>>) offsets(%arg7 : memref<128xi32, #tpu.memory_space<vmem>>) semaphore(%run_scoped3A : memref<!tpu.dma_semaphore, #tpu.memory_space<semaphore_mem>>) {add = true}
        %dma_wait3A_198 = arith.constant 0 : i32
        %dma_wait3A_199 = arith.constant 0 : i32
        %dma_wait3A_200 = tpu.memref_slice %arg9[%dma_wait3A_198, %dma_wait3A_199] : memref<10240x128xf32, #tpu.memory_space<vmem_shared>> -> memref<10240x128xf32, #tpu.memory_space<vmem_shared>>
        tpu.wait_indirect_dma semaphore(%run_scoped3A : memref<!tpu.dma_semaphore, #tpu.memory_space<semaphore_mem>>) src(%arg8 : memref<128x128xf32, #tpu.memory_space<vmem>>) dst(%dma_wait3A_200 : memref<10240x128xf32, #tpu.memory_space<vmem_shared>>)
        tpu.yield
      }) : () -> ()
    }
    %scan3A_33 = arith.constant 157 : i32
    %barrier3A_34 = arith.constant 0 : index
    tpu.barrier barrier_id(%barrier3A_34)
    %mul3A_35 = arith.constant 640 : i32
    %mul3A_36 = arith.muli %arg1, %mul3A_35 : i32
    %mul3A_37 = arith.constant 640 : i32
    %mul3A_38 = arith.muli %arg1, %mul3A_37 : i32
    "tpu.region"() ({
      %run_scoped3A = tpu.sem_alloc : memref<!tpu.dma_semaphore, #tpu.memory_space<semaphore_mem>>
      %dma_start3A = arith.constant 0 : i32
      %dma_start3A_39 = tpu.memref_slice %arg4[%arg0, %mul3A_38, %dma_start3A] : memref<2x10240x128xf32, #tpu.memory_space<hbm>> -> memref<1x640x128xf32, #tpu.memory_space<hbm>>
      %dma_start3A_40 = tpu.memref_squeeze %dma_start3A_39 : memref<1x640x128xf32, #tpu.memory_space<hbm>> -> memref<640x128xf32, #tpu.memory_space<hbm>>
      %dma_start3A_41 = arith.constant 0 : i32
      %dma_start3A_42 = tpu.memref_slice %arg9[%mul3A_36, %dma_start3A_41] : memref<10240x128xf32, #tpu.memory_space<vmem_shared>> -> memref<640x128xf32, #tpu.memory_space<vmem_shared>>
      tpu.enqueue_dma source(%dma_start3A_42 : memref<640x128xf32, #tpu.memory_space<vmem_shared>>) target(%dma_start3A_40 : memref<640x128xf32, #tpu.memory_space<hbm>>) target_semaphore(%run_scoped3A : memref<!tpu.dma_semaphore, #tpu.memory_space<semaphore_mem>>)
      %dma_wait3A = arith.constant 0 : i32
      %dma_wait3A_43 = tpu.memref_slice %arg4[%arg0, %mul3A_38, %dma_wait3A] : memref<2x10240x128xf32, #tpu.memory_space<hbm>> -> memref<1x640x128xf32, #tpu.memory_space<hbm>>
      %dma_wait3A_44 = tpu.memref_squeeze %dma_wait3A_43 : memref<1x640x128xf32, #tpu.memory_space<hbm>> -> memref<640x128xf32, #tpu.memory_space<hbm>>
      %dma_wait3A_45 = arith.constant 0 : i32
      %dma_wait3A_46 = tpu.memref_slice %arg9[%mul3A_36, %dma_wait3A_45] : memref<10240x128xf32, #tpu.memory_space<vmem_shared>> -> memref<640x128xf32, #tpu.memory_space<vmem_shared>>
      tpu.wait_dma2 semaphore(%run_scoped3A : memref<!tpu.dma_semaphore, #tpu.memory_space<semaphore_mem>>) src(%dma_wait3A_46 : memref<640x128xf32, #tpu.memory_space<vmem_shared>>) dst(%dma_wait3A_44 : memref<640x128xf32, #tpu.memory_space<hbm>>)
      tpu.yield
    }) : () -> ()
    return
  }
}

module attributes {stable_mosaic.version = 14 : i64} {
  func.func @body(%arg0: i32, %arg1: memref<400x128xf32, #tpu.memory_space<vmem>>, %arg2: memref<400x1xf32, #tpu.memory_space<vmem>>, %arg3: memref<2x400x64xf32, #tpu.memory_space<vmem>>) attributes {dimension_semantics = [#tpu.dimension_semantics<arbitrary>], iteration_bounds = array<i64: 25>, scalar_prefetch = 0 : i64, scratch_operands = 0 : i64, tpu.core_type = #tpu.core_type<tc>, window_params = [{transform_indices = @transform_0, window_bounds = array<i64: 400, 128>}, {transform_indices = @transform_1, window_bounds = array<i64: 400, 1>}, {transform_indices = @transform_2, window_bounds = array<i64: 2, 400, 64>}]} {
    %get3A = arith.constant 0 : index
    %get3A_0 = arith.constant 0 : index
    %get3A_1 = vector.load %arg2[%get3A, %get3A_0] : memref<400x1xf32, #tpu.memory_space<vmem>>, vector<400x1xf32>
    %mul3A = arith.constant 1.000000e+00 : f32
    %mul3A_2 = vector.broadcast %mul3A : f32 to vector<400x1xf32>
    %mul3A_3 = arith.mulf %mul3A_2, %get3A_1 : vector<400x1xf32>
    %get3A_4 = arith.constant 0 : index
    %get3A_5 = arith.constant 0 : index
    %get3A_6 = vector.load %arg1[%get3A_4, %get3A_5] : memref<400x128xf32, #tpu.memory_space<vmem>>, vector<400x128xf32>
    %slice3A = vector.extract_strided_slice %get3A_6 {offsets = [0, 0], sizes = [400, 64], strides = [1, 1]} : vector<400x128xf32> to vector<400x64xf32>
    %mul3A_7 = vector.broadcast %mul3A_3 : vector<400x1xf32> to vector<400x64xf32>
    %mul3A_8 = arith.mulf %mul3A_7, %slice3A : vector<400x64xf32>
    %swap3A = arith.constant 0 : index
    %swap3A_9 = arith.constant 0 : index
    %swap3A_10 = arith.constant 0 : index
    %swap3A_11 = vector.load %arg3[%swap3A, %swap3A_9, %swap3A_10] : memref<2x400x64xf32, #tpu.memory_space<vmem>>, vector<1x400x64xf32>
    %swap3A_12 = vector.shape_cast %swap3A_11 : vector<1x400x64xf32> to vector<400x64xf32>
    %swap3A_13 = vector.shape_cast %mul3A_8 : vector<400x64xf32> to vector<1x400x64xf32>
    tpu.vector_store %arg3[%swap3A, %swap3A_9, %swap3A_10], %swap3A_13 {strides = array<i32>} : memref<2x400x64xf32, #tpu.memory_space<vmem>>, vector<1x400x64xf32>,
    %slice3A_14 = vector.extract_strided_slice %get3A_6 {offsets = [0, 64], sizes = [400, 64], strides = [1, 1]} : vector<400x128xf32> to vector<400x64xf32>
    %mul3A_15 = vector.broadcast %mul3A_3 : vector<400x1xf32> to vector<400x64xf32>
    %mul3A_16 = arith.mulf %mul3A_15, %slice3A_14 : vector<400x64xf32>
    %swap3A_17 = arith.constant 1 : index
    %swap3A_18 = arith.constant 0 : index
    %swap3A_19 = arith.constant 0 : index
    %swap3A_20 = vector.load %arg3[%swap3A_17, %swap3A_18, %swap3A_19] : memref<2x400x64xf32, #tpu.memory_space<vmem>>, vector<1x400x64xf32>
    %swap3A_21 = vector.shape_cast %swap3A_20 : vector<1x400x64xf32> to vector<400x64xf32>
    %swap3A_22 = vector.shape_cast %mul3A_16 : vector<400x64xf32> to vector<1x400x64xf32>
    tpu.vector_store %arg3[%swap3A_17, %swap3A_18, %swap3A_19], %swap3A_22 {strides = array<i32>} : memref<2x400x64xf32, #tpu.memory_space<vmem>>, vector<1x400x64xf32>,
    return
  }
  func.func @transform_0(%arg0: i32) -> (i32, i32) {
    %c0_i32 = arith.constant 0 : i32
    %c0_i32_0 = arith.constant 0 : i32
    return %arg0, %c0_i32 : i32, i32
  }
  func.func @transform_1(%arg0: i32) -> (i32, i32) {
    %c0_i32 = arith.constant 0 : i32
    %c0_i32_0 = arith.constant 0 : i32
    return %arg0, %c0_i32 : i32, i32
  }
  func.func @transform_2(%arg0: i32) -> (i32, i32, i32) {
    %c0_i32 = arith.constant 0 : i32
    %c0_i32_0 = arith.constant 0 : i32
    %c0_i32_1 = arith.constant 0 : i32
    return %c0_i32, %arg0, %c0_i32_0 : i32, i32, i32
  }
}

module attributes {stable_mosaic.version = 14 : i64} {
  func.func @body(%arg0: i32, %arg1: memref<2x400x64xf32, #tpu.memory_space<vmem>>, %arg2: memref<400x1xf32, #tpu.memory_space<vmem>>, %arg3: memref<2x400x64xf32, #tpu.memory_space<vmem>>) attributes {dimension_semantics = [#tpu.dimension_semantics<arbitrary>], iteration_bounds = array<i64: 25>, scalar_prefetch = 0 : i64, scratch_operands = 0 : i64, tpu.core_type = #tpu.core_type<tc>, window_params = [{transform_indices = @transform_0, window_bounds = array<i64: 2, 400, 64>}, {transform_indices = @transform_1, window_bounds = array<i64: 400, 1>}, {transform_indices = @transform_2, window_bounds = array<i64: 2, 400, 64>}]} {
    %get3A = arith.constant 0 : index
    %get3A_0 = arith.constant 0 : index
    %get3A_1 = vector.load %arg2[%get3A, %get3A_0] : memref<400x1xf32, #tpu.memory_space<vmem>>, vector<400x1xf32>
    %mul3A = arith.constant -1.000000e+00 : f32
    %mul3A_2 = vector.broadcast %mul3A : f32 to vector<400x1xf32>
    %mul3A_3 = arith.mulf %mul3A_2, %get3A_1 : vector<400x1xf32>
    %get3A_4 = arith.constant 0 : index
    %get3A_5 = arith.constant 0 : index
    %get3A_6 = arith.constant 0 : index
    %get3A_7 = vector.load %arg1[%get3A_4, %get3A_5, %get3A_6] : memref<2x400x64xf32, #tpu.memory_space<vmem>>, vector<1x400x64xf32>
    %get3A_8 = vector.shape_cast %get3A_7 : vector<1x400x64xf32> to vector<400x64xf32>
    %mul3A_9 = vector.broadcast %mul3A_3 : vector<400x1xf32> to vector<400x64xf32>
    %mul3A_10 = arith.mulf %mul3A_9, %get3A_8 : vector<400x64xf32>
    %swap3A = arith.constant 0 : index
    %swap3A_11 = arith.constant 0 : index
    %swap3A_12 = arith.constant 0 : index
    %swap3A_13 = vector.load %arg3[%swap3A, %swap3A_11, %swap3A_12] : memref<2x400x64xf32, #tpu.memory_space<vmem>>, vector<1x400x64xf32>
    %swap3A_14 = vector.shape_cast %swap3A_13 : vector<1x400x64xf32> to vector<400x64xf32>
    %swap3A_15 = vector.shape_cast %mul3A_10 : vector<400x64xf32> to vector<1x400x64xf32>
    tpu.vector_store %arg3[%swap3A, %swap3A_11, %swap3A_12], %swap3A_15 {strides = array<i32>} : memref<2x400x64xf32, #tpu.memory_space<vmem>>, vector<1x400x64xf32>,
    %get3A_16 = arith.constant 1 : index
    %get3A_17 = arith.constant 0 : index
    %get3A_18 = arith.constant 0 : index
    %get3A_19 = vector.load %arg1[%get3A_16, %get3A_17, %get3A_18] : memref<2x400x64xf32, #tpu.memory_space<vmem>>, vector<1x400x64xf32>
    %get3A_20 = vector.shape_cast %get3A_19 : vector<1x400x64xf32> to vector<400x64xf32>
    %mul3A_21 = vector.broadcast %mul3A_3 : vector<400x1xf32> to vector<400x64xf32>
    %mul3A_22 = arith.mulf %mul3A_21, %get3A_20 : vector<400x64xf32>
    %swap3A_23 = arith.constant 1 : index
    %swap3A_24 = arith.constant 0 : index
    %swap3A_25 = arith.constant 0 : index
    %swap3A_26 = vector.load %arg3[%swap3A_23, %swap3A_24, %swap3A_25] : memref<2x400x64xf32, #tpu.memory_space<vmem>>, vector<1x400x64xf32>
    %swap3A_27 = vector.shape_cast %swap3A_26 : vector<1x400x64xf32> to vector<400x64xf32>
    %swap3A_28 = vector.shape_cast %mul3A_22 : vector<400x64xf32> to vector<1x400x64xf32>
    tpu.vector_store %arg3[%swap3A_23, %swap3A_24, %swap3A_25], %swap3A_28 {strides = array<i32>} : memref<2x400x64xf32, #tpu.memory_space<vmem>>, vector<1x400x64xf32>,
    return
  }
  func.func @transform_0(%arg0: i32) -> (i32, i32, i32) {
    %c0_i32 = arith.constant 0 : i32
    %c0_i32_0 = arith.constant 0 : i32
    %c0_i32_1 = arith.constant 0 : i32
    return %c0_i32, %arg0, %c0_i32_0 : i32, i32, i32
  }
  func.func @transform_1(%arg0: i32) -> (i32, i32) {
    %c0_i32 = arith.constant 0 : i32
    %c0_i32_0 = arith.constant 0 : i32
    return %arg0, %c0_i32 : i32, i32
  }
  func.func @transform_2(%arg0: i32) -> (i32, i32, i32) {
    %c0_i32 = arith.constant 0 : i32
    %c0_i32_0 = arith.constant 0 : i32
    %c0_i32_1 = arith.constant 0 : i32
    return %c0_i32, %arg0, %c0_i32_0 : i32, i32, i32
  }
}

module attributes {stable_mosaic.version = 14 : i64} {
  func.func @body(%arg0: i32, %arg1: memref<400x128xf32, #tpu.memory_space<vmem>>, %arg2: memref<2x400x64xf32, #tpu.memory_space<vmem>>, %arg3: memref<2x400x64xf32, #tpu.memory_space<vmem>>, %arg4: memref<400x1xf32, #tpu.memory_space<vmem>>, %arg5: memref<128x128xf32, #tpu.memory_space<vmem>>, %arg6: memref<128x128xf32, #tpu.memory_space<vmem>>, %arg7: memref<128x128xf32, #tpu.memory_space<vmem>>, %arg8: memref<1x128xf32, #tpu.memory_space<vmem>>, %arg9: memref<400x128xf32, #tpu.memory_space<vmem>>, %arg10: memref<400x128xf32, #tpu.memory_space<vmem>>, %arg11: memref<2x400x64xf32, #tpu.memory_space<vmem>>) attributes {dimension_semantics = [#tpu.dimension_semantics<arbitrary>], iteration_bounds = array<i64: 25>, scalar_prefetch = 0 : i64, scratch_operands = 0 : i64, tpu.core_type = #tpu.core_type<tc>, window_params = [{transform_indices = @transform_0, window_bounds = array<i64: 400, 128>}, {transform_indices = @transform_1, window_bounds = array<i64: 2, 400, 64>}, {transform_indices = @transform_2, window_bounds = array<i64: 2, 400, 64>}, {transform_indices = @transform_3, window_bounds = array<i64: 400, 1>}, {pipeline_mode = #tpu.pipeline_mode<synchronous>, transform_indices = @transform_4, window_bounds = array<i64: 128, 128>}, {pipeline_mode = #tpu.pipeline_mode<synchronous>, transform_indices = @transform_5, window_bounds = array<i64: 128, 128>}, {pipeline_mode = #tpu.pipeline_mode<synchronous>, transform_indices = @transform_6, window_bounds = array<i64: 128, 128>}, {pipeline_mode = #tpu.pipeline_mode<synchronous>, transform_indices = @transform_7, window_bounds = array<i64: 1, 128>}, {transform_indices = @transform_8, window_bounds = array<i64: 400, 128>}, {transform_indices = @transform_9, window_bounds = array<i64: 400, 128>}, {transform_indices = @transform_10, window_bounds = array<i64: 2, 400, 64>}]} {
    %get3A = arith.constant 0 : index
    %get3A_0 = arith.constant 0 : index
    %get3A_1 = vector.load %arg4[%get3A, %get3A_0] : memref<400x1xf32, #tpu.memory_space<vmem>>, vector<400x1xf32>
    %get3A_2 = arith.constant 0 : index
    %get3A_3 = arith.constant 0 : index
    %get3A_4 = vector.load %arg1[%get3A_2, %get3A_3] : memref<400x128xf32, #tpu.memory_space<vmem>>, vector<400x128xf32>
    %get3A_5 = arith.constant 0 : index
    %get3A_6 = arith.constant 0 : index
    %get3A_7 = vector.load %arg5[%get3A_5, %get3A_6] : memref<128x128xf32, #tpu.memory_space<vmem>>, vector<128x128xf32>
    %dot_general3A = arith.constant dense<0.000000e+00> : vector<400x128xf32>
    %dot_general3A_8 = tpu.matmul %get3A_4, %get3A_7, %dot_general3A {dimension_numbers = #tpu.dot_dimension_numbers<[1], [0], [0], [1], [0, 0, 1, 1], [], []>, transpose_lhs_hint = false} : vector<400x128xf32>, vector<128x128xf32>, vector<400x128xf32> -> vector<400x128xf32>
    %get3A_9 = arith.constant 0 : index
    %get3A_10 = arith.constant 0 : index
    %get3A_11 = vector.load %arg6[%get3A_9, %get3A_10] : memref<128x128xf32, #tpu.memory_space<vmem>>, vector<128x128xf32>
    %get3A_12 = arith.constant 0 : index
    %get3A_13 = arith.constant 0 : index
    %get3A_14 = vector.load %arg7[%get3A_12, %get3A_13] : memref<128x128xf32, #tpu.memory_space<vmem>>, vector<128x128xf32>
    %neg3A = arith.constant 0.000000e+00 : f32
    %neg3A_15 = vector.broadcast %neg3A : f32 to vector<400x1xf32>
    %neg3A_16 = arith.subf %neg3A_15, %get3A_1 : vector<400x1xf32>
    %get3A_17 = arith.constant 0 : index
    %get3A_18 = arith.constant 0 : index
    %get3A_19 = arith.constant 0 : index
    %get3A_20 = vector.load %arg2[%get3A_17, %get3A_18, %get3A_19] : memref<2x400x64xf32, #tpu.memory_space<vmem>>, vector<1x400x64xf32>
    %get3A_21 = vector.shape_cast %get3A_20 : vector<1x400x64xf32> to vector<400x64xf32>
    %mul3A = vector.broadcast %neg3A_16 : vector<400x1xf32> to vector<400x64xf32>
    %mul3A_22 = arith.mulf %mul3A, %get3A_21 : vector<400x64xf32>
    %slice3A = vector.extract_strided_slice %get3A_11 {offsets = [0, 0], sizes = [64, 128], strides = [1, 1]} : vector<128x128xf32> to vector<64x128xf32>
    %dot_general3A_23 = arith.constant dense<0.000000e+00> : vector<400x128xf32>
    %dot_general3A_24 = tpu.matmul %mul3A_22, %slice3A, %dot_general3A_23 {dimension_numbers = #tpu.dot_dimension_numbers<[1], [0], [0], [1], [0, 0, 1, 1], [], []>, transpose_lhs_hint = false} : vector<400x64xf32>, vector<64x128xf32>, vector<400x128xf32> -> vector<400x128xf32>
    %add3A = arith.addf %dot_general3A_8, %dot_general3A_24 : vector<400x128xf32>
    %mul3A_25 = arith.constant -2.000000e+00 : f32
    %mul3A_26 = vector.broadcast %mul3A_25 : f32 to vector<400x1xf32>
    %mul3A_27 = arith.mulf %mul3A_26, %get3A_1 : vector<400x1xf32>
    %get3A_28 = arith.constant 0 : index
    %get3A_29 = arith.constant 0 : index
    %get3A_30 = arith.constant 0 : index
    %get3A_31 = vector.load %arg3[%get3A_28, %get3A_29, %get3A_30] : memref<2x400x64xf32, #tpu.memory_space<vmem>>, vector<1x400x64xf32>
    %get3A_32 = vector.shape_cast %get3A_31 : vector<1x400x64xf32> to vector<400x64xf32>
    %mul3A_33 = vector.broadcast %mul3A_27 : vector<400x1xf32> to vector<400x64xf32>
    %mul3A_34 = arith.mulf %mul3A_33, %get3A_32 : vector<400x64xf32>
    %slice3A_35 = vector.extract_strided_slice %get3A_4 {offsets = [0, 0], sizes = [400, 64], strides = [1, 1]} : vector<400x128xf32> to vector<400x64xf32>
    %sub3A = arith.subf %mul3A_34, %slice3A_35 : vector<400x64xf32>
    %slice3A_36 = vector.extract_strided_slice %get3A_14 {offsets = [0, 0], sizes = [64, 128], strides = [1, 1]} : vector<128x128xf32> to vector<64x128xf32>
    %dot_general3A_37 = arith.constant dense<0.000000e+00> : vector<400x128xf32>
    %dot_general3A_38 = tpu.matmul %sub3A, %slice3A_36, %dot_general3A_37 {dimension_numbers = #tpu.dot_dimension_numbers<[1], [0], [0], [1], [0, 0, 1, 1], [], []>, transpose_lhs_hint = false} : vector<400x64xf32>, vector<64x128xf32>, vector<400x128xf32> -> vector<400x128xf32>
    %add3A_39 = arith.addf %add3A, %dot_general3A_38 : vector<400x128xf32>
    %neg3A_40 = arith.constant 0.000000e+00 : f32
    %neg3A_41 = vector.broadcast %neg3A_40 : f32 to vector<400x1xf32>
    %neg3A_42 = arith.subf %neg3A_41, %get3A_1 : vector<400x1xf32>
    %get3A_43 = arith.constant 1 : index
    %get3A_44 = arith.constant 0 : index
    %get3A_45 = arith.constant 0 : index
    %get3A_46 = vector.load %arg2[%get3A_43, %get3A_44, %get3A_45] : memref<2x400x64xf32, #tpu.memory_space<vmem>>, vector<1x400x64xf32>
    %get3A_47 = vector.shape_cast %get3A_46 : vector<1x400x64xf32> to vector<400x64xf32>
    %mul3A_48 = vector.broadcast %neg3A_42 : vector<400x1xf32> to vector<400x64xf32>
    %mul3A_49 = arith.mulf %mul3A_48, %get3A_47 : vector<400x64xf32>
    %slice3A_50 = vector.extract_strided_slice %get3A_11 {offsets = [64, 0], sizes = [64, 128], strides = [1, 1]} : vector<128x128xf32> to vector<64x128xf32>
    %dot_general3A_51 = arith.constant dense<0.000000e+00> : vector<400x128xf32>
    %dot_general3A_52 = tpu.matmul %mul3A_49, %slice3A_50, %dot_general3A_51 {dimension_numbers = #tpu.dot_dimension_numbers<[1], [0], [0], [1], [0, 0, 1, 1], [], []>, transpose_lhs_hint = false} : vector<400x64xf32>, vector<64x128xf32>, vector<400x128xf32> -> vector<400x128xf32>
    %add3A_53 = arith.addf %add3A_39, %dot_general3A_52 : vector<400x128xf32>
    %mul3A_54 = arith.constant -2.000000e+00 : f32
    %mul3A_55 = vector.broadcast %mul3A_54 : f32 to vector<400x1xf32>
    %mul3A_56 = arith.mulf %mul3A_55, %get3A_1 : vector<400x1xf32>
    %get3A_57 = arith.constant 1 : index
    %get3A_58 = arith.constant 0 : index
    %get3A_59 = arith.constant 0 : index
    %get3A_60 = vector.load %arg3[%get3A_57, %get3A_58, %get3A_59] : memref<2x400x64xf32, #tpu.memory_space<vmem>>, vector<1x400x64xf32>
    %get3A_61 = vector.shape_cast %get3A_60 : vector<1x400x64xf32> to vector<400x64xf32>
    %mul3A_62 = vector.broadcast %mul3A_56 : vector<400x1xf32> to vector<400x64xf32>
    %mul3A_63 = arith.mulf %mul3A_62, %get3A_61 : vector<400x64xf32>
    %slice3A_64 = vector.extract_strided_slice %get3A_4 {offsets = [0, 64], sizes = [400, 64], strides = [1, 1]} : vector<400x128xf32> to vector<400x64xf32>
    %sub3A_65 = arith.subf %mul3A_63, %slice3A_64 : vector<400x64xf32>
    %slice3A_66 = vector.extract_strided_slice %get3A_14 {offsets = [64, 0], sizes = [64, 128], strides = [1, 1]} : vector<128x128xf32> to vector<64x128xf32>
    %dot_general3A_67 = arith.constant dense<0.000000e+00> : vector<400x128xf32>
    %dot_general3A_68 = tpu.matmul %sub3A_65, %slice3A_66, %dot_general3A_67 {dimension_numbers = #tpu.dot_dimension_numbers<[1], [0], [0], [1], [0, 0, 1, 1], [], []>, transpose_lhs_hint = false} : vector<400x64xf32>, vector<64x128xf32>, vector<400x128xf32> -> vector<400x128xf32>
    %add3A_69 = arith.addf %add3A_53, %dot_general3A_68 : vector<400x128xf32>
    %get3A_70 = arith.constant 0 : index
    %get3A_71 = arith.constant 0 : index
    %get3A_72 = vector.load %arg8[%get3A_70, %get3A_71] : memref<1x128xf32, #tpu.memory_space<vmem>>, vector<1x128xf32>
    %add3A_73 = vector.broadcast %get3A_72 : vector<1x128xf32> to vector<400x128xf32>
    %add3A_74 = arith.addf %add3A_69, %add3A_73 : vector<400x128xf32>
    %max3A = arith.constant 0.000000e+00 : f32
    %max3A_75 = vector.broadcast %max3A : f32 to vector<400x128xf32>
    %max3A_76 = arith.maximumf %add3A_74, %max3A_75 : vector<400x128xf32>
    %get3A_77 = arith.constant 0 : index
    %get3A_78 = arith.constant 0 : index
    %get3A_79 = vector.load %arg9[%get3A_77, %get3A_78] : memref<400x128xf32, #tpu.memory_space<vmem>>, vector<400x128xf32>
    %mul3A_80 = arith.mulf %max3A_76, %get3A_79 : vector<400x128xf32>
    %swap3A = arith.constant 0 : index
    %swap3A_81 = arith.constant 0 : index
    %swap3A_82 = vector.load %arg10[%swap3A, %swap3A_81] : memref<400x128xf32, #tpu.memory_space<vmem>>, vector<400x128xf32>
    tpu.vector_store %arg10[%swap3A, %swap3A_81], %mul3A_80 {strides = array<i32>} : memref<400x128xf32, #tpu.memory_space<vmem>>, vector<400x128xf32>,
    %slice3A_83 = vector.extract_strided_slice %mul3A_80 {offsets = [0, 0], sizes = [400, 64], strides = [1, 1]} : vector<400x128xf32> to vector<400x64xf32>
    %mul3A_84 = vector.broadcast %get3A_1 : vector<400x1xf32> to vector<400x64xf32>
    %mul3A_85 = arith.mulf %slice3A_83, %mul3A_84 : vector<400x64xf32>
    %swap3A_86 = arith.constant 0 : index
    %swap3A_87 = arith.constant 0 : index
    %swap3A_88 = arith.constant 0 : index
    %swap3A_89 = vector.load %arg11[%swap3A_86, %swap3A_87, %swap3A_88] : memref<2x400x64xf32, #tpu.memory_space<vmem>>, vector<1x400x64xf32>
    %swap3A_90 = vector.shape_cast %swap3A_89 : vector<1x400x64xf32> to vector<400x64xf32>
    %swap3A_91 = vector.shape_cast %mul3A_85 : vector<400x64xf32> to vector<1x400x64xf32>
    tpu.vector_store %arg11[%swap3A_86, %swap3A_87, %swap3A_88], %swap3A_91 {strides = array<i32>} : memref<2x400x64xf32, #tpu.memory_space<vmem>>, vector<1x400x64xf32>,
    %slice3A_92 = vector.extract_strided_slice %mul3A_80 {offsets = [0, 64], sizes = [400, 64], strides = [1, 1]} : vector<400x128xf32> to vector<400x64xf32>
    %mul3A_93 = vector.broadcast %get3A_1 : vector<400x1xf32> to vector<400x64xf32>
    %mul3A_94 = arith.mulf %slice3A_92, %mul3A_93 : vector<400x64xf32>
    %swap3A_95 = arith.constant 1 : index
    %swap3A_96 = arith.constant 0 : index
    %swap3A_97 = arith.constant 0 : index
    %swap3A_98 = vector.load %arg11[%swap3A_95, %swap3A_96, %swap3A_97] : memref<2x400x64xf32, #tpu.memory_space<vmem>>, vector<1x400x64xf32>
    %swap3A_99 = vector.shape_cast %swap3A_98 : vector<1x400x64xf32> to vector<400x64xf32>
    %swap3A_100 = vector.shape_cast %mul3A_94 : vector<400x64xf32> to vector<1x400x64xf32>
    tpu.vector_store %arg11[%swap3A_95, %swap3A_96, %swap3A_97], %swap3A_100 {strides = array<i32>} : memref<2x400x64xf32, #tpu.memory_space<vmem>>, vector<1x400x64xf32>,
    return
  }
  func.func @transform_0(%arg0: i32) -> (i32, i32) {
    %c0_i32 = arith.constant 0 : i32
    %c0_i32_0 = arith.constant 0 : i32
    return %arg0, %c0_i32 : i32, i32
  }
  func.func @transform_1(%arg0: i32) -> (i32, i32, i32) {
    %c0_i32 = arith.constant 0 : i32
    %c0_i32_0 = arith.constant 0 : i32
    %c0_i32_1 = arith.constant 0 : i32
    return %c0_i32, %arg0, %c0_i32_0 : i32, i32, i32
  }
  func.func @transform_2(%arg0: i32) -> (i32, i32, i32) {
    %c0_i32 = arith.constant 0 : i32
    %c0_i32_0 = arith.constant 0 : i32
    %c0_i32_1 = arith.constant 0 : i32
    return %c0_i32, %arg0, %c0_i32_0 : i32, i32, i32
  }
  func.func @transform_3(%arg0: i32) -> (i32, i32) {
    %c0_i32 = arith.constant 0 : i32
    %c0_i32_0 = arith.constant 0 : i32
    return %arg0, %c0_i32 : i32, i32
  }
  func.func @transform_4(%arg0: i32) -> (i32, i32) {
    %c0_i32 = arith.constant 0 : i32
    %c0_i32_0 = arith.constant 0 : i32
    %c0_i32_1 = arith.constant 0 : i32
    return %c0_i32, %c0_i32_0 : i32, i32
  }
  func.func @transform_5(%arg0: i32) -> (i32, i32) {
    %c0_i32 = arith.constant 0 : i32
    %c0_i32_0 = arith.constant 0 : i32
    %c0_i32_1 = arith.constant 0 : i32
    return %c0_i32, %c0_i32_0 : i32, i32
  }
  func.func @transform_6(%arg0: i32) -> (i32, i32) {
    %c0_i32 = arith.constant 0 : i32
    %c0_i32_0 = arith.constant 0 : i32
    %c0_i32_1 = arith.constant 0 : i32
    return %c0_i32, %c0_i32_0 : i32, i32
  }
  func.func @transform_7(%arg0: i32) -> (i32, i32) {
    %c0_i32 = arith.constant 0 : i32
    %c0_i32_0 = arith.constant 0 : i32
    %c0_i32_1 = arith.constant 0 : i32
    return %c0_i32, %c0_i32_0 : i32, i32
  }
  func.func @transform_8(%arg0: i32) -> (i32, i32) {
    %c0_i32 = arith.constant 0 : i32
    %c0_i32_0 = arith.constant 0 : i32
    return %arg0, %c0_i32 : i32, i32
  }
  func.func @transform_9(%arg0: i32) -> (i32, i32) {
    %c0_i32 = arith.constant 0 : i32
    %c0_i32_0 = arith.constant 0 : i32
    return %arg0, %c0_i32 : i32, i32
  }
  func.func @transform_10(%arg0: i32) -> (i32, i32, i32) {
    %c0_i32 = arith.constant 0 : i32
    %c0_i32_0 = arith.constant 0 : i32
    %c0_i32_1 = arith.constant 0 : i32
    return %c0_i32, %arg0, %c0_i32_0 : i32, i32, i32
  }
}

module attributes {stable_mosaic.version = 14 : i64} {
  func.func @body(%arg0: i32, %arg1: memref<400x128xf32, #tpu.memory_space<vmem>>, %arg2: memref<2x400x64xf32, #tpu.memory_space<vmem>>, %arg3: memref<2x400x64xf32, #tpu.memory_space<vmem>>, %arg4: memref<400x1xf32, #tpu.memory_space<vmem>>, %arg5: memref<128x256xf32, #tpu.memory_space<vmem>>, %arg6: memref<128x256xf32, #tpu.memory_space<vmem>>, %arg7: memref<128x256xf32, #tpu.memory_space<vmem>>, %arg8: memref<1x256xf32, #tpu.memory_space<vmem>>, %arg9: memref<400x256xf32, #tpu.memory_space<vmem>>, %arg10: memref<400x256xf32, #tpu.memory_space<vmem>>, %arg11: memref<2x400x128xf32, #tpu.memory_space<vmem>>) attributes {dimension_semantics = [#tpu.dimension_semantics<arbitrary>], iteration_bounds = array<i64: 25>, scalar_prefetch = 0 : i64, scratch_operands = 0 : i64, tpu.core_type = #tpu.core_type<tc>, window_params = [{transform_indices = @transform_0, window_bounds = array<i64: 400, 128>}, {transform_indices = @transform_1, window_bounds = array<i64: 2, 400, 64>}, {transform_indices = @transform_2, window_bounds = array<i64: 2, 400, 64>}, {transform_indices = @transform_3, window_bounds = array<i64: 400, 1>}, {pipeline_mode = #tpu.pipeline_mode<synchronous>, transform_indices = @transform_4, window_bounds = array<i64: 128, 256>}, {pipeline_mode = #tpu.pipeline_mode<synchronous>, transform_indices = @transform_5, window_bounds = array<i64: 128, 256>}, {pipeline_mode = #tpu.pipeline_mode<synchronous>, transform_indices = @transform_6, window_bounds = array<i64: 128, 256>}, {pipeline_mode = #tpu.pipeline_mode<synchronous>, transform_indices = @transform_7, window_bounds = array<i64: 1, 256>}, {transform_indices = @transform_8, window_bounds = array<i64: 400, 256>}, {transform_indices = @transform_9, window_bounds = array<i64: 400, 256>}, {transform_indices = @transform_10, window_bounds = array<i64: 2, 400, 128>}]} {
    %get3A = arith.constant 0 : index
    %get3A_0 = arith.constant 0 : index
    %get3A_1 = vector.load %arg4[%get3A, %get3A_0] : memref<400x1xf32, #tpu.memory_space<vmem>>, vector<400x1xf32>
    %get3A_2 = arith.constant 0 : index
    %get3A_3 = arith.constant 0 : index
    %get3A_4 = vector.load %arg1[%get3A_2, %get3A_3] : memref<400x128xf32, #tpu.memory_space<vmem>>, vector<400x128xf32>
    %get3A_5 = arith.constant 0 : index
    %get3A_6 = arith.constant 0 : index
    %get3A_7 = vector.load %arg5[%get3A_5, %get3A_6] : memref<128x256xf32, #tpu.memory_space<vmem>>, vector<128x256xf32>
    %dot_general3A = arith.constant dense<0.000000e+00> : vector<400x256xf32>
    %dot_general3A_8 = tpu.matmul %get3A_4, %get3A_7, %dot_general3A {dimension_numbers = #tpu.dot_dimension_numbers<[1], [0], [0], [1], [0, 0, 1, 1], [], []>, transpose_lhs_hint = false} : vector<400x128xf32>, vector<128x256xf32>, vector<400x256xf32> -> vector<400x256xf32>
    %get3A_9 = arith.constant 0 : index
    %get3A_10 = arith.constant 0 : index
    %get3A_11 = vector.load %arg6[%get3A_9, %get3A_10] : memref<128x256xf32, #tpu.memory_space<vmem>>, vector<128x256xf32>
    %get3A_12 = arith.constant 0 : index
    %get3A_13 = arith.constant 0 : index
    %get3A_14 = vector.load %arg7[%get3A_12, %get3A_13] : memref<128x256xf32, #tpu.memory_space<vmem>>, vector<128x256xf32>
    %neg3A = arith.constant 0.000000e+00 : f32
    %neg3A_15 = vector.broadcast %neg3A : f32 to vector<400x1xf32>
    %neg3A_16 = arith.subf %neg3A_15, %get3A_1 : vector<400x1xf32>
    %get3A_17 = arith.constant 0 : index
    %get3A_18 = arith.constant 0 : index
    %get3A_19 = arith.constant 0 : index
    %get3A_20 = vector.load %arg2[%get3A_17, %get3A_18, %get3A_19] : memref<2x400x64xf32, #tpu.memory_space<vmem>>, vector<1x400x64xf32>
    %get3A_21 = vector.shape_cast %get3A_20 : vector<1x400x64xf32> to vector<400x64xf32>
    %mul3A = vector.broadcast %neg3A_16 : vector<400x1xf32> to vector<400x64xf32>
    %mul3A_22 = arith.mulf %mul3A, %get3A_21 : vector<400x64xf32>
    %slice3A = vector.extract_strided_slice %get3A_11 {offsets = [0, 0], sizes = [64, 256], strides = [1, 1]} : vector<128x256xf32> to vector<64x256xf32>
    %dot_general3A_23 = arith.constant dense<0.000000e+00> : vector<400x256xf32>
    %dot_general3A_24 = tpu.matmul %mul3A_22, %slice3A, %dot_general3A_23 {dimension_numbers = #tpu.dot_dimension_numbers<[1], [0], [0], [1], [0, 0, 1, 1], [], []>, transpose_lhs_hint = false} : vector<400x64xf32>, vector<64x256xf32>, vector<400x256xf32> -> vector<400x256xf32>
    %add3A = arith.addf %dot_general3A_8, %dot_general3A_24 : vector<400x256xf32>
    %mul3A_25 = arith.constant -2.000000e+00 : f32
    %mul3A_26 = vector.broadcast %mul3A_25 : f32 to vector<400x1xf32>
    %mul3A_27 = arith.mulf %mul3A_26, %get3A_1 : vector<400x1xf32>
    %get3A_28 = arith.constant 0 : index
    %get3A_29 = arith.constant 0 : index
    %get3A_30 = arith.constant 0 : index
    %get3A_31 = vector.load %arg3[%get3A_28, %get3A_29, %get3A_30] : memref<2x400x64xf32, #tpu.memory_space<vmem>>, vector<1x400x64xf32>
    %get3A_32 = vector.shape_cast %get3A_31 : vector<1x400x64xf32> to vector<400x64xf32>
    %mul3A_33 = vector.broadcast %mul3A_27 : vector<400x1xf32> to vector<400x64xf32>
    %mul3A_34 = arith.mulf %mul3A_33, %get3A_32 : vector<400x64xf32>
    %slice3A_35 = vector.extract_strided_slice %get3A_4 {offsets = [0, 0], sizes = [400, 64], strides = [1, 1]} : vector<400x128xf32> to vector<400x64xf32>
    %sub3A = arith.subf %mul3A_34, %slice3A_35 : vector<400x64xf32>
    %slice3A_36 = vector.extract_strided_slice %get3A_14 {offsets = [0, 0], sizes = [64, 256], strides = [1, 1]} : vector<128x256xf32> to vector<64x256xf32>
    %dot_general3A_37 = arith.constant dense<0.000000e+00> : vector<400x256xf32>
    %dot_general3A_38 = tpu.matmul %sub3A, %slice3A_36, %dot_general3A_37 {dimension_numbers = #tpu.dot_dimension_numbers<[1], [0], [0], [1], [0, 0, 1, 1], [], []>, transpose_lhs_hint = false} : vector<400x64xf32>, vector<64x256xf32>, vector<400x256xf32> -> vector<400x256xf32>
    %add3A_39 = arith.addf %add3A, %dot_general3A_38 : vector<400x256xf32>
    %neg3A_40 = arith.constant 0.000000e+00 : f32
    %neg3A_41 = vector.broadcast %neg3A_40 : f32 to vector<400x1xf32>
    %neg3A_42 = arith.subf %neg3A_41, %get3A_1 : vector<400x1xf32>
    %get3A_43 = arith.constant 1 : index
    %get3A_44 = arith.constant 0 : index
    %get3A_45 = arith.constant 0 : index
    %get3A_46 = vector.load %arg2[%get3A_43, %get3A_44, %get3A_45] : memref<2x400x64xf32, #tpu.memory_space<vmem>>, vector<1x400x64xf32>
    %get3A_47 = vector.shape_cast %get3A_46 : vector<1x400x64xf32> to vector<400x64xf32>
    %mul3A_48 = vector.broadcast %neg3A_42 : vector<400x1xf32> to vector<400x64xf32>
    %mul3A_49 = arith.mulf %mul3A_48, %get3A_47 : vector<400x64xf32>
    %slice3A_50 = vector.extract_strided_slice %get3A_11 {offsets = [64, 0], sizes = [64, 256], strides = [1, 1]} : vector<128x256xf32> to vector<64x256xf32>
    %dot_general3A_51 = arith.constant dense<0.000000e+00> : vector<400x256xf32>
    %dot_general3A_52 = tpu.matmul %mul3A_49, %slice3A_50, %dot_general3A_51 {dimension_numbers = #tpu.dot_dimension_numbers<[1], [0], [0], [1], [0, 0, 1, 1], [], []>, transpose_lhs_hint = false} : vector<400x64xf32>, vector<64x256xf32>, vector<400x256xf32> -> vector<400x256xf32>
    %add3A_53 = arith.addf %add3A_39, %dot_general3A_52 : vector<400x256xf32>
    %mul3A_54 = arith.constant -2.000000e+00 : f32
    %mul3A_55 = vector.broadcast %mul3A_54 : f32 to vector<400x1xf32>
    %mul3A_56 = arith.mulf %mul3A_55, %get3A_1 : vector<400x1xf32>
    %get3A_57 = arith.constant 1 : index
    %get3A_58 = arith.constant 0 : index
    %get3A_59 = arith.constant 0 : index
    %get3A_60 = vector.load %arg3[%get3A_57, %get3A_58, %get3A_59] : memref<2x400x64xf32, #tpu.memory_space<vmem>>, vector<1x400x64xf32>
    %get3A_61 = vector.shape_cast %get3A_60 : vector<1x400x64xf32> to vector<400x64xf32>
    %mul3A_62 = vector.broadcast %mul3A_56 : vector<400x1xf32> to vector<400x64xf32>
    %mul3A_63 = arith.mulf %mul3A_62, %get3A_61 : vector<400x64xf32>
    %slice3A_64 = vector.extract_strided_slice %get3A_4 {offsets = [0, 64], sizes = [400, 64], strides = [1, 1]} : vector<400x128xf32> to vector<400x64xf32>
    %sub3A_65 = arith.subf %mul3A_63, %slice3A_64 : vector<400x64xf32>
    %slice3A_66 = vector.extract_strided_slice %get3A_14 {offsets = [64, 0], sizes = [64, 256], strides = [1, 1]} : vector<128x256xf32> to vector<64x256xf32>
    %dot_general3A_67 = arith.constant dense<0.000000e+00> : vector<400x256xf32>
    %dot_general3A_68 = tpu.matmul %sub3A_65, %slice3A_66, %dot_general3A_67 {dimension_numbers = #tpu.dot_dimension_numbers<[1], [0], [0], [1], [0, 0, 1, 1], [], []>, transpose_lhs_hint = false} : vector<400x64xf32>, vector<64x256xf32>, vector<400x256xf32> -> vector<400x256xf32>
    %add3A_69 = arith.addf %add3A_53, %dot_general3A_68 : vector<400x256xf32>
    %get3A_70 = arith.constant 0 : index
    %get3A_71 = arith.constant 0 : index
    %get3A_72 = vector.load %arg8[%get3A_70, %get3A_71] : memref<1x256xf32, #tpu.memory_space<vmem>>, vector<1x256xf32>
    %add3A_73 = vector.broadcast %get3A_72 : vector<1x256xf32> to vector<400x256xf32>
    %add3A_74 = arith.addf %add3A_69, %add3A_73 : vector<400x256xf32>
    %max3A = arith.constant 0.000000e+00 : f32
    %max3A_75 = vector.broadcast %max3A : f32 to vector<400x256xf32>
    %max3A_76 = arith.maximumf %add3A_74, %max3A_75 : vector<400x256xf32>
    %get3A_77 = arith.constant 0 : index
    %get3A_78 = arith.constant 0 : index
    %get3A_79 = vector.load %arg9[%get3A_77, %get3A_78] : memref<400x256xf32, #tpu.memory_space<vmem>>, vector<400x256xf32>
    %mul3A_80 = arith.mulf %max3A_76, %get3A_79 : vector<400x256xf32>
    %swap3A = arith.constant 0 : index
    %swap3A_81 = arith.constant 0 : index
    %swap3A_82 = vector.load %arg10[%swap3A, %swap3A_81] : memref<400x256xf32, #tpu.memory_space<vmem>>, vector<400x256xf32>
    tpu.vector_store %arg10[%swap3A, %swap3A_81], %mul3A_80 {strides = array<i32>} : memref<400x256xf32, #tpu.memory_space<vmem>>, vector<400x256xf32>,
    %slice3A_83 = vector.extract_strided_slice %mul3A_80 {offsets = [0, 0], sizes = [400, 128], strides = [1, 1]} : vector<400x256xf32> to vector<400x128xf32>
    %mul3A_84 = vector.broadcast %get3A_1 : vector<400x1xf32> to vector<400x128xf32>
    %mul3A_85 = arith.mulf %slice3A_83, %mul3A_84 : vector<400x128xf32>
    %swap3A_86 = arith.constant 0 : index
    %swap3A_87 = arith.constant 0 : index
    %swap3A_88 = arith.constant 0 : index
    %swap3A_89 = vector.load %arg11[%swap3A_86, %swap3A_87, %swap3A_88] : memref<2x400x128xf32, #tpu.memory_space<vmem>>, vector<1x400x128xf32>
    %swap3A_90 = vector.shape_cast %swap3A_89 : vector<1x400x128xf32> to vector<400x128xf32>
    %swap3A_91 = vector.shape_cast %mul3A_85 : vector<400x128xf32> to vector<1x400x128xf32>
    tpu.vector_store %arg11[%swap3A_86, %swap3A_87, %swap3A_88], %swap3A_91 {strides = array<i32>} : memref<2x400x128xf32, #tpu.memory_space<vmem>>, vector<1x400x128xf32>,
    %slice3A_92 = vector.extract_strided_slice %mul3A_80 {offsets = [0, 128], sizes = [400, 128], strides = [1, 1]} : vector<400x256xf32> to vector<400x128xf32>
    %mul3A_93 = vector.broadcast %get3A_1 : vector<400x1xf32> to vector<400x128xf32>
    %mul3A_94 = arith.mulf %slice3A_92, %mul3A_93 : vector<400x128xf32>
    %swap3A_95 = arith.constant 1 : index
    %swap3A_96 = arith.constant 0 : index
    %swap3A_97 = arith.constant 0 : index
    %swap3A_98 = vector.load %arg11[%swap3A_95, %swap3A_96, %swap3A_97] : memref<2x400x128xf32, #tpu.memory_space<vmem>>, vector<1x400x128xf32>
    %swap3A_99 = vector.shape_cast %swap3A_98 : vector<1x400x128xf32> to vector<400x128xf32>
    %swap3A_100 = vector.shape_cast %mul3A_94 : vector<400x128xf32> to vector<1x400x128xf32>
    tpu.vector_store %arg11[%swap3A_95, %swap3A_96, %swap3A_97], %swap3A_100 {strides = array<i32>} : memref<2x400x128xf32, #tpu.memory_space<vmem>>, vector<1x400x128xf32>,
    return
  }
  func.func @transform_0(%arg0: i32) -> (i32, i32) {
    %c0_i32 = arith.constant 0 : i32
    %c0_i32_0 = arith.constant 0 : i32
    return %arg0, %c0_i32 : i32, i32
  }
  func.func @transform_1(%arg0: i32) -> (i32, i32, i32) {
    %c0_i32 = arith.constant 0 : i32
    %c0_i32_0 = arith.constant 0 : i32
    %c0_i32_1 = arith.constant 0 : i32
    return %c0_i32, %arg0, %c0_i32_0 : i32, i32, i32
  }
  func.func @transform_2(%arg0: i32) -> (i32, i32, i32) {
    %c0_i32 = arith.constant 0 : i32
    %c0_i32_0 = arith.constant 0 : i32
    %c0_i32_1 = arith.constant 0 : i32
    return %c0_i32, %arg0, %c0_i32_0 : i32, i32, i32
  }
  func.func @transform_3(%arg0: i32) -> (i32, i32) {
    %c0_i32 = arith.constant 0 : i32
    %c0_i32_0 = arith.constant 0 : i32
    return %arg0, %c0_i32 : i32, i32
  }
  func.func @transform_4(%arg0: i32) -> (i32, i32) {
    %c0_i32 = arith.constant 0 : i32
    %c0_i32_0 = arith.constant 0 : i32
    %c0_i32_1 = arith.constant 0 : i32
    return %c0_i32, %c0_i32_0 : i32, i32
  }
  func.func @transform_5(%arg0: i32) -> (i32, i32) {
    %c0_i32 = arith.constant 0 : i32
    %c0_i32_0 = arith.constant 0 : i32
    %c0_i32_1 = arith.constant 0 : i32
    return %c0_i32, %c0_i32_0 : i32, i32
  }
  func.func @transform_6(%arg0: i32) -> (i32, i32) {
    %c0_i32 = arith.constant 0 : i32
    %c0_i32_0 = arith.constant 0 : i32
    %c0_i32_1 = arith.constant 0 : i32
    return %c0_i32, %c0_i32_0 : i32, i32
  }
  func.func @transform_7(%arg0: i32) -> (i32, i32) {
    %c0_i32 = arith.constant 0 : i32
    %c0_i32_0 = arith.constant 0 : i32
    %c0_i32_1 = arith.constant 0 : i32
    return %c0_i32, %c0_i32_0 : i32, i32
  }
  func.func @transform_8(%arg0: i32) -> (i32, i32) {
    %c0_i32 = arith.constant 0 : i32
    %c0_i32_0 = arith.constant 0 : i32
    return %arg0, %c0_i32 : i32, i32
  }
  func.func @transform_9(%arg0: i32) -> (i32, i32) {
    %c0_i32 = arith.constant 0 : i32
    %c0_i32_0 = arith.constant 0 : i32
    return %arg0, %c0_i32 : i32, i32
  }
  func.func @transform_10(%arg0: i32) -> (i32, i32, i32) {
    %c0_i32 = arith.constant 0 : i32
    %c0_i32_0 = arith.constant 0 : i32
    %c0_i32_1 = arith.constant 0 : i32
    return %c0_i32, %arg0, %c0_i32_0 : i32, i32, i32
  }
}

module attributes {stable_mosaic.version = 14 : i64} {
  func.func @body(%arg0: i32, %arg1: memref<2x400x128xf32, #tpu.memory_space<vmem>>, %arg2: memref<400x1xf32, #tpu.memory_space<vmem>>, %arg3: memref<2x400x128xf32, #tpu.memory_space<vmem>>) attributes {dimension_semantics = [#tpu.dimension_semantics<arbitrary>], iteration_bounds = array<i64: 25>, scalar_prefetch = 0 : i64, scratch_operands = 0 : i64, tpu.core_type = #tpu.core_type<tc>, window_params = [{transform_indices = @transform_0, window_bounds = array<i64: 2, 400, 128>}, {transform_indices = @transform_1, window_bounds = array<i64: 400, 1>}, {transform_indices = @transform_2, window_bounds = array<i64: 2, 400, 128>}]} {
    %get3A = arith.constant 0 : index
    %get3A_0 = arith.constant 0 : index
    %get3A_1 = vector.load %arg2[%get3A, %get3A_0] : memref<400x1xf32, #tpu.memory_space<vmem>>, vector<400x1xf32>
    %mul3A = arith.constant -1.000000e+00 : f32
    %mul3A_2 = vector.broadcast %mul3A : f32 to vector<400x1xf32>
    %mul3A_3 = arith.mulf %mul3A_2, %get3A_1 : vector<400x1xf32>
    %get3A_4 = arith.constant 0 : index
    %get3A_5 = arith.constant 0 : index
    %get3A_6 = arith.constant 0 : index
    %get3A_7 = vector.load %arg1[%get3A_4, %get3A_5, %get3A_6] : memref<2x400x128xf32, #tpu.memory_space<vmem>>, vector<1x400x128xf32>
    %get3A_8 = vector.shape_cast %get3A_7 : vector<1x400x128xf32> to vector<400x128xf32>
    %mul3A_9 = vector.broadcast %mul3A_3 : vector<400x1xf32> to vector<400x128xf32>
    %mul3A_10 = arith.mulf %mul3A_9, %get3A_8 : vector<400x128xf32>
    %swap3A = arith.constant 0 : index
    %swap3A_11 = arith.constant 0 : index
    %swap3A_12 = arith.constant 0 : index
    %swap3A_13 = vector.load %arg3[%swap3A, %swap3A_11, %swap3A_12] : memref<2x400x128xf32, #tpu.memory_space<vmem>>, vector<1x400x128xf32>
    %swap3A_14 = vector.shape_cast %swap3A_13 : vector<1x400x128xf32> to vector<400x128xf32>
    %swap3A_15 = vector.shape_cast %mul3A_10 : vector<400x128xf32> to vector<1x400x128xf32>
    tpu.vector_store %arg3[%swap3A, %swap3A_11, %swap3A_12], %swap3A_15 {strides = array<i32>} : memref<2x400x128xf32, #tpu.memory_space<vmem>>, vector<1x400x128xf32>,
    %get3A_16 = arith.constant 1 : index
    %get3A_17 = arith.constant 0 : index
    %get3A_18 = arith.constant 0 : index
    %get3A_19 = vector.load %arg1[%get3A_16, %get3A_17, %get3A_18] : memref<2x400x128xf32, #tpu.memory_space<vmem>>, vector<1x400x128xf32>
    %get3A_20 = vector.shape_cast %get3A_19 : vector<1x400x128xf32> to vector<400x128xf32>
    %mul3A_21 = vector.broadcast %mul3A_3 : vector<400x1xf32> to vector<400x128xf32>
    %mul3A_22 = arith.mulf %mul3A_21, %get3A_20 : vector<400x128xf32>
    %swap3A_23 = arith.constant 1 : index
    %swap3A_24 = arith.constant 0 : index
    %swap3A_25 = arith.constant 0 : index
    %swap3A_26 = vector.load %arg3[%swap3A_23, %swap3A_24, %swap3A_25] : memref<2x400x128xf32, #tpu.memory_space<vmem>>, vector<1x400x128xf32>
    %swap3A_27 = vector.shape_cast %swap3A_26 : vector<1x400x128xf32> to vector<400x128xf32>
    %swap3A_28 = vector.shape_cast %mul3A_22 : vector<400x128xf32> to vector<1x400x128xf32>
    tpu.vector_store %arg3[%swap3A_23, %swap3A_24, %swap3A_25], %swap3A_28 {strides = array<i32>} : memref<2x400x128xf32, #tpu.memory_space<vmem>>, vector<1x400x128xf32>,
    return
  }
  func.func @transform_0(%arg0: i32) -> (i32, i32, i32) {
    %c0_i32 = arith.constant 0 : i32
    %c0_i32_0 = arith.constant 0 : i32
    %c0_i32_1 = arith.constant 0 : i32
    return %c0_i32, %arg0, %c0_i32_0 : i32, i32, i32
  }
  func.func @transform_1(%arg0: i32) -> (i32, i32) {
    %c0_i32 = arith.constant 0 : i32
    %c0_i32_0 = arith.constant 0 : i32
    return %arg0, %c0_i32 : i32, i32
  }
  func.func @transform_2(%arg0: i32) -> (i32, i32, i32) {
    %c0_i32 = arith.constant 0 : i32
    %c0_i32_0 = arith.constant 0 : i32
    %c0_i32_1 = arith.constant 0 : i32
    return %c0_i32, %arg0, %c0_i32_0 : i32, i32, i32
  }
}

module attributes {stable_mosaic.version = 14 : i64} {
  func.func @body(%arg0: i32, %arg1: memref<400x256xf32, #tpu.memory_space<vmem>>, %arg2: memref<2x400x128xf32, #tpu.memory_space<vmem>>, %arg3: memref<2x400x128xf32, #tpu.memory_space<vmem>>, %arg4: memref<400x1xf32, #tpu.memory_space<vmem>>, %arg5: memref<256x512xf32, #tpu.memory_space<vmem>>, %arg6: memref<256x512xf32, #tpu.memory_space<vmem>>, %arg7: memref<256x512xf32, #tpu.memory_space<vmem>>, %arg8: memref<1x512xf32, #tpu.memory_space<vmem>>, %arg9: memref<400x512xf32, #tpu.memory_space<vmem>>, %arg10: memref<400x512xf32, #tpu.memory_space<vmem>>) attributes {dimension_semantics = [#tpu.dimension_semantics<arbitrary>], iteration_bounds = array<i64: 25>, scalar_prefetch = 0 : i64, scratch_operands = 0 : i64, tpu.core_type = #tpu.core_type<tc>, window_params = [{transform_indices = @transform_0, window_bounds = array<i64: 400, 256>}, {transform_indices = @transform_1, window_bounds = array<i64: 2, 400, 128>}, {transform_indices = @transform_2, window_bounds = array<i64: 2, 400, 128>}, {transform_indices = @transform_3, window_bounds = array<i64: 400, 1>}, {pipeline_mode = #tpu.pipeline_mode<synchronous>, transform_indices = @transform_4, window_bounds = array<i64: 256, 512>}, {pipeline_mode = #tpu.pipeline_mode<synchronous>, transform_indices = @transform_5, window_bounds = array<i64: 256, 512>}, {pipeline_mode = #tpu.pipeline_mode<synchronous>, transform_indices = @transform_6, window_bounds = array<i64: 256, 512>}, {pipeline_mode = #tpu.pipeline_mode<synchronous>, transform_indices = @transform_7, window_bounds = array<i64: 1, 512>}, {transform_indices = @transform_8, window_bounds = array<i64: 400, 512>}, {transform_indices = @transform_9, window_bounds = array<i64: 400, 512>}]} {
    %get3A = arith.constant 0 : index
    %get3A_0 = arith.constant 0 : index
    %get3A_1 = vector.load %arg4[%get3A, %get3A_0] : memref<400x1xf32, #tpu.memory_space<vmem>>, vector<400x1xf32>
    %get3A_2 = arith.constant 0 : index
    %get3A_3 = arith.constant 0 : index
    %get3A_4 = vector.load %arg1[%get3A_2, %get3A_3] : memref<400x256xf32, #tpu.memory_space<vmem>>, vector<400x256xf32>
    %get3A_5 = arith.constant 0 : index
    %get3A_6 = arith.constant 0 : index
    %get3A_7 = vector.load %arg5[%get3A_5, %get3A_6] : memref<256x512xf32, #tpu.memory_space<vmem>>, vector<256x512xf32>
    %dot_general3A = arith.constant dense<0.000000e+00> : vector<400x512xf32>
    %dot_general3A_8 = tpu.matmul %get3A_4, %get3A_7, %dot_general3A {dimension_numbers = #tpu.dot_dimension_numbers<[1], [0], [0], [1], [0, 0, 1, 1], [], []>, transpose_lhs_hint = false} : vector<400x256xf32>, vector<256x512xf32>, vector<400x512xf32> -> vector<400x512xf32>
    %get3A_9 = arith.constant 0 : index
    %get3A_10 = arith.constant 0 : index
    %get3A_11 = vector.load %arg6[%get3A_9, %get3A_10] : memref<256x512xf32, #tpu.memory_space<vmem>>, vector<256x512xf32>
    %get3A_12 = arith.constant 0 : index
    %get3A_13 = arith.constant 0 : index
    %get3A_14 = vector.load %arg7[%get3A_12, %get3A_13] : memref<256x512xf32, #tpu.memory_space<vmem>>, vector<256x512xf32>
    %neg3A = arith.constant 0.000000e+00 : f32
    %neg3A_15 = vector.broadcast %neg3A : f32 to vector<400x1xf32>
    %neg3A_16 = arith.subf %neg3A_15, %get3A_1 : vector<400x1xf32>
    %get3A_17 = arith.constant 0 : index
    %get3A_18 = arith.constant 0 : index
    %get3A_19 = arith.constant 0 : index
    %get3A_20 = vector.load %arg2[%get3A_17, %get3A_18, %get3A_19] : memref<2x400x128xf32, #tpu.memory_space<vmem>>, vector<1x400x128xf32>
    %get3A_21 = vector.shape_cast %get3A_20 : vector<1x400x128xf32> to vector<400x128xf32>
    %mul3A = vector.broadcast %neg3A_16 : vector<400x1xf32> to vector<400x128xf32>
    %mul3A_22 = arith.mulf %mul3A, %get3A_21 : vector<400x128xf32>
    %slice3A = vector.extract_strided_slice %get3A_11 {offsets = [0, 0], sizes = [128, 512], strides = [1, 1]} : vector<256x512xf32> to vector<128x512xf32>
    %dot_general3A_23 = arith.constant dense<0.000000e+00> : vector<400x512xf32>
    %dot_general3A_24 = tpu.matmul %mul3A_22, %slice3A, %dot_general3A_23 {dimension_numbers = #tpu.dot_dimension_numbers<[1], [0], [0], [1], [0, 0, 1, 1], [], []>, transpose_lhs_hint = false} : vector<400x128xf32>, vector<128x512xf32>, vector<400x512xf32> -> vector<400x512xf32>
    %add3A = arith.addf %dot_general3A_8, %dot_general3A_24 : vector<400x512xf32>
    %mul3A_25 = arith.constant -2.000000e+00 : f32
    %mul3A_26 = vector.broadcast %mul3A_25 : f32 to vector<400x1xf32>
    %mul3A_27 = arith.mulf %mul3A_26, %get3A_1 : vector<400x1xf32>
    %get3A_28 = arith.constant 0 : index
    %get3A_29 = arith.constant 0 : index
    %get3A_30 = arith.constant 0 : index
    %get3A_31 = vector.load %arg3[%get3A_28, %get3A_29, %get3A_30] : memref<2x400x128xf32, #tpu.memory_space<vmem>>, vector<1x400x128xf32>
    %get3A_32 = vector.shape_cast %get3A_31 : vector<1x400x128xf32> to vector<400x128xf32>
    %mul3A_33 = vector.broadcast %mul3A_27 : vector<400x1xf32> to vector<400x128xf32>
    %mul3A_34 = arith.mulf %mul3A_33, %get3A_32 : vector<400x128xf32>
    %slice3A_35 = vector.extract_strided_slice %get3A_4 {offsets = [0, 0], sizes = [400, 128], strides = [1, 1]} : vector<400x256xf32> to vector<400x128xf32>
    %sub3A = arith.subf %mul3A_34, %slice3A_35 : vector<400x128xf32>
    %slice3A_36 = vector.extract_strided_slice %get3A_14 {offsets = [0, 0], sizes = [128, 512], strides = [1, 1]} : vector<256x512xf32> to vector<128x512xf32>
    %dot_general3A_37 = arith.constant dense<0.000000e+00> : vector<400x512xf32>
    %dot_general3A_38 = tpu.matmul %sub3A, %slice3A_36, %dot_general3A_37 {dimension_numbers = #tpu.dot_dimension_numbers<[1], [0], [0], [1], [0, 0, 1, 1], [], []>, transpose_lhs_hint = false} : vector<400x128xf32>, vector<128x512xf32>, vector<400x512xf32> -> vector<400x512xf32>
    %add3A_39 = arith.addf %add3A, %dot_general3A_38 : vector<400x512xf32>
    %neg3A_40 = arith.constant 0.000000e+00 : f32
    %neg3A_41 = vector.broadcast %neg3A_40 : f32 to vector<400x1xf32>
    %neg3A_42 = arith.subf %neg3A_41, %get3A_1 : vector<400x1xf32>
    %get3A_43 = arith.constant 1 : index
    %get3A_44 = arith.constant 0 : index
    %get3A_45 = arith.constant 0 : index
    %get3A_46 = vector.load %arg2[%get3A_43, %get3A_44, %get3A_45] : memref<2x400x128xf32, #tpu.memory_space<vmem>>, vector<1x400x128xf32>
    %get3A_47 = vector.shape_cast %get3A_46 : vector<1x400x128xf32> to vector<400x128xf32>
    %mul3A_48 = vector.broadcast %neg3A_42 : vector<400x1xf32> to vector<400x128xf32>
    %mul3A_49 = arith.mulf %mul3A_48, %get3A_47 : vector<400x128xf32>
    %slice3A_50 = vector.extract_strided_slice %get3A_11 {offsets = [128, 0], sizes = [128, 512], strides = [1, 1]} : vector<256x512xf32> to vector<128x512xf32>
    %dot_general3A_51 = arith.constant dense<0.000000e+00> : vector<400x512xf32>
    %dot_general3A_52 = tpu.matmul %mul3A_49, %slice3A_50, %dot_general3A_51 {dimension_numbers = #tpu.dot_dimension_numbers<[1], [0], [0], [1], [0, 0, 1, 1], [], []>, transpose_lhs_hint = false} : vector<400x128xf32>, vector<128x512xf32>, vector<400x512xf32> -> vector<400x512xf32>
    %add3A_53 = arith.addf %add3A_39, %dot_general3A_52 : vector<400x512xf32>
    %mul3A_54 = arith.constant -2.000000e+00 : f32
    %mul3A_55 = vector.broadcast %mul3A_54 : f32 to vector<400x1xf32>
    %mul3A_56 = arith.mulf %mul3A_55, %get3A_1 : vector<400x1xf32>
    %get3A_57 = arith.constant 1 : index
    %get3A_58 = arith.constant 0 : index
    %get3A_59 = arith.constant 0 : index
    %get3A_60 = vector.load %arg3[%get3A_57, %get3A_58, %get3A_59] : memref<2x400x128xf32, #tpu.memory_space<vmem>>, vector<1x400x128xf32>
    %get3A_61 = vector.shape_cast %get3A_60 : vector<1x400x128xf32> to vector<400x128xf32>
    %mul3A_62 = vector.broadcast %mul3A_56 : vector<400x1xf32> to vector<400x128xf32>
    %mul3A_63 = arith.mulf %mul3A_62, %get3A_61 : vector<400x128xf32>
    %slice3A_64 = vector.extract_strided_slice %get3A_4 {offsets = [0, 128], sizes = [400, 128], strides = [1, 1]} : vector<400x256xf32> to vector<400x128xf32>
    %sub3A_65 = arith.subf %mul3A_63, %slice3A_64 : vector<400x128xf32>
    %slice3A_66 = vector.extract_strided_slice %get3A_14 {offsets = [128, 0], sizes = [128, 512], strides = [1, 1]} : vector<256x512xf32> to vector<128x512xf32>
    %dot_general3A_67 = arith.constant dense<0.000000e+00> : vector<400x512xf32>
    %dot_general3A_68 = tpu.matmul %sub3A_65, %slice3A_66, %dot_general3A_67 {dimension_numbers = #tpu.dot_dimension_numbers<[1], [0], [0], [1], [0, 0, 1, 1], [], []>, transpose_lhs_hint = false} : vector<400x128xf32>, vector<128x512xf32>, vector<400x512xf32> -> vector<400x512xf32>
    %add3A_69 = arith.addf %add3A_53, %dot_general3A_68 : vector<400x512xf32>
    %get3A_70 = arith.constant 0 : index
    %get3A_71 = arith.constant 0 : index
    %get3A_72 = vector.load %arg8[%get3A_70, %get3A_71] : memref<1x512xf32, #tpu.memory_space<vmem>>, vector<1x512xf32>
    %add3A_73 = vector.broadcast %get3A_72 : vector<1x512xf32> to vector<400x512xf32>
    %add3A_74 = arith.addf %add3A_69, %add3A_73 : vector<400x512xf32>
    %max3A = arith.constant 0.000000e+00 : f32
    %max3A_75 = vector.broadcast %max3A : f32 to vector<400x512xf32>
    %max3A_76 = arith.maximumf %add3A_74, %max3A_75 : vector<400x512xf32>
    %get3A_77 = arith.constant 0 : index
    %get3A_78 = arith.constant 0 : index
    %get3A_79 = vector.load %arg9[%get3A_77, %get3A_78] : memref<400x512xf32, #tpu.memory_space<vmem>>, vector<400x512xf32>
    %mul3A_80 = arith.mulf %max3A_76, %get3A_79 : vector<400x512xf32>
    %swap3A = arith.constant 0 : index
    %swap3A_81 = arith.constant 0 : index
    %swap3A_82 = vector.load %arg10[%swap3A, %swap3A_81] : memref<400x512xf32, #tpu.memory_space<vmem>>, vector<400x512xf32>
    tpu.vector_store %arg10[%swap3A, %swap3A_81], %mul3A_80 {strides = array<i32>} : memref<400x512xf32, #tpu.memory_space<vmem>>, vector<400x512xf32>,
    return
  }
  func.func @transform_0(%arg0: i32) -> (i32, i32) {
    %c0_i32 = arith.constant 0 : i32
    %c0_i32_0 = arith.constant 0 : i32
    return %arg0, %c0_i32 : i32, i32
  }
  func.func @transform_1(%arg0: i32) -> (i32, i32, i32) {
    %c0_i32 = arith.constant 0 : i32
    %c0_i32_0 = arith.constant 0 : i32
    %c0_i32_1 = arith.constant 0 : i32
    return %c0_i32, %arg0, %c0_i32_0 : i32, i32, i32
  }
  func.func @transform_2(%arg0: i32) -> (i32, i32, i32) {
    %c0_i32 = arith.constant 0 : i32
    %c0_i32_0 = arith.constant 0 : i32
    %c0_i32_1 = arith.constant 0 : i32
    return %c0_i32, %arg0, %c0_i32_0 : i32, i32, i32
  }
  func.func @transform_3(%arg0: i32) -> (i32, i32) {
    %c0_i32 = arith.constant 0 : i32
    %c0_i32_0 = arith.constant 0 : i32
    return %arg0, %c0_i32 : i32, i32
  }
  func.func @transform_4(%arg0: i32) -> (i32, i32) {
    %c0_i32 = arith.constant 0 : i32
    %c0_i32_0 = arith.constant 0 : i32
    %c0_i32_1 = arith.constant 0 : i32
    return %c0_i32, %c0_i32_0 : i32, i32
  }
  func.func @transform_5(%arg0: i32) -> (i32, i32) {
    %c0_i32 = arith.constant 0 : i32
    %c0_i32_0 = arith.constant 0 : i32
    %c0_i32_1 = arith.constant 0 : i32
    return %c0_i32, %c0_i32_0 : i32, i32
  }
  func.func @transform_6(%arg0: i32) -> (i32, i32) {
    %c0_i32 = arith.constant 0 : i32
    %c0_i32_0 = arith.constant 0 : i32
    %c0_i32_1 = arith.constant 0 : i32
    return %c0_i32, %c0_i32_0 : i32, i32
  }
  func.func @transform_7(%arg0: i32) -> (i32, i32) {
    %c0_i32 = arith.constant 0 : i32
    %c0_i32_0 = arith.constant 0 : i32
    %c0_i32_1 = arith.constant 0 : i32
    return %c0_i32, %c0_i32_0 : i32, i32
  }
  func.func @transform_8(%arg0: i32) -> (i32, i32) {
    %c0_i32 = arith.constant 0 : i32
    %c0_i32_0 = arith.constant 0 : i32
    return %arg0, %c0_i32 : i32, i32
  }
  func.func @transform_9(%arg0: i32) -> (i32, i32) {
    %c0_i32 = arith.constant 0 : i32
    %c0_i32_0 = arith.constant 0 : i32
    return %arg0, %c0_i32 : i32, i32
  }
}

</mosaic_0001>

<sc_bundles>
// kernel: kernel.18.cloned.1.call-start
scs
__scs_entry_jumppad:
0x0: {  	(pc) =	sbr.rel $0x88, $3  }
0x1: {  	(tag) =	ssettag $0x0;
	lr =	simm.s32 $0x1  }
0x2: {  	[smem:$0x3F99] =	sst lr;
	_ =	strace $0xD0000000  }
0x3: {  	_ = 	snop  }
0x4: {  	_ = 	snop  }
0x5: {  	_ = 	snop  }
0x6: {  	_ = 	snop  }
0x7: {  	_ = 	snop  }
__scs_overlays_trampoline_lowered:
0x8: {  	[smem:$0x3FA8] =	sst s0  }
0x9: {  	[smem:$0x3FA9] =	sst s1  }
0xa: {  	[smem:$0x3FAA] =	sst s2  }
0xb: {  	[smem:$0x3FAB] =	sst s3  }
0xc: {  	[smem:$0x3FAC] =	sst s4  }
0xd: {  	[smem:$0x3FAD] =	sst s5  }
0xe: {  	[smem:$0x3FAE] =	sst s6  }
0xf: {  	[smem:$0x3FAF] =	sst s7  }
0x10: {  	[smem:$0x3FB0] =	sst s8  }
0x11: {  	[smem:$0x3FB1] =	sst s9;
	s0 =	simm.s32 @!p0 $0x0  }
0x12: {  	s1 =	sld [smem:$0x3F97];
	s0 =	simm.s32 @p0 $0x1  }
0x13: {  	[smem:$0x3FB2] =	sst s0;
	s0 =	simm.s32 @!p1 $0x0  }
0x14: {  	s2 =	sld [smem:$0x3F96];
	s0 =	simm.s32 @p1 $0x1  }
0x15: {  	[smem:$0x3FB3] =	sst s0;
	s0 =	simm.s32 @!p2 $0x0  }
0x16: {  	s3 =	sld [smem:$0x3FDB];
	s0 =	simm.s32 @p2 $0x1  }
0x17: {  	s4 =	simm.s32 $0x1BF5;
	[smem:$0x3FB5] =	sst s0  }
0x18: {  	s0 =	sld [smem:$0x3F98];
	_ =	swait.ge [sflag:s4], $0x0  }
0x19: {  	s7 =	sld [smem:$0x3F99]  }
0x1a: {  	s8 =	sadd.s32 $0xFFFFE003, lr  }
0x1b: {  	s9 =	sadd.s32 $0xFFFFFEF7, lr;
	s5 =	simm.s32 $0xFFFFFFFF;
	p2 =	slt.u32 s8, $0xFFFFF086  }
0x1c: {  	p1 =	slt.u32 s9, $0xF7A;
	s5 =	simm.s32 @!p2 $0x0  }
0x1d: {  	s5 =	simm.s32 @p1 $0x1;
	p0 =	seq.s32 s7, s2  }
0x1e: {  	s7 =	smul.u32 @!p0 $0xF7A, s2;
	p2 =	seq.s32 @!p0 s5, $0x0  }
0x1f: {  	s9 =	smul.u32 $0xF7A, s1;
	s8 =	simm.s32 @!p0 $0x1BF5;
	p2 =	por !p2, p0  }
0x20: {  	[sflag:s8] =	ssyncset.s32 @!p0 $0xFFFFF086;
	s6 =	sadd.s32 @!p0 s3, s7;
	s7 =	simm.s32 @!p0 $0x108  }
0x21: {  	s3 =	sadd.s32 s3, s9;
	s6 =	sadd.s32 @!p0 $0x88, s6;
	s7 =	simm.s32 @p2 $0x1082  }
0x22: {  	[simem:s7], [sflag:s8] =	dma.local @!p0 [hbm:s6], $0xF7A  }
0x23: {  	s9 =	sor.u32 $0xD0000000, s2;
	s6 =	simm.s32 $0x108;
	_ =	swait.ge @!p0 [sflag:s8], $0x0  }
0x24: {  	s3 =	sadd.s32 $0x88, s3;
	s6 =	simm.s32 @!p1 $0x1082;
	[sflag:s4] =	ssyncset.s32 $0xFFFFF086  }
0x25: {  	[simem:s6], [sflag:s4] =	dma.local [hbm:s3], $0xF7A  }
0x26: {  	[smem:$0x3F99] =	sst s1;
	(tag) =	ssettag s2;
	_ =	strace s9  }
0x27: {  	s1 =	sld [smem:$0x3FA9]  }
0x28: {  	s2 =	sld [smem:$0x3FAA]  }
0x29: {  	s4 =	sld [smem:$0x3FAC]  }
0x2a: {  	p0 =	seq.s32 s5, $0x0;
	s5 =	sld [smem:$0x3FAD]  }
0x2b: {  	s6 =	sld [smem:$0x3FAE]  }
0x2c: {  	s7 =	sld [smem:$0x3FAF]  }
0x2d: {  	s3 =	simm.s32 $0x108;
	s8 =	sld [smem:$0x3FB0]  }
0x2e: {  	s3 =	simm.s32 @!p0 $0x1082;
	s9 =	sld [smem:$0x3FB1]  }
0x2f: {  	lr =	sadd.s32 s0, s3;
	s0 =	sld [smem:$0x3FA8]  }
0x30: {  	s3 =	sld [smem:$0x3FAB]  }
0x31: {  	[smem:$0x3FB4] =	sst s10  }
0x32: {  	s10 =	sld [smem:$0x3FB2];
	_ =	sdelay $0x3  }
0x33: {  	p0 =	seq.s32 s10, $0x1;
	s10 =	sld [smem:$0x3FB4];
	_ =	sdelay $0x3  }
0x34: {  	[smem:$0x3FB4] =	sst s10  }
0x35: {  	s10 =	sld [smem:$0x3FB3];
	_ =	sdelay $0x3  }
0x36: {  	p1 =	seq.s32 s10, $0x1;
	s10 =	sld [smem:$0x3FB4];
	_ =	sdelay $0x3  }
0x37: {  	[smem:$0x3FB4] =	sst s10  }
0x38: {  	s10 =	sld [smem:$0x3FB5]  }
0x39: {  	_ = 	snop;
	(pc) =	sbr.ind lr, $3  }
0x3a: {  	_ = 	snop  }
0x3b: {  	_ = 	snop  }
0x3c: {  	p2 =	seq.s32 s10, $0x1;
	s10 =	sld [smem:$0x3FB4]  }
0x3d: {  	_ =	shalt  }
0x3e: {  	_ =	shalt  }
0x3f: {  	_ =	shalt  }
0x40: {  	_ =	shalt  }
0x41: {  	_ =	shalt  }
0x42: {  	_ =	shalt  }
0x43: {  	_ =	shalt  }
0x44: {  	_ =	shalt  }
0x45: {  	_ =	shalt  }
0x46: {  	_ =	shalt  }
0x47: {  	_ =	shalt  }
0x48: {  	_ =	shalt  }
0x49: {  	_ =	shalt  }
0x4a: {  	_ =	shalt  }
0x4b: {  	_ =	shalt  }
0x4c: {  	_ =	shalt  }
0x4d: {  	_ =	shalt  }
0x4e: {  	_ =	shalt  }
0x4f: {  	_ =	shalt  }
0x50: {  	_ =	shalt  }
0x51: {  	_ =	shalt  }
0x52: {  	_ =	shalt  }
0x53: {  	_ =	shalt  }
0x54: {  	_ =	shalt  }
0x55: {  	_ =	shalt  }
0x56: {  	_ =	shalt  }
0x57: {  	_ =	shalt  }
0x58: {  	_ =	shalt  }
0x59: {  	_ =	shalt  }
0x5a: {  	_ =	shalt  }
0x5b: {  	_ =	shalt  }
0x5c: {  	_ =	shalt  }
0x5d: {  	_ =	shalt  }
0x5e: {  	_ =	shalt  }
0x5f: {  	_ =	shalt  }
0x60: {  	_ =	shalt  }
0x61: {  	_ =	shalt  }
0x62: {  	_ =	shalt  }
0x63: {  	_ =	shalt  }
0x64: {  	_ =	shalt  }
0x65: {  	_ =	shalt  }
0x66: {  	_ =	shalt  }
0x67: {  	_ =	shalt  }
0x68: {  	_ =	shalt  }
0x69: {  	_ =	shalt  }
0x6a: {  	_ =	shalt  }
0x6b: {  	_ =	shalt  }
0x6c: {  	_ =	shalt  }
0x6d: {  	_ =	shalt  }
0x6e: {  	_ =	shalt  }
0x6f: {  	_ =	shalt  }
0x70: {  	_ =	shalt  }
0x71: {  	_ =	shalt  }
0x72: {  	_ =	shalt  }
0x73: {  	_ =	shalt  }
0x74: {  	_ =	shalt  }
0x75: {  	_ =	shalt  }
0x76: {  	_ =	shalt  }
0x77: {  	_ =	shalt  }
0x78: {  	_ =	shalt  }
0x79: {  	_ =	shalt  }
0x7a: {  	_ =	shalt  }
0x7b: {  	_ =	shalt  }
0x7c: {  	_ =	shalt  }
0x7d: {  	_ =	shalt  }
0x7e: {  	_ =	shalt  }
0x7f: {  	_ =	shalt  }
0x80: {  	_ =	shalt  }
0x81: {  	_ =	shalt  }
0x82: {  	_ =	shalt  }
0x83: {  	_ =	shalt  }
0x84: {  	_ =	shalt  }
0x85: {  	_ =	shalt  }
0x86: {  	_ =	shalt  }
0x87: {  	_ =	shalt  }
.Lfunc_end0:
.L_simem_size_0:
called_computation_lowered:
.L_overlay_start_0:
0x88: {  	s2 =	sld [smem:$0x3FD9]  }
0x89: {  	s3 =	sld [smem:$0x3FFE];
	_ =	sdelay $0x1  }
0x8a: {  	s1 =	srdreg.scid  }
0x8b: {  	s0 =	sand.u32 $0x1, s1  }
0x8c: {  	s15 =	sshll.u32 s0, $0xA;
	s2 =	sadd.s32 s3, s2  }
0x8d: {  	s2 =	sadd.s32 s2, s15  }
0x8e: {  	[smem:$0x3FC0] =	sst s2  }
0x8f: {  	_ = 	snop  }
0x90: {  	s2 =	sld [smem:$0x3FD0];
	_ =	sdelay $0x2  }
0x91: {  	s16 =	simm.s32 $0xA;
	s4 =	simm.s32 $0x10  }
0x92: {  	[smem:s4], [sflag:s16] =	dma.local [hbm:s2], $0x1  }
0x93: {  	_ =	swait.eq [sflag:s16], $0x1  }
0x94: {  	[sflag:s16] =	ssyncset.done $0x0  }
0x95: {  	s17 =	sld [smem:$0x10];
	[sflag:s16] =	ssyncadd.s32 $0xFFFFFFFF  }
0x96: {  	s18 =	sld [smem:$0x11];
	(tm) =	ssettm $0x1  }
0x97: {  	s19 =	sld [smem:$0x3FFB];
	_ =	sdelay $0x3  }
0x98: {  	_ =	strace s19  }
0x99: {  	s4 =	sld [smem:$0x3FFC];
	_ =	sdelay $0x3  }
0x9a: {  	_ =	strace s4  }
0x9b: {  	s4 =	sld [smem:$0x3FFD];
	_ =	sdelay $0x3  }
0x9c: {  	_ =	strace s4  }
0x9d: {  	_ =	strace $0x8FFFFFFF  }
0x9e: {  	s20 =	sld [smem:$0x3FDB];
	_ =	sdelay $0x1  }
0x9f: {  	s5 =	simm.s32 $_scs_section_size  }
0xa0: {  	s6 =	simm.s32 $_size__tile_overlayer_lowered;
	s7 =	simm.s32 $_tile_overlayer_lowered  }
0xa1: {  	s23 =	simm.s32 $0x1BFF;
	s22 =	sshll.u32 s7, $0x1;
	s4 =	sadd.s32 s5, s20  }
0xa2: {  	s8 =	simm.s32 $0x0;
	s21 =	sshll.u32 s6, $0x1;
	s6 =	sadd.s32 s22, s4  }
0xa3: {  	[timem:s8], [sflag:s23] =	dma.local [hbm:s6], s21  }
0xa4: {  	_ =	swait.ge [sflag:s23], s21  }
0xa5: {  	s5 =	ssub.s32 $0x0, s21;
	[sflag:s23] =	ssyncset.done $0x0  }
0xa6: {  	[sflag:s23] =	ssyncadd.s32 s5;
	_ =	sdelay $0x1  }
0xa7: {  	s24 =	simm.s32 $0x1B8B  }
0xa8: {  	_ =	swait.ge [sflag:s24], $0x1  }
0xa9: {  	[sflag:s24] =	ssyncset.done $0x0  }
0xaa: {  	s25 =	simm.s32 $0x1B8E;
	[sflag:s24] =	ssyncadd.s32 $0xFFFFFFFF  }
0xab: {  	s26 =	simm.s32 $execute0_lowered;
	[smem:$0x3FD2] =	sst s25  }
0xac: {  	s5 =	sshll.u32 s26, $0x1;
	_ =	strace $0x80000046;
	[dreg:$0x1] =	wrdreg $0xFFFFFFFF  }
0xad: {  	s28 =	simm.s32 $_size_execute0_lowered;
	s4 =	sadd.s32 s4, s5;
	[dreg:$0x0] =	wrdreg $0x0  }
0xae: {  	s5 =	sshll.u32 s28, $0x1;
	[dreg:$0x2] =	wrdreg s4  }
0xaf: {  	[dreg:$0x3] =	wrdreg s5  }
0xb0: {  	[dreg:$0x4] =	wrdreg $0xC0  }
0xb1: {  	_ =	task [dreg:s8], $0x5FFFF  }
0xb2: {  	[dreg:$0x1] =	wrdreg $0xFFFFFFFF  }
0xb3: {  	[dreg:$0x0] =	wrdreg $0x60  }
0xb4: {  	[dreg:$0x2] =	wrdreg s18  }
0xb5: {  	[dreg:$0x3] =	wrdreg s17  }
0xb6: {  	[dreg:$0x4] =	wrdreg $0x8800  }
0xb7: {  	[dreg:$0x5] =	wrdreg $0x9  }
0xb8: {  	_ =	task.clear_ibuf [dreg:s8], $0x6FFFF;
	_ =	strace $0x90000046  }
0xb9: {  	s29 =	simm.s32 $0x9;
	_ =	strace $0x80000048  }
0xba: {  	_ =	swait.ge [sflag:s29], $0x1  }
0xbb: {  	[sflag:s29] =	ssyncadd.s32 $0xFFFFFFFF  }
0xbc: {  	_ =	strace $0x90000048  }
0xbd: {  	_ =	sfence  }
0xbe: {  	s30 =	sld [smem:$0x0];
	_ =	sdelay $0x2  }
0xbf: {  	s31 =	sshll.u32 s1, $0xD;
	s1 =	sshrl.u32 s1, $0x2  }
0xc0: {  	s3 =	sand.u32 $0x4000, s31;
	s1 =	sadd.s32 s1, s30  }
0xc1: {  	s0 =	sor.u32 s3, s0;
	s1 =	sshll.u32 s1, $0x11  }
0xc2: {  	s0 =	sor.u32 s1, s0  }
0xc3: {  	s0 =	sadd.s32 $0x8F2B, s0  }
0xc4: {  	[sflag:s0] =	ssyncadd.remote.s32 $0x1  }
0xc5: {  	_ =	sfence.sel $0xFFFF  }
0xc6: {  	[dreg:$0x0] =	wrdreg $0xFFFFFFFF;
	(pc) =	sbr.abs _section_cstart, $3  }
0xc7: {  	[dreg:$0x1] =	wrdreg $0xFFFFFFFF  }
0xc8: {  	_ =	task.clear_ibuf [dreg:s8], $0x2FFFF;
	_ =	strace $0x9FFFFFFF  }
0xc9: {  	(tm) =	ssettm $0x7FFFFFFF  }
tec
execute0_lowered:
.L_overlay_start_1:
0x0: {  	(tag) =	ssettag $0x1  }
0x1: {  	s11 =	rddreg [dreg:$0x0]  }
0x2: {  	s9 =	rddreg [dreg:$0x1]  }
0x3: {  	s2 =	rddreg [dreg:$0x2]  }
0x4: {  	s0 =	rddreg [dreg:$0x3];
	s1 =	stileid.u32  }
0x5: {  	s3 =	simm.s32 $0x0;
	s4 =	srdreg.scid;
	s5 =	smul.u32 $0xA000, s1  }
0x6: {  	s16 =	simm.s32 $0x0;
	[smem:$0x7FF] =	sst s3;
	s7 =	smul.u32 $0x2800, s1  }
0x7: {  	s4 =	sand.u32 $0x1, s4;
	s14 =	smul.u32 $0x9D0, s1;
	s31 =	sshll.u32 s1, $0x6  }
0x8: {  	_ =	strace $0x80000047;
	s6 =	ssub.s32 $0x2, s4;
	s12 =	smul.u32 $0x28000, s4  }
0x9: {  	s5 =	sshrl.u32 s5, $0x2;
	s8 =	sshrl.u32 s6, $0x1;
	s4 =	sadd.s32 s7, s2  }
0xa: {  	s11 =	sadd.s32 s14, s11;
	s14 =	sor.u32 $0x1C01, s31;
	s10 =	sadd.s32 s5, s2  }
0xb: {  	s13 =	ssub.s32 s6, s8;
	s12 =	sadd.s32 s7, s12;
	s15 =	sshrl.u32 s4, $0x3  }
0xc: {  	s5 =	sadd.s32 $0x800, s10;
	s6 =	sadd.s32 $0x1000, s10;
	s7 =	sadd.s32 $0x1800, s10  }
0xd: {  	s8 =	sadd.s32 $0x2000, s10;
	s30 =	sshrl.u32 s12, $0x3;
	s10 =	smax.u32 s13, $0x1  }
0xe: {  	v0 =	vimm.f32 $0.0e+00;
	v1 =	vimm.f32 $1.000000000e+00;
	s12 =	simm.s32 $0x80;
	s13 =	simm.s32 $0x1;
	s9 =	sadd.s32 s9, s30  }
.LBB2_1:
0xf: {  	s17 =	simm.s32 $0x40;
	s18 =	simm.s32 $0x0  }
.LBB2_2:
0x10: {  	p0 =	sne.s32 s17, $0x1FC0;
	[tilespmem:s18+$0x80] =	vst v0;
	s18 =	smov.u32 s17;
	s17 =	sadd.s32 $0x40, s17  }
.Ltmp0:
0x11: {  	(pc) =	sbr.rel @p0 .LBB2_2-.Ltmp0, $2  }
0x12: {  	_ =	sdelay $0x2  }
0x13: {  	s18 =	sshra.s32 s18, $0x2  }
0x14: {  	[tilespmem:s18+$0x80] =	vst v0  }
0x15: {  	[spmem:s4] =	stream.linear.scatter [tilespmem:s12], [sflag:$0x1], $0x800, $0x38;
	[tilespmem:$0x3080] =	vst v63  }
0x16: {  	_ =	swait.ge [sflag:s13], $0x800  }
0x17: {  	[sflag:s13] =	ssyncset.done $0x0  }
0x18: {  	[sflag:s13] =	ssyncadd.s32 $0xFFFFF800  }
0x19: {  	[spmem:s5] =	stream.linear.scatter [tilespmem:s12], [sflag:$0x1], $0x800, $0x38;
	[tilespmem:$0x3080] =	vst v63  }
0x1a: {  	_ =	swait.ge [sflag:s13], $0x800  }
0x1b: {  	[sflag:s13] =	ssyncset.done $0x0  }
0x1c: {  	[sflag:s13] =	ssyncadd.s32 $0xFFFFF800  }
0x1d: {  	[spmem:s6] =	stream.linear.scatter [tilespmem:s12], [sflag:$0x1], $0x800, $0x38;
	[tilespmem:$0x3080] =	vst v63  }
0x1e: {  	_ =	swait.ge [sflag:s13], $0x800  }
0x1f: {  	[sflag:s13] =	ssyncset.done $0x0  }
0x20: {  	[sflag:s13] =	ssyncadd.s32 $0xFFFFF800  }
0x21: {  	[spmem:s7] =	stream.linear.scatter [tilespmem:s12], [sflag:$0x1], $0x800, $0x38;
	[tilespmem:$0x3080] =	vst v63  }
0x22: {  	_ =	swait.ge [sflag:s13], $0x800  }
0x23: {  	[sflag:s13] =	ssyncset.done $0x0  }
0x24: {  	[sflag:s13] =	ssyncadd.s32 $0xFFFFF800  }
0x25: {  	[spmem:s8] =	stream.linear.scatter [tilespmem:s12], [sflag:$0x1], $0x800, $0x38;
	[tilespmem:$0x3080] =	vst v63  }
0x26: {  	_ =	swait.ge [sflag:s13], $0x800  }
0x27: {  	[sflag:s13] =	ssyncset.done $0x0  }
0x28: {  	[sflag:s13] =	ssyncadd.s32 $0xFFFFF800  }
0x29: {  	s17 =	simm.s32 $0x40;
	s18 =	simm.s32 $0x0;
	[bflag:$0x0] =	sbarrier.arrive $0xFFFF  }
.LBB2_4:
0x2a: {  	p0 =	sne.s32 s17, $0x1FC0;
	[tilespmem:s18+$0x80] =	vst v1;
	s18 =	smov.u32 s17;
	s17 =	sadd.s32 $0x40, s17  }
.Ltmp1:
0x2b: {  	(pc) =	sbr.rel @p0 .LBB2_4-.Ltmp1, $2  }
0x2c: {  	_ =	sdelay $0x2  }
0x2d: {  	s18 =	sshra.s32 s18, $0x2  }
0x2e: {  	[tilespmem:s18+$0x80] =	vst v1;
	s17 =	sadd.s32 $0x0, s11  }
0x2f: {  	[tilespmem:s3], [sflag:$0x1] =	stream.linear.gather [hbm4b:s17+s3], $0x80, $0x38;
	[tilespmem:$0x3080] =	vst v63  }
0x30: {  	_ =	swait.ge [sflag:s13], $0x80  }
0x31: {  	[sflag:s13] =	ssyncset.done $0x0  }
0x32: {  	[sflag:s13] =	ssyncadd.s32 $0xFFFFFF80  }
0x33: {  	[spmem:s2] =	stream.indirect.scatter.add.f32 [tilespmem:s12], [sflag:$0x1], $0x10, s3, s12, $0xb8;
	[tilespmem:$0x3080] =	vst v63  }
0x34: {  	_ =	swait.ge [sflag:s13], $0x800  }
0x35: {  	s18 =	simm.s32 $0x20;
	s17 =	simm.s32 $0x10;
	[sflag:s13] =	ssyncset.done $0x0  }
.LBB2_6:
0x36: {  	s19 =	sadd.s32 s17, s11  }
0x37: {  	[sflag:s13] =	ssyncadd.s32 $0xFFFFF800;
	s17 =	smov.u32 s18;
	s20 =	sadd.s32 $0x10, s18  }
0x38: {  	[tilespmem:s3], [sflag:$0x1] =	stream.linear.gather [hbm4b:s19+s3], $0x80, $0x38;
	[tilespmem:$0x3080] =	vst v63  }
0x39: {  	p0 =	sne.s32 s18, $0x9C0;
	_ =	swait.ge [sflag:s13], $0x80  }
.Ltmp2:
0x3a: {  	[sflag:s13] =	ssyncset.done $0x0;
	(pc) =	sbr.rel @p0 .LBB2_6-.Ltmp2, $4  }
0x3b: {  	[sflag:s13] =	ssyncadd.s32 $0xFFFFFF80  }
0x3c: {  	[spmem:s2] =	stream.indirect.scatter.add.f32 [tilespmem:s12], [sflag:$0x1], $0x10, s3, s12, $0xb8;
	[tilespmem:$0x3080] =	vst v63  }
0x3d: {  	_ =	swait.ge [sflag:s13], $0x800  }
0x3e: {  	s18 =	smov.u32 s20;
	[sflag:s13] =	ssyncset.done $0x0  }
0x3f: {  	s17 =	sadd.s32 s17, s11;
	[sflag:s13] =	ssyncadd.s32 $0xFFFFF800  }
0x40: {  	[tilespmem:s3], [sflag:$0x1] =	stream.linear.gather [hbm4b:s17+s3], $0x80, $0x38;
	[tilespmem:$0x3080] =	vst v63  }
0x41: {  	_ =	swait.ge [sflag:s13], $0x80  }
0x42: {  	[sflag:s13] =	ssyncset.done $0x0  }
0x43: {  	[sflag:s13] =	ssyncadd.s32 $0xFFFFFF80  }
0x44: {  	[spmem:s2] =	stream.indirect.scatter.add.f32 [tilespmem:s12], [sflag:$0x1], $0x10, s3, s12, $0xb8;
	[tilespmem:$0x3080] =	vst v63  }
0x45: {  	_ =	swait.ge [sflag:s13], $0x800  }
0x46: {  	s16 =	sadd.s32 $0x1, s16;
	[sflag:s13] =	ssyncset.done $0x0  }
0x47: {  	p0 =	sne.s32 s16, s10;
	[sflag:s13] =	ssyncadd.s32 $0xFFFFF800  }
.Ltmp3:
0x48: {  	[bflag:$0x0] =	sbarrier.arrive $0xFFFF;
	(pc) =	sbr.rel @p0 .LBB2_1-.Ltmp3, $4  }
0x49: {  	[hbm:s9], [sflag:s14] =	dma.local [spmem:s15], $0x500  }
0x4a: {  	_ =	swait.ge [sflag:s13], $0x500  }
0x4b: {  	[sflag:s13] =	ssyncset.done $0x0  }
0x4c: {  	[sflag:s13] =	ssyncadd.s32 $0xFFFFFB00  }
0x4d: {  	_ =	sfence.sel $0x180000  }
0x4e: {  	[bflag:$0x0] =	sbarrier.arrive $0xFFFF  }
0x4f: {  	p0 =	sne.s32 s1, $0x0;
	_ =	strace $0x90000047  }
0x50: {  	s0 =	sadd.s32 @!p0 $0x100000, s0;
	[bflag:$0x2] =	sbarrier.arrive $0xFFFF  }
0x51: {  	[sflag:s0] =	ssyncadd.tile.s32 @!p0 $0x1;
	_ =	shalt  }
.Lfunc_end2:
_tile_overlayer_lowered:
.L_overlay_start_2:
0x52: {  	(tag) =	ssettag $0x2  }
0x53: {  	s0 =	rddreg [dreg:$0x0];
	s2 =	stileid.u32  }
0x54: {  	s1 =	rddreg [dreg:$0x1];
	p0 =	sne.s32 s2, $0x0  }
0x55: {  	s3 =	rddreg [dreg:$0x2];
	[bflag:$0x3] =	sbarrier.arrive $0xFFFF;
	s2 =	simm.s32 @!p0 $0x1C01  }
0x56: {  	[timem:s3], [sflag:s2] =	dma.local @!p0 [hbm:s0], s1  }
0x57: {  	s0 =	simm.s32 @!p0 $0x1  }
0x58: {  	_ =	swait.ge @!p0 [sflag:s0], s1  }
0x59: {  	s1 =	ssub.s32 @!p0 $0x0, s1;
	[sflag:s0] =	ssyncset.done @!p0 $0x0  }
0x5a: {  	[sflag:s0] =	ssyncadd.s32 @!p0 s1  }
0x5b: {  	[bflag:$0x3] =	sbarrier.arrive $0xFFFF  }
0x5c: {  	_ =	shalt  }

// kernel: kernel.21.cloned.1.call-start
scs
__scs_entry_jumppad:
0x0: {  	(pc) =	sbr.rel $0x88, $3  }
0x1: {  	(tag) =	ssettag $0x0;
	lr =	simm.s32 $0x1  }
0x2: {  	[smem:$0x3F99] =	sst lr;
	_ =	strace $0xD0000000  }
0x3: {  	_ = 	snop  }
0x4: {  	_ = 	snop  }
0x5: {  	_ = 	snop  }
0x6: {  	_ = 	snop  }
0x7: {  	_ = 	snop  }
__scs_overlays_trampoline_lowered:
0x8: {  	[smem:$0x3FA8] =	sst s0  }
0x9: {  	[smem:$0x3FA9] =	sst s1  }
0xa: {  	[smem:$0x3FAA] =	sst s2  }
0xb: {  	[smem:$0x3FAB] =	sst s3  }
0xc: {  	[smem:$0x3FAC] =	sst s4  }
0xd: {  	[smem:$0x3FAD] =	sst s5  }
0xe: {  	[smem:$0x3FAE] =	sst s6  }
0xf: {  	[smem:$0x3FAF] =	sst s7  }
0x10: {  	[smem:$0x3FB0] =	sst s8  }
0x11: {  	[smem:$0x3FB1] =	sst s9;
	s0 =	simm.s32 @!p0 $0x0  }
0x12: {  	s1 =	sld [smem:$0x3F97];
	s0 =	simm.s32 @p0 $0x1  }
0x13: {  	[smem:$0x3FB2] =	sst s0;
	s0 =	simm.s32 @!p1 $0x0  }
0x14: {  	s2 =	sld [smem:$0x3F96];
	s0 =	simm.s32 @p1 $0x1  }
0x15: {  	[smem:$0x3FB3] =	sst s0;
	s0 =	simm.s32 @!p2 $0x0  }
0x16: {  	s3 =	sld [smem:$0x3FDB];
	s0 =	simm.s32 @p2 $0x1  }
0x17: {  	s4 =	simm.s32 $0x1BF5;
	[smem:$0x3FB5] =	sst s0  }
0x18: {  	s0 =	sld [smem:$0x3F98];
	_ =	swait.ge [sflag:s4], $0x0  }
0x19: {  	s7 =	sld [smem:$0x3F99]  }
0x1a: {  	s8 =	sadd.s32 $0xFFFFE003, lr  }
0x1b: {  	s9 =	sadd.s32 $0xFFFFFEF7, lr;
	s5 =	simm.s32 $0xFFFFFFFF;
	p2 =	slt.u32 s8, $0xFFFFF086  }
0x1c: {  	p1 =	slt.u32 s9, $0xF7A;
	s5 =	simm.s32 @!p2 $0x0  }
0x1d: {  	s5 =	simm.s32 @p1 $0x1;
	p0 =	seq.s32 s7, s2  }
0x1e: {  	s7 =	smul.u32 @!p0 $0xF7A, s2;
	p2 =	seq.s32 @!p0 s5, $0x0  }
0x1f: {  	s9 =	smul.u32 $0xF7A, s1;
	s8 =	simm.s32 @!p0 $0x1BF5;
	p2 =	por !p2, p0  }
0x20: {  	[sflag:s8] =	ssyncset.s32 @!p0 $0xFFFFF086;
	s6 =	sadd.s32 @!p0 s3, s7;
	s7 =	simm.s32 @!p0 $0x108  }
0x21: {  	s3 =	sadd.s32 s3, s9;
	s6 =	sadd.s32 @!p0 $0x88, s6;
	s7 =	simm.s32 @p2 $0x1082  }
0x22: {  	[simem:s7], [sflag:s8] =	dma.local @!p0 [hbm:s6], $0xF7A  }
0x23: {  	s9 =	sor.u32 $0xD0000000, s2;
	s6 =	simm.s32 $0x108;
	_ =	swait.ge @!p0 [sflag:s8], $0x0  }
0x24: {  	s3 =	sadd.s32 $0x88, s3;
	s6 =	simm.s32 @!p1 $0x1082;
	[sflag:s4] =	ssyncset.s32 $0xFFFFF086  }
0x25: {  	[simem:s6], [sflag:s4] =	dma.local [hbm:s3], $0xF7A  }
0x26: {  	[smem:$0x3F99] =	sst s1;
	(tag) =	ssettag s2;
	_ =	strace s9  }
0x27: {  	s1 =	sld [smem:$0x3FA9]  }
0x28: {  	s2 =	sld [smem:$0x3FAA]  }
0x29: {  	s4 =	sld [smem:$0x3FAC]  }
0x2a: {  	p0 =	seq.s32 s5, $0x0;
	s5 =	sld [smem:$0x3FAD]  }
0x2b: {  	s6 =	sld [smem:$0x3FAE]  }
0x2c: {  	s7 =	sld [smem:$0x3FAF]  }
0x2d: {  	s3 =	simm.s32 $0x108;
	s8 =	sld [smem:$0x3FB0]  }
0x2e: {  	s3 =	simm.s32 @!p0 $0x1082;
	s9 =	sld [smem:$0x3FB1]  }
0x2f: {  	lr =	sadd.s32 s0, s3;
	s0 =	sld [smem:$0x3FA8]  }
0x30: {  	s3 =	sld [smem:$0x3FAB]  }
0x31: {  	[smem:$0x3FB4] =	sst s10  }
0x32: {  	s10 =	sld [smem:$0x3FB2];
	_ =	sdelay $0x3  }
0x33: {  	p0 =	seq.s32 s10, $0x1;
	s10 =	sld [smem:$0x3FB4];
	_ =	sdelay $0x3  }
0x34: {  	[smem:$0x3FB4] =	sst s10  }
0x35: {  	s10 =	sld [smem:$0x3FB3];
	_ =	sdelay $0x3  }
0x36: {  	p1 =	seq.s32 s10, $0x1;
	s10 =	sld [smem:$0x3FB4];
	_ =	sdelay $0x3  }
0x37: {  	[smem:$0x3FB4] =	sst s10  }
0x38: {  	s10 =	sld [smem:$0x3FB5]  }
0x39: {  	_ = 	snop;
	(pc) =	sbr.ind lr, $3  }
0x3a: {  	_ = 	snop  }
0x3b: {  	_ = 	snop  }
0x3c: {  	p2 =	seq.s32 s10, $0x1;
	s10 =	sld [smem:$0x3FB4]  }
0x3d: {  	_ =	shalt  }
0x3e: {  	_ =	shalt  }
0x3f: {  	_ =	shalt  }
0x40: {  	_ =	shalt  }
0x41: {  	_ =	shalt  }
0x42: {  	_ =	shalt  }
0x43: {  	_ =	shalt  }
0x44: {  	_ =	shalt  }
0x45: {  	_ =	shalt  }
0x46: {  	_ =	shalt  }
0x47: {  	_ =	shalt  }
0x48: {  	_ =	shalt  }
0x49: {  	_ =	shalt  }
0x4a: {  	_ =	shalt  }
0x4b: {  	_ =	shalt  }
0x4c: {  	_ =	shalt  }
0x4d: {  	_ =	shalt  }
0x4e: {  	_ =	shalt  }
0x4f: {  	_ =	shalt  }
0x50: {  	_ =	shalt  }
0x51: {  	_ =	shalt  }
0x52: {  	_ =	shalt  }
0x53: {  	_ =	shalt  }
0x54: {  	_ =	shalt  }
0x55: {  	_ =	shalt  }
0x56: {  	_ =	shalt  }
0x57: {  	_ =	shalt  }
0x58: {  	_ =	shalt  }
0x59: {  	_ =	shalt  }
0x5a: {  	_ =	shalt  }
0x5b: {  	_ =	shalt  }
0x5c: {  	_ =	shalt  }
0x5d: {  	_ =	shalt  }
0x5e: {  	_ =	shalt  }
0x5f: {  	_ =	shalt  }
0x60: {  	_ =	shalt  }
0x61: {  	_ =	shalt  }
0x62: {  	_ =	shalt  }
0x63: {  	_ =	shalt  }
0x64: {  	_ =	shalt  }
0x65: {  	_ =	shalt  }
0x66: {  	_ =	shalt  }
0x67: {  	_ =	shalt  }
0x68: {  	_ =	shalt  }
0x69: {  	_ =	shalt  }
0x6a: {  	_ =	shalt  }
0x6b: {  	_ =	shalt  }
0x6c: {  	_ =	shalt  }
0x6d: {  	_ =	shalt  }
0x6e: {  	_ =	shalt  }
0x6f: {  	_ =	shalt  }
0x70: {  	_ =	shalt  }
0x71: {  	_ =	shalt  }
0x72: {  	_ =	shalt  }
0x73: {  	_ =	shalt  }
0x74: {  	_ =	shalt  }
0x75: {  	_ =	shalt  }
0x76: {  	_ =	shalt  }
0x77: {  	_ =	shalt  }
0x78: {  	_ =	shalt  }
0x79: {  	_ =	shalt  }
0x7a: {  	_ =	shalt  }
0x7b: {  	_ =	shalt  }
0x7c: {  	_ =	shalt  }
0x7d: {  	_ =	shalt  }
0x7e: {  	_ =	shalt  }
0x7f: {  	_ =	shalt  }
0x80: {  	_ =	shalt  }
0x81: {  	_ =	shalt  }
0x82: {  	_ =	shalt  }
0x83: {  	_ =	shalt  }
0x84: {  	_ =	shalt  }
0x85: {  	_ =	shalt  }
0x86: {  	_ =	shalt  }
0x87: {  	_ =	shalt  }
.Lfunc_end0:
.L_simem_size_0:
called_computation.1_lowered:
.L_overlay_start_0:
0x88: {  	s2 =	sld [smem:$0x3FD9]  }
0x89: {  	s3 =	sld [smem:$0x3FFE];
	_ =	sdelay $0x1  }
0x8a: {  	s1 =	srdreg.scid  }
0x8b: {  	s0 =	sand.u32 $0x1, s1  }
0x8c: {  	s14 =	sshll.u32 s0, $0xA;
	s2 =	sadd.s32 s3, s2  }
0x8d: {  	s2 =	sadd.s32 s2, s14  }
0x8e: {  	[smem:$0x3FC0] =	sst s2  }
0x8f: {  	_ = 	snop  }
0x90: {  	s2 =	sld [smem:$0x3FD0];
	_ =	sdelay $0x2  }
0x91: {  	s15 =	simm.s32 $0xA;
	s4 =	simm.s32 $0x10  }
0x92: {  	[smem:s4], [sflag:s15] =	dma.local [hbm:s2], $0x1  }
0x93: {  	_ =	swait.eq [sflag:s15], $0x1  }
0x94: {  	[sflag:s15] =	ssyncset.done $0x0  }
0x95: {  	s16 =	sld [smem:$0x10];
	[sflag:s15] =	ssyncadd.s32 $0xFFFFFFFF  }
0x96: {  	s17 =	sld [smem:$0x11];
	(tm) =	ssettm $0x1  }
0x97: {  	s18 =	sld [smem:$0x3FFB];
	_ =	sdelay $0x3  }
0x98: {  	_ =	strace s18  }
0x99: {  	s4 =	sld [smem:$0x3FFC];
	_ =	sdelay $0x3  }
0x9a: {  	_ =	strace s4  }
0x9b: {  	s4 =	sld [smem:$0x3FFD];
	_ =	sdelay $0x3  }
0x9c: {  	_ =	strace s4  }
0x9d: {  	_ =	strace $0x8FFFFFFF  }
0x9e: {  	s19 =	sld [smem:$0x3FDB];
	_ =	sdelay $0x1  }
0x9f: {  	s5 =	simm.s32 $_scs_section_size  }
0xa0: {  	s6 =	simm.s32 $_size__tile_overlayer_lowered;
	s7 =	simm.s32 $_tile_overlayer_lowered  }
0xa1: {  	s22 =	simm.s32 $0x1BFF;
	s21 =	sshll.u32 s7, $0x1;
	s4 =	sadd.s32 s5, s19  }
0xa2: {  	s8 =	simm.s32 $0x0;
	s20 =	sshll.u32 s6, $0x1;
	s6 =	sadd.s32 s21, s4  }
0xa3: {  	[timem:s8], [sflag:s22] =	dma.local [hbm:s6], s20  }
0xa4: {  	_ =	swait.ge [sflag:s22], s20  }
0xa5: {  	s5 =	ssub.s32 $0x0, s20;
	[sflag:s22] =	ssyncset.done $0x0  }
0xa6: {  	[sflag:s22] =	ssyncadd.s32 s5;
	_ =	sdelay $0x1  }
0xa7: {  	s23 =	simm.s32 $0x1B8B  }
0xa8: {  	_ =	swait.ge [sflag:s23], $0x1  }
0xa9: {  	[sflag:s23] =	ssyncset.done $0x0  }
0xaa: {  	s25 =	simm.s32 $0x1B8E;
	s24 =	sld [smem:$0x3FFE];
	[sflag:s23] =	ssyncadd.s32 $0xFFFFFFFF  }
0xab: {  	s26 =	simm.s32 $execute0_lowered;
	[smem:$0x3FD2] =	sst s25  }
0xac: {  	s6 =	sshll.u32 s26, $0x1;
	_ =	strace $0x80000049;
	[dreg:$0x1] =	wrdreg $0xFFFFFFFF  }
0xad: {  	s28 =	simm.s32 $_size_execute0_lowered;
	s4 =	sadd.s32 s4, s6;
	[dreg:$0x0] =	wrdreg $0x0  }
0xae: {  	s6 =	sshll.u32 s28, $0x1;
	[dreg:$0x2] =	wrdreg s4  }
0xaf: {  	[dreg:$0x3] =	wrdreg s6  }
0xb0: {  	[dreg:$0x4] =	wrdreg $0xC0  }
0xb1: {  	_ =	task [dreg:s8], $0x5FFFF  }
0xb2: {  	[dreg:$0x1] =	wrdreg $0xFFFFFFFF  }
0xb3: {  	[dreg:$0x0] =	wrdreg $0x60  }
0xb4: {  	[dreg:$0x2] =	wrdreg s16  }
0xb5: {  	[dreg:$0x3] =	wrdreg s24  }
0xb6: {  	[dreg:$0x4] =	wrdreg s17  }
0xb7: {  	[dreg:$0x5] =	wrdreg $0x21800  }
0xb8: {  	[dreg:$0x6] =	wrdreg $0x9  }
0xb9: {  	_ =	task.clear_ibuf [dreg:s8], $0x7FFFF;
	_ =	strace $0x90000049  }
0xba: {  	s29 =	simm.s32 $0x9;
	_ =	strace $0x8000004B  }
0xbb: {  	_ =	swait.ge [sflag:s29], $0x1  }
0xbc: {  	[sflag:s29] =	ssyncadd.s32 $0xFFFFFFFF  }
0xbd: {  	_ =	strace $0x9000004B  }
0xbe: {  	_ =	sfence  }
0xbf: {  	s30 =	sld [smem:$0x0];
	_ =	sdelay $0x2  }
0xc0: {  	s31 =	sshll.u32 s1, $0xD;
	s1 =	sshrl.u32 s1, $0x2  }
0xc1: {  	s3 =	sand.u32 $0x4000, s31;
	s1 =	sadd.s32 s1, s30  }
0xc2: {  	s0 =	sor.u32 s3, s0;
	s1 =	sshll.u32 s1, $0x11  }
0xc3: {  	s0 =	sor.u32 s1, s0  }
0xc4: {  	s0 =	sadd.s32 $0x8F2B, s0  }
0xc5: {  	[sflag:s0] =	ssyncadd.remote.s32 $0x1  }
0xc6: {  	_ =	sfence.sel $0xFFFF  }
0xc7: {  	[dreg:$0x0] =	wrdreg $0xFFFFFFFF;
	(pc) =	sbr.abs _section_cstart, $3  }
0xc8: {  	[dreg:$0x1] =	wrdreg $0xFFFFFFFF  }
0xc9: {  	_ =	task.clear_ibuf [dreg:s8], $0x2FFFF;
	_ =	strace $0x9FFFFFFF  }
0xca: {  	(tm) =	ssettm $0x7FFFFFFF  }
0xcb: {  	_ =	shalt  }
tec
execute0_lowered:
.L_overlay_start_1:
0x0: {  	(tag) =	ssettag $0x1  }
0x1: {  	s1 =	rddreg [dreg:$0x0]  }
0x2: {  	s5 =	rddreg [dreg:$0x1]  }
0x3: {  	s10 =	rddreg [dreg:$0x2]  }
0x4: {  	s3 =	rddreg [dreg:$0x3]  }
0x5: {  	s0 =	rddreg [dreg:$0x4]  }
0x6: {  	s4 =	simm.s32 $0x0;
	s2 =	stileid.u32;
	s6 =	srdreg.scid  }
0x7: {  	s14 =	simm.s32 $0x2;
	s15 =	simm.s32 $0x80;
	s7 =	smul.u32 $0x9D0, s2  }
0x8: {  	s16 =	simm.s32 $0x1;
	s17 =	simm.s32 $0x100;
	s9 =	smul.u32 $0x28000, s2  }
0x9: {  	s20 =	simm.s32 $0x0;
	s6 =	sand.u32 $0x1, s6;
	s11 =	smul.u32 $0xA000, s2  }
0xa: {  	[smem:$0x7FF] =	sst s4;
	s19 =	sshll.u32 s2, $0x6;
	s31 =	smul.u32 $0xA0000, s6  }
0xb: {  	_ =	strace $0x8000004A;
	s8 =	ssub.s32 $0x2, s6;
	s18 =	smul.u32 $0x2710, s6  }
0xc: {  	s12 =	sadd.s32 s7, s5;
	s29 =	sshrl.u32 s8, $0x1;
	s30 =	sshrl.u32 s9, $0x2  }
0xd: {  	s5 =	sadd.s32 s11, s3;
	s13 =	ssub.s32 s8, s29;
	s9 =	sadd.s32 s30, s3  }
0xe: {  	s11 =	sadd.s32 s11, s31;
	s12 =	sadd.s32 $0x4E00, s12;
	v0 =	vmov s18;
	s18 =	sor.u32 $0x1C02, s19  }
0xf: {  	s19 =	sshrl.u32 s5, $0x3;
	s6 =	sadd.s32 $0x2000, s9;
	s7 =	sadd.s32 $0x4000, s9  }
0x10: {  	s8 =	sadd.s32 $0x6000, s9;
	s9 =	sadd.s32 $0x8000, s9;
	s11 =	sshrl.u32 s11, $0x3  }
0x11: {  	v1 =	vimm.f32 $0.0e+00;
	s10 =	sadd.s32 s10, s11;
	s11 =	smax.u32 s13, $0x1;
	s13 =	simm.s32 $0x180  }
.LBB2_1:
0x12: {  	s22 =	simm.s32 $0x100;
	s21 =	simm.s32 $0x0  }
.LBB2_2:
0x13: {  	p0 =	sne.s32 s22, $0x7F00;
	[tilespmem:s21+$0x1B0] =	vst v1;
	s23 =	smov.u32 s22;
	s22 =	sadd.s32 $0x100, s22  }
.Ltmp0:
0x14: {  	[tilespmem:s21+$0x1A0] =	vst v1;
	(pc) =	sbr.rel @p0 .LBB2_2-.Ltmp0, $3  }
0x15: {  	[tilespmem:s21+$0x180] =	vst v1  }
0x16: {  	[tilespmem:s21+$0x190] =	vst v1;
	_ =	sdelay $0x1  }
0x17: {  	s21 =	sshra.s32 s23, $0x2  }
0x18: {  	[tilespmem:s21+$0x1B0] =	vst v1  }
0x19: {  	[tilespmem:s21+$0x1A0] =	vst v1  }
0x1a: {  	[tilespmem:s21+$0x180] =	vst v1  }
0x1b: {  	[tilespmem:s21+$0x190] =	vst v1  }
0x1c: {  	[spmem:s5] =	stream.linear.scatter [tilespmem:s13], [sflag:$0x2], $0x2000, $0x38;
	[tilespmem:$0xC180] =	vst v63  }
0x1d: {  	_ =	swait.ge [sflag:s14], $0x2000  }
0x1e: {  	[sflag:s14] =	ssyncset.done $0x0  }
0x1f: {  	[sflag:s14] =	ssyncadd.s32 $0xFFFFE000  }
0x20: {  	[spmem:s6] =	stream.linear.scatter [tilespmem:s13], [sflag:$0x2], $0x2000, $0x38;
	[tilespmem:$0xC180] =	vst v63  }
0x21: {  	_ =	swait.ge [sflag:s14], $0x2000  }
0x22: {  	[sflag:s14] =	ssyncset.done $0x0  }
0x23: {  	[sflag:s14] =	ssyncadd.s32 $0xFFFFE000  }
0x24: {  	[spmem:s7] =	stream.linear.scatter [tilespmem:s13], [sflag:$0x2], $0x2000, $0x38;
	[tilespmem:$0xC180] =	vst v63  }
0x25: {  	_ =	swait.ge [sflag:s14], $0x2000  }
0x26: {  	[sflag:s14] =	ssyncset.done $0x0  }
0x27: {  	[sflag:s14] =	ssyncadd.s32 $0xFFFFE000  }
0x28: {  	[spmem:s8] =	stream.linear.scatter [tilespmem:s13], [sflag:$0x2], $0x2000, $0x38;
	[tilespmem:$0xC180] =	vst v63  }
0x29: {  	_ =	swait.ge [sflag:s14], $0x2000  }
0x2a: {  	[sflag:s14] =	ssyncset.done $0x0  }
0x2b: {  	[sflag:s14] =	ssyncadd.s32 $0xFFFFE000  }
0x2c: {  	[spmem:s9] =	stream.linear.scatter [tilespmem:s13], [sflag:$0x2], $0x2000, $0x38;
	[tilespmem:$0xC180] =	vst v63  }
0x2d: {  	_ =	swait.ge [sflag:s14], $0x2000  }
0x2e: {  	[sflag:s14] =	ssyncset.done $0x0  }
0x2f: {  	[sflag:s14] =	ssyncadd.s32 $0xFFFFE000  }
0x30: {  	s31 =	sadd.s32 $0x0, s12;
	[bflag:$0x0] =	sbarrier.arrive $0xFFFF  }
0x31: {  	[tilespmem:s4], [sflag:$0x2] =	stream.linear.gather [hbm4b:s31+s4], $0x80, $0x38;
	[tilespmem:$0xC180] =	vst v63  }
0x32: {  	_ =	swait.ge [sflag:s14], $0x80  }
0x33: {  	[sflag:s14] =	ssyncset.done $0x0  }
0x34: {  	[sflag:s14] =	ssyncadd.s32 $0xFFFFFF80  }
0x35: {  	v2 =	vld [tilespmem:$0x70]  }
0x36: {  	v4 =	vld [tilespmem:$0x40];
	_ =	sdelay $0x1  }
0x37: {  	v3 =	vld [tilespmem:$0x60]  }
0x38: {  	v5 =	vld [tilespmem:$0x0]  }
0x39: {  	v6 =	vld [tilespmem:$0x10];
	v7 =	vand.u32 $0x7FFF, v2;
	v2 =	vshra.s32 v2, $0xF  }
0x3a: {  	v8 =	vld [tilespmem:$0x20];
	v10 =	vshra.s32 v4, $0xF;
	[tilespmem:$0x170] =	vst v2  }
0x3b: {  	v9 =	vld [tilespmem:$0x30];
	v7 =	vadd.s32 v0, v7;
	[tilespmem:$0x140] =	vst v10  }
0x3c: {  	v2 =	vshra.s32 v3, $0xF;
	v3 =	vand.u32 $0x7FFF, v3;
	[tilespmem:$0xF0] =	vst v7;
	v7 =	vld [tilespmem:$0x50]  }
0x3d: {  	[tilespmem:$0x160] =	vst v2;
	v2 =	vand.u32 $0x7FFF, v4;
	v4 =	vadd.s32 v0, v3;
	v3 =	vshra.s32 v5, $0xF  }
0x3e: {  	v10 =	vand.u32 $0x7FFF, v5;
	v5 =	vand.u32 $0x7FFF, v6;
	[tilespmem:$0x100] =	vst v3;
	v11 =	vadd.s32 v0, v2  }
0x3f: {  	v2 =	vadd.s32 v0, v5;
	v5 =	vshra.s32 v6, $0xF;
	v3 =	vadd.s32 v0, v10;
	[tilespmem:$0xE0] =	vst v4  }
0x40: {  	v6 =	vand.u32 $0x7FFF, v8;
	v10 =	vand.u32 $0x7FFF, v9;
	v9 =	vshra.s32 v9, $0xF;
	[tilespmem:$0xC0] =	vst v11  }
0x41: {  	v4 =	vadd.s32 v0, v6;
	[tilespmem:$0x130] =	vst v9;
	v9 =	vand.u32 $0x7FFF, v7;
	v11 =	vshra.s32 v7, $0xF  }
0x42: {  	s21 =	simm.s32 $0x10;
	v6 =	vadd.s32 v0, v10;
	v7 =	vshra.s32 v8, $0xF;
	v8 =	vadd.s32 v0, v9;
	[tilespmem:$0x150] =	vst v11  }
.LBB2_4:
0x43: {  	p0 =	sne.s32 s21, $0x9C0;
	[tilespmem:$0x110] =	vst v5;
	s22 =	smov.u32 s21;
	s21 =	sadd.s32 $0x10, s21  }
0x44: {  	[tilespmem:$0xD0] =	vst v8  }
0x45: {  	[tilespmem:$0x120] =	vst v7  }
0x46: {  	[tilespmem:$0x80] =	vst v3  }
0x47: {  	[tilespmem:$0x90] =	vst v2  }
0x48: {  	[tilespmem:$0xB0] =	vst v6  }
0x49: {  	[tilespmem:$0xA0] =	vst v4  }
0x4a: {  	[tilespmem:s13], [sflag:$0x1] =	stream.indirect.gather [hbm4b:s1+s15], $0x40, s15, s15, $0xb8;
	[tilespmem:$0xC180] =	vst v63  }
0x4b: {  	_ =	swait.ge [sflag:s16], $0x2000  }
0x4c: {  	[sflag:s16] =	ssyncset.done $0x0  }
0x4d: {  	[sflag:s16] =	ssyncadd.s32 $0xFFFFE000  }
0x4e: {  	[spmem:s3] =	stream.indirect.scatter.add.f32 [tilespmem:s13], [sflag:$0x2], $0x40, s17, s15, $0xb8;
	[tilespmem:$0xC180] =	vst v63  }
0x4f: {  	_ =	swait.ge [sflag:s14], $0x2000  }
0x50: {  	[sflag:s14] =	ssyncset.done $0x0  }
0x51: {  	s22 =	sadd.s32 s22, s12;
	[sflag:s14] =	ssyncadd.s32 $0xFFFFE000  }
0x52: {  	[tilespmem:s4], [sflag:$0x2] =	stream.linear.gather [hbm4b:s22+s4], $0x80, $0x38;
	[tilespmem:$0xC180] =	vst v63  }
0x53: {  	_ =	swait.ge [sflag:s14], $0x80  }
0x54: {  	[sflag:s14] =	ssyncset.done $0x0  }
0x55: {  	[sflag:s14] =	ssyncadd.s32 $0xFFFFFF80  }
0x56: {  	v2 =	vld [tilespmem:$0x70]  }
0x57: {  	v3 =	vld [tilespmem:$0x60]  }
0x58: {  	v4 =	vld [tilespmem:$0x10]  }
0x59: {  	v5 =	vld [tilespmem:$0x40]  }
0x5a: {  	v6 =	vld [tilespmem:$0x0]  }
0x5b: {  	v7 =	vld [tilespmem:$0x20];
	v8 =	vand.u32 $0x7FFF, v2;
	v2 =	vshra.s32 v2, $0xF  }
0x5c: {  	v9 =	vld [tilespmem:$0x30];
	v10 =	vshra.s32 v3, $0xF;
	v8 =	vadd.s32 v0, v8;
	[tilespmem:$0x170] =	vst v2  }
0x5d: {  	v2 =	vand.u32 $0x7FFF, v3;
	v11 =	vld [tilespmem:$0x50];
	[tilespmem:$0xF0] =	vst v8  }
0x5e: {  	v8 =	vadd.s32 v0, v2;
	v3 =	vand.u32 $0x7FFF, v5;
	v5 =	vshra.s32 v5, $0xF;
	[tilespmem:$0x160] =	vst v10  }
0x5f: {  	v10 =	vand.u32 $0x7FFF, v6;
	v2 =	vshra.s32 v6, $0xF;
	v6 =	vand.u32 $0x7FFF, v4;
	[tilespmem:$0x140] =	vst v5  }
.Ltmp1:
0x60: {  	v5 =	vshra.s32 v4, $0xF;
	v4 =	vadd.s32 v0, v3;
	[tilespmem:$0x100] =	vst v2;
	v2 =	vadd.s32 v0, v6;
	(pc) =	sbr.rel @p0 .LBB2_4-.Ltmp1, $4  }
0x61: {  	v3 =	vadd.s32 v0, v10;
	v6 =	vand.u32 $0x7FFF, v7;
	v10 =	vand.u32 $0x7FFF, v9;
	[tilespmem:$0xC0] =	vst v4  }
0x62: {  	v4 =	vadd.s32 v0, v6;
	v9 =	vshra.s32 v9, $0xF;
	v6 =	vadd.s32 v0, v10;
	[tilespmem:$0xE0] =	vst v8  }
0x63: {  	v7 =	vshra.s32 v7, $0xF;
	v8 =	vand.u32 $0x7FFF, v11;
	[tilespmem:$0x130] =	vst v9;
	v9 =	vshra.s32 v11, $0xF  }
0x64: {  	v8 =	vadd.s32 v0, v8;
	[tilespmem:$0x150] =	vst v9  }
0x65: {  	[tilespmem:$0x110] =	vst v5  }
0x66: {  	[tilespmem:$0xD0] =	vst v8  }
0x67: {  	[tilespmem:$0x120] =	vst v7  }
0x68: {  	[tilespmem:$0x80] =	vst v3  }
0x69: {  	[tilespmem:$0x90] =	vst v2  }
0x6a: {  	[tilespmem:$0xB0] =	vst v6  }
0x6b: {  	[tilespmem:$0xA0] =	vst v4  }
0x6c: {  	[tilespmem:s13], [sflag:$0x1] =	stream.indirect.gather [hbm4b:s1+s15], $0x40, s15, s15, $0xb8;
	[tilespmem:$0xC180] =	vst v63  }
0x6d: {  	_ =	swait.ge [sflag:s16], $0x2000  }
0x6e: {  	[sflag:s16] =	ssyncset.done $0x0  }
0x6f: {  	[sflag:s16] =	ssyncadd.s32 $0xFFFFE000  }
0x70: {  	[spmem:s3] =	stream.indirect.scatter.add.f32 [tilespmem:s13], [sflag:$0x2], $0x40, s17, s15, $0xb8;
	[tilespmem:$0xC180] =	vst v63  }
0x71: {  	_ =	swait.ge [sflag:s14], $0x2000  }
0x72: {  	s20 =	sadd.s32 $0x1, s20;
	[sflag:s14] =	ssyncset.done $0x0  }
0x73: {  	p0 =	sne.s32 s20, s11;
	[sflag:s14] =	ssyncadd.s32 $0xFFFFE000  }
.Ltmp2:
0x74: {  	[bflag:$0x0] =	sbarrier.arrive $0xFFFF;
	(pc) =	sbr.rel @p0 .LBB2_1-.Ltmp2, $4  }
0x75: {  	[hbm:s10], [sflag:s18] =	dma.local [spmem:s19], $0x1400  }
0x76: {  	_ =	swait.ge [sflag:s14], $0x1400  }
0x77: {  	[sflag:s14] =	ssyncset.done $0x0  }
0x78: {  	[sflag:s14] =	ssyncadd.s32 $0xFFFFEC00  }
0x79: {  	_ =	sfence.sel $0x180000  }
0x7a: {  	[bflag:$0x0] =	sbarrier.arrive $0xFFFF  }
0x7b: {  	p0 =	sne.s32 s2, $0x0;
	_ =	strace $0x9000004A  }
0x7c: {  	s0 =	sadd.s32 @!p0 $0x100000, s0;
	[bflag:$0x2] =	sbarrier.arrive $0xFFFF  }
0x7d: {  	[sflag:s0] =	ssyncadd.tile.s32 @!p0 $0x1;
	_ =	shalt  }
.Lfunc_end2:
_tile_overlayer_lowered:
.L_overlay_start_2:
0x7e: {  	(tag) =	ssettag $0x2  }
0x7f: {  	s0 =	rddreg [dreg:$0x0];
	s2 =	stileid.u32  }
0x80: {  	s1 =	rddreg [dreg:$0x1];
	p0 =	sne.s32 s2, $0x0  }
0x81: {  	s3 =	rddreg [dreg:$0x2];
	[bflag:$0x3] =	sbarrier.arrive $0xFFFF;
	s2 =	simm.s32 @!p0 $0x1C02  }
0x82: {  	[timem:s3], [sflag:s2] =	dma.local @!p0 [hbm:s0], s1  }
0x83: {  	s0 =	simm.s32 @!p0 $0x2  }
0x84: {  	_ =	swait.ge @!p0 [sflag:s0], s1  }
0x85: {  	s1 =	ssub.s32 @!p0 $0x0, s1;
	[sflag:s0] =	ssyncset.done @!p0 $0x0  }
0x86: {  	[sflag:s0] =	ssyncadd.s32 @!p0 s1  }
0x87: {  	[bflag:$0x3] =	sbarrier.arrive $0xFFFF  }
0x88: {  	_ =	shalt  }

// kernel: kernel.24.cloned.1.call-start
scs
__scs_entry_jumppad:
0x0: {  	(pc) =	sbr.rel $0x88, $3  }
0x1: {  	(tag) =	ssettag $0x0;
	lr =	simm.s32 $0x1  }
0x2: {  	[smem:$0x3F99] =	sst lr;
	_ =	strace $0xD0000000  }
0x3: {  	_ = 	snop  }
0x4: {  	_ = 	snop  }
0x5: {  	_ = 	snop  }
0x6: {  	_ = 	snop  }
0x7: {  	_ = 	snop  }
__scs_overlays_trampoline_lowered:
0x8: {  	[smem:$0x3FA8] =	sst s0  }
0x9: {  	[smem:$0x3FA9] =	sst s1  }
0xa: {  	[smem:$0x3FAA] =	sst s2  }
0xb: {  	[smem:$0x3FAB] =	sst s3  }
0xc: {  	[smem:$0x3FAC] =	sst s4  }
0xd: {  	[smem:$0x3FAD] =	sst s5  }
0xe: {  	[smem:$0x3FAE] =	sst s6  }
0xf: {  	[smem:$0x3FAF] =	sst s7  }
0x10: {  	[smem:$0x3FB0] =	sst s8  }
0x11: {  	[smem:$0x3FB1] =	sst s9;
	s0 =	simm.s32 @!p0 $0x0  }
0x12: {  	s1 =	sld [smem:$0x3F97];
	s0 =	simm.s32 @p0 $0x1  }
0x13: {  	[smem:$0x3FB2] =	sst s0;
	s0 =	simm.s32 @!p1 $0x0  }
0x14: {  	s2 =	sld [smem:$0x3F96];
	s0 =	simm.s32 @p1 $0x1  }
0x15: {  	[smem:$0x3FB3] =	sst s0;
	s0 =	simm.s32 @!p2 $0x0  }
0x16: {  	s3 =	sld [smem:$0x3FDB];
	s0 =	simm.s32 @p2 $0x1  }
0x17: {  	s4 =	simm.s32 $0x1BF5;
	[smem:$0x3FB5] =	sst s0  }
0x18: {  	s0 =	sld [smem:$0x3F98];
	_ =	swait.ge [sflag:s4], $0x0  }
0x19: {  	s7 =	sld [smem:$0x3F99]  }
0x1a: {  	s8 =	sadd.s32 $0xFFFFE003, lr  }
0x1b: {  	s9 =	sadd.s32 $0xFFFFFEF7, lr;
	s5 =	simm.s32 $0xFFFFFFFF;
	p2 =	slt.u32 s8, $0xFFFFF086  }
0x1c: {  	p1 =	slt.u32 s9, $0xF7A;
	s5 =	simm.s32 @!p2 $0x0  }
0x1d: {  	s5 =	simm.s32 @p1 $0x1;
	p0 =	seq.s32 s7, s2  }
0x1e: {  	s7 =	smul.u32 @!p0 $0xF7A, s2;
	p2 =	seq.s32 @!p0 s5, $0x0  }
0x1f: {  	s9 =	smul.u32 $0xF7A, s1;
	s8 =	simm.s32 @!p0 $0x1BF5;
	p2 =	por !p2, p0  }
0x20: {  	[sflag:s8] =	ssyncset.s32 @!p0 $0xFFFFF086;
	s6 =	sadd.s32 @!p0 s3, s7;
	s7 =	simm.s32 @!p0 $0x108  }
0x21: {  	s3 =	sadd.s32 s3, s9;
	s6 =	sadd.s32 @!p0 $0x88, s6;
	s7 =	simm.s32 @p2 $0x1082  }
0x22: {  	[simem:s7], [sflag:s8] =	dma.local @!p0 [hbm:s6], $0xF7A  }
0x23: {  	s9 =	sor.u32 $0xD0000000, s2;
	s6 =	simm.s32 $0x108;
	_ =	swait.ge @!p0 [sflag:s8], $0x0  }
0x24: {  	s3 =	sadd.s32 $0x88, s3;
	s6 =	simm.s32 @!p1 $0x1082;
	[sflag:s4] =	ssyncset.s32 $0xFFFFF086  }
0x25: {  	[simem:s6], [sflag:s4] =	dma.local [hbm:s3], $0xF7A  }
0x26: {  	[smem:$0x3F99] =	sst s1;
	(tag) =	ssettag s2;
	_ =	strace s9  }
0x27: {  	s1 =	sld [smem:$0x3FA9]  }
0x28: {  	s2 =	sld [smem:$0x3FAA]  }
0x29: {  	s4 =	sld [smem:$0x3FAC]  }
0x2a: {  	p0 =	seq.s32 s5, $0x0;
	s5 =	sld [smem:$0x3FAD]  }
0x2b: {  	s6 =	sld [smem:$0x3FAE]  }
0x2c: {  	s7 =	sld [smem:$0x3FAF]  }
0x2d: {  	s3 =	simm.s32 $0x108;
	s8 =	sld [smem:$0x3FB0]  }
0x2e: {  	s3 =	simm.s32 @!p0 $0x1082;
	s9 =	sld [smem:$0x3FB1]  }
0x2f: {  	lr =	sadd.s32 s0, s3;
	s0 =	sld [smem:$0x3FA8]  }
0x30: {  	s3 =	sld [smem:$0x3FAB]  }
0x31: {  	[smem:$0x3FB4] =	sst s10  }
0x32: {  	s10 =	sld [smem:$0x3FB2];
	_ =	sdelay $0x3  }
0x33: {  	p0 =	seq.s32 s10, $0x1;
	s10 =	sld [smem:$0x3FB4];
	_ =	sdelay $0x3  }
0x34: {  	[smem:$0x3FB4] =	sst s10  }
0x35: {  	s10 =	sld [smem:$0x3FB3];
	_ =	sdelay $0x3  }
0x36: {  	p1 =	seq.s32 s10, $0x1;
	s10 =	sld [smem:$0x3FB4];
	_ =	sdelay $0x3  }
0x37: {  	[smem:$0x3FB4] =	sst s10  }
0x38: {  	s10 =	sld [smem:$0x3FB5]  }
0x39: {  	_ = 	snop;
	(pc) =	sbr.ind lr, $3  }
0x3a: {  	_ = 	snop  }
0x3b: {  	_ = 	snop  }
0x3c: {  	p2 =	seq.s32 s10, $0x1;
	s10 =	sld [smem:$0x3FB4]  }
0x3d: {  	_ =	shalt  }
0x3e: {  	_ =	shalt  }
0x3f: {  	_ =	shalt  }
0x40: {  	_ =	shalt  }
0x41: {  	_ =	shalt  }
0x42: {  	_ =	shalt  }
0x43: {  	_ =	shalt  }
0x44: {  	_ =	shalt  }
0x45: {  	_ =	shalt  }
0x46: {  	_ =	shalt  }
0x47: {  	_ =	shalt  }
0x48: {  	_ =	shalt  }
0x49: {  	_ =	shalt  }
0x4a: {  	_ =	shalt  }
0x4b: {  	_ =	shalt  }
0x4c: {  	_ =	shalt  }
0x4d: {  	_ =	shalt  }
0x4e: {  	_ =	shalt  }
0x4f: {  	_ =	shalt  }
0x50: {  	_ =	shalt  }
0x51: {  	_ =	shalt  }
0x52: {  	_ =	shalt  }
0x53: {  	_ =	shalt  }
0x54: {  	_ =	shalt  }
0x55: {  	_ =	shalt  }
0x56: {  	_ =	shalt  }
0x57: {  	_ =	shalt  }
0x58: {  	_ =	shalt  }
0x59: {  	_ =	shalt  }
0x5a: {  	_ =	shalt  }
0x5b: {  	_ =	shalt  }
0x5c: {  	_ =	shalt  }
0x5d: {  	_ =	shalt  }
0x5e: {  	_ =	shalt  }
0x5f: {  	_ =	shalt  }
0x60: {  	_ =	shalt  }
0x61: {  	_ =	shalt  }
0x62: {  	_ =	shalt  }
0x63: {  	_ =	shalt  }
0x64: {  	_ =	shalt  }
0x65: {  	_ =	shalt  }
0x66: {  	_ =	shalt  }
0x67: {  	_ =	shalt  }
0x68: {  	_ =	shalt  }
0x69: {  	_ =	shalt  }
0x6a: {  	_ =	shalt  }
0x6b: {  	_ =	shalt  }
0x6c: {  	_ =	shalt  }
0x6d: {  	_ =	shalt  }
0x6e: {  	_ =	shalt  }
0x6f: {  	_ =	shalt  }
0x70: {  	_ =	shalt  }
0x71: {  	_ =	shalt  }
0x72: {  	_ =	shalt  }
0x73: {  	_ =	shalt  }
0x74: {  	_ =	shalt  }
0x75: {  	_ =	shalt  }
0x76: {  	_ =	shalt  }
0x77: {  	_ =	shalt  }
0x78: {  	_ =	shalt  }
0x79: {  	_ =	shalt  }
0x7a: {  	_ =	shalt  }
0x7b: {  	_ =	shalt  }
0x7c: {  	_ =	shalt  }
0x7d: {  	_ =	shalt  }
0x7e: {  	_ =	shalt  }
0x7f: {  	_ =	shalt  }
0x80: {  	_ =	shalt  }
0x81: {  	_ =	shalt  }
0x82: {  	_ =	shalt  }
0x83: {  	_ =	shalt  }
0x84: {  	_ =	shalt  }
0x85: {  	_ =	shalt  }
0x86: {  	_ =	shalt  }
0x87: {  	_ =	shalt  }
.Lfunc_end0:
.L_simem_size_0:
called_computation.2_lowered:
.L_overlay_start_0:
0x88: {  	s2 =	sld [smem:$0x3FD9]  }
0x89: {  	s3 =	sld [smem:$0x3FFE];
	_ =	sdelay $0x1  }
0x8a: {  	s1 =	srdreg.scid  }
0x8b: {  	s0 =	sand.u32 $0x1, s1  }
0x8c: {  	s14 =	sshll.u32 s0, $0xA;
	s2 =	sadd.s32 s3, s2  }
0x8d: {  	s2 =	sadd.s32 s2, s14  }
0x8e: {  	[smem:$0x3FC0] =	sst s2  }
0x8f: {  	_ = 	snop  }
0x90: {  	s2 =	sld [smem:$0x3FD0];
	_ =	sdelay $0x2  }
0x91: {  	s15 =	simm.s32 $0xA;
	s4 =	simm.s32 $0x10  }
0x92: {  	[smem:s4], [sflag:s15] =	dma.local [hbm:s2], $0x1  }
0x93: {  	_ =	swait.eq [sflag:s15], $0x1  }
0x94: {  	[sflag:s15] =	ssyncset.done $0x0  }
0x95: {  	s16 =	sld [smem:$0x10];
	[sflag:s15] =	ssyncadd.s32 $0xFFFFFFFF  }
0x96: {  	s17 =	sld [smem:$0x11];
	(tm) =	ssettm $0x1  }
0x97: {  	s18 =	sld [smem:$0x3FFB];
	_ =	sdelay $0x3  }
0x98: {  	_ =	strace s18  }
0x99: {  	s4 =	sld [smem:$0x3FFC];
	_ =	sdelay $0x3  }
0x9a: {  	_ =	strace s4  }
0x9b: {  	s4 =	sld [smem:$0x3FFD];
	_ =	sdelay $0x3  }
0x9c: {  	_ =	strace s4  }
0x9d: {  	_ =	strace $0x8FFFFFFF  }
0x9e: {  	s19 =	sld [smem:$0x3FDB];
	_ =	sdelay $0x1  }
0x9f: {  	s5 =	simm.s32 $_scs_section_size  }
0xa0: {  	s6 =	simm.s32 $_size__tile_overlayer_lowered;
	s7 =	simm.s32 $_tile_overlayer_lowered  }
0xa1: {  	s22 =	simm.s32 $0x1BFF;
	s21 =	sshll.u32 s7, $0x1;
	s4 =	sadd.s32 s5, s19  }
0xa2: {  	s8 =	simm.s32 $0x0;
	s20 =	sshll.u32 s6, $0x1;
	s6 =	sadd.s32 s21, s4  }
0xa3: {  	[timem:s8], [sflag:s22] =	dma.local [hbm:s6], s20  }
0xa4: {  	_ =	swait.ge [sflag:s22], s20  }
0xa5: {  	s5 =	ssub.s32 $0x0, s20;
	[sflag:s22] =	ssyncset.done $0x0  }
0xa6: {  	[sflag:s22] =	ssyncadd.s32 s5;
	_ =	sdelay $0x1  }
0xa7: {  	s23 =	simm.s32 $0x1B8B  }
0xa8: {  	_ =	swait.ge [sflag:s23], $0x1  }
0xa9: {  	[sflag:s23] =	ssyncset.done $0x0  }
0xaa: {  	s25 =	simm.s32 $0x1B8E;
	s24 =	sld [smem:$0x3FFE];
	[sflag:s23] =	ssyncadd.s32 $0xFFFFFFFF  }
0xab: {  	s26 =	simm.s32 $execute0_lowered;
	[smem:$0x3FD2] =	sst s25  }
0xac: {  	s6 =	sshll.u32 s26, $0x1;
	_ =	strace $0x8000004C;
	[dreg:$0x1] =	wrdreg $0xFFFFFFFF  }
0xad: {  	s28 =	simm.s32 $_size_execute0_lowered;
	s4 =	sadd.s32 s4, s6;
	[dreg:$0x0] =	wrdreg $0x0  }
0xae: {  	s6 =	sshll.u32 s28, $0x1;
	[dreg:$0x2] =	wrdreg s4  }
0xaf: {  	[dreg:$0x3] =	wrdreg s6  }
0xb0: {  	[dreg:$0x4] =	wrdreg $0xC0  }
0xb1: {  	_ =	task [dreg:s8], $0x5FFFF  }
0xb2: {  	[dreg:$0x1] =	wrdreg $0xFFFFFFFF  }
0xb3: {  	[dreg:$0x0] =	wrdreg $0x60  }
0xb4: {  	[dreg:$0x2] =	wrdreg s16  }
0xb5: {  	[dreg:$0x3] =	wrdreg s24  }
0xb6: {  	[dreg:$0x4] =	wrdreg s17  }
0xb7: {  	[dreg:$0x5] =	wrdreg $0x21800  }
0xb8: {  	[dreg:$0x6] =	wrdreg $0x9  }
0xb9: {  	_ =	task.clear_ibuf [dreg:s8], $0x7FFFF;
	_ =	strace $0x9000004C  }
0xba: {  	s29 =	simm.s32 $0x9;
	_ =	strace $0x8000004E  }
0xbb: {  	_ =	swait.ge [sflag:s29], $0x1  }
0xbc: {  	[sflag:s29] =	ssyncadd.s32 $0xFFFFFFFF  }
0xbd: {  	_ =	strace $0x9000004E  }
0xbe: {  	_ =	sfence  }
0xbf: {  	s30 =	sld [smem:$0x0];
	_ =	sdelay $0x2  }
0xc0: {  	s31 =	sshll.u32 s1, $0xD;
	s1 =	sshrl.u32 s1, $0x2  }
0xc1: {  	s3 =	sand.u32 $0x4000, s31;
	s1 =	sadd.s32 s1, s30  }
0xc2: {  	s0 =	sor.u32 s3, s0;
	s1 =	sshll.u32 s1, $0x11  }
0xc3: {  	s0 =	sor.u32 s1, s0  }
0xc4: {  	s0 =	sadd.s32 $0x8F2B, s0  }
0xc5: {  	[sflag:s0] =	ssyncadd.remote.s32 $0x1  }
0xc6: {  	_ =	sfence.sel $0xFFFF  }
0xc7: {  	[dreg:$0x0] =	wrdreg $0xFFFFFFFF;
	(pc) =	sbr.abs _section_cstart, $3  }
0xc8: {  	[dreg:$0x1] =	wrdreg $0xFFFFFFFF  }
0xc9: {  	_ =	task.clear_ibuf [dreg:s8], $0x2FFFF;
	_ =	strace $0x9FFFFFFF  }
0xca: {  	(tm) =	ssettm $0x7FFFFFFF  }
0xcb: {  	_ =	shalt  }
tec
execute0_lowered:
.L_overlay_start_1:
0x0: {  	(tag) =	ssettag $0x1  }
0x1: {  	s1 =	rddreg [dreg:$0x0]  }
0x2: {  	s5 =	rddreg [dreg:$0x1]  }
0x3: {  	s10 =	rddreg [dreg:$0x2]  }
0x4: {  	s3 =	rddreg [dreg:$0x3]  }
0x5: {  	s0 =	rddreg [dreg:$0x4]  }
0x6: {  	s4 =	simm.s32 $0x0;
	s2 =	stileid.u32;
	s6 =	srdreg.scid  }
0x7: {  	s14 =	simm.s32 $0x2;
	s15 =	simm.s32 $0x80;
	s7 =	smul.u32 $0x9D0, s2  }
0x8: {  	s16 =	simm.s32 $0x1;
	s17 =	simm.s32 $0x100;
	s9 =	smul.u32 $0x28000, s2  }
0x9: {  	s20 =	simm.s32 $0x0;
	s6 =	sand.u32 $0x1, s6;
	s11 =	smul.u32 $0xA000, s2  }
0xa: {  	[smem:$0x7FF] =	sst s4;
	s19 =	sshll.u32 s2, $0x6;
	s31 =	smul.u32 $0xA0000, s6  }
0xb: {  	_ =	strace $0x8000004D;
	s8 =	ssub.s32 $0x2, s6;
	s18 =	smul.u32 $0x2710, s6  }
0xc: {  	s12 =	sadd.s32 s7, s5;
	s29 =	sshrl.u32 s8, $0x1;
	s30 =	sshrl.u32 s9, $0x2  }
0xd: {  	s5 =	sadd.s32 s11, s3;
	s13 =	ssub.s32 s8, s29;
	s9 =	sadd.s32 s30, s3  }
0xe: {  	s11 =	sadd.s32 s11, s31;
	s12 =	sadd.s32 $0x4E00, s12;
	v0 =	vmov s18;
	s18 =	sor.u32 $0x1C02, s19  }
0xf: {  	s19 =	sshrl.u32 s5, $0x3;
	s6 =	sadd.s32 $0x2000, s9;
	s7 =	sadd.s32 $0x4000, s9  }
0x10: {  	s8 =	sadd.s32 $0x6000, s9;
	s9 =	sadd.s32 $0x8000, s9;
	s11 =	sshrl.u32 s11, $0x3  }
0x11: {  	v1 =	vimm.f32 $0.0e+00;
	s10 =	sadd.s32 s10, s11;
	s11 =	smax.u32 s13, $0x1;
	s13 =	simm.s32 $0x180  }
.LBB2_1:
0x12: {  	s22 =	simm.s32 $0x100;
	s21 =	simm.s32 $0x0  }
.LBB2_2:
0x13: {  	p0 =	sne.s32 s22, $0x7F00;
	[tilespmem:s21+$0x1B0] =	vst v1;
	s23 =	smov.u32 s22;
	s22 =	sadd.s32 $0x100, s22  }
.Ltmp0:
0x14: {  	[tilespmem:s21+$0x1A0] =	vst v1;
	(pc) =	sbr.rel @p0 .LBB2_2-.Ltmp0, $3  }
0x15: {  	[tilespmem:s21+$0x180] =	vst v1  }
0x16: {  	[tilespmem:s21+$0x190] =	vst v1;
	_ =	sdelay $0x1  }
0x17: {  	s21 =	sshra.s32 s23, $0x2  }
0x18: {  	[tilespmem:s21+$0x1B0] =	vst v1  }
0x19: {  	[tilespmem:s21+$0x1A0] =	vst v1  }
0x1a: {  	[tilespmem:s21+$0x180] =	vst v1  }
0x1b: {  	[tilespmem:s21+$0x190] =	vst v1  }
0x1c: {  	[spmem:s5] =	stream.linear.scatter [tilespmem:s13], [sflag:$0x2], $0x2000, $0x38;
	[tilespmem:$0xC180] =	vst v63  }
0x1d: {  	_ =	swait.ge [sflag:s14], $0x2000  }
0x1e: {  	[sflag:s14] =	ssyncset.done $0x0  }
0x1f: {  	[sflag:s14] =	ssyncadd.s32 $0xFFFFE000  }
0x20: {  	[spmem:s6] =	stream.linear.scatter [tilespmem:s13], [sflag:$0x2], $0x2000, $0x38;
	[tilespmem:$0xC180] =	vst v63  }
0x21: {  	_ =	swait.ge [sflag:s14], $0x2000  }
0x22: {  	[sflag:s14] =	ssyncset.done $0x0  }
0x23: {  	[sflag:s14] =	ssyncadd.s32 $0xFFFFE000  }
0x24: {  	[spmem:s7] =	stream.linear.scatter [tilespmem:s13], [sflag:$0x2], $0x2000, $0x38;
	[tilespmem:$0xC180] =	vst v63  }
0x25: {  	_ =	swait.ge [sflag:s14], $0x2000  }
0x26: {  	[sflag:s14] =	ssyncset.done $0x0  }
0x27: {  	[sflag:s14] =	ssyncadd.s32 $0xFFFFE000  }
0x28: {  	[spmem:s8] =	stream.linear.scatter [tilespmem:s13], [sflag:$0x2], $0x2000, $0x38;
	[tilespmem:$0xC180] =	vst v63  }
0x29: {  	_ =	swait.ge [sflag:s14], $0x2000  }
0x2a: {  	[sflag:s14] =	ssyncset.done $0x0  }
0x2b: {  	[sflag:s14] =	ssyncadd.s32 $0xFFFFE000  }
0x2c: {  	[spmem:s9] =	stream.linear.scatter [tilespmem:s13], [sflag:$0x2], $0x2000, $0x38;
	[tilespmem:$0xC180] =	vst v63  }
0x2d: {  	_ =	swait.ge [sflag:s14], $0x2000  }
0x2e: {  	[sflag:s14] =	ssyncset.done $0x0  }
0x2f: {  	[sflag:s14] =	ssyncadd.s32 $0xFFFFE000  }
0x30: {  	s31 =	sadd.s32 $0x0, s12;
	[bflag:$0x0] =	sbarrier.arrive $0xFFFF  }
0x31: {  	[tilespmem:s4], [sflag:$0x2] =	stream.linear.gather [hbm4b:s31+s4], $0x80, $0x38;
	[tilespmem:$0xC180] =	vst v63  }
0x32: {  	_ =	swait.ge [sflag:s14], $0x80  }
0x33: {  	[sflag:s14] =	ssyncset.done $0x0  }
0x34: {  	[sflag:s14] =	ssyncadd.s32 $0xFFFFFF80  }
0x35: {  	v2 =	vld [tilespmem:$0x70]  }
0x36: {  	v4 =	vld [tilespmem:$0x40];
	_ =	sdelay $0x1  }
0x37: {  	v3 =	vld [tilespmem:$0x60]  }
0x38: {  	v5 =	vld [tilespmem:$0x0]  }
0x39: {  	v6 =	vld [tilespmem:$0x10];
	v7 =	vand.u32 $0x7FFF, v2;
	v2 =	vshra.s32 v2, $0xF  }
0x3a: {  	v8 =	vld [tilespmem:$0x20];
	v10 =	vshra.s32 v4, $0xF;
	[tilespmem:$0x170] =	vst v2  }
0x3b: {  	v9 =	vld [tilespmem:$0x30];
	v7 =	vadd.s32 v0, v7;
	[tilespmem:$0x140] =	vst v10  }
0x3c: {  	v2 =	vshra.s32 v3, $0xF;
	v3 =	vand.u32 $0x7FFF, v3;
	[tilespmem:$0xF0] =	vst v7;
	v7 =	vld [tilespmem:$0x50]  }
0x3d: {  	[tilespmem:$0x160] =	vst v2;
	v2 =	vand.u32 $0x7FFF, v4;
	v4 =	vadd.s32 v0, v3;
	v3 =	vshra.s32 v5, $0xF  }
0x3e: {  	v10 =	vand.u32 $0x7FFF, v5;
	v5 =	vand.u32 $0x7FFF, v6;
	[tilespmem:$0x100] =	vst v3;
	v11 =	vadd.s32 v0, v2  }
0x3f: {  	v2 =	vadd.s32 v0, v5;
	v5 =	vshra.s32 v6, $0xF;
	v3 =	vadd.s32 v0, v10;
	[tilespmem:$0xE0] =	vst v4  }
0x40: {  	v6 =	vand.u32 $0x7FFF, v8;
	v10 =	vand.u32 $0x7FFF, v9;
	v9 =	vshra.s32 v9, $0xF;
	[tilespmem:$0xC0] =	vst v11  }
0x41: {  	v4 =	vadd.s32 v0, v6;
	[tilespmem:$0x130] =	vst v9;
	v9 =	vand.u32 $0x7FFF, v7;
	v11 =	vshra.s32 v7, $0xF  }
0x42: {  	s21 =	simm.s32 $0x10;
	v6 =	vadd.s32 v0, v10;
	v7 =	vshra.s32 v8, $0xF;
	v8 =	vadd.s32 v0, v9;
	[tilespmem:$0x150] =	vst v11  }
.LBB2_4:
0x43: {  	p0 =	sne.s32 s21, $0x9C0;
	[tilespmem:$0x110] =	vst v5;
	s22 =	smov.u32 s21;
	s21 =	sadd.s32 $0x10, s21  }
0x44: {  	[tilespmem:$0xD0] =	vst v8  }
0x45: {  	[tilespmem:$0x120] =	vst v7  }
0x46: {  	[tilespmem:$0x80] =	vst v3  }
0x47: {  	[tilespmem:$0x90] =	vst v2  }
0x48: {  	[tilespmem:$0xB0] =	vst v6  }
0x49: {  	[tilespmem:$0xA0] =	vst v4  }
0x4a: {  	[tilespmem:s13], [sflag:$0x1] =	stream.indirect.gather [hbm4b:s1+s15], $0x40, s15, s15, $0xb8;
	[tilespmem:$0xC180] =	vst v63  }
0x4b: {  	_ =	swait.ge [sflag:s16], $0x2000  }
0x4c: {  	[sflag:s16] =	ssyncset.done $0x0  }
0x4d: {  	[sflag:s16] =	ssyncadd.s32 $0xFFFFE000  }
0x4e: {  	[spmem:s3] =	stream.indirect.scatter.add.f32 [tilespmem:s13], [sflag:$0x2], $0x40, s17, s15, $0xb8;
	[tilespmem:$0xC180] =	vst v63  }
0x4f: {  	_ =	swait.ge [sflag:s14], $0x2000  }
0x50: {  	[sflag:s14] =	ssyncset.done $0x0  }
0x51: {  	s22 =	sadd.s32 s22, s12;
	[sflag:s14] =	ssyncadd.s32 $0xFFFFE000  }
0x52: {  	[tilespmem:s4], [sflag:$0x2] =	stream.linear.gather [hbm4b:s22+s4], $0x80, $0x38;
	[tilespmem:$0xC180] =	vst v63  }
0x53: {  	_ =	swait.ge [sflag:s14], $0x80  }
0x54: {  	[sflag:s14] =	ssyncset.done $0x0  }
0x55: {  	[sflag:s14] =	ssyncadd.s32 $0xFFFFFF80  }
0x56: {  	v2 =	vld [tilespmem:$0x70]  }
0x57: {  	v3 =	vld [tilespmem:$0x60]  }
0x58: {  	v4 =	vld [tilespmem:$0x10]  }
0x59: {  	v5 =	vld [tilespmem:$0x40]  }
0x5a: {  	v6 =	vld [tilespmem:$0x0]  }
0x5b: {  	v7 =	vld [tilespmem:$0x20];
	v8 =	vand.u32 $0x7FFF, v2;
	v2 =	vshra.s32 v2, $0xF  }
0x5c: {  	v9 =	vld [tilespmem:$0x30];
	v10 =	vshra.s32 v3, $0xF;
	v8 =	vadd.s32 v0, v8;
	[tilespmem:$0x170] =	vst v2  }
0x5d: {  	v2 =	vand.u32 $0x7FFF, v3;
	v11 =	vld [tilespmem:$0x50];
	[tilespmem:$0xF0] =	vst v8  }
0x5e: {  	v8 =	vadd.s32 v0, v2;
	v3 =	vand.u32 $0x7FFF, v5;
	v5 =	vshra.s32 v5, $0xF;
	[tilespmem:$0x160] =	vst v10  }
0x5f: {  	v10 =	vand.u32 $0x7FFF, v6;
	v2 =	vshra.s32 v6, $0xF;
	v6 =	vand.u32 $0x7FFF, v4;
	[tilespmem:$0x140] =	vst v5  }
.Ltmp1:
0x60: {  	v5 =	vshra.s32 v4, $0xF;
	v4 =	vadd.s32 v0, v3;
	[tilespmem:$0x100] =	vst v2;
	v2 =	vadd.s32 v0, v6;
	(pc) =	sbr.rel @p0 .LBB2_4-.Ltmp1, $4  }
0x61: {  	v3 =	vadd.s32 v0, v10;
	v6 =	vand.u32 $0x7FFF, v7;
	v10 =	vand.u32 $0x7FFF, v9;
	[tilespmem:$0xC0] =	vst v4  }
0x62: {  	v4 =	vadd.s32 v0, v6;
	v9 =	vshra.s32 v9, $0xF;
	v6 =	vadd.s32 v0, v10;
	[tilespmem:$0xE0] =	vst v8  }
0x63: {  	v7 =	vshra.s32 v7, $0xF;
	v8 =	vand.u32 $0x7FFF, v11;
	[tilespmem:$0x130] =	vst v9;
	v9 =	vshra.s32 v11, $0xF  }
0x64: {  	v8 =	vadd.s32 v0, v8;
	[tilespmem:$0x150] =	vst v9  }
0x65: {  	[tilespmem:$0x110] =	vst v5  }
0x66: {  	[tilespmem:$0xD0] =	vst v8  }
0x67: {  	[tilespmem:$0x120] =	vst v7  }
0x68: {  	[tilespmem:$0x80] =	vst v3  }
0x69: {  	[tilespmem:$0x90] =	vst v2  }
0x6a: {  	[tilespmem:$0xB0] =	vst v6  }
0x6b: {  	[tilespmem:$0xA0] =	vst v4  }
0x6c: {  	[tilespmem:s13], [sflag:$0x1] =	stream.indirect.gather [hbm4b:s1+s15], $0x40, s15, s15, $0xb8;
	[tilespmem:$0xC180] =	vst v63  }
0x6d: {  	_ =	swait.ge [sflag:s16], $0x2000  }
0x6e: {  	[sflag:s16] =	ssyncset.done $0x0  }
0x6f: {  	[sflag:s16] =	ssyncadd.s32 $0xFFFFE000  }
0x70: {  	[spmem:s3] =	stream.indirect.scatter.add.f32 [tilespmem:s13], [sflag:$0x2], $0x40, s17, s15, $0xb8;
	[tilespmem:$0xC180] =	vst v63  }
0x71: {  	_ =	swait.ge [sflag:s14], $0x2000  }
0x72: {  	s20 =	sadd.s32 $0x1, s20;
	[sflag:s14] =	ssyncset.done $0x0  }
0x73: {  	p0 =	sne.s32 s20, s11;
	[sflag:s14] =	ssyncadd.s32 $0xFFFFE000  }
.Ltmp2:
0x74: {  	[bflag:$0x0] =	sbarrier.arrive $0xFFFF;
	(pc) =	sbr.rel @p0 .LBB2_1-.Ltmp2, $4  }
0x75: {  	[hbm:s10], [sflag:s18] =	dma.local [spmem:s19], $0x1400  }
0x76: {  	_ =	swait.ge [sflag:s14], $0x1400  }
0x77: {  	[sflag:s14] =	ssyncset.done $0x0  }
0x78: {  	[sflag:s14] =	ssyncadd.s32 $0xFFFFEC00  }
0x79: {  	_ =	sfence.sel $0x180000  }
0x7a: {  	[bflag:$0x0] =	sbarrier.arrive $0xFFFF  }
0x7b: {  	p0 =	sne.s32 s2, $0x0;
	_ =	strace $0x9000004D  }
0x7c: {  	s0 =	sadd.s32 @!p0 $0x100000, s0;
	[bflag:$0x2] =	sbarrier.arrive $0xFFFF  }
0x7d: {  	[sflag:s0] =	ssyncadd.tile.s32 @!p0 $0x1;
	_ =	shalt  }
.Lfunc_end2:
_tile_overlayer_lowered:
.L_overlay_start_2:
0x7e: {  	(tag) =	ssettag $0x2  }
0x7f: {  	s0 =	rddreg [dreg:$0x0];
	s2 =	stileid.u32  }
0x80: {  	s1 =	rddreg [dreg:$0x1];
	p0 =	sne.s32 s2, $0x0  }
0x81: {  	s3 =	rddreg [dreg:$0x2];
	[bflag:$0x3] =	sbarrier.arrive $0xFFFF;
	s2 =	simm.s32 @!p0 $0x1C02  }
0x82: {  	[timem:s3], [sflag:s2] =	dma.local @!p0 [hbm:s0], s1  }
0x83: {  	s0 =	simm.s32 @!p0 $0x2  }
0x84: {  	_ =	swait.ge @!p0 [sflag:s0], s1  }
0x85: {  	s1 =	ssub.s32 @!p0 $0x0, s1;
	[sflag:s0] =	ssyncset.done @!p0 $0x0  }
0x86: {  	[sflag:s0] =	ssyncadd.s32 @!p0 s1  }
0x87: {  	[bflag:$0x3] =	sbarrier.arrive $0xFFFF  }
0x88: {  	_ =	shalt  }

// kernel: kernel.27.cloned.1.call-start
scs
__scs_entry_jumppad:
0x0: {  	(pc) =	sbr.rel $0x88, $3  }
0x1: {  	(tag) =	ssettag $0x0;
	lr =	simm.s32 $0x1  }
0x2: {  	[smem:$0x3F99] =	sst lr;
	_ =	strace $0xD0000000  }
0x3: {  	_ = 	snop  }
0x4: {  	_ = 	snop  }
0x5: {  	_ = 	snop  }
0x6: {  	_ = 	snop  }
0x7: {  	_ = 	snop  }
__scs_overlays_trampoline_lowered:
0x8: {  	[smem:$0x3FA8] =	sst s0  }
0x9: {  	[smem:$0x3FA9] =	sst s1  }
0xa: {  	[smem:$0x3FAA] =	sst s2  }
0xb: {  	[smem:$0x3FAB] =	sst s3  }
0xc: {  	[smem:$0x3FAC] =	sst s4  }
0xd: {  	[smem:$0x3FAD] =	sst s5  }
0xe: {  	[smem:$0x3FAE] =	sst s6  }
0xf: {  	[smem:$0x3FAF] =	sst s7  }
0x10: {  	[smem:$0x3FB0] =	sst s8  }
0x11: {  	[smem:$0x3FB1] =	sst s9;
	s0 =	simm.s32 @!p0 $0x0  }
0x12: {  	s1 =	sld [smem:$0x3F97];
	s0 =	simm.s32 @p0 $0x1  }
0x13: {  	[smem:$0x3FB2] =	sst s0;
	s0 =	simm.s32 @!p1 $0x0  }
0x14: {  	s2 =	sld [smem:$0x3F96];
	s0 =	simm.s32 @p1 $0x1  }
0x15: {  	[smem:$0x3FB3] =	sst s0;
	s0 =	simm.s32 @!p2 $0x0  }
0x16: {  	s3 =	sld [smem:$0x3FDB];
	s0 =	simm.s32 @p2 $0x1  }
0x17: {  	s4 =	simm.s32 $0x1BF5;
	[smem:$0x3FB5] =	sst s0  }
0x18: {  	s0 =	sld [smem:$0x3F98];
	_ =	swait.ge [sflag:s4], $0x0  }
0x19: {  	s7 =	sld [smem:$0x3F99]  }
0x1a: {  	s8 =	sadd.s32 $0xFFFFE003, lr  }
0x1b: {  	s9 =	sadd.s32 $0xFFFFFEF7, lr;
	s5 =	simm.s32 $0xFFFFFFFF;
	p2 =	slt.u32 s8, $0xFFFFF086  }
0x1c: {  	p1 =	slt.u32 s9, $0xF7A;
	s5 =	simm.s32 @!p2 $0x0  }
0x1d: {  	s5 =	simm.s32 @p1 $0x1;
	p0 =	seq.s32 s7, s2  }
0x1e: {  	s7 =	smul.u32 @!p0 $0xF7A, s2;
	p2 =	seq.s32 @!p0 s5, $0x0  }
0x1f: {  	s9 =	smul.u32 $0xF7A, s1;
	s8 =	simm.s32 @!p0 $0x1BF5;
	p2 =	por !p2, p0  }
0x20: {  	[sflag:s8] =	ssyncset.s32 @!p0 $0xFFFFF086;
	s6 =	sadd.s32 @!p0 s3, s7;
	s7 =	simm.s32 @!p0 $0x108  }
0x21: {  	s3 =	sadd.s32 s3, s9;
	s6 =	sadd.s32 @!p0 $0x88, s6;
	s7 =	simm.s32 @p2 $0x1082  }
0x22: {  	[simem:s7], [sflag:s8] =	dma.local @!p0 [hbm:s6], $0xF7A  }
0x23: {  	s9 =	sor.u32 $0xD0000000, s2;
	s6 =	simm.s32 $0x108;
	_ =	swait.ge @!p0 [sflag:s8], $0x0  }
0x24: {  	s3 =	sadd.s32 $0x88, s3;
	s6 =	simm.s32 @!p1 $0x1082;
	[sflag:s4] =	ssyncset.s32 $0xFFFFF086  }
0x25: {  	[simem:s6], [sflag:s4] =	dma.local [hbm:s3], $0xF7A  }
0x26: {  	[smem:$0x3F99] =	sst s1;
	(tag) =	ssettag s2;
	_ =	strace s9  }
0x27: {  	s1 =	sld [smem:$0x3FA9]  }
0x28: {  	s2 =	sld [smem:$0x3FAA]  }
0x29: {  	s4 =	sld [smem:$0x3FAC]  }
0x2a: {  	p0 =	seq.s32 s5, $0x0;
	s5 =	sld [smem:$0x3FAD]  }
0x2b: {  	s6 =	sld [smem:$0x3FAE]  }
0x2c: {  	s7 =	sld [smem:$0x3FAF]  }
0x2d: {  	s3 =	simm.s32 $0x108;
	s8 =	sld [smem:$0x3FB0]  }
0x2e: {  	s3 =	simm.s32 @!p0 $0x1082;
	s9 =	sld [smem:$0x3FB1]  }
0x2f: {  	lr =	sadd.s32 s0, s3;
	s0 =	sld [smem:$0x3FA8]  }
0x30: {  	s3 =	sld [smem:$0x3FAB]  }
0x31: {  	[smem:$0x3FB4] =	sst s10  }
0x32: {  	s10 =	sld [smem:$0x3FB2];
	_ =	sdelay $0x3  }
0x33: {  	p0 =	seq.s32 s10, $0x1;
	s10 =	sld [smem:$0x3FB4];
	_ =	sdelay $0x3  }
0x34: {  	[smem:$0x3FB4] =	sst s10  }
0x35: {  	s10 =	sld [smem:$0x3FB3];
	_ =	sdelay $0x3  }
0x36: {  	p1 =	seq.s32 s10, $0x1;
	s10 =	sld [smem:$0x3FB4];
	_ =	sdelay $0x3  }
0x37: {  	[smem:$0x3FB4] =	sst s10  }
0x38: {  	s10 =	sld [smem:$0x3FB5]  }
0x39: {  	_ = 	snop;
	(pc) =	sbr.ind lr, $3  }
0x3a: {  	_ = 	snop  }
0x3b: {  	_ = 	snop  }
0x3c: {  	p2 =	seq.s32 s10, $0x1;
	s10 =	sld [smem:$0x3FB4]  }
0x3d: {  	_ =	shalt  }
0x3e: {  	_ =	shalt  }
0x3f: {  	_ =	shalt  }
0x40: {  	_ =	shalt  }
0x41: {  	_ =	shalt  }
0x42: {  	_ =	shalt  }
0x43: {  	_ =	shalt  }
0x44: {  	_ =	shalt  }
0x45: {  	_ =	shalt  }
0x46: {  	_ =	shalt  }
0x47: {  	_ =	shalt  }
0x48: {  	_ =	shalt  }
0x49: {  	_ =	shalt  }
0x4a: {  	_ =	shalt  }
0x4b: {  	_ =	shalt  }
0x4c: {  	_ =	shalt  }
0x4d: {  	_ =	shalt  }
0x4e: {  	_ =	shalt  }
0x4f: {  	_ =	shalt  }
0x50: {  	_ =	shalt  }
0x51: {  	_ =	shalt  }
0x52: {  	_ =	shalt  }
0x53: {  	_ =	shalt  }
0x54: {  	_ =	shalt  }
0x55: {  	_ =	shalt  }
0x56: {  	_ =	shalt  }
0x57: {  	_ =	shalt  }
0x58: {  	_ =	shalt  }
0x59: {  	_ =	shalt  }
0x5a: {  	_ =	shalt  }
0x5b: {  	_ =	shalt  }
0x5c: {  	_ =	shalt  }
0x5d: {  	_ =	shalt  }
0x5e: {  	_ =	shalt  }
0x5f: {  	_ =	shalt  }
0x60: {  	_ =	shalt  }
0x61: {  	_ =	shalt  }
0x62: {  	_ =	shalt  }
0x63: {  	_ =	shalt  }
0x64: {  	_ =	shalt  }
0x65: {  	_ =	shalt  }
0x66: {  	_ =	shalt  }
0x67: {  	_ =	shalt  }
0x68: {  	_ =	shalt  }
0x69: {  	_ =	shalt  }
0x6a: {  	_ =	shalt  }
0x6b: {  	_ =	shalt  }
0x6c: {  	_ =	shalt  }
0x6d: {  	_ =	shalt  }
0x6e: {  	_ =	shalt  }
0x6f: {  	_ =	shalt  }
0x70: {  	_ =	shalt  }
0x71: {  	_ =	shalt  }
0x72: {  	_ =	shalt  }
0x73: {  	_ =	shalt  }
0x74: {  	_ =	shalt  }
0x75: {  	_ =	shalt  }
0x76: {  	_ =	shalt  }
0x77: {  	_ =	shalt  }
0x78: {  	_ =	shalt  }
0x79: {  	_ =	shalt  }
0x7a: {  	_ =	shalt  }
0x7b: {  	_ =	shalt  }
0x7c: {  	_ =	shalt  }
0x7d: {  	_ =	shalt  }
0x7e: {  	_ =	shalt  }
0x7f: {  	_ =	shalt  }
0x80: {  	_ =	shalt  }
0x81: {  	_ =	shalt  }
0x82: {  	_ =	shalt  }
0x83: {  	_ =	shalt  }
0x84: {  	_ =	shalt  }
0x85: {  	_ =	shalt  }
0x86: {  	_ =	shalt  }
0x87: {  	_ =	shalt  }
.Lfunc_end0:
.L_simem_size_0:
called_computation.3_lowered:
.L_overlay_start_0:
0x88: {  	s2 =	sld [smem:$0x3FD9]  }
0x89: {  	s3 =	sld [smem:$0x3FFE];
	_ =	sdelay $0x1  }
0x8a: {  	s1 =	srdreg.scid  }
0x8b: {  	s0 =	sand.u32 $0x1, s1  }
0x8c: {  	s14 =	sshll.u32 s0, $0xA;
	s2 =	sadd.s32 s3, s2  }
0x8d: {  	s2 =	sadd.s32 s2, s14  }
0x8e: {  	[smem:$0x3FC0] =	sst s2  }
0x8f: {  	_ = 	snop  }
0x90: {  	s2 =	sld [smem:$0x3FD0];
	_ =	sdelay $0x2  }
0x91: {  	s15 =	simm.s32 $0xA;
	s4 =	simm.s32 $0x10  }
0x92: {  	[smem:s4], [sflag:s15] =	dma.local [hbm:s2], $0x1  }
0x93: {  	_ =	swait.eq [sflag:s15], $0x1  }
0x94: {  	[sflag:s15] =	ssyncset.done $0x0  }
0x95: {  	s16 =	sld [smem:$0x11];
	[sflag:s15] =	ssyncadd.s32 $0xFFFFFFFF  }
0x96: {  	s17 =	sld [smem:$0x12];
	(tm) =	ssettm $0x1  }
0x97: {  	s18 =	sld [smem:$0x3FFB];
	_ =	sdelay $0x3  }
0x98: {  	_ =	strace s18  }
0x99: {  	s4 =	sld [smem:$0x3FFC];
	_ =	sdelay $0x3  }
0x9a: {  	_ =	strace s4  }
0x9b: {  	s4 =	sld [smem:$0x3FFD];
	_ =	sdelay $0x3  }
0x9c: {  	_ =	strace s4  }
0x9d: {  	_ =	strace $0x8FFFFFFF  }
0x9e: {  	s19 =	sld [smem:$0x3FDB];
	_ =	sdelay $0x1  }
0x9f: {  	s5 =	simm.s32 $_scs_section_size  }
0xa0: {  	s6 =	simm.s32 $_size__tile_overlayer_lowered;
	s7 =	simm.s32 $_tile_overlayer_lowered  }
0xa1: {  	s22 =	simm.s32 $0x1BFF;
	s21 =	sshll.u32 s7, $0x1;
	s4 =	sadd.s32 s5, s19  }
0xa2: {  	s8 =	simm.s32 $0x0;
	s20 =	sshll.u32 s6, $0x1;
	s6 =	sadd.s32 s21, s4  }
0xa3: {  	[timem:s8], [sflag:s22] =	dma.local [hbm:s6], s20  }
0xa4: {  	_ =	swait.ge [sflag:s22], s20  }
0xa5: {  	s5 =	ssub.s32 $0x0, s20;
	[sflag:s22] =	ssyncset.done $0x0  }
0xa6: {  	[sflag:s22] =	ssyncadd.s32 s5;
	_ =	sdelay $0x1  }
0xa7: {  	s23 =	simm.s32 $0x1B8B  }
0xa8: {  	_ =	swait.ge [sflag:s23], $0x1  }
0xa9: {  	[sflag:s23] =	ssyncset.done $0x0  }
0xaa: {  	s25 =	simm.s32 $0x1B8E;
	s24 =	sld [smem:$0x3FFE];
	[sflag:s23] =	ssyncadd.s32 $0xFFFFFFFF  }
0xab: {  	s26 =	simm.s32 $execute0_lowered;
	[smem:$0x3FD2] =	sst s25  }
0xac: {  	s6 =	sshll.u32 s26, $0x1;
	_ =	strace $0x8000004F;
	[dreg:$0x1] =	wrdreg $0xFFFFFFFF  }
0xad: {  	s28 =	simm.s32 $_size_execute0_lowered;
	s4 =	sadd.s32 s4, s6;
	[dreg:$0x0] =	wrdreg $0x0  }
0xae: {  	s6 =	sshll.u32 s28, $0x1;
	[dreg:$0x2] =	wrdreg s4  }
0xaf: {  	[dreg:$0x3] =	wrdreg s6  }
0xb0: {  	[dreg:$0x4] =	wrdreg $0xC0  }
0xb1: {  	_ =	task [dreg:s8], $0x5FFFF  }
0xb2: {  	[dreg:$0x1] =	wrdreg $0xFFFFFFFF  }
0xb3: {  	[dreg:$0x0] =	wrdreg $0x60  }
0xb4: {  	[dreg:$0x2] =	wrdreg s17  }
0xb5: {  	[dreg:$0x3] =	wrdreg s24  }
0xb6: {  	[dreg:$0x4] =	wrdreg s16  }
0xb7: {  	[dreg:$0x5] =	wrdreg $0x21800  }
0xb8: {  	[dreg:$0x6] =	wrdreg $0x9  }
0xb9: {  	_ =	task.clear_ibuf [dreg:s8], $0x7FFFF;
	_ =	strace $0x9000004F  }
0xba: {  	s29 =	simm.s32 $0x9;
	_ =	strace $0x80000051  }
0xbb: {  	_ =	swait.ge [sflag:s29], $0x1  }
0xbc: {  	[sflag:s29] =	ssyncadd.s32 $0xFFFFFFFF  }
0xbd: {  	_ =	strace $0x90000051  }
0xbe: {  	_ =	sfence  }
0xbf: {  	s30 =	sld [smem:$0x0];
	_ =	sdelay $0x2  }
0xc0: {  	s31 =	sshll.u32 s1, $0xD;
	s1 =	sshrl.u32 s1, $0x2  }
0xc1: {  	s3 =	sand.u32 $0x4000, s31;
	s1 =	sadd.s32 s1, s30  }
0xc2: {  	s0 =	sor.u32 s3, s0;
	s1 =	sshll.u32 s1, $0x11  }
0xc3: {  	s0 =	sor.u32 s1, s0  }
0xc4: {  	s0 =	sadd.s32 $0x8F2B, s0  }
0xc5: {  	[sflag:s0] =	ssyncadd.remote.s32 $0x1  }
0xc6: {  	_ =	sfence.sel $0xFFFF  }
0xc7: {  	[dreg:$0x0] =	wrdreg $0xFFFFFFFF;
	(pc) =	sbr.abs _section_cstart, $3  }
0xc8: {  	[dreg:$0x1] =	wrdreg $0xFFFFFFFF  }
0xc9: {  	_ =	task.clear_ibuf [dreg:s8], $0x2FFFF;
	_ =	strace $0x9FFFFFFF  }
0xca: {  	(tm) =	ssettm $0x7FFFFFFF  }
0xcb: {  	_ =	shalt  }
tec
execute0_lowered:
.L_overlay_start_1:
0x0: {  	(tag) =	ssettag $0x1  }
0x1: {  	s1 =	rddreg [dreg:$0x0]  }
0x2: {  	s5 =	rddreg [dreg:$0x1]  }
0x3: {  	s10 =	rddreg [dreg:$0x2]  }
0x4: {  	s3 =	rddreg [dreg:$0x3]  }
0x5: {  	s0 =	rddreg [dreg:$0x4]  }
0x6: {  	s4 =	simm.s32 $0x0;
	s2 =	stileid.u32;
	s6 =	srdreg.scid  }
0x7: {  	s14 =	simm.s32 $0x2;
	s15 =	simm.s32 $0x80;
	s7 =	smul.u32 $0x9D0, s2  }
0x8: {  	s16 =	simm.s32 $0x1;
	s17 =	simm.s32 $0x100;
	s9 =	smul.u32 $0x28000, s2  }
0x9: {  	s20 =	simm.s32 $0x0;
	s6 =	sand.u32 $0x1, s6;
	s11 =	smul.u32 $0xA000, s2  }
0xa: {  	[smem:$0x7FF] =	sst s4;
	s19 =	sshll.u32 s2, $0x6;
	s31 =	smul.u32 $0xA0000, s6  }
0xb: {  	_ =	strace $0x80000050;
	s8 =	ssub.s32 $0x2, s6;
	s18 =	smul.u32 $0x2710, s6  }
0xc: {  	s12 =	sadd.s32 s7, s5;
	s29 =	sshrl.u32 s8, $0x1;
	s30 =	sshrl.u32 s9, $0x2  }
0xd: {  	s5 =	sadd.s32 s11, s3;
	s13 =	ssub.s32 s8, s29;
	s9 =	sadd.s32 s30, s3  }
0xe: {  	s11 =	sadd.s32 s11, s31;
	s12 =	sadd.s32 $0x4E00, s12;
	v0 =	vmov s18;
	s18 =	sor.u32 $0x1C02, s19  }
0xf: {  	s19 =	sshrl.u32 s5, $0x3;
	s6 =	sadd.s32 $0x2000, s9;
	s7 =	sadd.s32 $0x4000, s9  }
0x10: {  	s8 =	sadd.s32 $0x6000, s9;
	s9 =	sadd.s32 $0x8000, s9;
	s11 =	sshrl.u32 s11, $0x3  }
0x11: {  	v1 =	vimm.f32 $0.0e+00;
	s10 =	sadd.s32 s10, s11;
	s11 =	smax.u32 s13, $0x1;
	s13 =	simm.s32 $0x180  }
.LBB2_1:
0x12: {  	s22 =	simm.s32 $0x100;
	s21 =	simm.s32 $0x0  }
.LBB2_2:
0x13: {  	p0 =	sne.s32 s22, $0x7F00;
	[tilespmem:s21+$0x1B0] =	vst v1;
	s23 =	smov.u32 s22;
	s22 =	sadd.s32 $0x100, s22  }
.Ltmp0:
0x14: {  	[tilespmem:s21+$0x1A0] =	vst v1;
	(pc) =	sbr.rel @p0 .LBB2_2-.Ltmp0, $3  }
0x15: {  	[tilespmem:s21+$0x180] =	vst v1  }
0x16: {  	[tilespmem:s21+$0x190] =	vst v1;
	_ =	sdelay $0x1  }
0x17: {  	s21 =	sshra.s32 s23, $0x2  }
0x18: {  	[tilespmem:s21+$0x1B0] =	vst v1  }
0x19: {  	[tilespmem:s21+$0x1A0] =	vst v1  }
0x1a: {  	[tilespmem:s21+$0x180] =	vst v1  }
0x1b: {  	[tilespmem:s21+$0x190] =	vst v1  }
0x1c: {  	[spmem:s5] =	stream.linear.scatter [tilespmem:s13], [sflag:$0x2], $0x2000, $0x38;
	[tilespmem:$0xC180] =	vst v63  }
0x1d: {  	_ =	swait.ge [sflag:s14], $0x2000  }
0x1e: {  	[sflag:s14] =	ssyncset.done $0x0  }
0x1f: {  	[sflag:s14] =	ssyncadd.s32 $0xFFFFE000  }
0x20: {  	[spmem:s6] =	stream.linear.scatter [tilespmem:s13], [sflag:$0x2], $0x2000, $0x38;
	[tilespmem:$0xC180] =	vst v63  }
0x21: {  	_ =	swait.ge [sflag:s14], $0x2000  }
0x22: {  	[sflag:s14] =	ssyncset.done $0x0  }
0x23: {  	[sflag:s14] =	ssyncadd.s32 $0xFFFFE000  }
0x24: {  	[spmem:s7] =	stream.linear.scatter [tilespmem:s13], [sflag:$0x2], $0x2000, $0x38;
	[tilespmem:$0xC180] =	vst v63  }
0x25: {  	_ =	swait.ge [sflag:s14], $0x2000  }
0x26: {  	[sflag:s14] =	ssyncset.done $0x0  }
0x27: {  	[sflag:s14] =	ssyncadd.s32 $0xFFFFE000  }
0x28: {  	[spmem:s8] =	stream.linear.scatter [tilespmem:s13], [sflag:$0x2], $0x2000, $0x38;
	[tilespmem:$0xC180] =	vst v63  }
0x29: {  	_ =	swait.ge [sflag:s14], $0x2000  }
0x2a: {  	[sflag:s14] =	ssyncset.done $0x0  }
0x2b: {  	[sflag:s14] =	ssyncadd.s32 $0xFFFFE000  }
0x2c: {  	[spmem:s9] =	stream.linear.scatter [tilespmem:s13], [sflag:$0x2], $0x2000, $0x38;
	[tilespmem:$0xC180] =	vst v63  }
0x2d: {  	_ =	swait.ge [sflag:s14], $0x2000  }
0x2e: {  	[sflag:s14] =	ssyncset.done $0x0  }
0x2f: {  	[sflag:s14] =	ssyncadd.s32 $0xFFFFE000  }
0x30: {  	s31 =	sadd.s32 $0x0, s12;
	[bflag:$0x0] =	sbarrier.arrive $0xFFFF  }
0x31: {  	[tilespmem:s4], [sflag:$0x2] =	stream.linear.gather [hbm4b:s31+s4], $0x80, $0x38;
	[tilespmem:$0xC180] =	vst v63  }
0x32: {  	_ =	swait.ge [sflag:s14], $0x80  }
0x33: {  	[sflag:s14] =	ssyncset.done $0x0  }
0x34: {  	[sflag:s14] =	ssyncadd.s32 $0xFFFFFF80  }
0x35: {  	v2 =	vld [tilespmem:$0x70]  }
0x36: {  	v4 =	vld [tilespmem:$0x40];
	_ =	sdelay $0x1  }
0x37: {  	v3 =	vld [tilespmem:$0x60]  }
0x38: {  	v5 =	vld [tilespmem:$0x0]  }
0x39: {  	v6 =	vld [tilespmem:$0x10];
	v7 =	vand.u32 $0x7FFF, v2;
	v2 =	vshra.s32 v2, $0xF  }
0x3a: {  	v8 =	vld [tilespmem:$0x20];
	v10 =	vshra.s32 v4, $0xF;
	[tilespmem:$0x170] =	vst v2  }
0x3b: {  	v9 =	vld [tilespmem:$0x30];
	v7 =	vadd.s32 v0, v7;
	[tilespmem:$0x140] =	vst v10  }
0x3c: {  	v2 =	vshra.s32 v3, $0xF;
	v3 =	vand.u32 $0x7FFF, v3;
	[tilespmem:$0xF0] =	vst v7;
	v7 =	vld [tilespmem:$0x50]  }
0x3d: {  	[tilespmem:$0x160] =	vst v2;
	v2 =	vand.u32 $0x7FFF, v4;
	v4 =	vadd.s32 v0, v3;
	v3 =	vshra.s32 v5, $0xF  }
0x3e: {  	v10 =	vand.u32 $0x7FFF, v5;
	v5 =	vand.u32 $0x7FFF, v6;
	[tilespmem:$0x100] =	vst v3;
	v11 =	vadd.s32 v0, v2  }
0x3f: {  	v2 =	vadd.s32 v0, v5;
	v5 =	vshra.s32 v6, $0xF;
	v3 =	vadd.s32 v0, v10;
	[tilespmem:$0xE0] =	vst v4  }
0x40: {  	v6 =	vand.u32 $0x7FFF, v8;
	v10 =	vand.u32 $0x7FFF, v9;
	v9 =	vshra.s32 v9, $0xF;
	[tilespmem:$0xC0] =	vst v11  }
0x41: {  	v4 =	vadd.s32 v0, v6;
	[tilespmem:$0x130] =	vst v9;
	v9 =	vand.u32 $0x7FFF, v7;
	v11 =	vshra.s32 v7, $0xF  }
0x42: {  	s21 =	simm.s32 $0x10;
	v6 =	vadd.s32 v0, v10;
	v7 =	vshra.s32 v8, $0xF;
	v8 =	vadd.s32 v0, v9;
	[tilespmem:$0x150] =	vst v11  }
.LBB2_4:
0x43: {  	p0 =	sne.s32 s21, $0x9C0;
	[tilespmem:$0x110] =	vst v5;
	s22 =	smov.u32 s21;
	s21 =	sadd.s32 $0x10, s21  }
0x44: {  	[tilespmem:$0xD0] =	vst v8  }
0x45: {  	[tilespmem:$0x120] =	vst v7  }
0x46: {  	[tilespmem:$0x80] =	vst v3  }
0x47: {  	[tilespmem:$0x90] =	vst v2  }
0x48: {  	[tilespmem:$0xB0] =	vst v6  }
0x49: {  	[tilespmem:$0xA0] =	vst v4  }
0x4a: {  	[tilespmem:s13], [sflag:$0x1] =	stream.indirect.gather [hbm4b:s1+s15], $0x40, s15, s15, $0xb8;
	[tilespmem:$0xC180] =	vst v63  }
0x4b: {  	_ =	swait.ge [sflag:s16], $0x2000  }
0x4c: {  	[sflag:s16] =	ssyncset.done $0x0  }
0x4d: {  	[sflag:s16] =	ssyncadd.s32 $0xFFFFE000  }
0x4e: {  	[spmem:s3] =	stream.indirect.scatter.add.f32 [tilespmem:s13], [sflag:$0x2], $0x40, s17, s15, $0xb8;
	[tilespmem:$0xC180] =	vst v63  }
0x4f: {  	_ =	swait.ge [sflag:s14], $0x2000  }
0x50: {  	[sflag:s14] =	ssyncset.done $0x0  }
0x51: {  	s22 =	sadd.s32 s22, s12;
	[sflag:s14] =	ssyncadd.s32 $0xFFFFE000  }
0x52: {  	[tilespmem:s4], [sflag:$0x2] =	stream.linear.gather [hbm4b:s22+s4], $0x80, $0x38;
	[tilespmem:$0xC180] =	vst v63  }
0x53: {  	_ =	swait.ge [sflag:s14], $0x80  }
0x54: {  	[sflag:s14] =	ssyncset.done $0x0  }
0x55: {  	[sflag:s14] =	ssyncadd.s32 $0xFFFFFF80  }
0x56: {  	v2 =	vld [tilespmem:$0x70]  }
0x57: {  	v3 =	vld [tilespmem:$0x60]  }
0x58: {  	v4 =	vld [tilespmem:$0x10]  }
0x59: {  	v5 =	vld [tilespmem:$0x40]  }
0x5a: {  	v6 =	vld [tilespmem:$0x0]  }
0x5b: {  	v7 =	vld [tilespmem:$0x20];
	v8 =	vand.u32 $0x7FFF, v2;
	v2 =	vshra.s32 v2, $0xF  }
0x5c: {  	v9 =	vld [tilespmem:$0x30];
	v10 =	vshra.s32 v3, $0xF;
	v8 =	vadd.s32 v0, v8;
	[tilespmem:$0x170] =	vst v2  }
0x5d: {  	v2 =	vand.u32 $0x7FFF, v3;
	v11 =	vld [tilespmem:$0x50];
	[tilespmem:$0xF0] =	vst v8  }
0x5e: {  	v8 =	vadd.s32 v0, v2;
	v3 =	vand.u32 $0x7FFF, v5;
	v5 =	vshra.s32 v5, $0xF;
	[tilespmem:$0x160] =	vst v10  }
0x5f: {  	v10 =	vand.u32 $0x7FFF, v6;
	v2 =	vshra.s32 v6, $0xF;
	v6 =	vand.u32 $0x7FFF, v4;
	[tilespmem:$0x140] =	vst v5  }
.Ltmp1:
0x60: {  	v5 =	vshra.s32 v4, $0xF;
	v4 =	vadd.s32 v0, v3;
	[tilespmem:$0x100] =	vst v2;
	v2 =	vadd.s32 v0, v6;
	(pc) =	sbr.rel @p0 .LBB2_4-.Ltmp1, $4  }
0x61: {  	v3 =	vadd.s32 v0, v10;
	v6 =	vand.u32 $0x7FFF, v7;
	v10 =	vand.u32 $0x7FFF, v9;
	[tilespmem:$0xC0] =	vst v4  }
0x62: {  	v4 =	vadd.s32 v0, v6;
	v9 =	vshra.s32 v9, $0xF;
	v6 =	vadd.s32 v0, v10;
	[tilespmem:$0xE0] =	vst v8  }
0x63: {  	v7 =	vshra.s32 v7, $0xF;
	v8 =	vand.u32 $0x7FFF, v11;
	[tilespmem:$0x130] =	vst v9;
	v9 =	vshra.s32 v11, $0xF  }
0x64: {  	v8 =	vadd.s32 v0, v8;
	[tilespmem:$0x150] =	vst v9  }
0x65: {  	[tilespmem:$0x110] =	vst v5  }
0x66: {  	[tilespmem:$0xD0] =	vst v8  }
0x67: {  	[tilespmem:$0x120] =	vst v7  }
0x68: {  	[tilespmem:$0x80] =	vst v3  }
0x69: {  	[tilespmem:$0x90] =	vst v2  }
0x6a: {  	[tilespmem:$0xB0] =	vst v6  }
0x6b: {  	[tilespmem:$0xA0] =	vst v4  }
0x6c: {  	[tilespmem:s13], [sflag:$0x1] =	stream.indirect.gather [hbm4b:s1+s15], $0x40, s15, s15, $0xb8;
	[tilespmem:$0xC180] =	vst v63  }
0x6d: {  	_ =	swait.ge [sflag:s16], $0x2000  }
0x6e: {  	[sflag:s16] =	ssyncset.done $0x0  }
0x6f: {  	[sflag:s16] =	ssyncadd.s32 $0xFFFFE000  }
0x70: {  	[spmem:s3] =	stream.indirect.scatter.add.f32 [tilespmem:s13], [sflag:$0x2], $0x40, s17, s15, $0xb8;
	[tilespmem:$0xC180] =	vst v63  }
0x71: {  	_ =	swait.ge [sflag:s14], $0x2000  }
0x72: {  	s20 =	sadd.s32 $0x1, s20;
	[sflag:s14] =	ssyncset.done $0x0  }
0x73: {  	p0 =	sne.s32 s20, s11;
	[sflag:s14] =	ssyncadd.s32 $0xFFFFE000  }
.Ltmp2:
0x74: {  	[bflag:$0x0] =	sbarrier.arrive $0xFFFF;
	(pc) =	sbr.rel @p0 .LBB2_1-.Ltmp2, $4  }
0x75: {  	[hbm:s10], [sflag:s18] =	dma.local [spmem:s19], $0x1400  }
0x76: {  	_ =	swait.ge [sflag:s14], $0x1400  }
0x77: {  	[sflag:s14] =	ssyncset.done $0x0  }
0x78: {  	[sflag:s14] =	ssyncadd.s32 $0xFFFFEC00  }
0x79: {  	_ =	sfence.sel $0x180000  }
0x7a: {  	[bflag:$0x0] =	sbarrier.arrive $0xFFFF  }
0x7b: {  	p0 =	sne.s32 s2, $0x0;
	_ =	strace $0x90000050  }
0x7c: {  	s0 =	sadd.s32 @!p0 $0x100000, s0;
	[bflag:$0x2] =	sbarrier.arrive $0xFFFF  }
0x7d: {  	[sflag:s0] =	ssyncadd.tile.s32 @!p0 $0x1;
	_ =	shalt  }
.Lfunc_end2:
_tile_overlayer_lowered:
.L_overlay_start_2:
0x7e: {  	(tag) =	ssettag $0x2  }
0x7f: {  	s0 =	rddreg [dreg:$0x0];
	s2 =	stileid.u32  }
0x80: {  	s1 =	rddreg [dreg:$0x1];
	p0 =	sne.s32 s2, $0x0  }
0x81: {  	s3 =	rddreg [dreg:$0x2];
	[bflag:$0x3] =	sbarrier.arrive $0xFFFF;
	s2 =	simm.s32 @!p0 $0x1C02  }
0x82: {  	[timem:s3], [sflag:s2] =	dma.local @!p0 [hbm:s0], s1  }
0x83: {  	s0 =	simm.s32 @!p0 $0x2  }
0x84: {  	_ =	swait.ge @!p0 [sflag:s0], s1  }
0x85: {  	s1 =	ssub.s32 @!p0 $0x0, s1;
	[sflag:s0] =	ssyncset.done @!p0 $0x0  }
0x86: {  	[sflag:s0] =	ssyncadd.s32 @!p0 s1  }
0x87: {  	[bflag:$0x3] =	sbarrier.arrive $0xFFFF  }
0x88: {  	_ =	shalt  }

// kernel: kernel.30.cloned.1.call-start
scs
__scs_entry_jumppad:
0x0: {  	(pc) =	sbr.rel $0x88, $3  }
0x1: {  	(tag) =	ssettag $0x0;
	lr =	simm.s32 $0x1  }
0x2: {  	[smem:$0x3F99] =	sst lr;
	_ =	strace $0xD0000000  }
0x3: {  	_ = 	snop  }
0x4: {  	_ = 	snop  }
0x5: {  	_ = 	snop  }
0x6: {  	_ = 	snop  }
0x7: {  	_ = 	snop  }
__scs_overlays_trampoline_lowered:
0x8: {  	[smem:$0x3FA8] =	sst s0  }
0x9: {  	[smem:$0x3FA9] =	sst s1  }
0xa: {  	[smem:$0x3FAA] =	sst s2  }
0xb: {  	[smem:$0x3FAB] =	sst s3  }
0xc: {  	[smem:$0x3FAC] =	sst s4  }
0xd: {  	[smem:$0x3FAD] =	sst s5  }
0xe: {  	[smem:$0x3FAE] =	sst s6  }
0xf: {  	[smem:$0x3FAF] =	sst s7  }
0x10: {  	[smem:$0x3FB0] =	sst s8  }
0x11: {  	[smem:$0x3FB1] =	sst s9;
	s0 =	simm.s32 @!p0 $0x0  }
0x12: {  	s1 =	sld [smem:$0x3F97];
	s0 =	simm.s32 @p0 $0x1  }
0x13: {  	[smem:$0x3FB2] =	sst s0;
	s0 =	simm.s32 @!p1 $0x0  }
0x14: {  	s2 =	sld [smem:$0x3F96];
	s0 =	simm.s32 @p1 $0x1  }
0x15: {  	[smem:$0x3FB3] =	sst s0;
	s0 =	simm.s32 @!p2 $0x0  }
0x16: {  	s3 =	sld [smem:$0x3FDB];
	s0 =	simm.s32 @p2 $0x1  }
0x17: {  	s4 =	simm.s32 $0x1BF5;
	[smem:$0x3FB5] =	sst s0  }
0x18: {  	s0 =	sld [smem:$0x3F98];
	_ =	swait.ge [sflag:s4], $0x0  }
0x19: {  	s7 =	sld [smem:$0x3F99]  }
0x1a: {  	s8 =	sadd.s32 $0xFFFFE003, lr  }
0x1b: {  	s9 =	sadd.s32 $0xFFFFFEF7, lr;
	s5 =	simm.s32 $0xFFFFFFFF;
	p2 =	slt.u32 s8, $0xFFFFF086  }
0x1c: {  	p1 =	slt.u32 s9, $0xF7A;
	s5 =	simm.s32 @!p2 $0x0  }
0x1d: {  	s5 =	simm.s32 @p1 $0x1;
	p0 =	seq.s32 s7, s2  }
0x1e: {  	s7 =	smul.u32 @!p0 $0xF7A, s2;
	p2 =	seq.s32 @!p0 s5, $0x0  }
0x1f: {  	s9 =	smul.u32 $0xF7A, s1;
	s8 =	simm.s32 @!p0 $0x1BF5;
	p2 =	por !p2, p0  }
0x20: {  	[sflag:s8] =	ssyncset.s32 @!p0 $0xFFFFF086;
	s6 =	sadd.s32 @!p0 s3, s7;
	s7 =	simm.s32 @!p0 $0x108  }
0x21: {  	s3 =	sadd.s32 s3, s9;
	s6 =	sadd.s32 @!p0 $0x88, s6;
	s7 =	simm.s32 @p2 $0x1082  }
0x22: {  	[simem:s7], [sflag:s8] =	dma.local @!p0 [hbm:s6], $0xF7A  }
0x23: {  	s9 =	sor.u32 $0xD0000000, s2;
	s6 =	simm.s32 $0x108;
	_ =	swait.ge @!p0 [sflag:s8], $0x0  }
0x24: {  	s3 =	sadd.s32 $0x88, s3;
	s6 =	simm.s32 @!p1 $0x1082;
	[sflag:s4] =	ssyncset.s32 $0xFFFFF086  }
0x25: {  	[simem:s6], [sflag:s4] =	dma.local [hbm:s3], $0xF7A  }
0x26: {  	[smem:$0x3F99] =	sst s1;
	(tag) =	ssettag s2;
	_ =	strace s9  }
0x27: {  	s1 =	sld [smem:$0x3FA9]  }
0x28: {  	s2 =	sld [smem:$0x3FAA]  }
0x29: {  	s4 =	sld [smem:$0x3FAC]  }
0x2a: {  	p0 =	seq.s32 s5, $0x0;
	s5 =	sld [smem:$0x3FAD]  }
0x2b: {  	s6 =	sld [smem:$0x3FAE]  }
0x2c: {  	s7 =	sld [smem:$0x3FAF]  }
0x2d: {  	s3 =	simm.s32 $0x108;
	s8 =	sld [smem:$0x3FB0]  }
0x2e: {  	s3 =	simm.s32 @!p0 $0x1082;
	s9 =	sld [smem:$0x3FB1]  }
0x2f: {  	lr =	sadd.s32 s0, s3;
	s0 =	sld [smem:$0x3FA8]  }
0x30: {  	s3 =	sld [smem:$0x3FAB]  }
0x31: {  	[smem:$0x3FB4] =	sst s10  }
0x32: {  	s10 =	sld [smem:$0x3FB2];
	_ =	sdelay $0x3  }
0x33: {  	p0 =	seq.s32 s10, $0x1;
	s10 =	sld [smem:$0x3FB4];
	_ =	sdelay $0x3  }
0x34: {  	[smem:$0x3FB4] =	sst s10  }
0x35: {  	s10 =	sld [smem:$0x3FB3];
	_ =	sdelay $0x3  }
0x36: {  	p1 =	seq.s32 s10, $0x1;
	s10 =	sld [smem:$0x3FB4];
	_ =	sdelay $0x3  }
0x37: {  	[smem:$0x3FB4] =	sst s10  }
0x38: {  	s10 =	sld [smem:$0x3FB5]  }
0x39: {  	_ = 	snop;
	(pc) =	sbr.ind lr, $3  }
0x3a: {  	_ = 	snop  }
0x3b: {  	_ = 	snop  }
0x3c: {  	p2 =	seq.s32 s10, $0x1;
	s10 =	sld [smem:$0x3FB4]  }
0x3d: {  	_ =	shalt  }
0x3e: {  	_ =	shalt  }
0x3f: {  	_ =	shalt  }
0x40: {  	_ =	shalt  }
0x41: {  	_ =	shalt  }
0x42: {  	_ =	shalt  }
0x43: {  	_ =	shalt  }
0x44: {  	_ =	shalt  }
0x45: {  	_ =	shalt  }
0x46: {  	_ =	shalt  }
0x47: {  	_ =	shalt  }
0x48: {  	_ =	shalt  }
0x49: {  	_ =	shalt  }
0x4a: {  	_ =	shalt  }
0x4b: {  	_ =	shalt  }
0x4c: {  	_ =	shalt  }
0x4d: {  	_ =	shalt  }
0x4e: {  	_ =	shalt  }
0x4f: {  	_ =	shalt  }
0x50: {  	_ =	shalt  }
0x51: {  	_ =	shalt  }
0x52: {  	_ =	shalt  }
0x53: {  	_ =	shalt  }
0x54: {  	_ =	shalt  }
0x55: {  	_ =	shalt  }
0x56: {  	_ =	shalt  }
0x57: {  	_ =	shalt  }
0x58: {  	_ =	shalt  }
0x59: {  	_ =	shalt  }
0x5a: {  	_ =	shalt  }
0x5b: {  	_ =	shalt  }
0x5c: {  	_ =	shalt  }
0x5d: {  	_ =	shalt  }
0x5e: {  	_ =	shalt  }
0x5f: {  	_ =	shalt  }
0x60: {  	_ =	shalt  }
0x61: {  	_ =	shalt  }
0x62: {  	_ =	shalt  }
0x63: {  	_ =	shalt  }
0x64: {  	_ =	shalt  }
0x65: {  	_ =	shalt  }
0x66: {  	_ =	shalt  }
0x67: {  	_ =	shalt  }
0x68: {  	_ =	shalt  }
0x69: {  	_ =	shalt  }
0x6a: {  	_ =	shalt  }
0x6b: {  	_ =	shalt  }
0x6c: {  	_ =	shalt  }
0x6d: {  	_ =	shalt  }
0x6e: {  	_ =	shalt  }
0x6f: {  	_ =	shalt  }
0x70: {  	_ =	shalt  }
0x71: {  	_ =	shalt  }
0x72: {  	_ =	shalt  }
0x73: {  	_ =	shalt  }
0x74: {  	_ =	shalt  }
0x75: {  	_ =	shalt  }
0x76: {  	_ =	shalt  }
0x77: {  	_ =	shalt  }
0x78: {  	_ =	shalt  }
0x79: {  	_ =	shalt  }
0x7a: {  	_ =	shalt  }
0x7b: {  	_ =	shalt  }
0x7c: {  	_ =	shalt  }
0x7d: {  	_ =	shalt  }
0x7e: {  	_ =	shalt  }
0x7f: {  	_ =	shalt  }
0x80: {  	_ =	shalt  }
0x81: {  	_ =	shalt  }
0x82: {  	_ =	shalt  }
0x83: {  	_ =	shalt  }
0x84: {  	_ =	shalt  }
0x85: {  	_ =	shalt  }
0x86: {  	_ =	shalt  }
0x87: {  	_ =	shalt  }
.Lfunc_end0:
.L_simem_size_0:
called_computation.4_lowered:
.L_overlay_start_0:
0x88: {  	s2 =	sld [smem:$0x3FD9]  }
0x89: {  	s3 =	sld [smem:$0x3FFE];
	_ =	sdelay $0x1  }
0x8a: {  	s1 =	srdreg.scid  }
0x8b: {  	s0 =	sand.u32 $0x1, s1  }
0x8c: {  	s14 =	sshll.u32 s0, $0xA;
	s2 =	sadd.s32 s3, s2  }
0x8d: {  	s2 =	sadd.s32 s2, s14  }
0x8e: {  	[smem:$0x3FC0] =	sst s2  }
0x8f: {  	_ = 	snop  }
0x90: {  	s2 =	sld [smem:$0x3FD0];
	_ =	sdelay $0x2  }
0x91: {  	s15 =	simm.s32 $0xA;
	s4 =	simm.s32 $0x10  }
0x92: {  	[smem:s4], [sflag:s15] =	dma.local [hbm:s2], $0x1  }
0x93: {  	_ =	swait.eq [sflag:s15], $0x1  }
0x94: {  	[sflag:s15] =	ssyncset.done $0x0  }
0x95: {  	[sflag:s15] =	ssyncadd.s32 $0xFFFFFFFF  }
0x96: {  	s16 =	sld [smem:$0x11];
	(tm) =	ssettm $0x1  }
0x97: {  	s17 =	sld [smem:$0x3FFB];
	_ =	sdelay $0x3  }
0x98: {  	_ =	strace s17  }
0x99: {  	s3 =	sld [smem:$0x3FFC];
	_ =	sdelay $0x3  }
0x9a: {  	_ =	strace s3  }
0x9b: {  	s3 =	sld [smem:$0x3FFD];
	_ =	sdelay $0x3  }
0x9c: {  	_ =	strace s3  }
0x9d: {  	_ =	strace $0x8FFFFFFF  }
0x9e: {  	s18 =	sld [smem:$0x3FDB];
	_ =	sdelay $0x1  }
0x9f: {  	s19 =	simm.s32 $_scs_section_size  }
0xa0: {  	s5 =	simm.s32 $_size__tile_overlayer_lowered;
	s6 =	simm.s32 $_tile_overlayer_lowered  }
0xa1: {  	s22 =	simm.s32 $0x1BFF;
	s21 =	sshll.u32 s6, $0x1;
	s3 =	sadd.s32 s19, s18  }
0xa2: {  	s7 =	simm.s32 $0x0;
	s20 =	sshll.u32 s5, $0x1;
	s5 =	sadd.s32 s21, s3  }
0xa3: {  	[timem:s7], [sflag:s22] =	dma.local [hbm:s5], s20  }
0xa4: {  	_ =	swait.ge [sflag:s22], s20  }
0xa5: {  	s4 =	ssub.s32 $0x0, s20;
	[sflag:s22] =	ssyncset.done $0x0  }
0xa6: {  	[sflag:s22] =	ssyncadd.s32 s4;
	_ =	sdelay $0x1  }
0xa7: {  	s23 =	simm.s32 $0x1B8B  }
0xa8: {  	_ =	swait.ge [sflag:s23], $0x1  }
0xa9: {  	[sflag:s23] =	ssyncset.done $0x0  }
0xaa: {  	s25 =	simm.s32 $0x1B8E;
	s24 =	sld [smem:$0x3FFE];
	[sflag:s23] =	ssyncadd.s32 $0xFFFFFFFF  }
0xab: {  	s26 =	simm.s32 $execute0_lowered;
	[smem:$0x3FD2] =	sst s25  }
0xac: {  	s5 =	sshll.u32 s26, $0x1;
	_ =	strace $0x80000052;
	[dreg:$0x1] =	wrdreg $0xFFFFFFFF  }
0xad: {  	s28 =	simm.s32 $_size_execute0_lowered;
	s3 =	sadd.s32 s3, s5;
	[dreg:$0x0] =	wrdreg $0x0  }
0xae: {  	s5 =	sshll.u32 s28, $0x1;
	[dreg:$0x2] =	wrdreg s3  }
0xaf: {  	[dreg:$0x3] =	wrdreg s5  }
0xb0: {  	[dreg:$0x4] =	wrdreg $0xC0  }
0xb1: {  	_ =	task [dreg:s7], $0x5FFFF  }
0xb2: {  	[dreg:$0x1] =	wrdreg $0xFFFFFFFF  }
0xb3: {  	[dreg:$0x0] =	wrdreg $0x60  }
0xb4: {  	[dreg:$0x2] =	wrdreg s24  }
0xb5: {  	[dreg:$0x3] =	wrdreg s16  }
0xb6: {  	[dreg:$0x4] =	wrdreg $0x21800  }
0xb7: {  	[dreg:$0x5] =	wrdreg $0x9  }
0xb8: {  	_ =	task.clear_ibuf [dreg:s7], $0x6FFFF;
	_ =	strace $0x90000052  }
0xb9: {  	s29 =	simm.s32 $0x9;
	_ =	strace $0x80000054  }
0xba: {  	_ =	swait.ge [sflag:s29], $0x1  }
0xbb: {  	[sflag:s29] =	ssyncadd.s32 $0xFFFFFFFF  }
0xbc: {  	_ =	strace $0x90000054  }
0xbd: {  	_ =	sfence  }
0xbe: {  	s30 =	sld [smem:$0x0];
	_ =	sdelay $0x2  }
0xbf: {  	s31 =	sshll.u32 s1, $0xD;
	s1 =	sshrl.u32 s1, $0x2  }
0xc0: {  	s3 =	sand.u32 $0x4000, s31;
	s1 =	sadd.s32 s1, s30  }
0xc1: {  	s0 =	sor.u32 s3, s0;
	s1 =	sshll.u32 s1, $0x11  }
0xc2: {  	s0 =	sor.u32 s1, s0  }
0xc3: {  	s0 =	sadd.s32 $0x8F2B, s0  }
0xc4: {  	[sflag:s0] =	ssyncadd.remote.s32 $0x1  }
0xc5: {  	_ =	sfence.sel $0xFFFF  }
0xc6: {  	[dreg:$0x0] =	wrdreg $0xFFFFFFFF;
	(pc) =	sbr.abs _section_cstart, $3  }
0xc7: {  	[dreg:$0x1] =	wrdreg $0xFFFFFFFF  }
0xc8: {  	_ =	task.clear_ibuf [dreg:s7], $0x2FFFF;
	_ =	strace $0x9FFFFFFF  }
0xc9: {  	(tm) =	ssettm $0x7FFFFFFF  }
tec
execute0_lowered:
.L_overlay_start_1:
0x0: {  	(tag) =	ssettag $0x1  }
0x1: {  	s5 =	rddreg [dreg:$0x0]  }
0x2: {  	s10 =	rddreg [dreg:$0x1]  }
0x3: {  	s2 =	rddreg [dreg:$0x2]  }
0x4: {  	s0 =	rddreg [dreg:$0x3];
	s3 =	simm.s32 $0x0  }
0x5: {  	s1 =	stileid.u32;
	s4 =	srdreg.scid;
	s14 =	simm.s32 $0x2  }
0x6: {  	s15 =	simm.s32 $0x80;
	s16 =	simm.s32 $0x1;
	s6 =	smul.u32 $0x9D0, s1  }
0x7: {  	s17 =	simm.s32 $0x100;
	s20 =	simm.s32 $0x0;
	s9 =	smul.u32 $0x28000, s1  }
0x8: {  	[smem:$0x7FF] =	sst s3;
	s7 =	sand.u32 $0x1, s4;
	s11 =	smul.u32 $0xA000, s1  }
0x9: {  	s4 =	sadd.s32 $0xEC00, s5;
	s19 =	sshll.u32 s1, $0x6;
	s31 =	smul.u32 $0xA0000, s7  }
0xa: {  	_ =	strace $0x80000053;
	s8 =	ssub.s32 $0x2, s7;
	s18 =	smul.u32 $0x2710, s7  }
0xb: {  	s12 =	sadd.s32 s6, s5;
	s29 =	sshrl.u32 s8, $0x1;
	s30 =	sshrl.u32 s9, $0x2  }
0xc: {  	s5 =	sadd.s32 s11, s2;
	s13 =	ssub.s32 s8, s29;
	s9 =	sadd.s32 s30, s2  }
0xd: {  	s11 =	sadd.s32 s11, s31;
	s12 =	sadd.s32 $0x4E00, s12;
	v0 =	vmov s18;
	s18 =	sor.u32 $0x1C02, s19  }
0xe: {  	s19 =	sshrl.u32 s5, $0x3;
	s6 =	sadd.s32 $0x2000, s9;
	s7 =	sadd.s32 $0x4000, s9  }
0xf: {  	s8 =	sadd.s32 $0x6000, s9;
	s9 =	sadd.s32 $0x8000, s9;
	s11 =	sshrl.u32 s11, $0x3  }
0x10: {  	v1 =	vimm.f32 $0.0e+00;
	s10 =	sadd.s32 s10, s11;
	s11 =	smax.u32 s13, $0x1;
	s13 =	simm.s32 $0x180  }
.LBB2_1:
0x11: {  	s22 =	simm.s32 $0x100;
	s21 =	simm.s32 $0x0  }
.LBB2_2:
0x12: {  	p0 =	sne.s32 s22, $0x7F00;
	[tilespmem:s21+$0x1B0] =	vst v1;
	s23 =	smov.u32 s22;
	s22 =	sadd.s32 $0x100, s22  }
.Ltmp0:
0x13: {  	[tilespmem:s21+$0x1A0] =	vst v1;
	(pc) =	sbr.rel @p0 .LBB2_2-.Ltmp0, $3  }
0x14: {  	[tilespmem:s21+$0x180] =	vst v1  }
0x15: {  	[tilespmem:s21+$0x190] =	vst v1;
	_ =	sdelay $0x1  }
0x16: {  	s21 =	sshra.s32 s23, $0x2  }
0x17: {  	[tilespmem:s21+$0x1B0] =	vst v1  }
0x18: {  	[tilespmem:s21+$0x1A0] =	vst v1  }
0x19: {  	[tilespmem:s21+$0x180] =	vst v1  }
0x1a: {  	[tilespmem:s21+$0x190] =	vst v1  }
0x1b: {  	[spmem:s5] =	stream.linear.scatter [tilespmem:s13], [sflag:$0x2], $0x2000, $0x38;
	[tilespmem:$0xC180] =	vst v63  }
0x1c: {  	_ =	swait.ge [sflag:s14], $0x2000  }
0x1d: {  	[sflag:s14] =	ssyncset.done $0x0  }
0x1e: {  	[sflag:s14] =	ssyncadd.s32 $0xFFFFE000  }
0x1f: {  	[spmem:s6] =	stream.linear.scatter [tilespmem:s13], [sflag:$0x2], $0x2000, $0x38;
	[tilespmem:$0xC180] =	vst v63  }
0x20: {  	_ =	swait.ge [sflag:s14], $0x2000  }
0x21: {  	[sflag:s14] =	ssyncset.done $0x0  }
0x22: {  	[sflag:s14] =	ssyncadd.s32 $0xFFFFE000  }
0x23: {  	[spmem:s7] =	stream.linear.scatter [tilespmem:s13], [sflag:$0x2], $0x2000, $0x38;
	[tilespmem:$0xC180] =	vst v63  }
0x24: {  	_ =	swait.ge [sflag:s14], $0x2000  }
0x25: {  	[sflag:s14] =	ssyncset.done $0x0  }
0x26: {  	[sflag:s14] =	ssyncadd.s32 $0xFFFFE000  }
0x27: {  	[spmem:s8] =	stream.linear.scatter [tilespmem:s13], [sflag:$0x2], $0x2000, $0x38;
	[tilespmem:$0xC180] =	vst v63  }
0x28: {  	_ =	swait.ge [sflag:s14], $0x2000  }
0x29: {  	[sflag:s14] =	ssyncset.done $0x0  }
0x2a: {  	[sflag:s14] =	ssyncadd.s32 $0xFFFFE000  }
0x2b: {  	[spmem:s9] =	stream.linear.scatter [tilespmem:s13], [sflag:$0x2], $0x2000, $0x38;
	[tilespmem:$0xC180] =	vst v63  }
0x2c: {  	_ =	swait.ge [sflag:s14], $0x2000  }
0x2d: {  	[sflag:s14] =	ssyncset.done $0x0  }
0x2e: {  	[sflag:s14] =	ssyncadd.s32 $0xFFFFE000  }
0x2f: {  	s31 =	sadd.s32 $0x0, s12;
	[bflag:$0x0] =	sbarrier.arrive $0xFFFF  }
0x30: {  	[tilespmem:s3], [sflag:$0x2] =	stream.linear.gather [hbm4b:s31+s3], $0x80, $0x38;
	[tilespmem:$0xC180] =	vst v63  }
0x31: {  	_ =	swait.ge [sflag:s14], $0x80  }
0x32: {  	[sflag:s14] =	ssyncset.done $0x0  }
0x33: {  	[sflag:s14] =	ssyncadd.s32 $0xFFFFFF80  }
0x34: {  	v2 =	vld [tilespmem:$0x70]  }
0x35: {  	v4 =	vld [tilespmem:$0x40];
	_ =	sdelay $0x1  }
0x36: {  	v3 =	vld [tilespmem:$0x60]  }
0x37: {  	v5 =	vld [tilespmem:$0x0]  }
0x38: {  	v6 =	vld [tilespmem:$0x10];
	v7 =	vand.u32 $0x7FFF, v2;
	v2 =	vshra.s32 v2, $0xF  }
0x39: {  	v8 =	vld [tilespmem:$0x20];
	v10 =	vshra.s32 v4, $0xF;
	[tilespmem:$0x170] =	vst v2  }
0x3a: {  	v9 =	vld [tilespmem:$0x30];
	v7 =	vadd.s32 v0, v7;
	[tilespmem:$0x140] =	vst v10  }
0x3b: {  	v2 =	vshra.s32 v3, $0xF;
	v3 =	vand.u32 $0x7FFF, v3;
	[tilespmem:$0xF0] =	vst v7;
	v7 =	vld [tilespmem:$0x50]  }
0x3c: {  	[tilespmem:$0x160] =	vst v2;
	v2 =	vand.u32 $0x7FFF, v4;
	v4 =	vadd.s32 v0, v3;
	v3 =	vshra.s32 v5, $0xF  }
0x3d: {  	v10 =	vand.u32 $0x7FFF, v5;
	v5 =	vand.u32 $0x7FFF, v6;
	[tilespmem:$0x100] =	vst v3;
	v11 =	vadd.s32 v0, v2  }
0x3e: {  	v2 =	vadd.s32 v0, v5;
	v5 =	vshra.s32 v6, $0xF;
	v3 =	vadd.s32 v0, v10;
	[tilespmem:$0xE0] =	vst v4  }
0x3f: {  	v6 =	vand.u32 $0x7FFF, v8;
	v10 =	vand.u32 $0x7FFF, v9;
	v9 =	vshra.s32 v9, $0xF;
	[tilespmem:$0xC0] =	vst v11  }
0x40: {  	v4 =	vadd.s32 v0, v6;
	[tilespmem:$0x130] =	vst v9;
	v9 =	vand.u32 $0x7FFF, v7;
	v11 =	vshra.s32 v7, $0xF  }
0x41: {  	s21 =	simm.s32 $0x10;
	v6 =	vadd.s32 v0, v10;
	v7 =	vshra.s32 v8, $0xF;
	v8 =	vadd.s32 v0, v9;
	[tilespmem:$0x150] =	vst v11  }
.LBB2_4:
0x42: {  	p0 =	sne.s32 s21, $0x9C0;
	[tilespmem:$0x110] =	vst v5;
	s22 =	smov.u32 s21;
	s21 =	sadd.s32 $0x10, s21  }
0x43: {  	[tilespmem:$0xD0] =	vst v8  }
0x44: {  	[tilespmem:$0x120] =	vst v7  }
0x45: {  	[tilespmem:$0x80] =	vst v3  }
0x46: {  	[tilespmem:$0x90] =	vst v2  }
0x47: {  	[tilespmem:$0xB0] =	vst v6  }
0x48: {  	[tilespmem:$0xA0] =	vst v4  }
0x49: {  	[tilespmem:s13], [sflag:$0x1] =	stream.indirect.gather [hbm4b:s4+s15], $0x40, s15, s15, $0xb8;
	[tilespmem:$0xC180] =	vst v63  }
0x4a: {  	_ =	swait.ge [sflag:s16], $0x2000  }
0x4b: {  	[sflag:s16] =	ssyncset.done $0x0  }
0x4c: {  	[sflag:s16] =	ssyncadd.s32 $0xFFFFE000  }
0x4d: {  	[spmem:s2] =	stream.indirect.scatter.add.f32 [tilespmem:s13], [sflag:$0x2], $0x40, s17, s15, $0xb8;
	[tilespmem:$0xC180] =	vst v63  }
0x4e: {  	_ =	swait.ge [sflag:s14], $0x2000  }
0x4f: {  	[sflag:s14] =	ssyncset.done $0x0  }
0x50: {  	s22 =	sadd.s32 s22, s12;
	[sflag:s14] =	ssyncadd.s32 $0xFFFFE000  }
0x51: {  	[tilespmem:s3], [sflag:$0x2] =	stream.linear.gather [hbm4b:s22+s3], $0x80, $0x38;
	[tilespmem:$0xC180] =	vst v63  }
0x52: {  	_ =	swait.ge [sflag:s14], $0x80  }
0x53: {  	[sflag:s14] =	ssyncset.done $0x0  }
0x54: {  	[sflag:s14] =	ssyncadd.s32 $0xFFFFFF80  }
0x55: {  	v2 =	vld [tilespmem:$0x70]  }
0x56: {  	v3 =	vld [tilespmem:$0x60]  }
0x57: {  	v4 =	vld [tilespmem:$0x10]  }
0x58: {  	v5 =	vld [tilespmem:$0x40]  }
0x59: {  	v6 =	vld [tilespmem:$0x0]  }
0x5a: {  	v7 =	vld [tilespmem:$0x20];
	v8 =	vand.u32 $0x7FFF, v2;
	v2 =	vshra.s32 v2, $0xF  }
0x5b: {  	v9 =	vld [tilespmem:$0x30];
	v10 =	vshra.s32 v3, $0xF;
	v8 =	vadd.s32 v0, v8;
	[tilespmem:$0x170] =	vst v2  }
0x5c: {  	v2 =	vand.u32 $0x7FFF, v3;
	v11 =	vld [tilespmem:$0x50];
	[tilespmem:$0xF0] =	vst v8  }
0x5d: {  	v8 =	vadd.s32 v0, v2;
	v3 =	vand.u32 $0x7FFF, v5;
	v5 =	vshra.s32 v5, $0xF;
	[tilespmem:$0x160] =	vst v10  }
0x5e: {  	v10 =	vand.u32 $0x7FFF, v6;
	v2 =	vshra.s32 v6, $0xF;
	v6 =	vand.u32 $0x7FFF, v4;
	[tilespmem:$0x140] =	vst v5  }
.Ltmp1:
0x5f: {  	v5 =	vshra.s32 v4, $0xF;
	v4 =	vadd.s32 v0, v3;
	[tilespmem:$0x100] =	vst v2;
	v2 =	vadd.s32 v0, v6;
	(pc) =	sbr.rel @p0 .LBB2_4-.Ltmp1, $4  }
0x60: {  	v3 =	vadd.s32 v0, v10;
	v6 =	vand.u32 $0x7FFF, v7;
	v10 =	vand.u32 $0x7FFF, v9;
	[tilespmem:$0xC0] =	vst v4  }
0x61: {  	v4 =	vadd.s32 v0, v6;
	v9 =	vshra.s32 v9, $0xF;
	v6 =	vadd.s32 v0, v10;
	[tilespmem:$0xE0] =	vst v8  }
0x62: {  	v7 =	vshra.s32 v7, $0xF;
	v8 =	vand.u32 $0x7FFF, v11;
	[tilespmem:$0x130] =	vst v9;
	v9 =	vshra.s32 v11, $0xF  }
0x63: {  	v8 =	vadd.s32 v0, v8;
	[tilespmem:$0x150] =	vst v9  }
0x64: {  	[tilespmem:$0x110] =	vst v5  }
0x65: {  	[tilespmem:$0xD0] =	vst v8  }
0x66: {  	[tilespmem:$0x120] =	vst v7  }
0x67: {  	[tilespmem:$0x80] =	vst v3  }
0x68: {  	[tilespmem:$0x90] =	vst v2  }
0x69: {  	[tilespmem:$0xB0] =	vst v6  }
0x6a: {  	[tilespmem:$0xA0] =	vst v4  }
0x6b: {  	[tilespmem:s13], [sflag:$0x1] =	stream.indirect.gather [hbm4b:s4+s15], $0x40, s15, s15, $0xb8;
	[tilespmem:$0xC180] =	vst v63  }
0x6c: {  	_ =	swait.ge [sflag:s16], $0x2000  }
0x6d: {  	[sflag:s16] =	ssyncset.done $0x0  }
0x6e: {  	[sflag:s16] =	ssyncadd.s32 $0xFFFFE000  }
0x6f: {  	[spmem:s2] =	stream.indirect.scatter.add.f32 [tilespmem:s13], [sflag:$0x2], $0x40, s17, s15, $0xb8;
	[tilespmem:$0xC180] =	vst v63  }
0x70: {  	_ =	swait.ge [sflag:s14], $0x2000  }
0x71: {  	s20 =	sadd.s32 $0x1, s20;
	[sflag:s14] =	ssyncset.done $0x0  }
0x72: {  	p0 =	sne.s32 s20, s11;
	[sflag:s14] =	ssyncadd.s32 $0xFFFFE000  }
.Ltmp2:
0x73: {  	[bflag:$0x0] =	sbarrier.arrive $0xFFFF;
	(pc) =	sbr.rel @p0 .LBB2_1-.Ltmp2, $4  }
0x74: {  	[hbm:s10], [sflag:s18] =	dma.local [spmem:s19], $0x1400  }
0x75: {  	_ =	swait.ge [sflag:s14], $0x1400  }
0x76: {  	[sflag:s14] =	ssyncset.done $0x0  }
0x77: {  	[sflag:s14] =	ssyncadd.s32 $0xFFFFEC00  }
0x78: {  	_ =	sfence.sel $0x180000  }
0x79: {  	[bflag:$0x0] =	sbarrier.arrive $0xFFFF  }
0x7a: {  	p0 =	sne.s32 s1, $0x0;
	_ =	strace $0x90000053  }
0x7b: {  	s0 =	sadd.s32 @!p0 $0x100000, s0;
	[bflag:$0x2] =	sbarrier.arrive $0xFFFF  }
0x7c: {  	[sflag:s0] =	ssyncadd.tile.s32 @!p0 $0x1;
	_ =	shalt  }
.Lfunc_end2:
_tile_overlayer_lowered:
.L_overlay_start_2:
0x7d: {  	(tag) =	ssettag $0x2  }
0x7e: {  	s0 =	rddreg [dreg:$0x0];
	s2 =	stileid.u32  }
0x7f: {  	s1 =	rddreg [dreg:$0x1];
	p0 =	sne.s32 s2, $0x0  }
0x80: {  	s3 =	rddreg [dreg:$0x2];
	[bflag:$0x3] =	sbarrier.arrive $0xFFFF;
	s2 =	simm.s32 @!p0 $0x1C02  }
0x81: {  	[timem:s3], [sflag:s2] =	dma.local @!p0 [hbm:s0], s1  }
0x82: {  	s0 =	simm.s32 @!p0 $0x2  }
0x83: {  	_ =	swait.ge @!p0 [sflag:s0], s1  }
0x84: {  	s1 =	ssub.s32 @!p0 $0x0, s1;
	[sflag:s0] =	ssyncset.done @!p0 $0x0  }
0x85: {  	[sflag:s0] =	ssyncadd.s32 @!p0 s1  }
0x86: {  	[bflag:$0x3] =	sbarrier.arrive $0xFFFF  }
0x87: {  	_ =	shalt  }

// kernel: kernel.33.cloned.1.call-start
scs
__scs_entry_jumppad:
0x0: {  	(pc) =	sbr.rel $0x88, $3  }
0x1: {  	(tag) =	ssettag $0x0;
	lr =	simm.s32 $0x1  }
0x2: {  	[smem:$0x3F99] =	sst lr;
	_ =	strace $0xD0000000  }
0x3: {  	_ = 	snop  }
0x4: {  	_ = 	snop  }
0x5: {  	_ = 	snop  }
0x6: {  	_ = 	snop  }
0x7: {  	_ = 	snop  }
__scs_overlays_trampoline_lowered:
0x8: {  	[smem:$0x3FA8] =	sst s0  }
0x9: {  	[smem:$0x3FA9] =	sst s1  }
0xa: {  	[smem:$0x3FAA] =	sst s2  }
0xb: {  	[smem:$0x3FAB] =	sst s3  }
0xc: {  	[smem:$0x3FAC] =	sst s4  }
0xd: {  	[smem:$0x3FAD] =	sst s5  }
0xe: {  	[smem:$0x3FAE] =	sst s6  }
0xf: {  	[smem:$0x3FAF] =	sst s7  }
0x10: {  	[smem:$0x3FB0] =	sst s8  }
0x11: {  	[smem:$0x3FB1] =	sst s9;
	s0 =	simm.s32 @!p0 $0x0  }
0x12: {  	s1 =	sld [smem:$0x3F97];
	s0 =	simm.s32 @p0 $0x1  }
0x13: {  	[smem:$0x3FB2] =	sst s0;
	s0 =	simm.s32 @!p1 $0x0  }
0x14: {  	s2 =	sld [smem:$0x3F96];
	s0 =	simm.s32 @p1 $0x1  }
0x15: {  	[smem:$0x3FB3] =	sst s0;
	s0 =	simm.s32 @!p2 $0x0  }
0x16: {  	s3 =	sld [smem:$0x3FDB];
	s0 =	simm.s32 @p2 $0x1  }
0x17: {  	s4 =	simm.s32 $0x1BF5;
	[smem:$0x3FB5] =	sst s0  }
0x18: {  	s0 =	sld [smem:$0x3F98];
	_ =	swait.ge [sflag:s4], $0x0  }
0x19: {  	s7 =	sld [smem:$0x3F99]  }
0x1a: {  	s8 =	sadd.s32 $0xFFFFE003, lr  }
0x1b: {  	s9 =	sadd.s32 $0xFFFFFEF7, lr;
	s5 =	simm.s32 $0xFFFFFFFF;
	p2 =	slt.u32 s8, $0xFFFFF086  }
0x1c: {  	p1 =	slt.u32 s9, $0xF7A;
	s5 =	simm.s32 @!p2 $0x0  }
0x1d: {  	s5 =	simm.s32 @p1 $0x1;
	p0 =	seq.s32 s7, s2  }
0x1e: {  	s7 =	smul.u32 @!p0 $0xF7A, s2;
	p2 =	seq.s32 @!p0 s5, $0x0  }
0x1f: {  	s9 =	smul.u32 $0xF7A, s1;
	s8 =	simm.s32 @!p0 $0x1BF5;
	p2 =	por !p2, p0  }
0x20: {  	[sflag:s8] =	ssyncset.s32 @!p0 $0xFFFFF086;
	s6 =	sadd.s32 @!p0 s3, s7;
	s7 =	simm.s32 @!p0 $0x108  }
0x21: {  	s3 =	sadd.s32 s3, s9;
	s6 =	sadd.s32 @!p0 $0x88, s6;
	s7 =	simm.s32 @p2 $0x1082  }
0x22: {  	[simem:s7], [sflag:s8] =	dma.local @!p0 [hbm:s6], $0xF7A  }
0x23: {  	s9 =	sor.u32 $0xD0000000, s2;
	s6 =	simm.s32 $0x108;
	_ =	swait.ge @!p0 [sflag:s8], $0x0  }
0x24: {  	s3 =	sadd.s32 $0x88, s3;
	s6 =	simm.s32 @!p1 $0x1082;
	[sflag:s4] =	ssyncset.s32 $0xFFFFF086  }
0x25: {  	[simem:s6], [sflag:s4] =	dma.local [hbm:s3], $0xF7A  }
0x26: {  	[smem:$0x3F99] =	sst s1;
	(tag) =	ssettag s2;
	_ =	strace s9  }
0x27: {  	s1 =	sld [smem:$0x3FA9]  }
0x28: {  	s2 =	sld [smem:$0x3FAA]  }
0x29: {  	s4 =	sld [smem:$0x3FAC]  }
0x2a: {  	p0 =	seq.s32 s5, $0x0;
	s5 =	sld [smem:$0x3FAD]  }
0x2b: {  	s6 =	sld [smem:$0x3FAE]  }
0x2c: {  	s7 =	sld [smem:$0x3FAF]  }
0x2d: {  	s3 =	simm.s32 $0x108;
	s8 =	sld [smem:$0x3FB0]  }
0x2e: {  	s3 =	simm.s32 @!p0 $0x1082;
	s9 =	sld [smem:$0x3FB1]  }
0x2f: {  	lr =	sadd.s32 s0, s3;
	s0 =	sld [smem:$0x3FA8]  }
0x30: {  	s3 =	sld [smem:$0x3FAB]  }
0x31: {  	[smem:$0x3FB4] =	sst s10  }
0x32: {  	s10 =	sld [smem:$0x3FB2];
	_ =	sdelay $0x3  }
0x33: {  	p0 =	seq.s32 s10, $0x1;
	s10 =	sld [smem:$0x3FB4];
	_ =	sdelay $0x3  }
0x34: {  	[smem:$0x3FB4] =	sst s10  }
0x35: {  	s10 =	sld [smem:$0x3FB3];
	_ =	sdelay $0x3  }
0x36: {  	p1 =	seq.s32 s10, $0x1;
	s10 =	sld [smem:$0x3FB4];
	_ =	sdelay $0x3  }
0x37: {  	[smem:$0x3FB4] =	sst s10  }
0x38: {  	s10 =	sld [smem:$0x3FB5]  }
0x39: {  	_ = 	snop;
	(pc) =	sbr.ind lr, $3  }
0x3a: {  	_ = 	snop  }
0x3b: {  	_ = 	snop  }
0x3c: {  	p2 =	seq.s32 s10, $0x1;
	s10 =	sld [smem:$0x3FB4]  }
0x3d: {  	_ =	shalt  }
0x3e: {  	_ =	shalt  }
0x3f: {  	_ =	shalt  }
0x40: {  	_ =	shalt  }
0x41: {  	_ =	shalt  }
0x42: {  	_ =	shalt  }
0x43: {  	_ =	shalt  }
0x44: {  	_ =	shalt  }
0x45: {  	_ =	shalt  }
0x46: {  	_ =	shalt  }
0x47: {  	_ =	shalt  }
0x48: {  	_ =	shalt  }
0x49: {  	_ =	shalt  }
0x4a: {  	_ =	shalt  }
0x4b: {  	_ =	shalt  }
0x4c: {  	_ =	shalt  }
0x4d: {  	_ =	shalt  }
0x4e: {  	_ =	shalt  }
0x4f: {  	_ =	shalt  }
0x50: {  	_ =	shalt  }
0x51: {  	_ =	shalt  }
0x52: {  	_ =	shalt  }
0x53: {  	_ =	shalt  }
0x54: {  	_ =	shalt  }
0x55: {  	_ =	shalt  }
0x56: {  	_ =	shalt  }
0x57: {  	_ =	shalt  }
0x58: {  	_ =	shalt  }
0x59: {  	_ =	shalt  }
0x5a: {  	_ =	shalt  }
0x5b: {  	_ =	shalt  }
0x5c: {  	_ =	shalt  }
0x5d: {  	_ =	shalt  }
0x5e: {  	_ =	shalt  }
0x5f: {  	_ =	shalt  }
0x60: {  	_ =	shalt  }
0x61: {  	_ =	shalt  }
0x62: {  	_ =	shalt  }
0x63: {  	_ =	shalt  }
0x64: {  	_ =	shalt  }
0x65: {  	_ =	shalt  }
0x66: {  	_ =	shalt  }
0x67: {  	_ =	shalt  }
0x68: {  	_ =	shalt  }
0x69: {  	_ =	shalt  }
0x6a: {  	_ =	shalt  }
0x6b: {  	_ =	shalt  }
0x6c: {  	_ =	shalt  }
0x6d: {  	_ =	shalt  }
0x6e: {  	_ =	shalt  }
0x6f: {  	_ =	shalt  }
0x70: {  	_ =	shalt  }
0x71: {  	_ =	shalt  }
0x72: {  	_ =	shalt  }
0x73: {  	_ =	shalt  }
0x74: {  	_ =	shalt  }
0x75: {  	_ =	shalt  }
0x76: {  	_ =	shalt  }
0x77: {  	_ =	shalt  }
0x78: {  	_ =	shalt  }
0x79: {  	_ =	shalt  }
0x7a: {  	_ =	shalt  }
0x7b: {  	_ =	shalt  }
0x7c: {  	_ =	shalt  }
0x7d: {  	_ =	shalt  }
0x7e: {  	_ =	shalt  }
0x7f: {  	_ =	shalt  }
0x80: {  	_ =	shalt  }
0x81: {  	_ =	shalt  }
0x82: {  	_ =	shalt  }
0x83: {  	_ =	shalt  }
0x84: {  	_ =	shalt  }
0x85: {  	_ =	shalt  }
0x86: {  	_ =	shalt  }
0x87: {  	_ =	shalt  }
.Lfunc_end0:
.L_simem_size_0:
called_computation.5_lowered:
.L_overlay_start_0:
0x88: {  	s2 =	sld [smem:$0x3FD9]  }
0x89: {  	s3 =	sld [smem:$0x3FFE];
	_ =	sdelay $0x1  }
0x8a: {  	s1 =	srdreg.scid  }
0x8b: {  	s0 =	sand.u32 $0x1, s1  }
0x8c: {  	s14 =	sshll.u32 s0, $0xA;
	s2 =	sadd.s32 s3, s2  }
0x8d: {  	s2 =	sadd.s32 s2, s14  }
0x8e: {  	[smem:$0x3FC0] =	sst s2  }
0x8f: {  	_ = 	snop  }
0x90: {  	s2 =	sld [smem:$0x3FD0];
	_ =	sdelay $0x2  }
0x91: {  	s15 =	simm.s32 $0xA;
	s4 =	simm.s32 $0x10  }
0x92: {  	[smem:s4], [sflag:s15] =	dma.local [hbm:s2], $0x1  }
0x93: {  	_ =	swait.eq [sflag:s15], $0x1  }
0x94: {  	[sflag:s15] =	ssyncset.done $0x0  }
0x95: {  	[sflag:s15] =	ssyncadd.s32 $0xFFFFFFFF  }
0x96: {  	s16 =	sld [smem:$0x12];
	(tm) =	ssettm $0x1  }
0x97: {  	s17 =	sld [smem:$0x3FFB];
	_ =	sdelay $0x3  }
0x98: {  	_ =	strace s17  }
0x99: {  	s3 =	sld [smem:$0x3FFC];
	_ =	sdelay $0x3  }
0x9a: {  	_ =	strace s3  }
0x9b: {  	s3 =	sld [smem:$0x3FFD];
	_ =	sdelay $0x3  }
0x9c: {  	_ =	strace s3  }
0x9d: {  	_ =	strace $0x8FFFFFFF  }
0x9e: {  	s18 =	sld [smem:$0x3FDB];
	_ =	sdelay $0x1  }
0x9f: {  	s19 =	simm.s32 $_scs_section_size  }
0xa0: {  	s5 =	simm.s32 $_size__tile_overlayer_lowered;
	s6 =	simm.s32 $_tile_overlayer_lowered  }
0xa1: {  	s22 =	simm.s32 $0x1BFF;
	s21 =	sshll.u32 s6, $0x1;
	s3 =	sadd.s32 s19, s18  }
0xa2: {  	s7 =	simm.s32 $0x0;
	s20 =	sshll.u32 s5, $0x1;
	s5 =	sadd.s32 s21, s3  }
0xa3: {  	[timem:s7], [sflag:s22] =	dma.local [hbm:s5], s20  }
0xa4: {  	_ =	swait.ge [sflag:s22], s20  }
0xa5: {  	s4 =	ssub.s32 $0x0, s20;
	[sflag:s22] =	ssyncset.done $0x0  }
0xa6: {  	[sflag:s22] =	ssyncadd.s32 s4;
	_ =	sdelay $0x1  }
0xa7: {  	s23 =	simm.s32 $0x1B8B  }
0xa8: {  	_ =	swait.ge [sflag:s23], $0x1  }
0xa9: {  	[sflag:s23] =	ssyncset.done $0x0  }
0xaa: {  	s25 =	simm.s32 $0x1B8E;
	s24 =	sld [smem:$0x3FFE];
	[sflag:s23] =	ssyncadd.s32 $0xFFFFFFFF  }
0xab: {  	s26 =	simm.s32 $execute0_lowered;
	[smem:$0x3FD2] =	sst s25  }
0xac: {  	s5 =	sshll.u32 s26, $0x1;
	_ =	strace $0x80000055;
	[dreg:$0x1] =	wrdreg $0xFFFFFFFF  }
0xad: {  	s28 =	simm.s32 $_size_execute0_lowered;
	s3 =	sadd.s32 s3, s5;
	[dreg:$0x0] =	wrdreg $0x0  }
0xae: {  	s5 =	sshll.u32 s28, $0x1;
	[dreg:$0x2] =	wrdreg s3  }
0xaf: {  	[dreg:$0x3] =	wrdreg s5  }
0xb0: {  	[dreg:$0x4] =	wrdreg $0xC0  }
0xb1: {  	_ =	task [dreg:s7], $0x5FFFF  }
0xb2: {  	[dreg:$0x1] =	wrdreg $0xFFFFFFFF  }
0xb3: {  	[dreg:$0x0] =	wrdreg $0x60  }
0xb4: {  	[dreg:$0x2] =	wrdreg s16  }
0xb5: {  	[dreg:$0x3] =	wrdreg s24  }
0xb6: {  	[dreg:$0x4] =	wrdreg $0x41800  }
0xb7: {  	[dreg:$0x5] =	wrdreg $0x9  }
0xb8: {  	_ =	task.clear_ibuf [dreg:s7], $0x6FFFF;
	_ =	strace $0x90000055  }
0xb9: {  	s29 =	simm.s32 $0x9;
	_ =	strace $0x80000057  }
0xba: {  	_ =	swait.ge [sflag:s29], $0x1  }
0xbb: {  	[sflag:s29] =	ssyncadd.s32 $0xFFFFFFFF  }
0xbc: {  	_ =	strace $0x90000057  }
0xbd: {  	_ =	sfence  }
0xbe: {  	s30 =	sld [smem:$0x0];
	_ =	sdelay $0x2  }
0xbf: {  	s31 =	sshll.u32 s1, $0xD;
	s1 =	sshrl.u32 s1, $0x2  }
0xc0: {  	s3 =	sand.u32 $0x4000, s31;
	s1 =	sadd.s32 s1, s30  }
0xc1: {  	s0 =	sor.u32 s3, s0;
	s1 =	sshll.u32 s1, $0x11  }
0xc2: {  	s0 =	sor.u32 s1, s0  }
0xc3: {  	s0 =	sadd.s32 $0x8F2B, s0  }
0xc4: {  	[sflag:s0] =	ssyncadd.remote.s32 $0x1  }
0xc5: {  	_ =	sfence.sel $0xFFFF  }
0xc6: {  	[dreg:$0x0] =	wrdreg $0xFFFFFFFF;
	(pc) =	sbr.abs _section_cstart, $3  }
0xc7: {  	[dreg:$0x1] =	wrdreg $0xFFFFFFFF  }
0xc8: {  	_ =	task.clear_ibuf [dreg:s7], $0x2FFFF;
	_ =	strace $0x9FFFFFFF  }
0xc9: {  	(tm) =	ssettm $0x7FFFFFFF  }
tec
execute0_lowered:
.L_overlay_start_1:
0x0: {  	(tag) =	ssettag $0x1  }
0x1: {  	s2 =	rddreg [dreg:$0x0]  }
0x2: {  	s5 =	rddreg [dreg:$0x1]  }
0x3: {  	s3 =	rddreg [dreg:$0x2]  }
0x4: {  	s0 =	rddreg [dreg:$0x3];
	s1 =	stileid.u32  }
0x5: {  	s7 =	srdreg.scid;
	s4 =	simm.s32 $0x0;
	s14 =	simm.s32 $0x2  }
0x6: {  	s15 =	simm.s32 $0x80;
	s16 =	simm.s32 $0x1;
	s6 =	smul.u32 $0x9D0, s1  }
0x7: {  	s17 =	simm.s32 $0x100;
	s20 =	simm.s32 $0x0;
	s8 =	smul.u32 $0x14000, s1  }
0x8: {  	s7 =	sand.u32 $0x1, s7;
	[smem:$0x7FF] =	sst s4;
	s10 =	smul.u32 $0x50000, s1  }
0x9: {  	s19 =	sshll.u32 s1, $0x6;
	s9 =	smul.u32 $0x140000, s7;
	_ =	strace $0x80000056  }
0xa: {  	s30 =	ssub.s32 $0x2, s7;
	s18 =	smul.u32 $0x2710, s7;
	s12 =	sadd.s32 s6, s5  }
0xb: {  	s11 =	sshrl.u32 s30, $0x1;
	s10 =	sshrl.u32 s10, $0x2;
	s29 =	sadd.s32 s8, s9  }
0xc: {  	s11 =	ssub.s32 s30, s11;
	s31 =	sadd.s32 s10, s3;
	s12 =	sadd.s32 $0x4E00, s12  }
0xd: {  	v0 =	vmov s18;
	s18 =	sor.u32 $0x1C02, s19;
	s6 =	sshrl.u32 s29, $0x3;
	s7 =	sadd.s32 $0x8000, s31  }
0xe: {  	s9 =	sadd.s32 $0x10000, s31;
	s11 =	smax.u32 s11, $0x1;
	s13 =	sadd.s32 s6, s5  }
0xf: {  	s5 =	sadd.s32 s8, s3;
	s6 =	sadd.s32 $0x4000, s31;
	s8 =	sadd.s32 $0xC000, s31  }
0x10: {  	v1 =	vimm.f32 $0.0e+00;
	s10 =	sadd.s32 $0xEC00, s13;
	s13 =	simm.s32 $0x180;
	s19 =	sshrl.u32 s5, $0x3  }
.LBB2_1:
0x11: {  	s21 =	simm.s32 $0x0;
	s22 =	simm.s32 $0x200  }
.LBB2_2:
0x12: {  	p0 =	sne.s32 s22, $0xFE00;
	[tilespmem:s21+$0x1F0] =	vst v1  }
0x13: {  	[tilespmem:s21+$0x180] =	vst v1  }
0x14: {  	[tilespmem:s21+$0x190] =	vst v1  }
.Ltmp0:
0x15: {  	[tilespmem:s21+$0x1A0] =	vst v1;
	(pc) =	sbr.rel @p0 .LBB2_2-.Ltmp0, $4  }
0x16: {  	[tilespmem:s21+$0x1B0] =	vst v1  }
0x17: {  	[tilespmem:s21+$0x1C0] =	vst v1  }
0x18: {  	[tilespmem:s21+$0x1D0] =	vst v1  }
0x19: {  	[tilespmem:s21+$0x1E0] =	vst v1;
	s21 =	sshra.s32 s22, $0x2;
	s22 =	sadd.s32 $0x200, s22  }
0x1a: {  	[tilespmem:s21+$0x1F0] =	vst v1  }
0x1b: {  	[tilespmem:s21+$0x180] =	vst v1  }
0x1c: {  	[tilespmem:s21+$0x190] =	vst v1  }
0x1d: {  	[tilespmem:s21+$0x1A0] =	vst v1  }
0x1e: {  	[tilespmem:s21+$0x1B0] =	vst v1  }
0x1f: {  	[tilespmem:s21+$0x1C0] =	vst v1  }
0x20: {  	[tilespmem:s21+$0x1D0] =	vst v1  }
0x21: {  	[tilespmem:s21+$0x1E0] =	vst v1  }
0x22: {  	[spmem:s5] =	stream.linear.scatter [tilespmem:s13], [sflag:$0x2], $0x4000, $0x38;
	[tilespmem:$0x18180] =	vst v63  }
0x23: {  	_ =	swait.ge [sflag:s14], $0x4000  }
0x24: {  	[sflag:s14] =	ssyncset.done $0x0  }
0x25: {  	[sflag:s14] =	ssyncadd.s32 $0xFFFFC000  }
0x26: {  	[spmem:s6] =	stream.linear.scatter [tilespmem:s13], [sflag:$0x2], $0x4000, $0x38;
	[tilespmem:$0x18180] =	vst v63  }
0x27: {  	_ =	swait.ge [sflag:s14], $0x4000  }
0x28: {  	[sflag:s14] =	ssyncset.done $0x0  }
0x29: {  	[sflag:s14] =	ssyncadd.s32 $0xFFFFC000  }
0x2a: {  	[spmem:s7] =	stream.linear.scatter [tilespmem:s13], [sflag:$0x2], $0x4000, $0x38;
	[tilespmem:$0x18180] =	vst v63  }
0x2b: {  	_ =	swait.ge [sflag:s14], $0x4000  }
0x2c: {  	[sflag:s14] =	ssyncset.done $0x0  }
0x2d: {  	[sflag:s14] =	ssyncadd.s32 $0xFFFFC000  }
0x2e: {  	[spmem:s8] =	stream.linear.scatter [tilespmem:s13], [sflag:$0x2], $0x4000, $0x38;
	[tilespmem:$0x18180] =	vst v63  }
0x2f: {  	_ =	swait.ge [sflag:s14], $0x4000  }
0x30: {  	[sflag:s14] =	ssyncset.done $0x0  }
0x31: {  	[sflag:s14] =	ssyncadd.s32 $0xFFFFC000  }
0x32: {  	[spmem:s9] =	stream.linear.scatter [tilespmem:s13], [sflag:$0x2], $0x4000, $0x38;
	[tilespmem:$0x18180] =	vst v63  }
0x33: {  	_ =	swait.ge [sflag:s14], $0x4000  }
0x34: {  	[sflag:s14] =	ssyncset.done $0x0  }
0x35: {  	[sflag:s14] =	ssyncadd.s32 $0xFFFFC000  }
0x36: {  	s31 =	sadd.s32 $0x0, s12;
	[bflag:$0x0] =	sbarrier.arrive $0xFFFF  }
0x37: {  	[tilespmem:s4], [sflag:$0x2] =	stream.linear.gather [hbm4b:s31+s4], $0x80, $0x38;
	[tilespmem:$0x18180] =	vst v63  }
0x38: {  	_ =	swait.ge [sflag:s14], $0x80  }
0x39: {  	[sflag:s14] =	ssyncset.done $0x0  }
0x3a: {  	[sflag:s14] =	ssyncadd.s32 $0xFFFFFF80  }
0x3b: {  	v2 =	vld [tilespmem:$0x70]  }
0x3c: {  	v4 =	vld [tilespmem:$0x40];
	_ =	sdelay $0x1  }
0x3d: {  	v3 =	vld [tilespmem:$0x60]  }
0x3e: {  	v5 =	vld [tilespmem:$0x0]  }
0x3f: {  	v6 =	vld [tilespmem:$0x10];
	v7 =	vand.u32 $0x7FFF, v2;
	v2 =	vshra.s32 v2, $0xF  }
0x40: {  	v8 =	vld [tilespmem:$0x20];
	v10 =	vshra.s32 v4, $0xF;
	[tilespmem:$0x170] =	vst v2  }
0x41: {  	v9 =	vld [tilespmem:$0x30];
	v7 =	vadd.s32 v0, v7;
	[tilespmem:$0x140] =	vst v10  }
0x42: {  	v2 =	vshra.s32 v3, $0xF;
	v3 =	vand.u32 $0x7FFF, v3;
	[tilespmem:$0xF0] =	vst v7;
	v7 =	vld [tilespmem:$0x50]  }
0x43: {  	[tilespmem:$0x160] =	vst v2;
	v2 =	vand.u32 $0x7FFF, v4;
	v4 =	vadd.s32 v0, v3;
	v3 =	vshra.s32 v5, $0xF  }
0x44: {  	v10 =	vand.u32 $0x7FFF, v5;
	v5 =	vand.u32 $0x7FFF, v6;
	[tilespmem:$0x100] =	vst v3;
	v11 =	vadd.s32 v0, v2  }
0x45: {  	v2 =	vadd.s32 v0, v5;
	v5 =	vshra.s32 v6, $0xF;
	v3 =	vadd.s32 v0, v10;
	[tilespmem:$0xE0] =	vst v4  }
0x46: {  	v6 =	vand.u32 $0x7FFF, v8;
	v10 =	vand.u32 $0x7FFF, v9;
	v9 =	vshra.s32 v9, $0xF;
	[tilespmem:$0xC0] =	vst v11  }
0x47: {  	v4 =	vadd.s32 v0, v6;
	[tilespmem:$0x130] =	vst v9;
	v9 =	vand.u32 $0x7FFF, v7;
	v11 =	vshra.s32 v7, $0xF  }
0x48: {  	s21 =	simm.s32 $0x10;
	v6 =	vadd.s32 v0, v10;
	v7 =	vshra.s32 v8, $0xF;
	v8 =	vadd.s32 v0, v9;
	[tilespmem:$0x150] =	vst v11  }
.LBB2_4:
0x49: {  	p0 =	sne.s32 s21, $0x9C0;
	[tilespmem:$0x110] =	vst v5;
	s22 =	smov.u32 s21;
	s21 =	sadd.s32 $0x10, s21  }
0x4a: {  	[tilespmem:$0xD0] =	vst v8  }
0x4b: {  	[tilespmem:$0x120] =	vst v7  }
0x4c: {  	[tilespmem:$0x80] =	vst v3  }
0x4d: {  	[tilespmem:$0x90] =	vst v2  }
0x4e: {  	[tilespmem:$0xB0] =	vst v6  }
0x4f: {  	[tilespmem:$0xA0] =	vst v4  }
0x50: {  	[tilespmem:s13], [sflag:$0x1] =	stream.indirect.gather [hbm4b:s2+s15], $0x80, s15, s15, $0xb8;
	[tilespmem:$0x18180] =	vst v63  }
0x51: {  	_ =	swait.ge [sflag:s16], $0x4000  }
0x52: {  	[sflag:s16] =	ssyncset.done $0x0  }
0x53: {  	[sflag:s16] =	ssyncadd.s32 $0xFFFFC000  }
0x54: {  	[spmem:s3] =	stream.indirect.scatter.add.f32 [tilespmem:s13], [sflag:$0x2], $0x80, s17, s15, $0xb8;
	[tilespmem:$0x18180] =	vst v63  }
0x55: {  	_ =	swait.ge [sflag:s14], $0x4000  }
0x56: {  	[sflag:s14] =	ssyncset.done $0x0  }
0x57: {  	s22 =	sadd.s32 s22, s12;
	[sflag:s14] =	ssyncadd.s32 $0xFFFFC000  }
0x58: {  	[tilespmem:s4], [sflag:$0x2] =	stream.linear.gather [hbm4b:s22+s4], $0x80, $0x38;
	[tilespmem:$0x18180] =	vst v63  }
0x59: {  	_ =	swait.ge [sflag:s14], $0x80  }
0x5a: {  	[sflag:s14] =	ssyncset.done $0x0  }
0x5b: {  	[sflag:s14] =	ssyncadd.s32 $0xFFFFFF80  }
0x5c: {  	v2 =	vld [tilespmem:$0x70]  }
0x5d: {  	v3 =	vld [tilespmem:$0x60]  }
0x5e: {  	v4 =	vld [tilespmem:$0x10]  }
0x5f: {  	v5 =	vld [tilespmem:$0x40]  }
0x60: {  	v6 =	vld [tilespmem:$0x0]  }
0x61: {  	v7 =	vld [tilespmem:$0x20];
	v8 =	vand.u32 $0x7FFF, v2;
	v2 =	vshra.s32 v2, $0xF  }
0x62: {  	v9 =	vld [tilespmem:$0x30];
	v10 =	vshra.s32 v3, $0xF;
	v8 =	vadd.s32 v0, v8;
	[tilespmem:$0x170] =	vst v2  }
0x63: {  	v2 =	vand.u32 $0x7FFF, v3;
	v11 =	vld [tilespmem:$0x50];
	[tilespmem:$0xF0] =	vst v8  }
0x64: {  	v8 =	vadd.s32 v0, v2;
	v3 =	vand.u32 $0x7FFF, v5;
	v5 =	vshra.s32 v5, $0xF;
	[tilespmem:$0x160] =	vst v10  }
0x65: {  	v10 =	vand.u32 $0x7FFF, v6;
	v2 =	vshra.s32 v6, $0xF;
	v6 =	vand.u32 $0x7FFF, v4;
	[tilespmem:$0x140] =	vst v5  }
.Ltmp1:
0x66: {  	v5 =	vshra.s32 v4, $0xF;
	v4 =	vadd.s32 v0, v3;
	[tilespmem:$0x100] =	vst v2;
	v2 =	vadd.s32 v0, v6;
	(pc) =	sbr.rel @p0 .LBB2_4-.Ltmp1, $4  }
0x67: {  	v3 =	vadd.s32 v0, v10;
	v6 =	vand.u32 $0x7FFF, v7;
	v10 =	vand.u32 $0x7FFF, v9;
	[tilespmem:$0xC0] =	vst v4  }
0x68: {  	v4 =	vadd.s32 v0, v6;
	v9 =	vshra.s32 v9, $0xF;
	v6 =	vadd.s32 v0, v10;
	[tilespmem:$0xE0] =	vst v8  }
0x69: {  	v7 =	vshra.s32 v7, $0xF;
	v8 =	vand.u32 $0x7FFF, v11;
	[tilespmem:$0x130] =	vst v9;
	v9 =	vshra.s32 v11, $0xF  }
0x6a: {  	v8 =	vadd.s32 v0, v8;
	[tilespmem:$0x150] =	vst v9  }
0x6b: {  	[tilespmem:$0x110] =	vst v5  }
0x6c: {  	[tilespmem:$0xD0] =	vst v8  }
0x6d: {  	[tilespmem:$0x120] =	vst v7  }
0x6e: {  	[tilespmem:$0x80] =	vst v3  }
0x6f: {  	[tilespmem:$0x90] =	vst v2  }
0x70: {  	[tilespmem:$0xB0] =	vst v6  }
0x71: {  	[tilespmem:$0xA0] =	vst v4  }
0x72: {  	[tilespmem:s13], [sflag:$0x1] =	stream.indirect.gather [hbm4b:s2+s15], $0x80, s15, s15, $0xb8;
	[tilespmem:$0x18180] =	vst v63  }
0x73: {  	_ =	swait.ge [sflag:s16], $0x4000  }
0x74: {  	[sflag:s16] =	ssyncset.done $0x0  }
0x75: {  	[sflag:s16] =	ssyncadd.s32 $0xFFFFC000  }
0x76: {  	[spmem:s3] =	stream.indirect.scatter.add.f32 [tilespmem:s13], [sflag:$0x2], $0x80, s17, s15, $0xb8;
	[tilespmem:$0x18180] =	vst v63  }
0x77: {  	_ =	swait.ge [sflag:s14], $0x4000  }
0x78: {  	s20 =	sadd.s32 $0x1, s20;
	[sflag:s14] =	ssyncset.done $0x0  }
0x79: {  	p0 =	sne.s32 s20, s11;
	[sflag:s14] =	ssyncadd.s32 $0xFFFFC000  }
.Ltmp2:
0x7a: {  	[bflag:$0x0] =	sbarrier.arrive $0xFFFF;
	(pc) =	sbr.rel @p0 .LBB2_1-.Ltmp2, $4  }
0x7b: {  	[hbm:s10], [sflag:s18] =	dma.local [spmem:s19], $0x2800  }
0x7c: {  	_ =	swait.ge [sflag:s14], $0x2800  }
0x7d: {  	[sflag:s14] =	ssyncset.done $0x0  }
0x7e: {  	[sflag:s14] =	ssyncadd.s32 $0xFFFFD800  }
0x7f: {  	_ =	sfence.sel $0x180000  }
0x80: {  	[bflag:$0x0] =	sbarrier.arrive $0xFFFF  }
0x81: {  	p0 =	sne.s32 s1, $0x0;
	_ =	strace $0x90000056  }
0x82: {  	s0 =	sadd.s32 @!p0 $0x100000, s0;
	[bflag:$0x2] =	sbarrier.arrive $0xFFFF  }
0x83: {  	[sflag:s0] =	ssyncadd.tile.s32 @!p0 $0x1;
	_ =	shalt  }
.Lfunc_end2:
_tile_overlayer_lowered:
.L_overlay_start_2:
0x84: {  	(tag) =	ssettag $0x2  }
0x85: {  	s0 =	rddreg [dreg:$0x0];
	s2 =	stileid.u32  }
0x86: {  	s1 =	rddreg [dreg:$0x1];
	p0 =	sne.s32 s2, $0x0  }
0x87: {  	s3 =	rddreg [dreg:$0x2];
	[bflag:$0x3] =	sbarrier.arrive $0xFFFF;
	s2 =	simm.s32 @!p0 $0x1C02  }
0x88: {  	[timem:s3], [sflag:s2] =	dma.local @!p0 [hbm:s0], s1  }
0x89: {  	s0 =	simm.s32 @!p0 $0x2  }
0x8a: {  	_ =	swait.ge @!p0 [sflag:s0], s1  }
0x8b: {  	s1 =	ssub.s32 @!p0 $0x0, s1;
	[sflag:s0] =	ssyncset.done @!p0 $0x0  }
0x8c: {  	[sflag:s0] =	ssyncadd.s32 @!p0 s1  }
0x8d: {  	[bflag:$0x3] =	sbarrier.arrive $0xFFFF  }
0x8e: {  	_ =	shalt  }

// kernel: kernel.36.cloned.1.call-start
scs
__scs_entry_jumppad:
0x0: {  	(pc) =	sbr.rel $0x88, $3  }
0x1: {  	(tag) =	ssettag $0x0;
	lr =	simm.s32 $0x1  }
0x2: {  	[smem:$0x3F99] =	sst lr;
	_ =	strace $0xD0000000  }
0x3: {  	_ = 	snop  }
0x4: {  	_ = 	snop  }
0x5: {  	_ = 	snop  }
0x6: {  	_ = 	snop  }
0x7: {  	_ = 	snop  }
__scs_overlays_trampoline_lowered:
0x8: {  	[smem:$0x3FA8] =	sst s0  }
0x9: {  	[smem:$0x3FA9] =	sst s1  }
0xa: {  	[smem:$0x3FAA] =	sst s2  }
0xb: {  	[smem:$0x3FAB] =	sst s3  }
0xc: {  	[smem:$0x3FAC] =	sst s4  }
0xd: {  	[smem:$0x3FAD] =	sst s5  }
0xe: {  	[smem:$0x3FAE] =	sst s6  }
0xf: {  	[smem:$0x3FAF] =	sst s7  }
0x10: {  	[smem:$0x3FB0] =	sst s8  }
0x11: {  	[smem:$0x3FB1] =	sst s9;
	s0 =	simm.s32 @!p0 $0x0  }
0x12: {  	s1 =	sld [smem:$0x3F97];
	s0 =	simm.s32 @p0 $0x1  }
0x13: {  	[smem:$0x3FB2] =	sst s0;
	s0 =	simm.s32 @!p1 $0x0  }
0x14: {  	s2 =	sld [smem:$0x3F96];
	s0 =	simm.s32 @p1 $0x1  }
0x15: {  	[smem:$0x3FB3] =	sst s0;
	s0 =	simm.s32 @!p2 $0x0  }
0x16: {  	s3 =	sld [smem:$0x3FDB];
	s0 =	simm.s32 @p2 $0x1  }
0x17: {  	s4 =	simm.s32 $0x1BF5;
	[smem:$0x3FB5] =	sst s0  }
0x18: {  	s0 =	sld [smem:$0x3F98];
	_ =	swait.ge [sflag:s4], $0x0  }
0x19: {  	s7 =	sld [smem:$0x3F99]  }
0x1a: {  	s8 =	sadd.s32 $0xFFFFE003, lr  }
0x1b: {  	s9 =	sadd.s32 $0xFFFFFEF7, lr;
	s5 =	simm.s32 $0xFFFFFFFF;
	p2 =	slt.u32 s8, $0xFFFFF086  }
0x1c: {  	p1 =	slt.u32 s9, $0xF7A;
	s5 =	simm.s32 @!p2 $0x0  }
0x1d: {  	s5 =	simm.s32 @p1 $0x1;
	p0 =	seq.s32 s7, s2  }
0x1e: {  	s7 =	smul.u32 @!p0 $0xF7A, s2;
	p2 =	seq.s32 @!p0 s5, $0x0  }
0x1f: {  	s9 =	smul.u32 $0xF7A, s1;
	s8 =	simm.s32 @!p0 $0x1BF5;
	p2 =	por !p2, p0  }
0x20: {  	[sflag:s8] =	ssyncset.s32 @!p0 $0xFFFFF086;
	s6 =	sadd.s32 @!p0 s3, s7;
	s7 =	simm.s32 @!p0 $0x108  }
0x21: {  	s3 =	sadd.s32 s3, s9;
	s6 =	sadd.s32 @!p0 $0x88, s6;
	s7 =	simm.s32 @p2 $0x1082  }
0x22: {  	[simem:s7], [sflag:s8] =	dma.local @!p0 [hbm:s6], $0xF7A  }
0x23: {  	s9 =	sor.u32 $0xD0000000, s2;
	s6 =	simm.s32 $0x108;
	_ =	swait.ge @!p0 [sflag:s8], $0x0  }
0x24: {  	s3 =	sadd.s32 $0x88, s3;
	s6 =	simm.s32 @!p1 $0x1082;
	[sflag:s4] =	ssyncset.s32 $0xFFFFF086  }
0x25: {  	[simem:s6], [sflag:s4] =	dma.local [hbm:s3], $0xF7A  }
0x26: {  	[smem:$0x3F99] =	sst s1;
	(tag) =	ssettag s2;
	_ =	strace s9  }
0x27: {  	s1 =	sld [smem:$0x3FA9]  }
0x28: {  	s2 =	sld [smem:$0x3FAA]  }
0x29: {  	s4 =	sld [smem:$0x3FAC]  }
0x2a: {  	p0 =	seq.s32 s5, $0x0;
	s5 =	sld [smem:$0x3FAD]  }
0x2b: {  	s6 =	sld [smem:$0x3FAE]  }
0x2c: {  	s7 =	sld [smem:$0x3FAF]  }
0x2d: {  	s3 =	simm.s32 $0x108;
	s8 =	sld [smem:$0x3FB0]  }
0x2e: {  	s3 =	simm.s32 @!p0 $0x1082;
	s9 =	sld [smem:$0x3FB1]  }
0x2f: {  	lr =	sadd.s32 s0, s3;
	s0 =	sld [smem:$0x3FA8]  }
0x30: {  	s3 =	sld [smem:$0x3FAB]  }
0x31: {  	[smem:$0x3FB4] =	sst s10  }
0x32: {  	s10 =	sld [smem:$0x3FB2];
	_ =	sdelay $0x3  }
0x33: {  	p0 =	seq.s32 s10, $0x1;
	s10 =	sld [smem:$0x3FB4];
	_ =	sdelay $0x3  }
0x34: {  	[smem:$0x3FB4] =	sst s10  }
0x35: {  	s10 =	sld [smem:$0x3FB3];
	_ =	sdelay $0x3  }
0x36: {  	p1 =	seq.s32 s10, $0x1;
	s10 =	sld [smem:$0x3FB4];
	_ =	sdelay $0x3  }
0x37: {  	[smem:$0x3FB4] =	sst s10  }
0x38: {  	s10 =	sld [smem:$0x3FB5]  }
0x39: {  	_ = 	snop;
	(pc) =	sbr.ind lr, $3  }
0x3a: {  	_ = 	snop  }
0x3b: {  	_ = 	snop  }
0x3c: {  	p2 =	seq.s32 s10, $0x1;
	s10 =	sld [smem:$0x3FB4]  }
0x3d: {  	_ =	shalt  }
0x3e: {  	_ =	shalt  }
0x3f: {  	_ =	shalt  }
0x40: {  	_ =	shalt  }
0x41: {  	_ =	shalt  }
0x42: {  	_ =	shalt  }
0x43: {  	_ =	shalt  }
0x44: {  	_ =	shalt  }
0x45: {  	_ =	shalt  }
0x46: {  	_ =	shalt  }
0x47: {  	_ =	shalt  }
0x48: {  	_ =	shalt  }
0x49: {  	_ =	shalt  }
0x4a: {  	_ =	shalt  }
0x4b: {  	_ =	shalt  }
0x4c: {  	_ =	shalt  }
0x4d: {  	_ =	shalt  }
0x4e: {  	_ =	shalt  }
0x4f: {  	_ =	shalt  }
0x50: {  	_ =	shalt  }
0x51: {  	_ =	shalt  }
0x52: {  	_ =	shalt  }
0x53: {  	_ =	shalt  }
0x54: {  	_ =	shalt  }
0x55: {  	_ =	shalt  }
0x56: {  	_ =	shalt  }
0x57: {  	_ =	shalt  }
0x58: {  	_ =	shalt  }
0x59: {  	_ =	shalt  }
0x5a: {  	_ =	shalt  }
0x5b: {  	_ =	shalt  }
0x5c: {  	_ =	shalt  }
0x5d: {  	_ =	shalt  }
0x5e: {  	_ =	shalt  }
0x5f: {  	_ =	shalt  }
0x60: {  	_ =	shalt  }
0x61: {  	_ =	shalt  }
0x62: {  	_ =	shalt  }
0x63: {  	_ =	shalt  }
0x64: {  	_ =	shalt  }
0x65: {  	_ =	shalt  }
0x66: {  	_ =	shalt  }
0x67: {  	_ =	shalt  }
0x68: {  	_ =	shalt  }
0x69: {  	_ =	shalt  }
0x6a: {  	_ =	shalt  }
0x6b: {  	_ =	shalt  }
0x6c: {  	_ =	shalt  }
0x6d: {  	_ =	shalt  }
0x6e: {  	_ =	shalt  }
0x6f: {  	_ =	shalt  }
0x70: {  	_ =	shalt  }
0x71: {  	_ =	shalt  }
0x72: {  	_ =	shalt  }
0x73: {  	_ =	shalt  }
0x74: {  	_ =	shalt  }
0x75: {  	_ =	shalt  }
0x76: {  	_ =	shalt  }
0x77: {  	_ =	shalt  }
0x78: {  	_ =	shalt  }
0x79: {  	_ =	shalt  }
0x7a: {  	_ =	shalt  }
0x7b: {  	_ =	shalt  }
0x7c: {  	_ =	shalt  }
0x7d: {  	_ =	shalt  }
0x7e: {  	_ =	shalt  }
0x7f: {  	_ =	shalt  }
0x80: {  	_ =	shalt  }
0x81: {  	_ =	shalt  }
0x82: {  	_ =	shalt  }
0x83: {  	_ =	shalt  }
0x84: {  	_ =	shalt  }
0x85: {  	_ =	shalt  }
0x86: {  	_ =	shalt  }
0x87: {  	_ =	shalt  }
.Lfunc_end0:
.L_simem_size_0:
called_computation.6_lowered:
.L_overlay_start_0:
0x88: {  	s2 =	sld [smem:$0x3FD9]  }
0x89: {  	s3 =	sld [smem:$0x3FFE];
	_ =	sdelay $0x1  }
0x8a: {  	s1 =	srdreg.scid  }
0x8b: {  	s0 =	sand.u32 $0x1, s1  }
0x8c: {  	s14 =	sshll.u32 s0, $0xA;
	s2 =	sadd.s32 s3, s2  }
0x8d: {  	s2 =	sadd.s32 s2, s14  }
0x8e: {  	[smem:$0x3FC0] =	sst s2  }
0x8f: {  	_ = 	snop  }
0x90: {  	s2 =	sld [smem:$0x3FD0];
	_ =	sdelay $0x2  }
0x91: {  	s15 =	simm.s32 $0xA;
	s4 =	simm.s32 $0x10  }
0x92: {  	[smem:s4], [sflag:s15] =	dma.local [hbm:s2], $0x1  }
0x93: {  	_ =	swait.eq [sflag:s15], $0x1  }
0x94: {  	[sflag:s15] =	ssyncset.done $0x0  }
0x95: {  	[sflag:s15] =	ssyncadd.s32 $0xFFFFFFFF  }
0x96: {  	s16 =	sld [smem:$0x12];
	(tm) =	ssettm $0x1  }
0x97: {  	s17 =	sld [smem:$0x3FFB];
	_ =	sdelay $0x3  }
0x98: {  	_ =	strace s17  }
0x99: {  	s3 =	sld [smem:$0x3FFC];
	_ =	sdelay $0x3  }
0x9a: {  	_ =	strace s3  }
0x9b: {  	s3 =	sld [smem:$0x3FFD];
	_ =	sdelay $0x3  }
0x9c: {  	_ =	strace s3  }
0x9d: {  	_ =	strace $0x8FFFFFFF  }
0x9e: {  	s18 =	sld [smem:$0x3FDB];
	_ =	sdelay $0x1  }
0x9f: {  	s19 =	simm.s32 $_scs_section_size  }
0xa0: {  	s5 =	simm.s32 $_size__tile_overlayer_lowered;
	s6 =	simm.s32 $_tile_overlayer_lowered  }
0xa1: {  	s22 =	simm.s32 $0x1BFF;
	s21 =	sshll.u32 s6, $0x1;
	s3 =	sadd.s32 s19, s18  }
0xa2: {  	s7 =	simm.s32 $0x0;
	s20 =	sshll.u32 s5, $0x1;
	s5 =	sadd.s32 s21, s3  }
0xa3: {  	[timem:s7], [sflag:s22] =	dma.local [hbm:s5], s20  }
0xa4: {  	_ =	swait.ge [sflag:s22], s20  }
0xa5: {  	s4 =	ssub.s32 $0x0, s20;
	[sflag:s22] =	ssyncset.done $0x0  }
0xa6: {  	[sflag:s22] =	ssyncadd.s32 s4;
	_ =	sdelay $0x1  }
0xa7: {  	s23 =	simm.s32 $0x1B8B  }
0xa8: {  	_ =	swait.ge [sflag:s23], $0x1  }
0xa9: {  	[sflag:s23] =	ssyncset.done $0x0  }
0xaa: {  	s25 =	simm.s32 $0x1B8E;
	s24 =	sld [smem:$0x3FFE];
	[sflag:s23] =	ssyncadd.s32 $0xFFFFFFFF  }
0xab: {  	s26 =	simm.s32 $execute0_lowered;
	[smem:$0x3FD2] =	sst s25  }
0xac: {  	s5 =	sshll.u32 s26, $0x1;
	_ =	strace $0x80000058;
	[dreg:$0x1] =	wrdreg $0xFFFFFFFF  }
0xad: {  	s28 =	simm.s32 $_size_execute0_lowered;
	s3 =	sadd.s32 s3, s5;
	[dreg:$0x0] =	wrdreg $0x0  }
0xae: {  	s5 =	sshll.u32 s28, $0x1;
	[dreg:$0x2] =	wrdreg s3  }
0xaf: {  	[dreg:$0x3] =	wrdreg s5  }
0xb0: {  	[dreg:$0x4] =	wrdreg $0xC0  }
0xb1: {  	_ =	task [dreg:s7], $0x5FFFF  }
0xb2: {  	[dreg:$0x1] =	wrdreg $0xFFFFFFFF  }
0xb3: {  	[dreg:$0x0] =	wrdreg $0x60  }
0xb4: {  	[dreg:$0x2] =	wrdreg s16  }
0xb5: {  	[dreg:$0x3] =	wrdreg s24  }
0xb6: {  	[dreg:$0x4] =	wrdreg $0x41800  }
0xb7: {  	[dreg:$0x5] =	wrdreg $0x9  }
0xb8: {  	_ =	task.clear_ibuf [dreg:s7], $0x6FFFF;
	_ =	strace $0x90000058  }
0xb9: {  	s29 =	simm.s32 $0x9;
	_ =	strace $0x8000005A  }
0xba: {  	_ =	swait.ge [sflag:s29], $0x1  }
0xbb: {  	[sflag:s29] =	ssyncadd.s32 $0xFFFFFFFF  }
0xbc: {  	_ =	strace $0x9000005A  }
0xbd: {  	_ =	sfence  }
0xbe: {  	s30 =	sld [smem:$0x0];
	_ =	sdelay $0x2  }
0xbf: {  	s31 =	sshll.u32 s1, $0xD;
	s1 =	sshrl.u32 s1, $0x2  }
0xc0: {  	s3 =	sand.u32 $0x4000, s31;
	s1 =	sadd.s32 s1, s30  }
0xc1: {  	s0 =	sor.u32 s3, s0;
	s1 =	sshll.u32 s1, $0x11  }
0xc2: {  	s0 =	sor.u32 s1, s0  }
0xc3: {  	s0 =	sadd.s32 $0x8F2B, s0  }
0xc4: {  	[sflag:s0] =	ssyncadd.remote.s32 $0x1  }
0xc5: {  	_ =	sfence.sel $0xFFFF  }
0xc6: {  	[dreg:$0x0] =	wrdreg $0xFFFFFFFF;
	(pc) =	sbr.abs _section_cstart, $3  }
0xc7: {  	[dreg:$0x1] =	wrdreg $0xFFFFFFFF  }
0xc8: {  	_ =	task.clear_ibuf [dreg:s7], $0x2FFFF;
	_ =	strace $0x9FFFFFFF  }
0xc9: {  	(tm) =	ssettm $0x7FFFFFFF  }
tec
execute0_lowered:
.L_overlay_start_1:
0x0: {  	(tag) =	ssettag $0x1  }
0x1: {  	s2 =	rddreg [dreg:$0x0]  }
0x2: {  	s5 =	rddreg [dreg:$0x1]  }
0x3: {  	s3 =	rddreg [dreg:$0x2]  }
0x4: {  	s0 =	rddreg [dreg:$0x3];
	s1 =	stileid.u32  }
0x5: {  	s7 =	srdreg.scid;
	s4 =	simm.s32 $0x0;
	s14 =	simm.s32 $0x2  }
0x6: {  	s15 =	simm.s32 $0x80;
	s16 =	simm.s32 $0x1;
	s6 =	smul.u32 $0x9D0, s1  }
0x7: {  	s17 =	simm.s32 $0x100;
	s20 =	simm.s32 $0x0;
	s8 =	smul.u32 $0x14000, s1  }
0x8: {  	s7 =	sand.u32 $0x1, s7;
	[smem:$0x7FF] =	sst s4;
	s10 =	smul.u32 $0x50000, s1  }
0x9: {  	s19 =	sshll.u32 s1, $0x6;
	s9 =	smul.u32 $0x140000, s7;
	_ =	strace $0x80000059  }
0xa: {  	s30 =	ssub.s32 $0x2, s7;
	s18 =	smul.u32 $0x2710, s7;
	s12 =	sadd.s32 s6, s5  }
0xb: {  	s11 =	sshrl.u32 s30, $0x1;
	s10 =	sshrl.u32 s10, $0x2;
	s29 =	sadd.s32 s8, s9  }
0xc: {  	s11 =	ssub.s32 s30, s11;
	s31 =	sadd.s32 s10, s3;
	s12 =	sadd.s32 $0x4E00, s12  }
0xd: {  	v0 =	vmov s18;
	s18 =	sor.u32 $0x1C02, s19;
	s6 =	sshrl.u32 s29, $0x3;
	s7 =	sadd.s32 $0x8000, s31  }
0xe: {  	s9 =	sadd.s32 $0x10000, s31;
	s11 =	smax.u32 s11, $0x1;
	s13 =	sadd.s32 s6, s5  }
0xf: {  	s5 =	sadd.s32 s8, s3;
	s6 =	sadd.s32 $0x4000, s31;
	s8 =	sadd.s32 $0xC000, s31  }
0x10: {  	v1 =	vimm.f32 $0.0e+00;
	s10 =	sadd.s32 $0x5EC00, s13;
	s13 =	simm.s32 $0x180;
	s19 =	sshrl.u32 s5, $0x3  }
.LBB2_1:
0x11: {  	s21 =	simm.s32 $0x0;
	s22 =	simm.s32 $0x200  }
.LBB2_2:
0x12: {  	p0 =	sne.s32 s22, $0xFE00;
	[tilespmem:s21+$0x1F0] =	vst v1  }
0x13: {  	[tilespmem:s21+$0x180] =	vst v1  }
0x14: {  	[tilespmem:s21+$0x190] =	vst v1  }
.Ltmp0:
0x15: {  	[tilespmem:s21+$0x1A0] =	vst v1;
	(pc) =	sbr.rel @p0 .LBB2_2-.Ltmp0, $4  }
0x16: {  	[tilespmem:s21+$0x1B0] =	vst v1  }
0x17: {  	[tilespmem:s21+$0x1C0] =	vst v1  }
0x18: {  	[tilespmem:s21+$0x1D0] =	vst v1  }
0x19: {  	[tilespmem:s21+$0x1E0] =	vst v1;
	s21 =	sshra.s32 s22, $0x2;
	s22 =	sadd.s32 $0x200, s22  }
0x1a: {  	[tilespmem:s21+$0x1F0] =	vst v1  }
0x1b: {  	[tilespmem:s21+$0x180] =	vst v1  }
0x1c: {  	[tilespmem:s21+$0x190] =	vst v1  }
0x1d: {  	[tilespmem:s21+$0x1A0] =	vst v1  }
0x1e: {  	[tilespmem:s21+$0x1B0] =	vst v1  }
0x1f: {  	[tilespmem:s21+$0x1C0] =	vst v1  }
0x20: {  	[tilespmem:s21+$0x1D0] =	vst v1  }
0x21: {  	[tilespmem:s21+$0x1E0] =	vst v1  }
0x22: {  	[spmem:s5] =	stream.linear.scatter [tilespmem:s13], [sflag:$0x2], $0x4000, $0x38;
	[tilespmem:$0x18180] =	vst v63  }
0x23: {  	_ =	swait.ge [sflag:s14], $0x4000  }
0x24: {  	[sflag:s14] =	ssyncset.done $0x0  }
0x25: {  	[sflag:s14] =	ssyncadd.s32 $0xFFFFC000  }
0x26: {  	[spmem:s6] =	stream.linear.scatter [tilespmem:s13], [sflag:$0x2], $0x4000, $0x38;
	[tilespmem:$0x18180] =	vst v63  }
0x27: {  	_ =	swait.ge [sflag:s14], $0x4000  }
0x28: {  	[sflag:s14] =	ssyncset.done $0x0  }
0x29: {  	[sflag:s14] =	ssyncadd.s32 $0xFFFFC000  }
0x2a: {  	[spmem:s7] =	stream.linear.scatter [tilespmem:s13], [sflag:$0x2], $0x4000, $0x38;
	[tilespmem:$0x18180] =	vst v63  }
0x2b: {  	_ =	swait.ge [sflag:s14], $0x4000  }
0x2c: {  	[sflag:s14] =	ssyncset.done $0x0  }
0x2d: {  	[sflag:s14] =	ssyncadd.s32 $0xFFFFC000  }
0x2e: {  	[spmem:s8] =	stream.linear.scatter [tilespmem:s13], [sflag:$0x2], $0x4000, $0x38;
	[tilespmem:$0x18180] =	vst v63  }
0x2f: {  	_ =	swait.ge [sflag:s14], $0x4000  }
0x30: {  	[sflag:s14] =	ssyncset.done $0x0  }
0x31: {  	[sflag:s14] =	ssyncadd.s32 $0xFFFFC000  }
0x32: {  	[spmem:s9] =	stream.linear.scatter [tilespmem:s13], [sflag:$0x2], $0x4000, $0x38;
	[tilespmem:$0x18180] =	vst v63  }
0x33: {  	_ =	swait.ge [sflag:s14], $0x4000  }
0x34: {  	[sflag:s14] =	ssyncset.done $0x0  }
0x35: {  	[sflag:s14] =	ssyncadd.s32 $0xFFFFC000  }
0x36: {  	s31 =	sadd.s32 $0x0, s12;
	[bflag:$0x0] =	sbarrier.arrive $0xFFFF  }
0x37: {  	[tilespmem:s4], [sflag:$0x2] =	stream.linear.gather [hbm4b:s31+s4], $0x80, $0x38;
	[tilespmem:$0x18180] =	vst v63  }
0x38: {  	_ =	swait.ge [sflag:s14], $0x80  }
0x39: {  	[sflag:s14] =	ssyncset.done $0x0  }
0x3a: {  	[sflag:s14] =	ssyncadd.s32 $0xFFFFFF80  }
0x3b: {  	v2 =	vld [tilespmem:$0x70]  }
0x3c: {  	v4 =	vld [tilespmem:$0x40];
	_ =	sdelay $0x1  }
0x3d: {  	v3 =	vld [tilespmem:$0x60]  }
0x3e: {  	v5 =	vld [tilespmem:$0x0]  }
0x3f: {  	v6 =	vld [tilespmem:$0x10];
	v7 =	vand.u32 $0x7FFF, v2;
	v2 =	vshra.s32 v2, $0xF  }
0x40: {  	v8 =	vld [tilespmem:$0x20];
	v10 =	vshra.s32 v4, $0xF;
	[tilespmem:$0x170] =	vst v2  }
0x41: {  	v9 =	vld [tilespmem:$0x30];
	v7 =	vadd.s32 v0, v7;
	[tilespmem:$0x140] =	vst v10  }
0x42: {  	v2 =	vshra.s32 v3, $0xF;
	v3 =	vand.u32 $0x7FFF, v3;
	[tilespmem:$0xF0] =	vst v7;
	v7 =	vld [tilespmem:$0x50]  }
0x43: {  	[tilespmem:$0x160] =	vst v2;
	v2 =	vand.u32 $0x7FFF, v4;
	v4 =	vadd.s32 v0, v3;
	v3 =	vshra.s32 v5, $0xF  }
0x44: {  	v10 =	vand.u32 $0x7FFF, v5;
	v5 =	vand.u32 $0x7FFF, v6;
	[tilespmem:$0x100] =	vst v3;
	v11 =	vadd.s32 v0, v2  }
0x45: {  	v2 =	vadd.s32 v0, v5;
	v5 =	vshra.s32 v6, $0xF;
	v3 =	vadd.s32 v0, v10;
	[tilespmem:$0xE0] =	vst v4  }
0x46: {  	v6 =	vand.u32 $0x7FFF, v8;
	v10 =	vand.u32 $0x7FFF, v9;
	v9 =	vshra.s32 v9, $0xF;
	[tilespmem:$0xC0] =	vst v11  }
0x47: {  	v4 =	vadd.s32 v0, v6;
	[tilespmem:$0x130] =	vst v9;
	v9 =	vand.u32 $0x7FFF, v7;
	v11 =	vshra.s32 v7, $0xF  }
0x48: {  	s21 =	simm.s32 $0x10;
	v6 =	vadd.s32 v0, v10;
	v7 =	vshra.s32 v8, $0xF;
	v8 =	vadd.s32 v0, v9;
	[tilespmem:$0x150] =	vst v11  }
.LBB2_4:
0x49: {  	p0 =	sne.s32 s21, $0x9C0;
	[tilespmem:$0x110] =	vst v5;
	s22 =	smov.u32 s21;
	s21 =	sadd.s32 $0x10, s21  }
0x4a: {  	[tilespmem:$0xD0] =	vst v8  }
0x4b: {  	[tilespmem:$0x120] =	vst v7  }
0x4c: {  	[tilespmem:$0x80] =	vst v3  }
0x4d: {  	[tilespmem:$0x90] =	vst v2  }
0x4e: {  	[tilespmem:$0xB0] =	vst v6  }
0x4f: {  	[tilespmem:$0xA0] =	vst v4  }
0x50: {  	[tilespmem:s13], [sflag:$0x1] =	stream.indirect.gather [hbm4b:s2+s15], $0x80, s15, s15, $0xb8;
	[tilespmem:$0x18180] =	vst v63  }
0x51: {  	_ =	swait.ge [sflag:s16], $0x4000  }
0x52: {  	[sflag:s16] =	ssyncset.done $0x0  }
0x53: {  	[sflag:s16] =	ssyncadd.s32 $0xFFFFC000  }
0x54: {  	[spmem:s3] =	stream.indirect.scatter.add.f32 [tilespmem:s13], [sflag:$0x2], $0x80, s17, s15, $0xb8;
	[tilespmem:$0x18180] =	vst v63  }
0x55: {  	_ =	swait.ge [sflag:s14], $0x4000  }
0x56: {  	[sflag:s14] =	ssyncset.done $0x0  }
0x57: {  	s22 =	sadd.s32 s22, s12;
	[sflag:s14] =	ssyncadd.s32 $0xFFFFC000  }
0x58: {  	[tilespmem:s4], [sflag:$0x2] =	stream.linear.gather [hbm4b:s22+s4], $0x80, $0x38;
	[tilespmem:$0x18180] =	vst v63  }
0x59: {  	_ =	swait.ge [sflag:s14], $0x80  }
0x5a: {  	[sflag:s14] =	ssyncset.done $0x0  }
0x5b: {  	[sflag:s14] =	ssyncadd.s32 $0xFFFFFF80  }
0x5c: {  	v2 =	vld [tilespmem:$0x70]  }
0x5d: {  	v3 =	vld [tilespmem:$0x60]  }
0x5e: {  	v4 =	vld [tilespmem:$0x10]  }
0x5f: {  	v5 =	vld [tilespmem:$0x40]  }
0x60: {  	v6 =	vld [tilespmem:$0x0]  }
0x61: {  	v7 =	vld [tilespmem:$0x20];
	v8 =	vand.u32 $0x7FFF, v2;
	v2 =	vshra.s32 v2, $0xF  }
0x62: {  	v9 =	vld [tilespmem:$0x30];
	v10 =	vshra.s32 v3, $0xF;
	v8 =	vadd.s32 v0, v8;
	[tilespmem:$0x170] =	vst v2  }
0x63: {  	v2 =	vand.u32 $0x7FFF, v3;
	v11 =	vld [tilespmem:$0x50];
	[tilespmem:$0xF0] =	vst v8  }
0x64: {  	v8 =	vadd.s32 v0, v2;
	v3 =	vand.u32 $0x7FFF, v5;
	v5 =	vshra.s32 v5, $0xF;
	[tilespmem:$0x160] =	vst v10  }
0x65: {  	v10 =	vand.u32 $0x7FFF, v6;
	v2 =	vshra.s32 v6, $0xF;
	v6 =	vand.u32 $0x7FFF, v4;
	[tilespmem:$0x140] =	vst v5  }
.Ltmp1:
0x66: {  	v5 =	vshra.s32 v4, $0xF;
	v4 =	vadd.s32 v0, v3;
	[tilespmem:$0x100] =	vst v2;
	v2 =	vadd.s32 v0, v6;
	(pc) =	sbr.rel @p0 .LBB2_4-.Ltmp1, $4  }
0x67: {  	v3 =	vadd.s32 v0, v10;
	v6 =	vand.u32 $0x7FFF, v7;
	v10 =	vand.u32 $0x7FFF, v9;
	[tilespmem:$0xC0] =	vst v4  }
0x68: {  	v4 =	vadd.s32 v0, v6;
	v9 =	vshra.s32 v9, $0xF;
	v6 =	vadd.s32 v0, v10;
	[tilespmem:$0xE0] =	vst v8  }
0x69: {  	v7 =	vshra.s32 v7, $0xF;
	v8 =	vand.u32 $0x7FFF, v11;
	[tilespmem:$0x130] =	vst v9;
	v9 =	vshra.s32 v11, $0xF  }
0x6a: {  	v8 =	vadd.s32 v0, v8;
	[tilespmem:$0x150] =	vst v9  }
0x6b: {  	[tilespmem:$0x110] =	vst v5  }
0x6c: {  	[tilespmem:$0xD0] =	vst v8  }
0x6d: {  	[tilespmem:$0x120] =	vst v7  }
0x6e: {  	[tilespmem:$0x80] =	vst v3  }
0x6f: {  	[tilespmem:$0x90] =	vst v2  }
0x70: {  	[tilespmem:$0xB0] =	vst v6  }
0x71: {  	[tilespmem:$0xA0] =	vst v4  }
0x72: {  	[tilespmem:s13], [sflag:$0x1] =	stream.indirect.gather [hbm4b:s2+s15], $0x80, s15, s15, $0xb8;
	[tilespmem:$0x18180] =	vst v63  }
0x73: {  	_ =	swait.ge [sflag:s16], $0x4000  }
0x74: {  	[sflag:s16] =	ssyncset.done $0x0  }
0x75: {  	[sflag:s16] =	ssyncadd.s32 $0xFFFFC000  }
0x76: {  	[spmem:s3] =	stream.indirect.scatter.add.f32 [tilespmem:s13], [sflag:$0x2], $0x80, s17, s15, $0xb8;
	[tilespmem:$0x18180] =	vst v63  }
0x77: {  	_ =	swait.ge [sflag:s14], $0x4000  }
0x78: {  	s20 =	sadd.s32 $0x1, s20;
	[sflag:s14] =	ssyncset.done $0x0  }
0x79: {  	p0 =	sne.s32 s20, s11;
	[sflag:s14] =	ssyncadd.s32 $0xFFFFC000  }
.Ltmp2:
0x7a: {  	[bflag:$0x0] =	sbarrier.arrive $0xFFFF;
	(pc) =	sbr.rel @p0 .LBB2_1-.Ltmp2, $4  }
0x7b: {  	[hbm:s10], [sflag:s18] =	dma.local [spmem:s19], $0x2800  }
0x7c: {  	_ =	swait.ge [sflag:s14], $0x2800  }
0x7d: {  	[sflag:s14] =	ssyncset.done $0x0  }
0x7e: {  	[sflag:s14] =	ssyncadd.s32 $0xFFFFD800  }
0x7f: {  	_ =	sfence.sel $0x180000  }
0x80: {  	[bflag:$0x0] =	sbarrier.arrive $0xFFFF  }
0x81: {  	p0 =	sne.s32 s1, $0x0;
	_ =	strace $0x90000059  }
0x82: {  	s0 =	sadd.s32 @!p0 $0x100000, s0;
	[bflag:$0x2] =	sbarrier.arrive $0xFFFF  }
0x83: {  	[sflag:s0] =	ssyncadd.tile.s32 @!p0 $0x1;
	_ =	shalt  }
.Lfunc_end2:
_tile_overlayer_lowered:
.L_overlay_start_2:
0x84: {  	(tag) =	ssettag $0x2  }
0x85: {  	s0 =	rddreg [dreg:$0x0];
	s2 =	stileid.u32  }
0x86: {  	s1 =	rddreg [dreg:$0x1];
	p0 =	sne.s32 s2, $0x0  }
0x87: {  	s3 =	rddreg [dreg:$0x2];
	[bflag:$0x3] =	sbarrier.arrive $0xFFFF;
	s2 =	simm.s32 @!p0 $0x1C02  }
0x88: {  	[timem:s3], [sflag:s2] =	dma.local @!p0 [hbm:s0], s1  }
0x89: {  	s0 =	simm.s32 @!p0 $0x2  }
0x8a: {  	_ =	swait.ge @!p0 [sflag:s0], s1  }
0x8b: {  	s1 =	ssub.s32 @!p0 $0x0, s1;
	[sflag:s0] =	ssyncset.done @!p0 $0x0  }
0x8c: {  	[sflag:s0] =	ssyncadd.s32 @!p0 s1  }
0x8d: {  	[bflag:$0x3] =	sbarrier.arrive $0xFFFF  }
0x8e: {  	_ =	shalt  }

</sc_bundles>
